<compile_context>
chip_gen: v7x
topology: tpu7x:2x2x1
jax: 0.10.2.dev20260603
libtpu: 0.0.44.dev20260713+nightly
codegen_flags: <defaults>
</compile_context>

<pallas_src>
import functools

import jax
import jax.numpy as jnp
from jax import lax
from jax.experimental import pallas as pl
from jax.experimental.pallas import tpu as pltpu
from jax.experimental.pallas import tpu_sc as plsc

N = 10000
E = 320000
D = 128

NC = 2
NS = 16
NW = NC * NS
EPT = E // NW
C = 40
NCHUNK = EPT // C
NBUF = 6
NGROUP = NCHUNK // NBUF
NTAIL = NCHUNK - NGROUP * NBUF
CD = 125
NCHUNK_D = EPT // CD
ROWS_PT = N // NS


def _sc_mesh():
    return plsc.VectorSubcoreMesh(
        core_axis_name="c", subcore_axis_name="s", num_cores=NC, num_subcores=NS
    )


def _deg_call(src2d, dst2d, zeros16):
    @functools.partial(
        pl.kernel,
        out_type=jax.ShapeDtypeStruct((NC, 2, N, 16), jnp.float32),
        mesh=_sc_mesh(),
        compiler_params=pltpu.CompilerParams(use_tc_tiling_on_sc=False),
        scratch_types=[
            pltpu.VMEM_SHARED((N, 16), jnp.float32),
            pltpu.VMEM_SHARED((N, 16), jnp.float32),
            pltpu.VMEM((NCHUNK_D, CD), jnp.int32),
            pltpu.VMEM((NCHUNK_D, CD), jnp.int32),
            pltpu.VMEM((CD, 16), jnp.float32),
            pltpu.SemaphoreType.DMA,
            pltpu.SemaphoreType.DMA,
        ],
    )
    def k(src_hbm, dst_hbm, zero_hbm, out_hbm, hsrc, hdst, srcv, dstv, ones_v,
          sem_s, sem_d):
        cid = lax.axis_index("c")
        sid = lax.axis_index("s")
        row0 = sid * ROWS_PT

        erow0 = (cid * NS + sid) * NCHUNK_D
        pltpu.async_copy(zero_hbm.at[pl.ds(row0, ROWS_PT)], hsrc.at[pl.ds(row0, ROWS_PT)], sem_s)
        pltpu.async_copy(zero_hbm.at[pl.ds(row0, ROWS_PT)], hdst.at[pl.ds(row0, ROWS_PT)], sem_d)
        pltpu.async_copy(src_hbm.at[pl.ds(erow0, NCHUNK_D)], srcv, sem_s)
        pltpu.async_copy(dst_hbm.at[pl.ds(erow0, NCHUNK_D)], dstv, sem_d)

        for i in range(CD):
            ones_v[i, :] = jnp.ones((16,), jnp.float32)

        pltpu.make_async_copy(zero_hbm.at[pl.ds(row0, ROWS_PT)], hsrc.at[pl.ds(row0, ROWS_PT)], sem_s).wait()
        pltpu.make_async_copy(zero_hbm.at[pl.ds(row0, ROWS_PT)], hdst.at[pl.ds(row0, ROWS_PT)], sem_d).wait()
        pltpu.make_async_copy(src_hbm.at[pl.ds(erow0, NCHUNK_D)], srcv, sem_s).wait()
        pltpu.make_async_copy(dst_hbm.at[pl.ds(erow0, NCHUNK_D)], dstv, sem_d).wait()

        plsc.subcore_barrier()

        W = 8

        def body(g, carry):
            pltpu.async_copy(ones_v, hsrc.at[srcv.at[g]], sem_s, add=True)
            pltpu.async_copy(ones_v, hdst.at[dstv.at[g]], sem_d, add=True)

            @pl.when(g >= W)
            def _():
                pltpu.make_async_copy(ones_v, hsrc.at[srcv.at[g - W]], sem_s).wait()
                pltpu.make_async_copy(ones_v, hdst.at[dstv.at[g - W]], sem_d).wait()

            return carry

        lax.fori_loop(0, NCHUNK_D, body, 0)

        def drain(g, carry):
            pltpu.make_async_copy(ones_v, hsrc.at[srcv.at[g]], sem_s).wait()
            pltpu.make_async_copy(ones_v, hdst.at[dstv.at[g]], sem_d).wait()
            return carry

        lax.fori_loop(NCHUNK_D - W, NCHUNK_D, drain, 0)

        plsc.subcore_barrier()

        pltpu.sync_copy(hsrc.at[pl.ds(row0, ROWS_PT)], out_hbm.at[cid, 0, pl.ds(row0, ROWS_PT)])
        pltpu.sync_copy(hdst.at[pl.ds(row0, ROWS_PT)], out_hbm.at[cid, 1, pl.ds(row0, ROWS_PT)])

    return k(src2d, dst2d, zeros16)


def _agg_call(hs, src2d, dst2d, zeros128):
    @functools.partial(
        pl.kernel,
        out_type=jax.ShapeDtypeStruct((NC, N, D), jnp.float32),
        mesh=_sc_mesh(),
        compiler_params=pltpu.CompilerParams(use_tc_tiling_on_sc=False),
        scratch_types=[
            pltpu.VMEM_SHARED((N, D), jnp.float32),
            pltpu.VMEM((NCHUNK, C), jnp.int32),
            pltpu.VMEM((NCHUNK, C), jnp.int32),
            [pltpu.VMEM((C, D), jnp.float32) for _ in range(NBUF)],
            pltpu.SemaphoreType.DMA((NBUF,)),
            pltpu.SemaphoreType.DMA((NBUF,)),
        ],
    )
    def k(hs_hbm, src_hbm, dst_hbm, zero_hbm, out_hbm, acc, srcv, dstv, rows,
          gsem, ssem):
        cid = lax.axis_index("c")
        sid = lax.axis_index("s")
        row0 = sid * ROWS_PT

        erow0 = (cid * NS + sid) * NCHUNK
        pltpu.async_copy(zero_hbm.at[pl.ds(row0, ROWS_PT)], acc.at[pl.ds(row0, ROWS_PT)], gsem.at[0])
        pltpu.async_copy(src_hbm.at[pl.ds(erow0, NCHUNK)], srcv, gsem.at[1])
        pltpu.async_copy(dst_hbm.at[pl.ds(erow0, NCHUNK)], dstv, gsem.at[2])
        pltpu.make_async_copy(zero_hbm.at[pl.ds(row0, ROWS_PT)], acc.at[pl.ds(row0, ROWS_PT)], gsem.at[0]).wait()
        pltpu.make_async_copy(src_hbm.at[pl.ds(erow0, NCHUNK)], srcv, gsem.at[1]).wait()
        pltpu.make_async_copy(dst_hbm.at[pl.ds(erow0, NCHUNK)], dstv, gsem.at[2]).wait()

        plsc.subcore_barrier()

        def gather(g, b):
            pltpu.async_copy(hs_hbm.at[srcv.at[g]], rows[b], gsem.at[b])

        def gather_wait(g, b):
            pltpu.make_async_copy(hs_hbm.at[srcv.at[g]], rows[b], gsem.at[b]).wait()

        def scatter(g, b):
            pltpu.async_copy(rows[b], acc.at[dstv.at[g]], ssem.at[b], add=True)

        def scatter_wait(g, b):
            pltpu.make_async_copy(rows[b], acc.at[dstv.at[g]], ssem.at[b]).wait()

        for b in range(NBUF):
            gather(jnp.int32(b), b)

        def body(kk, carry):
            g0 = kk * NBUF
            for b in range(NBUF):
                gather_wait(g0 + b, b)
                scatter(g0 + b, b)
            for b in range(NBUF):
                scatter_wait(g0 + b, b)
                gn = g0 + NBUF + b

                @pl.when(gn < NCHUNK)
                def _():
                    gather(gn, b)
            return carry

        lax.fori_loop(0, NGROUP, body, 0)

        gl = jnp.int32(NGROUP * NBUF)
        for b in range(NTAIL):
            gather_wait(gl + b, b)
            scatter(gl + b, b)
        for b in range(NTAIL):
            scatter_wait(gl + b, b)

        plsc.subcore_barrier()

        pltpu.sync_copy(acc.at[pl.ds(row0, ROWS_PT)], out_hbm.at[cid, pl.ds(row0, ROWS_PT)])

    return k(hs, src2d, dst2d, zeros128)


_BR = 2000
_GRID = N // _BR


def _norm_from_deg(d16):
    n = jnp.where(d16 > 0.0, lax.rsqrt(jnp.maximum(d16, 1.0)), 0.0)
    return n[:, 0:1]


def _prep_body(x_ref, ds0_ref, ds1_ref, hs_ref):
    ns = _norm_from_deg(ds0_ref[...] + ds1_ref[...])
    hs_ref[...] = x_ref[...] * ns


def _prep_call(x, ds0, ds1):
    return pl.pallas_call(
        _prep_body,
        grid=(_GRID,),
        in_specs=[
            pl.BlockSpec((_BR, D), lambda i: (i, 0)),
            pl.BlockSpec((_BR, 16), lambda i: (i, 0)),
            pl.BlockSpec((_BR, 16), lambda i: (i, 0)),
        ],
        out_specs=pl.BlockSpec((_BR, D), lambda i: (i, 0)),
        out_shape=jax.ShapeDtypeStruct((N, D), jnp.float32),
    )(x, ds0, ds1)


def _layer_body(relu, want_hs, a0_ref, a1_ref, dd0_ref, dd1_ref, ds0_ref, ds1_ref,
                w_ref, b_ref, o_ref):
    nd = _norm_from_deg(dd0_ref[...] + dd1_ref[...])
    a = (a0_ref[...] + a1_ref[...]) * nd
    z = jnp.dot(a, w_ref[...], preferred_element_type=jnp.float32) + b_ref[...]
    if relu:
        z = jnp.maximum(z, 0.0)
    if want_hs:
        ns = _norm_from_deg(ds0_ref[...] + ds1_ref[...])
        z = z * ns
    o_ref[...] = z


def _layer_call(a0, a1, dd0, dd1, ds0, ds1, w, b, relu, want_hs):
    out_shape = [jax.ShapeDtypeStruct((N, D), jnp.float32)]
    out_specs = [pl.BlockSpec((_BR, D), lambda i: (i, 0))]
    return pl.pallas_call(
        functools.partial(_layer_body, relu, want_hs),
        grid=(_GRID,),
        in_specs=[
            pl.BlockSpec((_BR, D), lambda i: (i, 0)),
            pl.BlockSpec((_BR, D), lambda i: (i, 0)),
            pl.BlockSpec((_BR, 16), lambda i: (i, 0)),
            pl.BlockSpec((_BR, 16), lambda i: (i, 0)),
            pl.BlockSpec((_BR, 16), lambda i: (i, 0)),
            pl.BlockSpec((_BR, 16), lambda i: (i, 0)),
            pl.BlockSpec((D, D), lambda i: (0, 0)),
            pl.BlockSpec((1, D), lambda i: (0, 0)),
        ],
        out_specs=out_specs,
        out_shape=out_shape,
    )(a0, a1, dd0, dd1, ds0, ds1, w, b)


@jax.jit
def kernel(x, edge_index, W1, b1, W2, b2, W3, b3):
    src2d = edge_index[0].reshape(E // C, C)
    dst2d = edge_index[1].reshape(E // C, C)
    src2d_deg = edge_index[0].reshape(E // CD, CD)
    dst2d_deg = edge_index[1].reshape(E // CD, CD)
    zeros16 = jnp.zeros((N, 16), jnp.float32)
    zeros128 = jnp.zeros((N, D), jnp.float32)

    degs = _deg_call(src2d_deg, dst2d_deg, zeros16)
    ds0, ds1 = degs[0, 0], degs[1, 0]
    dd0, dd1 = degs[0, 1], degs[1, 1]

    hs = _prep_call(x, ds0, ds1)

    b1r = b1.reshape(1, D)
    b2r = b2.reshape(1, D)
    b3r = b3.reshape(1, D)

    aggp = _agg_call(hs, src2d, dst2d, zeros128)
    (hs,) = _layer_call(aggp[0], aggp[1], dd0, dd1, ds0, ds1, W1, b1r, True, True)

    aggp = _agg_call(hs, src2d, dst2d, zeros128)
    (hs,) = _layer_call(aggp[0], aggp[1], dd0, dd1, ds0, ds1, W2, b2r, True, True)

    aggp = _agg_call(hs, src2d, dst2d, zeros128)
    (h,) = _layer_call(aggp[0], aggp[1], dd0, dd1, ds0, ds1, W3, b3r, False, False)
    return h

# --- scband reference (transcript-rebuilt; emitter-appended) ---
"""Pipeline reference for scband-gcn-16157666967946 (READ-ONLY COPY).

The authoritative reference and input builder live on the scoring server;
editing this copy changes nothing except your own understanding.
"""

import jax, jax.numpy as jnp
import numpy as np

N_NODES = 10000
N_EDGES = 320000
D_IN = 128
D_HID = 128
D_OUT = 128


def setup_inputs(seed: int = 0) -> dict:
    key = jax.random.key(seed)
    ks = jax.random.split(key, 9)
    x = jax.random.normal(ks[0], (N_NODES, D_IN), dtype=jnp.float32)
    edge_index = jax.random.randint(ks[1], (2, N_EDGES), 0, N_NODES, dtype=jnp.int32)
    # GraphConv weights (xavier-ish scale) and biases for 3 layers:
    # GraphConv(128->128, relu), GraphConv(128->128, relu), GraphConv(128->128, none)
    W1 = jax.random.normal(ks[2], (D_IN, D_HID), dtype=jnp.float32) * (1.0 / np.sqrt(D_IN))
    b1 = jnp.zeros((D_HID,), dtype=jnp.float32)
    W2 = jax.random.normal(ks[3], (D_HID, D_HID), dtype=jnp.float32) * (1.0 / np.sqrt(D_HID))
    b2 = jnp.zeros((D_HID,), dtype=jnp.float32)
    W3 = jax.random.normal(ks[4], (D_HID, D_OUT), dtype=jnp.float32) * (1.0 / np.sqrt(D_HID))
    b3 = jnp.zeros((D_OUT,), dtype=jnp.float32)
    return {"x": x, "edge_index": edge_index, "W1": W1, "b1": b1,
            "W2": W2, "b2": b2, "W3": W3, "b3": b3}


def _graph_conv(h, src, dst, W, b, apply_relu):
    # DGL GraphConv with norm='both' (symmetric normalization):
    # out = D_in^{-1/2} * A^T * (D_out^{-1/2} * h) @ W + b
    ones = jnp.ones(src.shape[0], dtype=h.dtype)
    out_deg = jax.ops.segment_sum(ones, src, num_segments=N_NODES)
    in_deg = jax.ops.segment_sum(ones, dst, num_segments=N_NODES)
    norm_src = jnp.where(out_deg > 0, jax.lax.rsqrt(jnp.maximum(out_deg, 1.0)), 0.0)
    norm_dst = jnp.where(in_deg > 0, jax.lax.rsqrt(jnp.maximum(in_deg, 1.0)), 0.0)
    h = h * norm_src[:, None]
    msgs = jnp.take(h, src, axis=0)                      # gather over edges
    agg = jax.ops.segment_sum(msgs, dst, num_segments=N_NODES)  # scatter-add
    agg = agg * norm_dst[:, None]
    out = agg @ W + b
    if apply_relu:
        out = jax.nn.relu(out)
    return out


def reference(x, edge_index, W1, b1, W2, b2, W3, b3):
    src = edge_index[0]
    dst = edge_index[1]
    # dropout=0 (default), so dropout layers are identity
    h = _graph_conv(x, src, dst, W1, b1, True)
    h = _graph_conv(h, src, dst, W2, b2, True)
    h = _graph_conv(h, src, dst, W3, b3, False)
    return h

if __name__ == "__main__":
    import jax
    _d = setup_inputs()
    print(jax.jit(kernel)(*tuple(_d.values())))

</pallas_src>

<mosaic_0001>
#map = affine_map<(d0, d1) -> (0, 0)>
#map1 = affine_map<(d0, d1) -> (0, 0, 0)>
module attributes {stable_mosaic.version = 14 : i64} {
  func.func @k(%arg0: i32, %arg1: i32, %arg2: memref<10000x128xf32, #tpu.memory_space<hbm>>, %arg3: memref<8000x40xi32, #tpu.memory_space<hbm>>, %arg4: memref<8000x40xi32, #tpu.memory_space<hbm>>, %arg5: memref<10000x128xf32, #tpu.memory_space<hbm>>, %arg6: memref<2x10000x128xf32, #tpu.memory_space<hbm>>, %arg7: memref<10000x128xf32, #tpu.memory_space<vmem_shared>>, %arg8: memref<250x40xi32, #tpu.memory_space<vmem>>, %arg9: memref<250x40xi32, #tpu.memory_space<vmem>>, %arg10: memref<40x128xf32, #tpu.memory_space<vmem>>, %arg11: memref<40x128xf32, #tpu.memory_space<vmem>>, %arg12: memref<40x128xf32, #tpu.memory_space<vmem>>, %arg13: memref<40x128xf32, #tpu.memory_space<vmem>>, %arg14: memref<40x128xf32, #tpu.memory_space<vmem>>, %arg15: memref<40x128xf32, #tpu.memory_space<vmem>>, %arg16: memref<6x!tpu.dma_semaphore, #tpu.memory_space<semaphore_mem>>, %arg17: memref<6x!tpu.dma_semaphore, #tpu.memory_space<semaphore_mem>>) attributes {dimension_semantics = [#tpu.dimension_semantics<core_parallel>, #tpu.dimension_semantics<subcore_parallel>], iteration_bounds = array<i64: 2, 16>, scalar_prefetch = 0 : i64, scratch_operands = 11 : i64, tpu.core_type = #tpu.core_type<sc_vector_subcore>, window_params = [{transform_indices = #map}, {transform_indices = #map}, {transform_indices = #map}, {transform_indices = #map}, {transform_indices = #map1}]} {
    %mul3A = arith.constant 625 : i32
    %mul3A_0 = arith.muli %arg1, %mul3A : i32
    %mul3A_1 = arith.constant 16 : i32
    %mul3A_2 = arith.muli %arg0, %mul3A_1 : i32
    %add3A = arith.addi %mul3A_2, %arg1 : i32
    %mul3A_3 = arith.constant 250 : i32
    %mul3A_4 = arith.muli %add3A, %mul3A_3 : i32
    %dma_start3A = arith.constant 0 : i32
    %dma_start3A_5 = tpu.memref_slice %arg16[%dma_start3A] : memref<6x!tpu.dma_semaphore, #tpu.memory_space<semaphore_mem>> -> memref<1x!tpu.dma_semaphore, #tpu.memory_space<semaphore_mem>>
    %dma_start3A_6 = tpu.memref_squeeze %dma_start3A_5 : memref<1x!tpu.dma_semaphore, #tpu.memory_space<semaphore_mem>> -> memref<!tpu.dma_semaphore, #tpu.memory_space<semaphore_mem>>
    %dma_start3A_7 = arith.constant 0 : i32
    %dma_start3A_8 = tpu.memref_slice %arg7[%mul3A_0, %dma_start3A_7] : memref<10000x128xf32, #tpu.memory_space<vmem_shared>> -> memref<625x128xf32, #tpu.memory_space<vmem_shared>>
    %dma_start3A_9 = arith.constant 0 : i32
    %dma_start3A_10 = tpu.memref_slice %arg5[%mul3A_0, %dma_start3A_9] : memref<10000x128xf32, #tpu.memory_space<hbm>> -> memref<625x128xf32, #tpu.memory_space<hbm>>
    tpu.enqueue_dma source(%dma_start3A_10 : memref<625x128xf32, #tpu.memory_space<hbm>>) target(%dma_start3A_8 : memref<625x128xf32, #tpu.memory_space<vmem_shared>>) target_semaphore(%dma_start3A_6 : memref<!tpu.dma_semaphore, #tpu.memory_space<semaphore_mem>>)
    %dma_start3A_11 = arith.constant 1 : i32
    %dma_start3A_12 = arith.constant 0 : i32
    %dma_start3A_13 = tpu.memref_slice %arg3[%mul3A_4, %dma_start3A_12] : memref<8000x40xi32, #tpu.memory_space<hbm>> -> memref<250x40xi32, #tpu.memory_space<hbm>>
    %dma_start3A_14 = tpu.memref_slice %arg16[%dma_start3A_11] : memref<6x!tpu.dma_semaphore, #tpu.memory_space<semaphore_mem>> -> memref<1x!tpu.dma_semaphore, #tpu.memory_space<semaphore_mem>>
    %dma_start3A_15 = tpu.memref_squeeze %dma_start3A_14 : memref<1x!tpu.dma_semaphore, #tpu.memory_space<semaphore_mem>> -> memref<!tpu.dma_semaphore, #tpu.memory_space<semaphore_mem>>
    %dma_start3A_16 = arith.constant 0 : i32
    %dma_start3A_17 = tpu.memref_slice %arg3[%mul3A_4, %dma_start3A_16] : memref<8000x40xi32, #tpu.memory_space<hbm>> -> memref<250x40xi32, #tpu.memory_space<hbm>>
    tpu.enqueue_dma source(%dma_start3A_17 : memref<250x40xi32, #tpu.memory_space<hbm>>) target(%arg8 : memref<250x40xi32, #tpu.memory_space<vmem>>) target_semaphore(%dma_start3A_15 : memref<!tpu.dma_semaphore, #tpu.memory_space<semaphore_mem>>)
    %dma_start3A_18 = arith.constant 2 : i32
    %dma_start3A_19 = arith.constant 0 : i32
    %dma_start3A_20 = tpu.memref_slice %arg4[%mul3A_4, %dma_start3A_19] : memref<8000x40xi32, #tpu.memory_space<hbm>> -> memref<250x40xi32, #tpu.memory_space<hbm>>
    %dma_start3A_21 = tpu.memref_slice %arg16[%dma_start3A_18] : memref<6x!tpu.dma_semaphore, #tpu.memory_space<semaphore_mem>> -> memref<1x!tpu.dma_semaphore, #tpu.memory_space<semaphore_mem>>
    %dma_start3A_22 = tpu.memref_squeeze %dma_start3A_21 : memref<1x!tpu.dma_semaphore, #tpu.memory_space<semaphore_mem>> -> memref<!tpu.dma_semaphore, #tpu.memory_space<semaphore_mem>>
    %dma_start3A_23 = arith.constant 0 : i32
    %dma_start3A_24 = tpu.memref_slice %arg4[%mul3A_4, %dma_start3A_23] : memref<8000x40xi32, #tpu.memory_space<hbm>> -> memref<250x40xi32, #tpu.memory_space<hbm>>
    tpu.enqueue_dma source(%dma_start3A_24 : memref<250x40xi32, #tpu.memory_space<hbm>>) target(%arg9 : memref<250x40xi32, #tpu.memory_space<vmem>>) target_semaphore(%dma_start3A_22 : memref<!tpu.dma_semaphore, #tpu.memory_space<semaphore_mem>>)
    %dma_wait3A = arith.constant 0 : i32
    %dma_wait3A_25 = tpu.memref_slice %arg16[%dma_wait3A] : memref<6x!tpu.dma_semaphore, #tpu.memory_space<semaphore_mem>> -> memref<1x!tpu.dma_semaphore, #tpu.memory_space<semaphore_mem>>
    %dma_wait3A_26 = tpu.memref_squeeze %dma_wait3A_25 : memref<1x!tpu.dma_semaphore, #tpu.memory_space<semaphore_mem>> -> memref<!tpu.dma_semaphore, #tpu.memory_space<semaphore_mem>>
    %dma_wait3A_27 = arith.constant 0 : i32
    %dma_wait3A_28 = tpu.memref_slice %arg7[%mul3A_0, %dma_wait3A_27] : memref<10000x128xf32, #tpu.memory_space<vmem_shared>> -> memref<625x128xf32, #tpu.memory_space<vmem_shared>>
    %dma_wait3A_29 = arith.constant 0 : i32
    %dma_wait3A_30 = tpu.memref_slice %arg5[%mul3A_0, %dma_wait3A_29] : memref<10000x128xf32, #tpu.memory_space<hbm>> -> memref<625x128xf32, #tpu.memory_space<hbm>>
    tpu.wait_dma2 semaphore(%dma_wait3A_26 : memref<!tpu.dma_semaphore, #tpu.memory_space<semaphore_mem>>) src(%dma_wait3A_30 : memref<625x128xf32, #tpu.memory_space<hbm>>) dst(%dma_wait3A_28 : memref<625x128xf32, #tpu.memory_space<vmem_shared>>)
    %dma_wait3A_31 = arith.constant 1 : i32
    %dma_wait3A_32 = arith.constant 0 : i32
    %dma_wait3A_33 = tpu.memref_slice %arg3[%mul3A_4, %dma_wait3A_32] : memref<8000x40xi32, #tpu.memory_space<hbm>> -> memref<250x40xi32, #tpu.memory_space<hbm>>
    %dma_wait3A_34 = tpu.memref_slice %arg16[%dma_wait3A_31] : memref<6x!tpu.dma_semaphore, #tpu.memory_space<semaphore_mem>> -> memref<1x!tpu.dma_semaphore, #tpu.memory_space<semaphore_mem>>
    %dma_wait3A_35 = tpu.memref_squeeze %dma_wait3A_34 : memref<1x!tpu.dma_semaphore, #tpu.memory_space<semaphore_mem>> -> memref<!tpu.dma_semaphore, #tpu.memory_space<semaphore_mem>>
    %dma_wait3A_36 = arith.constant 0 : i32
    %dma_wait3A_37 = tpu.memref_slice %arg3[%mul3A_4, %dma_wait3A_36] : memref<8000x40xi32, #tpu.memory_space<hbm>> -> memref<250x40xi32, #tpu.memory_space<hbm>>
    tpu.wait_dma2 semaphore(%dma_wait3A_35 : memref<!tpu.dma_semaphore, #tpu.memory_space<semaphore_mem>>) src(%dma_wait3A_37 : memref<250x40xi32, #tpu.memory_space<hbm>>) dst(%arg8 : memref<250x40xi32, #tpu.memory_space<vmem>>)
    %dma_wait3A_38 = arith.constant 2 : i32
    %dma_wait3A_39 = arith.constant 0 : i32
    %dma_wait3A_40 = tpu.memref_slice %arg4[%mul3A_4, %dma_wait3A_39] : memref<8000x40xi32, #tpu.memory_space<hbm>> -> memref<250x40xi32, #tpu.memory_space<hbm>>
    %dma_wait3A_41 = tpu.memref_slice %arg16[%dma_wait3A_38] : memref<6x!tpu.dma_semaphore, #tpu.memory_space<semaphore_mem>> -> memref<1x!tpu.dma_semaphore, #tpu.memory_space<semaphore_mem>>
    %dma_wait3A_42 = tpu.memref_squeeze %dma_wait3A_41 : memref<1x!tpu.dma_semaphore, #tpu.memory_space<semaphore_mem>> -> memref<!tpu.dma_semaphore, #tpu.memory_space<semaphore_mem>>
    %dma_wait3A_43 = arith.constant 0 : i32
    %dma_wait3A_44 = tpu.memref_slice %arg4[%mul3A_4, %dma_wait3A_43] : memref<8000x40xi32, #tpu.memory_space<hbm>> -> memref<250x40xi32, #tpu.memory_space<hbm>>
    tpu.wait_dma2 semaphore(%dma_wait3A_42 : memref<!tpu.dma_semaphore, #tpu.memory_space<semaphore_mem>>) src(%dma_wait3A_44 : memref<250x40xi32, #tpu.memory_space<hbm>>) dst(%arg9 : memref<250x40xi32, #tpu.memory_space<vmem>>)
    %barrier3A = arith.constant 0 : index
    tpu.barrier barrier_id(%barrier3A)
    %dma_start3A_45 = arith.constant 0 : i32
    %dma_start3A_46 = arith.constant 0 : i32
    %dma_start3A_47 = arith.constant 0 : i32
    %dma_start3A_48 = tpu.memref_slice %arg8[%dma_start3A_45, %dma_start3A_47] : memref<250x40xi32, #tpu.memory_space<vmem>> -> memref<1x40xi32, #tpu.memory_space<vmem>>
    %dma_start3A_49 = tpu.memref_squeeze %dma_start3A_48 : memref<1x40xi32, #tpu.memory_space<vmem>> -> memref<40xi32, #tpu.memory_space<vmem>>
    %dma_start3A_50 = arith.constant 0 : i32
    %dma_start3A_51 = arith.constant 0 : i32
    %dma_start3A_52 = tpu.memref_slice %arg2[%dma_start3A_50, %dma_start3A_51] : memref<10000x128xf32, #tpu.memory_space<hbm>> -> memref<10000x128xf32, #tpu.memory_space<hbm>>
    %dma_start3A_53 = tpu.memref_slice %arg16[%dma_start3A_46] : memref<6x!tpu.dma_semaphore, #tpu.memory_space<semaphore_mem>> -> memref<1x!tpu.dma_semaphore, #tpu.memory_space<semaphore_mem>>
    %dma_start3A_54 = tpu.memref_squeeze %dma_start3A_53 : memref<1x!tpu.dma_semaphore, #tpu.memory_space<semaphore_mem>> -> memref<!tpu.dma_semaphore, #tpu.memory_space<semaphore_mem>>
    tpu.enqueue_indirect_dma source(%dma_start3A_52 : memref<10000x128xf32, #tpu.memory_space<hbm>>) target(%arg10 : memref<40x128xf32, #tpu.memory_space<vmem>>) offsets(%dma_start3A_49 : memref<40xi32, #tpu.memory_space<vmem>>) semaphore(%dma_start3A_54 : memref<!tpu.dma_semaphore, #tpu.memory_space<semaphore_mem>>)
    %dma_start3A_55 = arith.constant 1 : i32
    %dma_start3A_56 = arith.constant 1 : i32
    %dma_start3A_57 = arith.constant 0 : i32
    %dma_start3A_58 = tpu.memref_slice %arg8[%dma_start3A_55, %dma_start3A_57] : memref<250x40xi32, #tpu.memory_space<vmem>> -> memref<1x40xi32, #tpu.memory_space<vmem>>
    %dma_start3A_59 = tpu.memref_squeeze %dma_start3A_58 : memref<1x40xi32, #tpu.memory_space<vmem>> -> memref<40xi32, #tpu.memory_space<vmem>>
    %dma_start3A_60 = arith.constant 0 : i32
    %dma_start3A_61 = arith.constant 0 : i32
    %dma_start3A_62 = tpu.memref_slice %arg2[%dma_start3A_60, %dma_start3A_61] : memref<10000x128xf32, #tpu.memory_space<hbm>> -> memref<10000x128xf32, #tpu.memory_space<hbm>>
    %dma_start3A_63 = tpu.memref_slice %arg16[%dma_start3A_56] : memref<6x!tpu.dma_semaphore, #tpu.memory_space<semaphore_mem>> -> memref<1x!tpu.dma_semaphore, #tpu.memory_space<semaphore_mem>>
    %dma_start3A_64 = tpu.memref_squeeze %dma_start3A_63 : memref<1x!tpu.dma_semaphore, #tpu.memory_space<semaphore_mem>> -> memref<!tpu.dma_semaphore, #tpu.memory_space<semaphore_mem>>
    tpu.enqueue_indirect_dma source(%dma_start3A_62 : memref<10000x128xf32, #tpu.memory_space<hbm>>) target(%arg11 : memref<40x128xf32, #tpu.memory_space<vmem>>) offsets(%dma_start3A_59 : memref<40xi32, #tpu.memory_space<vmem>>) semaphore(%dma_start3A_64 : memref<!tpu.dma_semaphore, #tpu.memory_space<semaphore_mem>>)
    %dma_start3A_65 = arith.constant 2 : i32
    %dma_start3A_66 = arith.constant 2 : i32
    %dma_start3A_67 = arith.constant 0 : i32
    %dma_start3A_68 = tpu.memref_slice %arg8[%dma_start3A_65, %dma_start3A_67] : memref<250x40xi32, #tpu.memory_space<vmem>> -> memref<1x40xi32, #tpu.memory_space<vmem>>
    %dma_start3A_69 = tpu.memref_squeeze %dma_start3A_68 : memref<1x40xi32, #tpu.memory_space<vmem>> -> memref<40xi32, #tpu.memory_space<vmem>>
    %dma_start3A_70 = arith.constant 0 : i32
    %dma_start3A_71 = arith.constant 0 : i32
    %dma_start3A_72 = tpu.memref_slice %arg2[%dma_start3A_70, %dma_start3A_71] : memref<10000x128xf32, #tpu.memory_space<hbm>> -> memref<10000x128xf32, #tpu.memory_space<hbm>>
    %dma_start3A_73 = tpu.memref_slice %arg16[%dma_start3A_66] : memref<6x!tpu.dma_semaphore, #tpu.memory_space<semaphore_mem>> -> memref<1x!tpu.dma_semaphore, #tpu.memory_space<semaphore_mem>>
    %dma_start3A_74 = tpu.memref_squeeze %dma_start3A_73 : memref<1x!tpu.dma_semaphore, #tpu.memory_space<semaphore_mem>> -> memref<!tpu.dma_semaphore, #tpu.memory_space<semaphore_mem>>
    tpu.enqueue_indirect_dma source(%dma_start3A_72 : memref<10000x128xf32, #tpu.memory_space<hbm>>) target(%arg12 : memref<40x128xf32, #tpu.memory_space<vmem>>) offsets(%dma_start3A_69 : memref<40xi32, #tpu.memory_space<vmem>>) semaphore(%dma_start3A_74 : memref<!tpu.dma_semaphore, #tpu.memory_space<semaphore_mem>>)
    %dma_start3A_75 = arith.constant 3 : i32
    %dma_start3A_76 = arith.constant 3 : i32
    %dma_start3A_77 = arith.constant 0 : i32
    %dma_start3A_78 = tpu.memref_slice %arg8[%dma_start3A_75, %dma_start3A_77] : memref<250x40xi32, #tpu.memory_space<vmem>> -> memref<1x40xi32, #tpu.memory_space<vmem>>
    %dma_start3A_79 = tpu.memref_squeeze %dma_start3A_78 : memref<1x40xi32, #tpu.memory_space<vmem>> -> memref<40xi32, #tpu.memory_space<vmem>>
    %dma_start3A_80 = arith.constant 0 : i32
    %dma_start3A_81 = arith.constant 0 : i32
    %dma_start3A_82 = tpu.memref_slice %arg2[%dma_start3A_80, %dma_start3A_81] : memref<10000x128xf32, #tpu.memory_space<hbm>> -> memref<10000x128xf32, #tpu.memory_space<hbm>>
    %dma_start3A_83 = tpu.memref_slice %arg16[%dma_start3A_76] : memref<6x!tpu.dma_semaphore, #tpu.memory_space<semaphore_mem>> -> memref<1x!tpu.dma_semaphore, #tpu.memory_space<semaphore_mem>>
    %dma_start3A_84 = tpu.memref_squeeze %dma_start3A_83 : memref<1x!tpu.dma_semaphore, #tpu.memory_space<semaphore_mem>> -> memref<!tpu.dma_semaphore, #tpu.memory_space<semaphore_mem>>
    tpu.enqueue_indirect_dma source(%dma_start3A_82 : memref<10000x128xf32, #tpu.memory_space<hbm>>) target(%arg13 : memref<40x128xf32, #tpu.memory_space<vmem>>) offsets(%dma_start3A_79 : memref<40xi32, #tpu.memory_space<vmem>>) semaphore(%dma_start3A_84 : memref<!tpu.dma_semaphore, #tpu.memory_space<semaphore_mem>>)
    %dma_start3A_85 = arith.constant 4 : i32
    %dma_start3A_86 = arith.constant 4 : i32
    %dma_start3A_87 = arith.constant 0 : i32
    %dma_start3A_88 = tpu.memref_slice %arg8[%dma_start3A_85, %dma_start3A_87] : memref<250x40xi32, #tpu.memory_space<vmem>> -> memref<1x40xi32, #tpu.memory_space<vmem>>
    %dma_start3A_89 = tpu.memref_squeeze %dma_start3A_88 : memref<1x40xi32, #tpu.memory_space<vmem>> -> memref<40xi32, #tpu.memory_space<vmem>>
    %dma_start3A_90 = arith.constant 0 : i32
    %dma_start3A_91 = arith.constant 0 : i32
    %dma_start3A_92 = tpu.memref_slice %arg2[%dma_start3A_90, %dma_start3A_91] : memref<10000x128xf32, #tpu.memory_space<hbm>> -> memref<10000x128xf32, #tpu.memory_space<hbm>>
    %dma_start3A_93 = tpu.memref_slice %arg16[%dma_start3A_86] : memref<6x!tpu.dma_semaphore, #tpu.memory_space<semaphore_mem>> -> memref<1x!tpu.dma_semaphore, #tpu.memory_space<semaphore_mem>>
    %dma_start3A_94 = tpu.memref_squeeze %dma_start3A_93 : memref<1x!tpu.dma_semaphore, #tpu.memory_space<semaphore_mem>> -> memref<!tpu.dma_semaphore, #tpu.memory_space<semaphore_mem>>
    tpu.enqueue_indirect_dma source(%dma_start3A_92 : memref<10000x128xf32, #tpu.memory_space<hbm>>) target(%arg14 : memref<40x128xf32, #tpu.memory_space<vmem>>) offsets(%dma_start3A_89 : memref<40xi32, #tpu.memory_space<vmem>>) semaphore(%dma_start3A_94 : memref<!tpu.dma_semaphore, #tpu.memory_space<semaphore_mem>>)
    %dma_start3A_95 = arith.constant 5 : i32
    %dma_start3A_96 = arith.constant 5 : i32
    %dma_start3A_97 = arith.constant 0 : i32
    %dma_start3A_98 = tpu.memref_slice %arg8[%dma_start3A_95, %dma_start3A_97] : memref<250x40xi32, #tpu.memory_space<vmem>> -> memref<1x40xi32, #tpu.memory_space<vmem>>
    %dma_start3A_99 = tpu.memref_squeeze %dma_start3A_98 : memref<1x40xi32, #tpu.memory_space<vmem>> -> memref<40xi32, #tpu.memory_space<vmem>>
    %dma_start3A_100 = arith.constant 0 : i32
    %dma_start3A_101 = arith.constant 0 : i32
    %dma_start3A_102 = tpu.memref_slice %arg2[%dma_start3A_100, %dma_start3A_101] : memref<10000x128xf32, #tpu.memory_space<hbm>> -> memref<10000x128xf32, #tpu.memory_space<hbm>>
    %dma_start3A_103 = tpu.memref_slice %arg16[%dma_start3A_96] : memref<6x!tpu.dma_semaphore, #tpu.memory_space<semaphore_mem>> -> memref<1x!tpu.dma_semaphore, #tpu.memory_space<semaphore_mem>>
    %dma_start3A_104 = tpu.memref_squeeze %dma_start3A_103 : memref<1x!tpu.dma_semaphore, #tpu.memory_space<semaphore_mem>> -> memref<!tpu.dma_semaphore, #tpu.memory_space<semaphore_mem>>
    tpu.enqueue_indirect_dma source(%dma_start3A_102 : memref<10000x128xf32, #tpu.memory_space<hbm>>) target(%arg15 : memref<40x128xf32, #tpu.memory_space<vmem>>) offsets(%dma_start3A_99 : memref<40xi32, #tpu.memory_space<vmem>>) semaphore(%dma_start3A_104 : memref<!tpu.dma_semaphore, #tpu.memory_space<semaphore_mem>>)
    %scan3A = arith.constant 0 : i32
    %scan3A_105 = arith.constant 0 : i32
    %scan3A_106 = arith.constant 41 : i32
    %scan3A_107 = arith.addi %scan3A_105, %scan3A_106 : i32
    %scan3A_108 = arith.constant 1 : i32
    scf.for %scan3A_255 = %scan3A_105 to %scan3A_107 step %scan3A_108  : i32 {
      %mul3A_256 = arith.constant 6 : i32
      %mul3A_257 = arith.muli %scan3A_255, %mul3A_256 : i32
      %add3A_258 = arith.constant 0 : i32
      %add3A_259 = arith.addi %mul3A_257, %add3A_258 : i32
      %dma_wait3A_260 = arith.constant 0 : i32
      %dma_wait3A_261 = arith.constant 0 : i32
      %dma_wait3A_262 = tpu.memref_slice %arg8[%add3A_259, %dma_wait3A_261] : memref<250x40xi32, #tpu.memory_space<vmem>> -> memref<1x40xi32, #tpu.memory_space<vmem>>
      %dma_wait3A_263 = tpu.memref_squeeze %dma_wait3A_262 : memref<1x40xi32, #tpu.memory_space<vmem>> -> memref<40xi32, #tpu.memory_space<vmem>>
      %dma_wait3A_264 = arith.constant 0 : i32
      %dma_wait3A_265 = arith.constant 0 : i32
      %dma_wait3A_266 = tpu.memref_slice %arg2[%dma_wait3A_264, %dma_wait3A_265] : memref<10000x128xf32, #tpu.memory_space<hbm>> -> memref<10000x128xf32, #tpu.memory_space<hbm>>
      %dma_wait3A_267 = tpu.memref_slice %arg16[%dma_wait3A_260] : memref<6x!tpu.dma_semaphore, #tpu.memory_space<semaphore_mem>> -> memref<1x!tpu.dma_semaphore, #tpu.memory_space<semaphore_mem>>
      %dma_wait3A_268 = tpu.memref_squeeze %dma_wait3A_267 : memref<1x!tpu.dma_semaphore, #tpu.memory_space<semaphore_mem>> -> memref<!tpu.dma_semaphore, #tpu.memory_space<semaphore_mem>>
      tpu.wait_indirect_dma semaphore(%dma_wait3A_268 : memref<!tpu.dma_semaphore, #tpu.memory_space<semaphore_mem>>) src(%dma_wait3A_266 : memref<10000x128xf32, #tpu.memory_space<hbm>>) dst(%arg10 : memref<40x128xf32, #tpu.memory_space<vmem>>)
      %add3A_269 = arith.constant 0 : i32
      %add3A_270 = arith.addi %mul3A_257, %add3A_269 : i32
      %dma_start3A_271 = arith.constant 0 : i32
      %dma_start3A_272 = arith.constant 0 : i32
      %dma_start3A_273 = tpu.memref_slice %arg9[%add3A_270, %dma_start3A_272] : memref<250x40xi32, #tpu.memory_space<vmem>> -> memref<1x40xi32, #tpu.memory_space<vmem>>
      %dma_start3A_274 = tpu.memref_squeeze %dma_start3A_273 : memref<1x40xi32, #tpu.memory_space<vmem>> -> memref<40xi32, #tpu.memory_space<vmem>>
      %dma_start3A_275 = arith.constant 0 : i32
      %dma_start3A_276 = arith.constant 0 : i32
      %dma_start3A_277 = tpu.memref_slice %arg7[%dma_start3A_275, %dma_start3A_276] : memref<10000x128xf32, #tpu.memory_space<vmem_shared>> -> memref<10000x128xf32, #tpu.memory_space<vmem_shared>>
      %dma_start3A_278 = tpu.memref_slice %arg17[%dma_start3A_271] : memref<6x!tpu.dma_semaphore, #tpu.memory_space<semaphore_mem>> -> memref<1x!tpu.dma_semaphore, #tpu.memory_space<semaphore_mem>>
      %dma_start3A_279 = tpu.memref_squeeze %dma_start3A_278 : memref<1x!tpu.dma_semaphore, #tpu.memory_space<semaphore_mem>> -> memref<!tpu.dma_semaphore, #tpu.memory_space<semaphore_mem>>
      tpu.enqueue_indirect_dma source(%arg10 : memref<40x128xf32, #tpu.memory_space<vmem>>) target(%dma_start3A_277 : memref<10000x128xf32, #tpu.memory_space<vmem_shared>>) offsets(%dma_start3A_274 : memref<40xi32, #tpu.memory_space<vmem>>) semaphore(%dma_start3A_279 : memref<!tpu.dma_semaphore, #tpu.memory_space<semaphore_mem>>) {add = true}
      %add3A_280 = arith.constant 1 : i32
      %add3A_281 = arith.addi %mul3A_257, %add3A_280 : i32
      %dma_wait3A_282 = arith.constant 1 : i32
      %dma_wait3A_283 = arith.constant 0 : i32
      %dma_wait3A_284 = tpu.memref_slice %arg8[%add3A_281, %dma_wait3A_283] : memref<250x40xi32, #tpu.memory_space<vmem>> -> memref<1x40xi32, #tpu.memory_space<vmem>>
      %dma_wait3A_285 = tpu.memref_squeeze %dma_wait3A_284 : memref<1x40xi32, #tpu.memory_space<vmem>> -> memref<40xi32, #tpu.memory_space<vmem>>
      %dma_wait3A_286 = arith.constant 0 : i32
      %dma_wait3A_287 = arith.constant 0 : i32
      %dma_wait3A_288 = tpu.memref_slice %arg2[%dma_wait3A_286, %dma_wait3A_287] : memref<10000x128xf32, #tpu.memory_space<hbm>> -> memref<10000x128xf32, #tpu.memory_space<hbm>>
      %dma_wait3A_289 = tpu.memref_slice %arg16[%dma_wait3A_282] : memref<6x!tpu.dma_semaphore, #tpu.memory_space<semaphore_mem>> -> memref<1x!tpu.dma_semaphore, #tpu.memory_space<semaphore_mem>>
      %dma_wait3A_290 = tpu.memref_squeeze %dma_wait3A_289 : memref<1x!tpu.dma_semaphore, #tpu.memory_space<semaphore_mem>> -> memref<!tpu.dma_semaphore, #tpu.memory_space<semaphore_mem>>
      tpu.wait_indirect_dma semaphore(%dma_wait3A_290 : memref<!tpu.dma_semaphore, #tpu.memory_space<semaphore_mem>>) src(%dma_wait3A_288 : memref<10000x128xf32, #tpu.memory_space<hbm>>) dst(%arg11 : memref<40x128xf32, #tpu.memory_space<vmem>>)
      %add3A_291 = arith.constant 1 : i32
      %add3A_292 = arith.addi %mul3A_257, %add3A_291 : i32
      %dma_start3A_293 = arith.constant 1 : i32
      %dma_start3A_294 = arith.constant 0 : i32
      %dma_start3A_295 = tpu.memref_slice %arg9[%add3A_292, %dma_start3A_294] : memref<250x40xi32, #tpu.memory_space<vmem>> -> memref<1x40xi32, #tpu.memory_space<vmem>>
      %dma_start3A_296 = tpu.memref_squeeze %dma_start3A_295 : memref<1x40xi32, #tpu.memory_space<vmem>> -> memref<40xi32, #tpu.memory_space<vmem>>
      %dma_start3A_297 = arith.constant 0 : i32
      %dma_start3A_298 = arith.constant 0 : i32
      %dma_start3A_299 = tpu.memref_slice %arg7[%dma_start3A_297, %dma_start3A_298] : memref<10000x128xf32, #tpu.memory_space<vmem_shared>> -> memref<10000x128xf32, #tpu.memory_space<vmem_shared>>
      %dma_start3A_300 = tpu.memref_slice %arg17[%dma_start3A_293] : memref<6x!tpu.dma_semaphore, #tpu.memory_space<semaphore_mem>> -> memref<1x!tpu.dma_semaphore, #tpu.memory_space<semaphore_mem>>
      %dma_start3A_301 = tpu.memref_squeeze %dma_start3A_300 : memref<1x!tpu.dma_semaphore, #tpu.memory_space<semaphore_mem>> -> memref<!tpu.dma_semaphore, #tpu.memory_space<semaphore_mem>>
      tpu.enqueue_indirect_dma source(%arg11 : memref<40x128xf32, #tpu.memory_space<vmem>>) target(%dma_start3A_299 : memref<10000x128xf32, #tpu.memory_space<vmem_shared>>) offsets(%dma_start3A_296 : memref<40xi32, #tpu.memory_space<vmem>>) semaphore(%dma_start3A_301 : memref<!tpu.dma_semaphore, #tpu.memory_space<semaphore_mem>>) {add = true}
      %add3A_302 = arith.constant 2 : i32
      %add3A_303 = arith.addi %mul3A_257, %add3A_302 : i32
      %dma_wait3A_304 = arith.constant 2 : i32
      %dma_wait3A_305 = arith.constant 0 : i32
      %dma_wait3A_306 = tpu.memref_slice %arg8[%add3A_303, %dma_wait3A_305] : memref<250x40xi32, #tpu.memory_space<vmem>> -> memref<1x40xi32, #tpu.memory_space<vmem>>
      %dma_wait3A_307 = tpu.memref_squeeze %dma_wait3A_306 : memref<1x40xi32, #tpu.memory_space<vmem>> -> memref<40xi32, #tpu.memory_space<vmem>>
      %dma_wait3A_308 = arith.constant 0 : i32
      %dma_wait3A_309 = arith.constant 0 : i32
      %dma_wait3A_310 = tpu.memref_slice %arg2[%dma_wait3A_308, %dma_wait3A_309] : memref<10000x128xf32, #tpu.memory_space<hbm>> -> memref<10000x128xf32, #tpu.memory_space<hbm>>
      %dma_wait3A_311 = tpu.memref_slice %arg16[%dma_wait3A_304] : memref<6x!tpu.dma_semaphore, #tpu.memory_space<semaphore_mem>> -> memref<1x!tpu.dma_semaphore, #tpu.memory_space<semaphore_mem>>
      %dma_wait3A_312 = tpu.memref_squeeze %dma_wait3A_311 : memref<1x!tpu.dma_semaphore, #tpu.memory_space<semaphore_mem>> -> memref<!tpu.dma_semaphore, #tpu.memory_space<semaphore_mem>>
      tpu.wait_indirect_dma semaphore(%dma_wait3A_312 : memref<!tpu.dma_semaphore, #tpu.memory_space<semaphore_mem>>) src(%dma_wait3A_310 : memref<10000x128xf32, #tpu.memory_space<hbm>>) dst(%arg12 : memref<40x128xf32, #tpu.memory_space<vmem>>)
      %add3A_313 = arith.constant 2 : i32
      %add3A_314 = arith.addi %mul3A_257, %add3A_313 : i32
      %dma_start3A_315 = arith.constant 2 : i32
      %dma_start3A_316 = arith.constant 0 : i32
      %dma_start3A_317 = tpu.memref_slice %arg9[%add3A_314, %dma_start3A_316] : memref<250x40xi32, #tpu.memory_space<vmem>> -> memref<1x40xi32, #tpu.memory_space<vmem>>
      %dma_start3A_318 = tpu.memref_squeeze %dma_start3A_317 : memref<1x40xi32, #tpu.memory_space<vmem>> -> memref<40xi32, #tpu.memory_space<vmem>>
      %dma_start3A_319 = arith.constant 0 : i32
      %dma_start3A_320 = arith.constant 0 : i32
      %dma_start3A_321 = tpu.memref_slice %arg7[%dma_start3A_319, %dma_start3A_320] : memref<10000x128xf32, #tpu.memory_space<vmem_shared>> -> memref<10000x128xf32, #tpu.memory_space<vmem_shared>>
      %dma_start3A_322 = tpu.memref_slice %arg17[%dma_start3A_315] : memref<6x!tpu.dma_semaphore, #tpu.memory_space<semaphore_mem>> -> memref<1x!tpu.dma_semaphore, #tpu.memory_space<semaphore_mem>>
      %dma_start3A_323 = tpu.memref_squeeze %dma_start3A_322 : memref<1x!tpu.dma_semaphore, #tpu.memory_space<semaphore_mem>> -> memref<!tpu.dma_semaphore, #tpu.memory_space<semaphore_mem>>
      tpu.enqueue_indirect_dma source(%arg12 : memref<40x128xf32, #tpu.memory_space<vmem>>) target(%dma_start3A_321 : memref<10000x128xf32, #tpu.memory_space<vmem_shared>>) offsets(%dma_start3A_318 : memref<40xi32, #tpu.memory_space<vmem>>) semaphore(%dma_start3A_323 : memref<!tpu.dma_semaphore, #tpu.memory_space<semaphore_mem>>) {add = true}
      %add3A_324 = arith.constant 3 : i32
      %add3A_325 = arith.addi %mul3A_257, %add3A_324 : i32
      %dma_wait3A_326 = arith.constant 3 : i32
      %dma_wait3A_327 = arith.constant 0 : i32
      %dma_wait3A_328 = tpu.memref_slice %arg8[%add3A_325, %dma_wait3A_327] : memref<250x40xi32, #tpu.memory_space<vmem>> -> memref<1x40xi32, #tpu.memory_space<vmem>>
      %dma_wait3A_329 = tpu.memref_squeeze %dma_wait3A_328 : memref<1x40xi32, #tpu.memory_space<vmem>> -> memref<40xi32, #tpu.memory_space<vmem>>
      %dma_wait3A_330 = arith.constant 0 : i32
      %dma_wait3A_331 = arith.constant 0 : i32
      %dma_wait3A_332 = tpu.memref_slice %arg2[%dma_wait3A_330, %dma_wait3A_331] : memref<10000x128xf32, #tpu.memory_space<hbm>> -> memref<10000x128xf32, #tpu.memory_space<hbm>>
      %dma_wait3A_333 = tpu.memref_slice %arg16[%dma_wait3A_326] : memref<6x!tpu.dma_semaphore, #tpu.memory_space<semaphore_mem>> -> memref<1x!tpu.dma_semaphore, #tpu.memory_space<semaphore_mem>>
      %dma_wait3A_334 = tpu.memref_squeeze %dma_wait3A_333 : memref<1x!tpu.dma_semaphore, #tpu.memory_space<semaphore_mem>> -> memref<!tpu.dma_semaphore, #tpu.memory_space<semaphore_mem>>
      tpu.wait_indirect_dma semaphore(%dma_wait3A_334 : memref<!tpu.dma_semaphore, #tpu.memory_space<semaphore_mem>>) src(%dma_wait3A_332 : memref<10000x128xf32, #tpu.memory_space<hbm>>) dst(%arg13 : memref<40x128xf32, #tpu.memory_space<vmem>>)
      %add3A_335 = arith.constant 3 : i32
      %add3A_336 = arith.addi %mul3A_257, %add3A_335 : i32
      %dma_start3A_337 = arith.constant 3 : i32
      %dma_start3A_338 = arith.constant 0 : i32
      %dma_start3A_339 = tpu.memref_slice %arg9[%add3A_336, %dma_start3A_338] : memref<250x40xi32, #tpu.memory_space<vmem>> -> memref<1x40xi32, #tpu.memory_space<vmem>>
      %dma_start3A_340 = tpu.memref_squeeze %dma_start3A_339 : memref<1x40xi32, #tpu.memory_space<vmem>> -> memref<40xi32, #tpu.memory_space<vmem>>
      %dma_start3A_341 = arith.constant 0 : i32
      %dma_start3A_342 = arith.constant 0 : i32
      %dma_start3A_343 = tpu.memref_slice %arg7[%dma_start3A_341, %dma_start3A_342] : memref<10000x128xf32, #tpu.memory_space<vmem_shared>> -> memref<10000x128xf32, #tpu.memory_space<vmem_shared>>
      %dma_start3A_344 = tpu.memref_slice %arg17[%dma_start3A_337] : memref<6x!tpu.dma_semaphore, #tpu.memory_space<semaphore_mem>> -> memref<1x!tpu.dma_semaphore, #tpu.memory_space<semaphore_mem>>
      %dma_start3A_345 = tpu.memref_squeeze %dma_start3A_344 : memref<1x!tpu.dma_semaphore, #tpu.memory_space<semaphore_mem>> -> memref<!tpu.dma_semaphore, #tpu.memory_space<semaphore_mem>>
      tpu.enqueue_indirect_dma source(%arg13 : memref<40x128xf32, #tpu.memory_space<vmem>>) target(%dma_start3A_343 : memref<10000x128xf32, #tpu.memory_space<vmem_shared>>) offsets(%dma_start3A_340 : memref<40xi32, #tpu.memory_space<vmem>>) semaphore(%dma_start3A_345 : memref<!tpu.dma_semaphore, #tpu.memory_space<semaphore_mem>>) {add = true}
      %add3A_346 = arith.constant 4 : i32
      %add3A_347 = arith.addi %mul3A_257, %add3A_346 : i32
      %dma_wait3A_348 = arith.constant 4 : i32
      %dma_wait3A_349 = arith.constant 0 : i32
      %dma_wait3A_350 = tpu.memref_slice %arg8[%add3A_347, %dma_wait3A_349] : memref<250x40xi32, #tpu.memory_space<vmem>> -> memref<1x40xi32, #tpu.memory_space<vmem>>
      %dma_wait3A_351 = tpu.memref_squeeze %dma_wait3A_350 : memref<1x40xi32, #tpu.memory_space<vmem>> -> memref<40xi32, #tpu.memory_space<vmem>>
      %dma_wait3A_352 = arith.constant 0 : i32
      %dma_wait3A_353 = arith.constant 0 : i32
      %dma_wait3A_354 = tpu.memref_slice %arg2[%dma_wait3A_352, %dma_wait3A_353] : memref<10000x128xf32, #tpu.memory_space<hbm>> -> memref<10000x128xf32, #tpu.memory_space<hbm>>
      %dma_wait3A_355 = tpu.memref_slice %arg16[%dma_wait3A_348] : memref<6x!tpu.dma_semaphore, #tpu.memory_space<semaphore_mem>> -> memref<1x!tpu.dma_semaphore, #tpu.memory_space<semaphore_mem>>
      %dma_wait3A_356 = tpu.memref_squeeze %dma_wait3A_355 : memref<1x!tpu.dma_semaphore, #tpu.memory_space<semaphore_mem>> -> memref<!tpu.dma_semaphore, #tpu.memory_space<semaphore_mem>>
      tpu.wait_indirect_dma semaphore(%dma_wait3A_356 : memref<!tpu.dma_semaphore, #tpu.memory_space<semaphore_mem>>) src(%dma_wait3A_354 : memref<10000x128xf32, #tpu.memory_space<hbm>>) dst(%arg14 : memref<40x128xf32, #tpu.memory_space<vmem>>)
      %add3A_357 = arith.constant 4 : i32
      %add3A_358 = arith.addi %mul3A_257, %add3A_357 : i32
      %dma_start3A_359 = arith.constant 4 : i32
      %dma_start3A_360 = arith.constant 0 : i32
      %dma_start3A_361 = tpu.memref_slice %arg9[%add3A_358, %dma_start3A_360] : memref<250x40xi32, #tpu.memory_space<vmem>> -> memref<1x40xi32, #tpu.memory_space<vmem>>
      %dma_start3A_362 = tpu.memref_squeeze %dma_start3A_361 : memref<1x40xi32, #tpu.memory_space<vmem>> -> memref<40xi32, #tpu.memory_space<vmem>>
      %dma_start3A_363 = arith.constant 0 : i32
      %dma_start3A_364 = arith.constant 0 : i32
      %dma_start3A_365 = tpu.memref_slice %arg7[%dma_start3A_363, %dma_start3A_364] : memref<10000x128xf32, #tpu.memory_space<vmem_shared>> -> memref<10000x128xf32, #tpu.memory_space<vmem_shared>>
      %dma_start3A_366 = tpu.memref_slice %arg17[%dma_start3A_359] : memref<6x!tpu.dma_semaphore, #tpu.memory_space<semaphore_mem>> -> memref<1x!tpu.dma_semaphore, #tpu.memory_space<semaphore_mem>>
      %dma_start3A_367 = tpu.memref_squeeze %dma_start3A_366 : memref<1x!tpu.dma_semaphore, #tpu.memory_space<semaphore_mem>> -> memref<!tpu.dma_semaphore, #tpu.memory_space<semaphore_mem>>
      tpu.enqueue_indirect_dma source(%arg14 : memref<40x128xf32, #tpu.memory_space<vmem>>) target(%dma_start3A_365 : memref<10000x128xf32, #tpu.memory_space<vmem_shared>>) offsets(%dma_start3A_362 : memref<40xi32, #tpu.memory_space<vmem>>) semaphore(%dma_start3A_367 : memref<!tpu.dma_semaphore, #tpu.memory_space<semaphore_mem>>) {add = true}
      %add3A_368 = arith.constant 5 : i32
      %add3A_369 = arith.addi %mul3A_257, %add3A_368 : i32
      %dma_wait3A_370 = arith.constant 5 : i32
      %dma_wait3A_371 = arith.constant 0 : i32
      %dma_wait3A_372 = tpu.memref_slice %arg8[%add3A_369, %dma_wait3A_371] : memref<250x40xi32, #tpu.memory_space<vmem>> -> memref<1x40xi32, #tpu.memory_space<vmem>>
      %dma_wait3A_373 = tpu.memref_squeeze %dma_wait3A_372 : memref<1x40xi32, #tpu.memory_space<vmem>> -> memref<40xi32, #tpu.memory_space<vmem>>
      %dma_wait3A_374 = arith.constant 0 : i32
      %dma_wait3A_375 = arith.constant 0 : i32
      %dma_wait3A_376 = tpu.memref_slice %arg2[%dma_wait3A_374, %dma_wait3A_375] : memref<10000x128xf32, #tpu.memory_space<hbm>> -> memref<10000x128xf32, #tpu.memory_space<hbm>>
      %dma_wait3A_377 = tpu.memref_slice %arg16[%dma_wait3A_370] : memref<6x!tpu.dma_semaphore, #tpu.memory_space<semaphore_mem>> -> memref<1x!tpu.dma_semaphore, #tpu.memory_space<semaphore_mem>>
      %dma_wait3A_378 = tpu.memref_squeeze %dma_wait3A_377 : memref<1x!tpu.dma_semaphore, #tpu.memory_space<semaphore_mem>> -> memref<!tpu.dma_semaphore, #tpu.memory_space<semaphore_mem>>
      tpu.wait_indirect_dma semaphore(%dma_wait3A_378 : memref<!tpu.dma_semaphore, #tpu.memory_space<semaphore_mem>>) src(%dma_wait3A_376 : memref<10000x128xf32, #tpu.memory_space<hbm>>) dst(%arg15 : memref<40x128xf32, #tpu.memory_space<vmem>>)
      %add3A_379 = arith.constant 5 : i32
      %add3A_380 = arith.addi %mul3A_257, %add3A_379 : i32
      %dma_start3A_381 = arith.constant 5 : i32
      %dma_start3A_382 = arith.constant 0 : i32
      %dma_start3A_383 = tpu.memref_slice %arg9[%add3A_380, %dma_start3A_382] : memref<250x40xi32, #tpu.memory_space<vmem>> -> memref<1x40xi32, #tpu.memory_space<vmem>>
      %dma_start3A_384 = tpu.memref_squeeze %dma_start3A_383 : memref<1x40xi32, #tpu.memory_space<vmem>> -> memref<40xi32, #tpu.memory_space<vmem>>
      %dma_start3A_385 = arith.constant 0 : i32
      %dma_start3A_386 = arith.constant 0 : i32
      %dma_start3A_387 = tpu.memref_slice %arg7[%dma_start3A_385, %dma_start3A_386] : memref<10000x128xf32, #tpu.memory_space<vmem_shared>> -> memref<10000x128xf32, #tpu.memory_space<vmem_shared>>
      %dma_start3A_388 = tpu.memref_slice %arg17[%dma_start3A_381] : memref<6x!tpu.dma_semaphore, #tpu.memory_space<semaphore_mem>> -> memref<1x!tpu.dma_semaphore, #tpu.memory_space<semaphore_mem>>
      %dma_start3A_389 = tpu.memref_squeeze %dma_start3A_388 : memref<1x!tpu.dma_semaphore, #tpu.memory_space<semaphore_mem>> -> memref<!tpu.dma_semaphore, #tpu.memory_space<semaphore_mem>>
      tpu.enqueue_indirect_dma source(%arg15 : memref<40x128xf32, #tpu.memory_space<vmem>>) target(%dma_start3A_387 : memref<10000x128xf32, #tpu.memory_space<vmem_shared>>) offsets(%dma_start3A_384 : memref<40xi32, #tpu.memory_space<vmem>>) semaphore(%dma_start3A_389 : memref<!tpu.dma_semaphore, #tpu.memory_space<semaphore_mem>>) {add = true}
      %add3A_390 = arith.constant 0 : i32
      %add3A_391 = arith.addi %mul3A_257, %add3A_390 : i32
      %dma_wait3A_392 = arith.constant 0 : i32
      %dma_wait3A_393 = arith.constant 0 : i32
      %dma_wait3A_394 = tpu.memref_slice %arg9[%add3A_391, %dma_wait3A_393] : memref<250x40xi32, #tpu.memory_space<vmem>> -> memref<1x40xi32, #tpu.memory_space<vmem>>
      %dma_wait3A_395 = tpu.memref_squeeze %dma_wait3A_394 : memref<1x40xi32, #tpu.memory_space<vmem>> -> memref<40xi32, #tpu.memory_space<vmem>>
      %dma_wait3A_396 = arith.constant 0 : i32
      %dma_wait3A_397 = arith.constant 0 : i32
      %dma_wait3A_398 = tpu.memref_slice %arg7[%dma_wait3A_396, %dma_wait3A_397] : memref<10000x128xf32, #tpu.memory_space<vmem_shared>> -> memref<10000x128xf32, #tpu.memory_space<vmem_shared>>
      %dma_wait3A_399 = tpu.memref_slice %arg17[%dma_wait3A_392] : memref<6x!tpu.dma_semaphore, #tpu.memory_space<semaphore_mem>> -> memref<1x!tpu.dma_semaphore, #tpu.memory_space<semaphore_mem>>
      %dma_wait3A_400 = tpu.memref_squeeze %dma_wait3A_399 : memref<1x!tpu.dma_semaphore, #tpu.memory_space<semaphore_mem>> -> memref<!tpu.dma_semaphore, #tpu.memory_space<semaphore_mem>>
      tpu.wait_indirect_dma semaphore(%dma_wait3A_400 : memref<!tpu.dma_semaphore, #tpu.memory_space<semaphore_mem>>) src(%arg10 : memref<40x128xf32, #tpu.memory_space<vmem>>) dst(%dma_wait3A_398 : memref<10000x128xf32, #tpu.memory_space<vmem_shared>>)
      %add3A_401 = arith.constant 6 : i32
      %add3A_402 = arith.addi %mul3A_257, %add3A_401 : i32
      %add3A_403 = arith.constant 0 : i32
      %add3A_404 = arith.addi %add3A_402, %add3A_403 : i32
      %lt3A = arith.constant 250 : i32
      %lt3A_405 = arith.cmpi slt, %add3A_404, %lt3A : i32
      %convert_element_type3A = arith.extui %lt3A_405 : i1 to i32
      %cond3A = arith.constant 0 : i32
      %cond3A_406 = arith.cmpi ne, %convert_element_type3A, %cond3A : i32
      scf.if %cond3A_406 {
        %dma_start3A_507 = arith.constant 0 : i32
        %dma_start3A_508 = arith.constant 0 : i32
        %dma_start3A_509 = tpu.memref_slice %arg8[%add3A_404, %dma_start3A_508] : memref<250x40xi32, #tpu.memory_space<vmem>> -> memref<1x40xi32, #tpu.memory_space<vmem>>
        %dma_start3A_510 = tpu.memref_squeeze %dma_start3A_509 : memref<1x40xi32, #tpu.memory_space<vmem>> -> memref<40xi32, #tpu.memory_space<vmem>>
        %dma_start3A_511 = arith.constant 0 : i32
        %dma_start3A_512 = arith.constant 0 : i32
        %dma_start3A_513 = tpu.memref_slice %arg2[%dma_start3A_511, %dma_start3A_512] : memref<10000x128xf32, #tpu.memory_space<hbm>> -> memref<10000x128xf32, #tpu.memory_space<hbm>>
        %dma_start3A_514 = tpu.memref_slice %arg16[%dma_start3A_507] : memref<6x!tpu.dma_semaphore, #tpu.memory_space<semaphore_mem>> -> memref<1x!tpu.dma_semaphore, #tpu.memory_space<semaphore_mem>>
        %dma_start3A_515 = tpu.memref_squeeze %dma_start3A_514 : memref<1x!tpu.dma_semaphore, #tpu.memory_space<semaphore_mem>> -> memref<!tpu.dma_semaphore, #tpu.memory_space<semaphore_mem>>
        tpu.enqueue_indirect_dma source(%dma_start3A_513 : memref<10000x128xf32, #tpu.memory_space<hbm>>) target(%arg10 : memref<40x128xf32, #tpu.memory_space<vmem>>) offsets(%dma_start3A_510 : memref<40xi32, #tpu.memory_space<vmem>>) semaphore(%dma_start3A_515 : memref<!tpu.dma_semaphore, #tpu.memory_space<semaphore_mem>>)
      } else {
      }
      %add3A_407 = arith.constant 1 : i32
      %add3A_408 = arith.addi %mul3A_257, %add3A_407 : i32
      %dma_wait3A_409 = arith.constant 1 : i32
      %dma_wait3A_410 = arith.constant 0 : i32
      %dma_wait3A_411 = tpu.memref_slice %arg9[%add3A_408, %dma_wait3A_410] : memref<250x40xi32, #tpu.memory_space<vmem>> -> memref<1x40xi32, #tpu.memory_space<vmem>>
      %dma_wait3A_412 = tpu.memref_squeeze %dma_wait3A_411 : memref<1x40xi32, #tpu.memory_space<vmem>> -> memref<40xi32, #tpu.memory_space<vmem>>
      %dma_wait3A_413 = arith.constant 0 : i32
      %dma_wait3A_414 = arith.constant 0 : i32
      %dma_wait3A_415 = tpu.memref_slice %arg7[%dma_wait3A_413, %dma_wait3A_414] : memref<10000x128xf32, #tpu.memory_space<vmem_shared>> -> memref<10000x128xf32, #tpu.memory_space<vmem_shared>>
      %dma_wait3A_416 = tpu.memref_slice %arg17[%dma_wait3A_409] : memref<6x!tpu.dma_semaphore, #tpu.memory_space<semaphore_mem>> -> memref<1x!tpu.dma_semaphore, #tpu.memory_space<semaphore_mem>>
      %dma_wait3A_417 = tpu.memref_squeeze %dma_wait3A_416 : memref<1x!tpu.dma_semaphore, #tpu.memory_space<semaphore_mem>> -> memref<!tpu.dma_semaphore, #tpu.memory_space<semaphore_mem>>
      tpu.wait_indirect_dma semaphore(%dma_wait3A_417 : memref<!tpu.dma_semaphore, #tpu.memory_space<semaphore_mem>>) src(%arg11 : memref<40x128xf32, #tpu.memory_space<vmem>>) dst(%dma_wait3A_415 : memref<10000x128xf32, #tpu.memory_space<vmem_shared>>)
      %add3A_418 = arith.constant 6 : i32
      %add3A_419 = arith.addi %mul3A_257, %add3A_418 : i32
      %add3A_420 = arith.constant 1 : i32
      %add3A_421 = arith.addi %add3A_419, %add3A_420 : i32
      %lt3A_422 = arith.constant 250 : i32
      %lt3A_423 = arith.cmpi slt, %add3A_421, %lt3A_422 : i32
      %convert_element_type3A_424 = arith.extui %lt3A_423 : i1 to i32
      %cond3A_425 = arith.constant 0 : i32
      %cond3A_426 = arith.cmpi ne, %convert_element_type3A_424, %cond3A_425 : i32
      scf.if %cond3A_426 {
        %dma_start3A_507 = arith.constant 1 : i32
        %dma_start3A_508 = arith.constant 0 : i32
        %dma_start3A_509 = tpu.memref_slice %arg8[%add3A_421, %dma_start3A_508] : memref<250x40xi32, #tpu.memory_space<vmem>> -> memref<1x40xi32, #tpu.memory_space<vmem>>
        %dma_start3A_510 = tpu.memref_squeeze %dma_start3A_509 : memref<1x40xi32, #tpu.memory_space<vmem>> -> memref<40xi32, #tpu.memory_space<vmem>>
        %dma_start3A_511 = arith.constant 0 : i32
        %dma_start3A_512 = arith.constant 0 : i32
        %dma_start3A_513 = tpu.memref_slice %arg2[%dma_start3A_511, %dma_start3A_512] : memref<10000x128xf32, #tpu.memory_space<hbm>> -> memref<10000x128xf32, #tpu.memory_space<hbm>>
        %dma_start3A_514 = tpu.memref_slice %arg16[%dma_start3A_507] : memref<6x!tpu.dma_semaphore, #tpu.memory_space<semaphore_mem>> -> memref<1x!tpu.dma_semaphore, #tpu.memory_space<semaphore_mem>>
        %dma_start3A_515 = tpu.memref_squeeze %dma_start3A_514 : memref<1x!tpu.dma_semaphore, #tpu.memory_space<semaphore_mem>> -> memref<!tpu.dma_semaphore, #tpu.memory_space<semaphore_mem>>
        tpu.enqueue_indirect_dma source(%dma_start3A_513 : memref<10000x128xf32, #tpu.memory_space<hbm>>) target(%arg11 : memref<40x128xf32, #tpu.memory_space<vmem>>) offsets(%dma_start3A_510 : memref<40xi32, #tpu.memory_space<vmem>>) semaphore(%dma_start3A_515 : memref<!tpu.dma_semaphore, #tpu.memory_space<semaphore_mem>>)
      } else {
      }
      %add3A_427 = arith.constant 2 : i32
      %add3A_428 = arith.addi %mul3A_257, %add3A_427 : i32
      %dma_wait3A_429 = arith.constant 2 : i32
      %dma_wait3A_430 = arith.constant 0 : i32
      %dma_wait3A_431 = tpu.memref_slice %arg9[%add3A_428, %dma_wait3A_430] : memref<250x40xi32, #tpu.memory_space<vmem>> -> memref<1x40xi32, #tpu.memory_space<vmem>>
      %dma_wait3A_432 = tpu.memref_squeeze %dma_wait3A_431 : memref<1x40xi32, #tpu.memory_space<vmem>> -> memref<40xi32, #tpu.memory_space<vmem>>
      %dma_wait3A_433 = arith.constant 0 : i32
      %dma_wait3A_434 = arith.constant 0 : i32
      %dma_wait3A_435 = tpu.memref_slice %arg7[%dma_wait3A_433, %dma_wait3A_434] : memref<10000x128xf32, #tpu.memory_space<vmem_shared>> -> memref<10000x128xf32, #tpu.memory_space<vmem_shared>>
      %dma_wait3A_436 = tpu.memref_slice %arg17[%dma_wait3A_429] : memref<6x!tpu.dma_semaphore, #tpu.memory_space<semaphore_mem>> -> memref<1x!tpu.dma_semaphore, #tpu.memory_space<semaphore_mem>>
      %dma_wait3A_437 = tpu.memref_squeeze %dma_wait3A_436 : memref<1x!tpu.dma_semaphore, #tpu.memory_space<semaphore_mem>> -> memref<!tpu.dma_semaphore, #tpu.memory_space<semaphore_mem>>
      tpu.wait_indirect_dma semaphore(%dma_wait3A_437 : memref<!tpu.dma_semaphore, #tpu.memory_space<semaphore_mem>>) src(%arg12 : memref<40x128xf32, #tpu.memory_space<vmem>>) dst(%dma_wait3A_435 : memref<10000x128xf32, #tpu.memory_space<vmem_shared>>)
      %add3A_438 = arith.constant 6 : i32
      %add3A_439 = arith.addi %mul3A_257, %add3A_438 : i32
      %add3A_440 = arith.constant 2 : i32
      %add3A_441 = arith.addi %add3A_439, %add3A_440 : i32
      %lt3A_442 = arith.constant 250 : i32
      %lt3A_443 = arith.cmpi slt, %add3A_441, %lt3A_442 : i32
      %convert_element_type3A_444 = arith.extui %lt3A_443 : i1 to i32
      %cond3A_445 = arith.constant 0 : i32
      %cond3A_446 = arith.cmpi ne, %convert_element_type3A_444, %cond3A_445 : i32
      scf.if %cond3A_446 {
        %dma_start3A_507 = arith.constant 2 : i32
        %dma_start3A_508 = arith.constant 0 : i32
        %dma_start3A_509 = tpu.memref_slice %arg8[%add3A_441, %dma_start3A_508] : memref<250x40xi32, #tpu.memory_space<vmem>> -> memref<1x40xi32, #tpu.memory_space<vmem>>
        %dma_start3A_510 = tpu.memref_squeeze %dma_start3A_509 : memref<1x40xi32, #tpu.memory_space<vmem>> -> memref<40xi32, #tpu.memory_space<vmem>>
        %dma_start3A_511 = arith.constant 0 : i32
        %dma_start3A_512 = arith.constant 0 : i32
        %dma_start3A_513 = tpu.memref_slice %arg2[%dma_start3A_511, %dma_start3A_512] : memref<10000x128xf32, #tpu.memory_space<hbm>> -> memref<10000x128xf32, #tpu.memory_space<hbm>>
        %dma_start3A_514 = tpu.memref_slice %arg16[%dma_start3A_507] : memref<6x!tpu.dma_semaphore, #tpu.memory_space<semaphore_mem>> -> memref<1x!tpu.dma_semaphore, #tpu.memory_space<semaphore_mem>>
        %dma_start3A_515 = tpu.memref_squeeze %dma_start3A_514 : memref<1x!tpu.dma_semaphore, #tpu.memory_space<semaphore_mem>> -> memref<!tpu.dma_semaphore, #tpu.memory_space<semaphore_mem>>
        tpu.enqueue_indirect_dma source(%dma_start3A_513 : memref<10000x128xf32, #tpu.memory_space<hbm>>) target(%arg12 : memref<40x128xf32, #tpu.memory_space<vmem>>) offsets(%dma_start3A_510 : memref<40xi32, #tpu.memory_space<vmem>>) semaphore(%dma_start3A_515 : memref<!tpu.dma_semaphore, #tpu.memory_space<semaphore_mem>>)
      } else {
      }
      %add3A_447 = arith.constant 3 : i32
      %add3A_448 = arith.addi %mul3A_257, %add3A_447 : i32
      %dma_wait3A_449 = arith.constant 3 : i32
      %dma_wait3A_450 = arith.constant 0 : i32
      %dma_wait3A_451 = tpu.memref_slice %arg9[%add3A_448, %dma_wait3A_450] : memref<250x40xi32, #tpu.memory_space<vmem>> -> memref<1x40xi32, #tpu.memory_space<vmem>>
      %dma_wait3A_452 = tpu.memref_squeeze %dma_wait3A_451 : memref<1x40xi32, #tpu.memory_space<vmem>> -> memref<40xi32, #tpu.memory_space<vmem>>
      %dma_wait3A_453 = arith.constant 0 : i32
      %dma_wait3A_454 = arith.constant 0 : i32
      %dma_wait3A_455 = tpu.memref_slice %arg7[%dma_wait3A_453, %dma_wait3A_454] : memref<10000x128xf32, #tpu.memory_space<vmem_shared>> -> memref<10000x128xf32, #tpu.memory_space<vmem_shared>>
      %dma_wait3A_456 = tpu.memref_slice %arg17[%dma_wait3A_449] : memref<6x!tpu.dma_semaphore, #tpu.memory_space<semaphore_mem>> -> memref<1x!tpu.dma_semaphore, #tpu.memory_space<semaphore_mem>>
      %dma_wait3A_457 = tpu.memref_squeeze %dma_wait3A_456 : memref<1x!tpu.dma_semaphore, #tpu.memory_space<semaphore_mem>> -> memref<!tpu.dma_semaphore, #tpu.memory_space<semaphore_mem>>
      tpu.wait_indirect_dma semaphore(%dma_wait3A_457 : memref<!tpu.dma_semaphore, #tpu.memory_space<semaphore_mem>>) src(%arg13 : memref<40x128xf32, #tpu.memory_space<vmem>>) dst(%dma_wait3A_455 : memref<10000x128xf32, #tpu.memory_space<vmem_shared>>)
      %add3A_458 = arith.constant 6 : i32
      %add3A_459 = arith.addi %mul3A_257, %add3A_458 : i32
      %add3A_460 = arith.constant 3 : i32
      %add3A_461 = arith.addi %add3A_459, %add3A_460 : i32
      %lt3A_462 = arith.constant 250 : i32
      %lt3A_463 = arith.cmpi slt, %add3A_461, %lt3A_462 : i32
      %convert_element_type3A_464 = arith.extui %lt3A_463 : i1 to i32
      %cond3A_465 = arith.constant 0 : i32
      %cond3A_466 = arith.cmpi ne, %convert_element_type3A_464, %cond3A_465 : i32
      scf.if %cond3A_466 {
        %dma_start3A_507 = arith.constant 3 : i32
        %dma_start3A_508 = arith.constant 0 : i32
        %dma_start3A_509 = tpu.memref_slice %arg8[%add3A_461, %dma_start3A_508] : memref<250x40xi32, #tpu.memory_space<vmem>> -> memref<1x40xi32, #tpu.memory_space<vmem>>
        %dma_start3A_510 = tpu.memref_squeeze %dma_start3A_509 : memref<1x40xi32, #tpu.memory_space<vmem>> -> memref<40xi32, #tpu.memory_space<vmem>>
        %dma_start3A_511 = arith.constant 0 : i32
        %dma_start3A_512 = arith.constant 0 : i32
        %dma_start3A_513 = tpu.memref_slice %arg2[%dma_start3A_511, %dma_start3A_512] : memref<10000x128xf32, #tpu.memory_space<hbm>> -> memref<10000x128xf32, #tpu.memory_space<hbm>>
        %dma_start3A_514 = tpu.memref_slice %arg16[%dma_start3A_507] : memref<6x!tpu.dma_semaphore, #tpu.memory_space<semaphore_mem>> -> memref<1x!tpu.dma_semaphore, #tpu.memory_space<semaphore_mem>>
        %dma_start3A_515 = tpu.memref_squeeze %dma_start3A_514 : memref<1x!tpu.dma_semaphore, #tpu.memory_space<semaphore_mem>> -> memref<!tpu.dma_semaphore, #tpu.memory_space<semaphore_mem>>
        tpu.enqueue_indirect_dma source(%dma_start3A_513 : memref<10000x128xf32, #tpu.memory_space<hbm>>) target(%arg13 : memref<40x128xf32, #tpu.memory_space<vmem>>) offsets(%dma_start3A_510 : memref<40xi32, #tpu.memory_space<vmem>>) semaphore(%dma_start3A_515 : memref<!tpu.dma_semaphore, #tpu.memory_space<semaphore_mem>>)
      } else {
      }
      %add3A_467 = arith.constant 4 : i32
      %add3A_468 = arith.addi %mul3A_257, %add3A_467 : i32
      %dma_wait3A_469 = arith.constant 4 : i32
      %dma_wait3A_470 = arith.constant 0 : i32
      %dma_wait3A_471 = tpu.memref_slice %arg9[%add3A_468, %dma_wait3A_470] : memref<250x40xi32, #tpu.memory_space<vmem>> -> memref<1x40xi32, #tpu.memory_space<vmem>>
      %dma_wait3A_472 = tpu.memref_squeeze %dma_wait3A_471 : memref<1x40xi32, #tpu.memory_space<vmem>> -> memref<40xi32, #tpu.memory_space<vmem>>
      %dma_wait3A_473 = arith.constant 0 : i32
      %dma_wait3A_474 = arith.constant 0 : i32
      %dma_wait3A_475 = tpu.memref_slice %arg7[%dma_wait3A_473, %dma_wait3A_474] : memref<10000x128xf32, #tpu.memory_space<vmem_shared>> -> memref<10000x128xf32, #tpu.memory_space<vmem_shared>>
      %dma_wait3A_476 = tpu.memref_slice %arg17[%dma_wait3A_469] : memref<6x!tpu.dma_semaphore, #tpu.memory_space<semaphore_mem>> -> memref<1x!tpu.dma_semaphore, #tpu.memory_space<semaphore_mem>>
      %dma_wait3A_477 = tpu.memref_squeeze %dma_wait3A_476 : memref<1x!tpu.dma_semaphore, #tpu.memory_space<semaphore_mem>> -> memref<!tpu.dma_semaphore, #tpu.memory_space<semaphore_mem>>
      tpu.wait_indirect_dma semaphore(%dma_wait3A_477 : memref<!tpu.dma_semaphore, #tpu.memory_space<semaphore_mem>>) src(%arg14 : memref<40x128xf32, #tpu.memory_space<vmem>>) dst(%dma_wait3A_475 : memref<10000x128xf32, #tpu.memory_space<vmem_shared>>)
      %add3A_478 = arith.constant 6 : i32
      %add3A_479 = arith.addi %mul3A_257, %add3A_478 : i32
      %add3A_480 = arith.constant 4 : i32
      %add3A_481 = arith.addi %add3A_479, %add3A_480 : i32
      %lt3A_482 = arith.constant 250 : i32
      %lt3A_483 = arith.cmpi slt, %add3A_481, %lt3A_482 : i32
      %convert_element_type3A_484 = arith.extui %lt3A_483 : i1 to i32
      %cond3A_485 = arith.constant 0 : i32
      %cond3A_486 = arith.cmpi ne, %convert_element_type3A_484, %cond3A_485 : i32
      scf.if %cond3A_486 {
        %dma_start3A_507 = arith.constant 4 : i32
        %dma_start3A_508 = arith.constant 0 : i32
        %dma_start3A_509 = tpu.memref_slice %arg8[%add3A_481, %dma_start3A_508] : memref<250x40xi32, #tpu.memory_space<vmem>> -> memref<1x40xi32, #tpu.memory_space<vmem>>
        %dma_start3A_510 = tpu.memref_squeeze %dma_start3A_509 : memref<1x40xi32, #tpu.memory_space<vmem>> -> memref<40xi32, #tpu.memory_space<vmem>>
        %dma_start3A_511 = arith.constant 0 : i32
        %dma_start3A_512 = arith.constant 0 : i32
        %dma_start3A_513 = tpu.memref_slice %arg2[%dma_start3A_511, %dma_start3A_512] : memref<10000x128xf32, #tpu.memory_space<hbm>> -> memref<10000x128xf32, #tpu.memory_space<hbm>>
        %dma_start3A_514 = tpu.memref_slice %arg16[%dma_start3A_507] : memref<6x!tpu.dma_semaphore, #tpu.memory_space<semaphore_mem>> -> memref<1x!tpu.dma_semaphore, #tpu.memory_space<semaphore_mem>>
        %dma_start3A_515 = tpu.memref_squeeze %dma_start3A_514 : memref<1x!tpu.dma_semaphore, #tpu.memory_space<semaphore_mem>> -> memref<!tpu.dma_semaphore, #tpu.memory_space<semaphore_mem>>
        tpu.enqueue_indirect_dma source(%dma_start3A_513 : memref<10000x128xf32, #tpu.memory_space<hbm>>) target(%arg14 : memref<40x128xf32, #tpu.memory_space<vmem>>) offsets(%dma_start3A_510 : memref<40xi32, #tpu.memory_space<vmem>>) semaphore(%dma_start3A_515 : memref<!tpu.dma_semaphore, #tpu.memory_space<semaphore_mem>>)
      } else {
      }
      %add3A_487 = arith.constant 5 : i32
      %add3A_488 = arith.addi %mul3A_257, %add3A_487 : i32
      %dma_wait3A_489 = arith.constant 5 : i32
      %dma_wait3A_490 = arith.constant 0 : i32
      %dma_wait3A_491 = tpu.memref_slice %arg9[%add3A_488, %dma_wait3A_490] : memref<250x40xi32, #tpu.memory_space<vmem>> -> memref<1x40xi32, #tpu.memory_space<vmem>>
      %dma_wait3A_492 = tpu.memref_squeeze %dma_wait3A_491 : memref<1x40xi32, #tpu.memory_space<vmem>> -> memref<40xi32, #tpu.memory_space<vmem>>
      %dma_wait3A_493 = arith.constant 0 : i32
      %dma_wait3A_494 = arith.constant 0 : i32
      %dma_wait3A_495 = tpu.memref_slice %arg7[%dma_wait3A_493, %dma_wait3A_494] : memref<10000x128xf32, #tpu.memory_space<vmem_shared>> -> memref<10000x128xf32, #tpu.memory_space<vmem_shared>>
      %dma_wait3A_496 = tpu.memref_slice %arg17[%dma_wait3A_489] : memref<6x!tpu.dma_semaphore, #tpu.memory_space<semaphore_mem>> -> memref<1x!tpu.dma_semaphore, #tpu.memory_space<semaphore_mem>>
      %dma_wait3A_497 = tpu.memref_squeeze %dma_wait3A_496 : memref<1x!tpu.dma_semaphore, #tpu.memory_space<semaphore_mem>> -> memref<!tpu.dma_semaphore, #tpu.memory_space<semaphore_mem>>
      tpu.wait_indirect_dma semaphore(%dma_wait3A_497 : memref<!tpu.dma_semaphore, #tpu.memory_space<semaphore_mem>>) src(%arg15 : memref<40x128xf32, #tpu.memory_space<vmem>>) dst(%dma_wait3A_495 : memref<10000x128xf32, #tpu.memory_space<vmem_shared>>)
      %add3A_498 = arith.constant 6 : i32
      %add3A_499 = arith.addi %mul3A_257, %add3A_498 : i32
      %add3A_500 = arith.constant 5 : i32
      %add3A_501 = arith.addi %add3A_499, %add3A_500 : i32
      %lt3A_502 = arith.constant 250 : i32
      %lt3A_503 = arith.cmpi slt, %add3A_501, %lt3A_502 : i32
      %convert_element_type3A_504 = arith.extui %lt3A_503 : i1 to i32
      %cond3A_505 = arith.constant 0 : i32
      %cond3A_506 = arith.cmpi ne, %convert_element_type3A_504, %cond3A_505 : i32
      scf.if %cond3A_506 {
        %dma_start3A_507 = arith.constant 5 : i32
        %dma_start3A_508 = arith.constant 0 : i32
        %dma_start3A_509 = tpu.memref_slice %arg8[%add3A_501, %dma_start3A_508] : memref<250x40xi32, #tpu.memory_space<vmem>> -> memref<1x40xi32, #tpu.memory_space<vmem>>
        %dma_start3A_510 = tpu.memref_squeeze %dma_start3A_509 : memref<1x40xi32, #tpu.memory_space<vmem>> -> memref<40xi32, #tpu.memory_space<vmem>>
        %dma_start3A_511 = arith.constant 0 : i32
        %dma_start3A_512 = arith.constant 0 : i32
        %dma_start3A_513 = tpu.memref_slice %arg2[%dma_start3A_511, %dma_start3A_512] : memref<10000x128xf32, #tpu.memory_space<hbm>> -> memref<10000x128xf32, #tpu.memory_space<hbm>>
        %dma_start3A_514 = tpu.memref_slice %arg16[%dma_start3A_507] : memref<6x!tpu.dma_semaphore, #tpu.memory_space<semaphore_mem>> -> memref<1x!tpu.dma_semaphore, #tpu.memory_space<semaphore_mem>>
        %dma_start3A_515 = tpu.memref_squeeze %dma_start3A_514 : memref<1x!tpu.dma_semaphore, #tpu.memory_space<semaphore_mem>> -> memref<!tpu.dma_semaphore, #tpu.memory_space<semaphore_mem>>
        tpu.enqueue_indirect_dma source(%dma_start3A_513 : memref<10000x128xf32, #tpu.memory_space<hbm>>) target(%arg15 : memref<40x128xf32, #tpu.memory_space<vmem>>) offsets(%dma_start3A_510 : memref<40xi32, #tpu.memory_space<vmem>>) semaphore(%dma_start3A_515 : memref<!tpu.dma_semaphore, #tpu.memory_space<semaphore_mem>>)
      } else {
      }
    }
    %scan3A_109 = arith.constant 41 : i32
    %add3A_110 = arith.constant 246 : i32
    %add3A_111 = arith.constant 0 : i32
    %add3A_112 = arith.addi %add3A_110, %add3A_111 : i32
    %dma_wait3A_113 = arith.constant 0 : i32
    %dma_wait3A_114 = arith.constant 0 : i32
    %dma_wait3A_115 = tpu.memref_slice %arg8[%add3A_112, %dma_wait3A_114] : memref<250x40xi32, #tpu.memory_space<vmem>> -> memref<1x40xi32, #tpu.memory_space<vmem>>
    %dma_wait3A_116 = tpu.memref_squeeze %dma_wait3A_115 : memref<1x40xi32, #tpu.memory_space<vmem>> -> memref<40xi32, #tpu.memory_space<vmem>>
    %dma_wait3A_117 = arith.constant 0 : i32
    %dma_wait3A_118 = arith.constant 0 : i32
    %dma_wait3A_119 = tpu.memref_slice %arg2[%dma_wait3A_117, %dma_wait3A_118] : memref<10000x128xf32, #tpu.memory_space<hbm>> -> memref<10000x128xf32, #tpu.memory_space<hbm>>
    %dma_wait3A_120 = tpu.memref_slice %arg16[%dma_wait3A_113] : memref<6x!tpu.dma_semaphore, #tpu.memory_space<semaphore_mem>> -> memref<1x!tpu.dma_semaphore, #tpu.memory_space<semaphore_mem>>
    %dma_wait3A_121 = tpu.memref_squeeze %dma_wait3A_120 : memref<1x!tpu.dma_semaphore, #tpu.memory_space<semaphore_mem>> -> memref<!tpu.dma_semaphore, #tpu.memory_space<semaphore_mem>>
    tpu.wait_indirect_dma semaphore(%dma_wait3A_121 : memref<!tpu.dma_semaphore, #tpu.memory_space<semaphore_mem>>) src(%dma_wait3A_119 : memref<10000x128xf32, #tpu.memory_space<hbm>>) dst(%arg10 : memref<40x128xf32, #tpu.memory_space<vmem>>)
    %add3A_122 = arith.constant 246 : i32
    %add3A_123 = arith.constant 0 : i32
    %add3A_124 = arith.addi %add3A_122, %add3A_123 : i32
    %dma_start3A_125 = arith.constant 0 : i32
    %dma_start3A_126 = arith.constant 0 : i32
    %dma_start3A_127 = tpu.memref_slice %arg9[%add3A_124, %dma_start3A_126] : memref<250x40xi32, #tpu.memory_space<vmem>> -> memref<1x40xi32, #tpu.memory_space<vmem>>
    %dma_start3A_128 = tpu.memref_squeeze %dma_start3A_127 : memref<1x40xi32, #tpu.memory_space<vmem>> -> memref<40xi32, #tpu.memory_space<vmem>>
    %dma_start3A_129 = arith.constant 0 : i32
    %dma_start3A_130 = arith.constant 0 : i32
    %dma_start3A_131 = tpu.memref_slice %arg7[%dma_start3A_129, %dma_start3A_130] : memref<10000x128xf32, #tpu.memory_space<vmem_shared>> -> memref<10000x128xf32, #tpu.memory_space<vmem_shared>>
    %dma_start3A_132 = tpu.memref_slice %arg17[%dma_start3A_125] : memref<6x!tpu.dma_semaphore, #tpu.memory_space<semaphore_mem>> -> memref<1x!tpu.dma_semaphore, #tpu.memory_space<semaphore_mem>>
    %dma_start3A_133 = tpu.memref_squeeze %dma_start3A_132 : memref<1x!tpu.dma_semaphore, #tpu.memory_space<semaphore_mem>> -> memref<!tpu.dma_semaphore, #tpu.memory_space<semaphore_mem>>
    tpu.enqueue_indirect_dma source(%arg10 : memref<40x128xf32, #tpu.memory_space<vmem>>) target(%dma_start3A_131 : memref<10000x128xf32, #tpu.memory_space<vmem_shared>>) offsets(%dma_start3A_128 : memref<40xi32, #tpu.memory_space<vmem>>) semaphore(%dma_start3A_133 : memref<!tpu.dma_semaphore, #tpu.memory_space<semaphore_mem>>) {add = true}
    %add3A_134 = arith.constant 246 : i32
    %add3A_135 = arith.constant 1 : i32
    %add3A_136 = arith.addi %add3A_134, %add3A_135 : i32
    %dma_wait3A_137 = arith.constant 1 : i32
    %dma_wait3A_138 = arith.constant 0 : i32
    %dma_wait3A_139 = tpu.memref_slice %arg8[%add3A_136, %dma_wait3A_138] : memref<250x40xi32, #tpu.memory_space<vmem>> -> memref<1x40xi32, #tpu.memory_space<vmem>>
    %dma_wait3A_140 = tpu.memref_squeeze %dma_wait3A_139 : memref<1x40xi32, #tpu.memory_space<vmem>> -> memref<40xi32, #tpu.memory_space<vmem>>
    %dma_wait3A_141 = arith.constant 0 : i32
    %dma_wait3A_142 = arith.constant 0 : i32
    %dma_wait3A_143 = tpu.memref_slice %arg2[%dma_wait3A_141, %dma_wait3A_142] : memref<10000x128xf32, #tpu.memory_space<hbm>> -> memref<10000x128xf32, #tpu.memory_space<hbm>>
    %dma_wait3A_144 = tpu.memref_slice %arg16[%dma_wait3A_137] : memref<6x!tpu.dma_semaphore, #tpu.memory_space<semaphore_mem>> -> memref<1x!tpu.dma_semaphore, #tpu.memory_space<semaphore_mem>>
    %dma_wait3A_145 = tpu.memref_squeeze %dma_wait3A_144 : memref<1x!tpu.dma_semaphore, #tpu.memory_space<semaphore_mem>> -> memref<!tpu.dma_semaphore, #tpu.memory_space<semaphore_mem>>
    tpu.wait_indirect_dma semaphore(%dma_wait3A_145 : memref<!tpu.dma_semaphore, #tpu.memory_space<semaphore_mem>>) src(%dma_wait3A_143 : memref<10000x128xf32, #tpu.memory_space<hbm>>) dst(%arg11 : memref<40x128xf32, #tpu.memory_space<vmem>>)
    %add3A_146 = arith.constant 246 : i32
    %add3A_147 = arith.constant 1 : i32
    %add3A_148 = arith.addi %add3A_146, %add3A_147 : i32
    %dma_start3A_149 = arith.constant 1 : i32
    %dma_start3A_150 = arith.constant 0 : i32
    %dma_start3A_151 = tpu.memref_slice %arg9[%add3A_148, %dma_start3A_150] : memref<250x40xi32, #tpu.memory_space<vmem>> -> memref<1x40xi32, #tpu.memory_space<vmem>>
    %dma_start3A_152 = tpu.memref_squeeze %dma_start3A_151 : memref<1x40xi32, #tpu.memory_space<vmem>> -> memref<40xi32, #tpu.memory_space<vmem>>
    %dma_start3A_153 = arith.constant 0 : i32
    %dma_start3A_154 = arith.constant 0 : i32
    %dma_start3A_155 = tpu.memref_slice %arg7[%dma_start3A_153, %dma_start3A_154] : memref<10000x128xf32, #tpu.memory_space<vmem_shared>> -> memref<10000x128xf32, #tpu.memory_space<vmem_shared>>
    %dma_start3A_156 = tpu.memref_slice %arg17[%dma_start3A_149] : memref<6x!tpu.dma_semaphore, #tpu.memory_space<semaphore_mem>> -> memref<1x!tpu.dma_semaphore, #tpu.memory_space<semaphore_mem>>
    %dma_start3A_157 = tpu.memref_squeeze %dma_start3A_156 : memref<1x!tpu.dma_semaphore, #tpu.memory_space<semaphore_mem>> -> memref<!tpu.dma_semaphore, #tpu.memory_space<semaphore_mem>>
    tpu.enqueue_indirect_dma source(%arg11 : memref<40x128xf32, #tpu.memory_space<vmem>>) target(%dma_start3A_155 : memref<10000x128xf32, #tpu.memory_space<vmem_shared>>) offsets(%dma_start3A_152 : memref<40xi32, #tpu.memory_space<vmem>>) semaphore(%dma_start3A_157 : memref<!tpu.dma_semaphore, #tpu.memory_space<semaphore_mem>>) {add = true}
    %add3A_158 = arith.constant 246 : i32
    %add3A_159 = arith.constant 2 : i32
    %add3A_160 = arith.addi %add3A_158, %add3A_159 : i32
    %dma_wait3A_161 = arith.constant 2 : i32
    %dma_wait3A_162 = arith.constant 0 : i32
    %dma_wait3A_163 = tpu.memref_slice %arg8[%add3A_160, %dma_wait3A_162] : memref<250x40xi32, #tpu.memory_space<vmem>> -> memref<1x40xi32, #tpu.memory_space<vmem>>
    %dma_wait3A_164 = tpu.memref_squeeze %dma_wait3A_163 : memref<1x40xi32, #tpu.memory_space<vmem>> -> memref<40xi32, #tpu.memory_space<vmem>>
    %dma_wait3A_165 = arith.constant 0 : i32
    %dma_wait3A_166 = arith.constant 0 : i32
    %dma_wait3A_167 = tpu.memref_slice %arg2[%dma_wait3A_165, %dma_wait3A_166] : memref<10000x128xf32, #tpu.memory_space<hbm>> -> memref<10000x128xf32, #tpu.memory_space<hbm>>
    %dma_wait3A_168 = tpu.memref_slice %arg16[%dma_wait3A_161] : memref<6x!tpu.dma_semaphore, #tpu.memory_space<semaphore_mem>> -> memref<1x!tpu.dma_semaphore, #tpu.memory_space<semaphore_mem>>
    %dma_wait3A_169 = tpu.memref_squeeze %dma_wait3A_168 : memref<1x!tpu.dma_semaphore, #tpu.memory_space<semaphore_mem>> -> memref<!tpu.dma_semaphore, #tpu.memory_space<semaphore_mem>>
    tpu.wait_indirect_dma semaphore(%dma_wait3A_169 : memref<!tpu.dma_semaphore, #tpu.memory_space<semaphore_mem>>) src(%dma_wait3A_167 : memref<10000x128xf32, #tpu.memory_space<hbm>>) dst(%arg12 : memref<40x128xf32, #tpu.memory_space<vmem>>)
    %add3A_170 = arith.constant 246 : i32
    %add3A_171 = arith.constant 2 : i32
    %add3A_172 = arith.addi %add3A_170, %add3A_171 : i32
    %dma_start3A_173 = arith.constant 2 : i32
    %dma_start3A_174 = arith.constant 0 : i32
    %dma_start3A_175 = tpu.memref_slice %arg9[%add3A_172, %dma_start3A_174] : memref<250x40xi32, #tpu.memory_space<vmem>> -> memref<1x40xi32, #tpu.memory_space<vmem>>
    %dma_start3A_176 = tpu.memref_squeeze %dma_start3A_175 : memref<1x40xi32, #tpu.memory_space<vmem>> -> memref<40xi32, #tpu.memory_space<vmem>>
    %dma_start3A_177 = arith.constant 0 : i32
    %dma_start3A_178 = arith.constant 0 : i32
    %dma_start3A_179 = tpu.memref_slice %arg7[%dma_start3A_177, %dma_start3A_178] : memref<10000x128xf32, #tpu.memory_space<vmem_shared>> -> memref<10000x128xf32, #tpu.memory_space<vmem_shared>>
    %dma_start3A_180 = tpu.memref_slice %arg17[%dma_start3A_173] : memref<6x!tpu.dma_semaphore, #tpu.memory_space<semaphore_mem>> -> memref<1x!tpu.dma_semaphore, #tpu.memory_space<semaphore_mem>>
    %dma_start3A_181 = tpu.memref_squeeze %dma_start3A_180 : memref<1x!tpu.dma_semaphore, #tpu.memory_space<semaphore_mem>> -> memref<!tpu.dma_semaphore, #tpu.memory_space<semaphore_mem>>
    tpu.enqueue_indirect_dma source(%arg12 : memref<40x128xf32, #tpu.memory_space<vmem>>) target(%dma_start3A_179 : memref<10000x128xf32, #tpu.memory_space<vmem_shared>>) offsets(%dma_start3A_176 : memref<40xi32, #tpu.memory_space<vmem>>) semaphore(%dma_start3A_181 : memref<!tpu.dma_semaphore, #tpu.memory_space<semaphore_mem>>) {add = true}
    %add3A_182 = arith.constant 246 : i32
    %add3A_183 = arith.constant 3 : i32
    %add3A_184 = arith.addi %add3A_182, %add3A_183 : i32
    %dma_wait3A_185 = arith.constant 3 : i32
    %dma_wait3A_186 = arith.constant 0 : i32
    %dma_wait3A_187 = tpu.memref_slice %arg8[%add3A_184, %dma_wait3A_186] : memref<250x40xi32, #tpu.memory_space<vmem>> -> memref<1x40xi32, #tpu.memory_space<vmem>>
    %dma_wait3A_188 = tpu.memref_squeeze %dma_wait3A_187 : memref<1x40xi32, #tpu.memory_space<vmem>> -> memref<40xi32, #tpu.memory_space<vmem>>
    %dma_wait3A_189 = arith.constant 0 : i32
    %dma_wait3A_190 = arith.constant 0 : i32
    %dma_wait3A_191 = tpu.memref_slice %arg2[%dma_wait3A_189, %dma_wait3A_190] : memref<10000x128xf32, #tpu.memory_space<hbm>> -> memref<10000x128xf32, #tpu.memory_space<hbm>>
    %dma_wait3A_192 = tpu.memref_slice %arg16[%dma_wait3A_185] : memref<6x!tpu.dma_semaphore, #tpu.memory_space<semaphore_mem>> -> memref<1x!tpu.dma_semaphore, #tpu.memory_space<semaphore_mem>>
    %dma_wait3A_193 = tpu.memref_squeeze %dma_wait3A_192 : memref<1x!tpu.dma_semaphore, #tpu.memory_space<semaphore_mem>> -> memref<!tpu.dma_semaphore, #tpu.memory_space<semaphore_mem>>
    tpu.wait_indirect_dma semaphore(%dma_wait3A_193 : memref<!tpu.dma_semaphore, #tpu.memory_space<semaphore_mem>>) src(%dma_wait3A_191 : memref<10000x128xf32, #tpu.memory_space<hbm>>) dst(%arg13 : memref<40x128xf32, #tpu.memory_space<vmem>>)
    %add3A_194 = arith.constant 246 : i32
    %add3A_195 = arith.constant 3 : i32
    %add3A_196 = arith.addi %add3A_194, %add3A_195 : i32
    %dma_start3A_197 = arith.constant 3 : i32
    %dma_start3A_198 = arith.constant 0 : i32
    %dma_start3A_199 = tpu.memref_slice %arg9[%add3A_196, %dma_start3A_198] : memref<250x40xi32, #tpu.memory_space<vmem>> -> memref<1x40xi32, #tpu.memory_space<vmem>>
    %dma_start3A_200 = tpu.memref_squeeze %dma_start3A_199 : memref<1x40xi32, #tpu.memory_space<vmem>> -> memref<40xi32, #tpu.memory_space<vmem>>
    %dma_start3A_201 = arith.constant 0 : i32
    %dma_start3A_202 = arith.constant 0 : i32
    %dma_start3A_203 = tpu.memref_slice %arg7[%dma_start3A_201, %dma_start3A_202] : memref<10000x128xf32, #tpu.memory_space<vmem_shared>> -> memref<10000x128xf32, #tpu.memory_space<vmem_shared>>
    %dma_start3A_204 = tpu.memref_slice %arg17[%dma_start3A_197] : memref<6x!tpu.dma_semaphore, #tpu.memory_space<semaphore_mem>> -> memref<1x!tpu.dma_semaphore, #tpu.memory_space<semaphore_mem>>
    %dma_start3A_205 = tpu.memref_squeeze %dma_start3A_204 : memref<1x!tpu.dma_semaphore, #tpu.memory_space<semaphore_mem>> -> memref<!tpu.dma_semaphore, #tpu.memory_space<semaphore_mem>>
    tpu.enqueue_indirect_dma source(%arg13 : memref<40x128xf32, #tpu.memory_space<vmem>>) target(%dma_start3A_203 : memref<10000x128xf32, #tpu.memory_space<vmem_shared>>) offsets(%dma_start3A_200 : memref<40xi32, #tpu.memory_space<vmem>>) semaphore(%dma_start3A_205 : memref<!tpu.dma_semaphore, #tpu.memory_space<semaphore_mem>>) {add = true}
    %add3A_206 = arith.constant 246 : i32
    %add3A_207 = arith.constant 0 : i32
    %add3A_208 = arith.addi %add3A_206, %add3A_207 : i32
    %dma_wait3A_209 = arith.constant 0 : i32
    %dma_wait3A_210 = arith.constant 0 : i32
    %dma_wait3A_211 = tpu.memref_slice %arg9[%add3A_208, %dma_wait3A_210] : memref<250x40xi32, #tpu.memory_space<vmem>> -> memref<1x40xi32, #tpu.memory_space<vmem>>
    %dma_wait3A_212 = tpu.memref_squeeze %dma_wait3A_211 : memref<1x40xi32, #tpu.memory_space<vmem>> -> memref<40xi32, #tpu.memory_space<vmem>>
    %dma_wait3A_213 = arith.constant 0 : i32
    %dma_wait3A_214 = arith.constant 0 : i32
    %dma_wait3A_215 = tpu.memref_slice %arg7[%dma_wait3A_213, %dma_wait3A_214] : memref<10000x128xf32, #tpu.memory_space<vmem_shared>> -> memref<10000x128xf32, #tpu.memory_space<vmem_shared>>
    %dma_wait3A_216 = tpu.memref_slice %arg17[%dma_wait3A_209] : memref<6x!tpu.dma_semaphore, #tpu.memory_space<semaphore_mem>> -> memref<1x!tpu.dma_semaphore, #tpu.memory_space<semaphore_mem>>
    %dma_wait3A_217 = tpu.memref_squeeze %dma_wait3A_216 : memref<1x!tpu.dma_semaphore, #tpu.memory_space<semaphore_mem>> -> memref<!tpu.dma_semaphore, #tpu.memory_space<semaphore_mem>>
    tpu.wait_indirect_dma semaphore(%dma_wait3A_217 : memref<!tpu.dma_semaphore, #tpu.memory_space<semaphore_mem>>) src(%arg10 : memref<40x128xf32, #tpu.memory_space<vmem>>) dst(%dma_wait3A_215 : memref<10000x128xf32, #tpu.memory_space<vmem_shared>>)
    %add3A_218 = arith.constant 246 : i32
    %add3A_219 = arith.constant 1 : i32
    %add3A_220 = arith.addi %add3A_218, %add3A_219 : i32
    %dma_wait3A_221 = arith.constant 1 : i32
    %dma_wait3A_222 = arith.constant 0 : i32
    %dma_wait3A_223 = tpu.memref_slice %arg9[%add3A_220, %dma_wait3A_222] : memref<250x40xi32, #tpu.memory_space<vmem>> -> memref<1x40xi32, #tpu.memory_space<vmem>>
    %dma_wait3A_224 = tpu.memref_squeeze %dma_wait3A_223 : memref<1x40xi32, #tpu.memory_space<vmem>> -> memref<40xi32, #tpu.memory_space<vmem>>
    %dma_wait3A_225 = arith.constant 0 : i32
    %dma_wait3A_226 = arith.constant 0 : i32
    %dma_wait3A_227 = tpu.memref_slice %arg7[%dma_wait3A_225, %dma_wait3A_226] : memref<10000x128xf32, #tpu.memory_space<vmem_shared>> -> memref<10000x128xf32, #tpu.memory_space<vmem_shared>>
    %dma_wait3A_228 = tpu.memref_slice %arg17[%dma_wait3A_221] : memref<6x!tpu.dma_semaphore, #tpu.memory_space<semaphore_mem>> -> memref<1x!tpu.dma_semaphore, #tpu.memory_space<semaphore_mem>>
    %dma_wait3A_229 = tpu.memref_squeeze %dma_wait3A_228 : memref<1x!tpu.dma_semaphore, #tpu.memory_space<semaphore_mem>> -> memref<!tpu.dma_semaphore, #tpu.memory_space<semaphore_mem>>
    tpu.wait_indirect_dma semaphore(%dma_wait3A_229 : memref<!tpu.dma_semaphore, #tpu.memory_space<semaphore_mem>>) src(%arg11 : memref<40x128xf32, #tpu.memory_space<vmem>>) dst(%dma_wait3A_227 : memref<10000x128xf32, #tpu.memory_space<vmem_shared>>)
    %add3A_230 = arith.constant 246 : i32
    %add3A_231 = arith.constant 2 : i32
    %add3A_232 = arith.addi %add3A_230, %add3A_231 : i32
    %dma_wait3A_233 = arith.constant 2 : i32
    %dma_wait3A_234 = arith.constant 0 : i32
    %dma_wait3A_235 = tpu.memref_slice %arg9[%add3A_232, %dma_wait3A_234] : memref<250x40xi32, #tpu.memory_space<vmem>> -> memref<1x40xi32, #tpu.memory_space<vmem>>
    %dma_wait3A_236 = tpu.memref_squeeze %dma_wait3A_235 : memref<1x40xi32, #tpu.memory_space<vmem>> -> memref<40xi32, #tpu.memory_space<vmem>>
    %dma_wait3A_237 = arith.constant 0 : i32
    %dma_wait3A_238 = arith.constant 0 : i32
    %dma_wait3A_239 = tpu.memref_slice %arg7[%dma_wait3A_237, %dma_wait3A_238] : memref<10000x128xf32, #tpu.memory_space<vmem_shared>> -> memref<10000x128xf32, #tpu.memory_space<vmem_shared>>
    %dma_wait3A_240 = tpu.memref_slice %arg17[%dma_wait3A_233] : memref<6x!tpu.dma_semaphore, #tpu.memory_space<semaphore_mem>> -> memref<1x!tpu.dma_semaphore, #tpu.memory_space<semaphore_mem>>
    %dma_wait3A_241 = tpu.memref_squeeze %dma_wait3A_240 : memref<1x!tpu.dma_semaphore, #tpu.memory_space<semaphore_mem>> -> memref<!tpu.dma_semaphore, #tpu.memory_space<semaphore_mem>>
    tpu.wait_indirect_dma semaphore(%dma_wait3A_241 : memref<!tpu.dma_semaphore, #tpu.memory_space<semaphore_mem>>) src(%arg12 : memref<40x128xf32, #tpu.memory_space<vmem>>) dst(%dma_wait3A_239 : memref<10000x128xf32, #tpu.memory_space<vmem_shared>>)
    %add3A_242 = arith.constant 246 : i32
    %add3A_243 = arith.constant 3 : i32
    %add3A_244 = arith.addi %add3A_242, %add3A_243 : i32
    %dma_wait3A_245 = arith.constant 3 : i32
    %dma_wait3A_246 = arith.constant 0 : i32
    %dma_wait3A_247 = tpu.memref_slice %arg9[%add3A_244, %dma_wait3A_246] : memref<250x40xi32, #tpu.memory_space<vmem>> -> memref<1x40xi32, #tpu.memory_space<vmem>>
    %dma_wait3A_248 = tpu.memref_squeeze %dma_wait3A_247 : memref<1x40xi32, #tpu.memory_space<vmem>> -> memref<40xi32, #tpu.memory_space<vmem>>
    %dma_wait3A_249 = arith.constant 0 : i32
    %dma_wait3A_250 = arith.constant 0 : i32
    %dma_wait3A_251 = tpu.memref_slice %arg7[%dma_wait3A_249, %dma_wait3A_250] : memref<10000x128xf32, #tpu.memory_space<vmem_shared>> -> memref<10000x128xf32, #tpu.memory_space<vmem_shared>>
    %dma_wait3A_252 = tpu.memref_slice %arg17[%dma_wait3A_245] : memref<6x!tpu.dma_semaphore, #tpu.memory_space<semaphore_mem>> -> memref<1x!tpu.dma_semaphore, #tpu.memory_space<semaphore_mem>>
    %dma_wait3A_253 = tpu.memref_squeeze %dma_wait3A_252 : memref<1x!tpu.dma_semaphore, #tpu.memory_space<semaphore_mem>> -> memref<!tpu.dma_semaphore, #tpu.memory_space<semaphore_mem>>
    tpu.wait_indirect_dma semaphore(%dma_wait3A_253 : memref<!tpu.dma_semaphore, #tpu.memory_space<semaphore_mem>>) src(%arg13 : memref<40x128xf32, #tpu.memory_space<vmem>>) dst(%dma_wait3A_251 : memref<10000x128xf32, #tpu.memory_space<vmem_shared>>)
    %barrier3A_254 = arith.constant 0 : index
    tpu.barrier barrier_id(%barrier3A_254)
    "tpu.region"() ({
      %run_scoped3A = tpu.sem_alloc : memref<!tpu.dma_semaphore, #tpu.memory_space<semaphore_mem>>
      %dma_start3A_255 = arith.constant 0 : i32
      %dma_start3A_256 = tpu.memref_slice %arg6[%arg0, %mul3A_0, %dma_start3A_255] : memref<2x10000x128xf32, #tpu.memory_space<hbm>> -> memref<1x625x128xf32, #tpu.memory_space<hbm>>
      %dma_start3A_257 = tpu.memref_squeeze %dma_start3A_256 : memref<1x625x128xf32, #tpu.memory_space<hbm>> -> memref<625x128xf32, #tpu.memory_space<hbm>>
      %dma_start3A_258 = arith.constant 0 : i32
      %dma_start3A_259 = tpu.memref_slice %arg7[%mul3A_0, %dma_start3A_258] : memref<10000x128xf32, #tpu.memory_space<vmem_shared>> -> memref<625x128xf32, #tpu.memory_space<vmem_shared>>
      tpu.enqueue_dma source(%dma_start3A_259 : memref<625x128xf32, #tpu.memory_space<vmem_shared>>) target(%dma_start3A_257 : memref<625x128xf32, #tpu.memory_space<hbm>>) target_semaphore(%run_scoped3A : memref<!tpu.dma_semaphore, #tpu.memory_space<semaphore_mem>>)
      %dma_wait3A_260 = arith.constant 0 : i32
      %dma_wait3A_261 = tpu.memref_slice %arg6[%arg0, %mul3A_0, %dma_wait3A_260] : memref<2x10000x128xf32, #tpu.memory_space<hbm>> -> memref<1x625x128xf32, #tpu.memory_space<hbm>>
      %dma_wait3A_262 = tpu.memref_squeeze %dma_wait3A_261 : memref<1x625x128xf32, #tpu.memory_space<hbm>> -> memref<625x128xf32, #tpu.memory_space<hbm>>
      %dma_wait3A_263 = arith.constant 0 : i32
      %dma_wait3A_264 = tpu.memref_slice %arg7[%mul3A_0, %dma_wait3A_263] : memref<10000x128xf32, #tpu.memory_space<vmem_shared>> -> memref<625x128xf32, #tpu.memory_space<vmem_shared>>
      tpu.wait_dma2 semaphore(%run_scoped3A : memref<!tpu.dma_semaphore, #tpu.memory_space<semaphore_mem>>) src(%dma_wait3A_264 : memref<625x128xf32, #tpu.memory_space<vmem_shared>>) dst(%dma_wait3A_262 : memref<625x128xf32, #tpu.memory_space<hbm>>)
      tpu.yield
    }) : () -> ()
    return
  }
}

#map = affine_map<(d0, d1) -> (0, 0)>
#map1 = affine_map<(d0, d1) -> (0, 0, 0, 0)>
module attributes {stable_mosaic.version = 14 : i64} {
  func.func @k(%arg0: i32, %arg1: i32, %arg2: memref<2560x125xi32, #tpu.memory_space<hbm>>, %arg3: memref<2560x125xi32, #tpu.memory_space<hbm>>, %arg4: memref<10000x16xf32, #tpu.memory_space<hbm>>, %arg5: memref<2x2x10000x16xf32, #tpu.memory_space<hbm>>, %arg6: memref<10000x16xf32, #tpu.memory_space<vmem_shared>>, %arg7: memref<10000x16xf32, #tpu.memory_space<vmem_shared>>, %arg8: memref<80x125xi32, #tpu.memory_space<vmem>>, %arg9: memref<80x125xi32, #tpu.memory_space<vmem>>, %arg10: memref<125x16xf32, #tpu.memory_space<vmem>>, %arg11: memref<!tpu.dma_semaphore, #tpu.memory_space<semaphore_mem>>, %arg12: memref<!tpu.dma_semaphore, #tpu.memory_space<semaphore_mem>>) attributes {dimension_semantics = [#tpu.dimension_semantics<core_parallel>, #tpu.dimension_semantics<subcore_parallel>], iteration_bounds = array<i64: 2, 16>, scalar_prefetch = 0 : i64, scratch_operands = 7 : i64, tpu.core_type = #tpu.core_type<sc_vector_subcore>, window_params = [{transform_indices = #map}, {transform_indices = #map}, {transform_indices = #map}, {transform_indices = #map1}]} {
    %mul3A = arith.constant 625 : i32
    %mul3A_0 = arith.muli %arg1, %mul3A : i32
    %mul3A_1 = arith.constant 16 : i32
    %mul3A_2 = arith.muli %arg0, %mul3A_1 : i32
    %add3A = arith.addi %mul3A_2, %arg1 : i32
    %mul3A_3 = arith.constant 80 : i32
    %mul3A_4 = arith.muli %add3A, %mul3A_3 : i32
    %dma_start3A = arith.constant 0 : i32
    %dma_start3A_5 = tpu.memref_slice %arg6[%mul3A_0, %dma_start3A] : memref<10000x16xf32, #tpu.memory_space<vmem_shared>> -> memref<625x16xf32, #tpu.memory_space<vmem_shared>>
    %dma_start3A_6 = arith.constant 0 : i32
    %dma_start3A_7 = tpu.memref_slice %arg4[%mul3A_0, %dma_start3A_6] : memref<10000x16xf32, #tpu.memory_space<hbm>> -> memref<625x16xf32, #tpu.memory_space<hbm>>
    tpu.enqueue_dma source(%dma_start3A_7 : memref<625x16xf32, #tpu.memory_space<hbm>>) target(%dma_start3A_5 : memref<625x16xf32, #tpu.memory_space<vmem_shared>>) target_semaphore(%arg11 : memref<!tpu.dma_semaphore, #tpu.memory_space<semaphore_mem>>)
    %dma_start3A_8 = arith.constant 0 : i32
    %dma_start3A_9 = tpu.memref_slice %arg7[%mul3A_0, %dma_start3A_8] : memref<10000x16xf32, #tpu.memory_space<vmem_shared>> -> memref<625x16xf32, #tpu.memory_space<vmem_shared>>
    %dma_start3A_10 = arith.constant 0 : i32
    %dma_start3A_11 = tpu.memref_slice %arg4[%mul3A_0, %dma_start3A_10] : memref<10000x16xf32, #tpu.memory_space<hbm>> -> memref<625x16xf32, #tpu.memory_space<hbm>>
    tpu.enqueue_dma source(%dma_start3A_11 : memref<625x16xf32, #tpu.memory_space<hbm>>) target(%dma_start3A_9 : memref<625x16xf32, #tpu.memory_space<vmem_shared>>) target_semaphore(%arg12 : memref<!tpu.dma_semaphore, #tpu.memory_space<semaphore_mem>>)
    %dma_start3A_12 = arith.constant 0 : i32
    %dma_start3A_13 = tpu.memref_slice %arg2[%mul3A_4, %dma_start3A_12] : memref<2560x125xi32, #tpu.memory_space<hbm>> -> memref<80x125xi32, #tpu.memory_space<hbm>>
    %dma_start3A_14 = arith.constant 0 : i32
    %dma_start3A_15 = tpu.memref_slice %arg2[%mul3A_4, %dma_start3A_14] : memref<2560x125xi32, #tpu.memory_space<hbm>> -> memref<80x125xi32, #tpu.memory_space<hbm>>
    tpu.enqueue_dma source(%dma_start3A_15 : memref<80x125xi32, #tpu.memory_space<hbm>>) target(%arg8 : memref<80x125xi32, #tpu.memory_space<vmem>>) target_semaphore(%arg11 : memref<!tpu.dma_semaphore, #tpu.memory_space<semaphore_mem>>)
    %dma_start3A_16 = arith.constant 0 : i32
    %dma_start3A_17 = tpu.memref_slice %arg3[%mul3A_4, %dma_start3A_16] : memref<2560x125xi32, #tpu.memory_space<hbm>> -> memref<80x125xi32, #tpu.memory_space<hbm>>
    %dma_start3A_18 = arith.constant 0 : i32
    %dma_start3A_19 = tpu.memref_slice %arg3[%mul3A_4, %dma_start3A_18] : memref<2560x125xi32, #tpu.memory_space<hbm>> -> memref<80x125xi32, #tpu.memory_space<hbm>>
    tpu.enqueue_dma source(%dma_start3A_19 : memref<80x125xi32, #tpu.memory_space<hbm>>) target(%arg9 : memref<80x125xi32, #tpu.memory_space<vmem>>) target_semaphore(%arg12 : memref<!tpu.dma_semaphore, #tpu.memory_space<semaphore_mem>>)
    %broadcast_in_dim3A = arith.constant 1.000000e+00 : f32
    %broadcast_in_dim3A_20 = vector.broadcast %broadcast_in_dim3A : f32 to vector<16xf32>
    %swap3A = arith.constant 0 : i32
    %swap3A_21 = arith.index_cast %swap3A : i32 to index
    %swap3A_22 = arith.constant 0 : index
    %swap3A_23 = tpu.vector_load %arg10[%swap3A_21, %swap3A_22] {strides = array<i32>} : memref<125x16xf32, #tpu.memory_space<vmem>>, vector<1x16xf32>,
    %swap3A_24 = vector.shape_cast %swap3A_23 : vector<1x16xf32> to vector<16xf32>
    %swap3A_25 = vector.shape_cast %broadcast_in_dim3A_20 : vector<16xf32> to vector<1x16xf32>
    tpu.vector_store %arg10[%swap3A_21, %swap3A_22], %swap3A_25 {strides = array<i32>} : memref<125x16xf32, #tpu.memory_space<vmem>>, vector<1x16xf32>,
    %broadcast_in_dim3A_26 = arith.constant 1.000000e+00 : f32
    %broadcast_in_dim3A_27 = vector.broadcast %broadcast_in_dim3A_26 : f32 to vector<16xf32>
    %swap3A_28 = arith.constant 1 : i32
    %swap3A_29 = arith.index_cast %swap3A_28 : i32 to index
    %swap3A_30 = arith.constant 0 : index
    %swap3A_31 = tpu.vector_load %arg10[%swap3A_29, %swap3A_30] {strides = array<i32>} : memref<125x16xf32, #tpu.memory_space<vmem>>, vector<1x16xf32>,
    %swap3A_32 = vector.shape_cast %swap3A_31 : vector<1x16xf32> to vector<16xf32>
    %swap3A_33 = vector.shape_cast %broadcast_in_dim3A_27 : vector<16xf32> to vector<1x16xf32>
    tpu.vector_store %arg10[%swap3A_29, %swap3A_30], %swap3A_33 {strides = array<i32>} : memref<125x16xf32, #tpu.memory_space<vmem>>, vector<1x16xf32>,
    %broadcast_in_dim3A_34 = arith.constant 1.000000e+00 : f32
    %broadcast_in_dim3A_35 = vector.broadcast %broadcast_in_dim3A_34 : f32 to vector<16xf32>
    %swap3A_36 = arith.constant 2 : i32
    %swap3A_37 = arith.index_cast %swap3A_36 : i32 to index
    %swap3A_38 = arith.constant 0 : index
    %swap3A_39 = tpu.vector_load %arg10[%swap3A_37, %swap3A_38] {strides = array<i32>} : memref<125x16xf32, #tpu.memory_space<vmem>>, vector<1x16xf32>,
    %swap3A_40 = vector.shape_cast %swap3A_39 : vector<1x16xf32> to vector<16xf32>
    %swap3A_41 = vector.shape_cast %broadcast_in_dim3A_35 : vector<16xf32> to vector<1x16xf32>
    tpu.vector_store %arg10[%swap3A_37, %swap3A_38], %swap3A_41 {strides = array<i32>} : memref<125x16xf32, #tpu.memory_space<vmem>>, vector<1x16xf32>,
    %broadcast_in_dim3A_42 = arith.constant 1.000000e+00 : f32
    %broadcast_in_dim3A_43 = vector.broadcast %broadcast_in_dim3A_42 : f32 to vector<16xf32>
    %swap3A_44 = arith.constant 3 : i32
    %swap3A_45 = arith.index_cast %swap3A_44 : i32 to index
    %swap3A_46 = arith.constant 0 : index
    %swap3A_47 = tpu.vector_load %arg10[%swap3A_45, %swap3A_46] {strides = array<i32>} : memref<125x16xf32, #tpu.memory_space<vmem>>, vector<1x16xf32>,
    %swap3A_48 = vector.shape_cast %swap3A_47 : vector<1x16xf32> to vector<16xf32>
    %swap3A_49 = vector.shape_cast %broadcast_in_dim3A_43 : vector<16xf32> to vector<1x16xf32>
    tpu.vector_store %arg10[%swap3A_45, %swap3A_46], %swap3A_49 {strides = array<i32>} : memref<125x16xf32, #tpu.memory_space<vmem>>, vector<1x16xf32>,
    %broadcast_in_dim3A_50 = arith.constant 1.000000e+00 : f32
    %broadcast_in_dim3A_51 = vector.broadcast %broadcast_in_dim3A_50 : f32 to vector<16xf32>
    %swap3A_52 = arith.constant 4 : i32
    %swap3A_53 = arith.index_cast %swap3A_52 : i32 to index
    %swap3A_54 = arith.constant 0 : index
    %swap3A_55 = tpu.vector_load %arg10[%swap3A_53, %swap3A_54] {strides = array<i32>} : memref<125x16xf32, #tpu.memory_space<vmem>>, vector<1x16xf32>,
    %swap3A_56 = vector.shape_cast %swap3A_55 : vector<1x16xf32> to vector<16xf32>
    %swap3A_57 = vector.shape_cast %broadcast_in_dim3A_51 : vector<16xf32> to vector<1x16xf32>
    tpu.vector_store %arg10[%swap3A_53, %swap3A_54], %swap3A_57 {strides = array<i32>} : memref<125x16xf32, #tpu.memory_space<vmem>>, vector<1x16xf32>,
    %broadcast_in_dim3A_58 = arith.constant 1.000000e+00 : f32
    %broadcast_in_dim3A_59 = vector.broadcast %broadcast_in_dim3A_58 : f32 to vector<16xf32>
    %swap3A_60 = arith.constant 5 : i32
    %swap3A_61 = arith.index_cast %swap3A_60 : i32 to index
    %swap3A_62 = arith.constant 0 : index
    %swap3A_63 = tpu.vector_load %arg10[%swap3A_61, %swap3A_62] {strides = array<i32>} : memref<125x16xf32, #tpu.memory_space<vmem>>, vector<1x16xf32>,
    %swap3A_64 = vector.shape_cast %swap3A_63 : vector<1x16xf32> to vector<16xf32>
    %swap3A_65 = vector.shape_cast %broadcast_in_dim3A_59 : vector<16xf32> to vector<1x16xf32>
    tpu.vector_store %arg10[%swap3A_61, %swap3A_62], %swap3A_65 {strides = array<i32>} : memref<125x16xf32, #tpu.memory_space<vmem>>, vector<1x16xf32>,
    %broadcast_in_dim3A_66 = arith.constant 1.000000e+00 : f32
    %broadcast_in_dim3A_67 = vector.broadcast %broadcast_in_dim3A_66 : f32 to vector<16xf32>
    %swap3A_68 = arith.constant 6 : i32
    %swap3A_69 = arith.index_cast %swap3A_68 : i32 to index
    %swap3A_70 = arith.constant 0 : index
    %swap3A_71 = tpu.vector_load %arg10[%swap3A_69, %swap3A_70] {strides = array<i32>} : memref<125x16xf32, #tpu.memory_space<vmem>>, vector<1x16xf32>,
    %swap3A_72 = vector.shape_cast %swap3A_71 : vector<1x16xf32> to vector<16xf32>
    %swap3A_73 = vector.shape_cast %broadcast_in_dim3A_67 : vector<16xf32> to vector<1x16xf32>
    tpu.vector_store %arg10[%swap3A_69, %swap3A_70], %swap3A_73 {strides = array<i32>} : memref<125x16xf32, #tpu.memory_space<vmem>>, vector<1x16xf32>,
    %broadcast_in_dim3A_74 = arith.constant 1.000000e+00 : f32
    %broadcast_in_dim3A_75 = vector.broadcast %broadcast_in_dim3A_74 : f32 to vector<16xf32>
    %swap3A_76 = arith.constant 7 : i32
    %swap3A_77 = arith.index_cast %swap3A_76 : i32 to index
    %swap3A_78 = arith.constant 0 : index
    %swap3A_79 = tpu.vector_load %arg10[%swap3A_77, %swap3A_78] {strides = array<i32>} : memref<125x16xf32, #tpu.memory_space<vmem>>, vector<1x16xf32>,
    %swap3A_80 = vector.shape_cast %swap3A_79 : vector<1x16xf32> to vector<16xf32>
    %swap3A_81 = vector.shape_cast %broadcast_in_dim3A_75 : vector<16xf32> to vector<1x16xf32>
    tpu.vector_store %arg10[%swap3A_77, %swap3A_78], %swap3A_81 {strides = array<i32>} : memref<125x16xf32, #tpu.memory_space<vmem>>, vector<1x16xf32>,
    %broadcast_in_dim3A_82 = arith.constant 1.000000e+00 : f32
    %broadcast_in_dim3A_83 = vector.broadcast %broadcast_in_dim3A_82 : f32 to vector<16xf32>
    %swap3A_84 = arith.constant 8 : i32
    %swap3A_85 = arith.index_cast %swap3A_84 : i32 to index
    %swap3A_86 = arith.constant 0 : index
    %swap3A_87 = tpu.vector_load %arg10[%swap3A_85, %swap3A_86] {strides = array<i32>} : memref<125x16xf32, #tpu.memory_space<vmem>>, vector<1x16xf32>,
    %swap3A_88 = vector.shape_cast %swap3A_87 : vector<1x16xf32> to vector<16xf32>
    %swap3A_89 = vector.shape_cast %broadcast_in_dim3A_83 : vector<16xf32> to vector<1x16xf32>
    tpu.vector_store %arg10[%swap3A_85, %swap3A_86], %swap3A_89 {strides = array<i32>} : memref<125x16xf32, #tpu.memory_space<vmem>>, vector<1x16xf32>,
    %broadcast_in_dim3A_90 = arith.constant 1.000000e+00 : f32
    %broadcast_in_dim3A_91 = vector.broadcast %broadcast_in_dim3A_90 : f32 to vector<16xf32>
    %swap3A_92 = arith.constant 9 : i32
    %swap3A_93 = arith.index_cast %swap3A_92 : i32 to index
    %swap3A_94 = arith.constant 0 : index
    %swap3A_95 = tpu.vector_load %arg10[%swap3A_93, %swap3A_94] {strides = array<i32>} : memref<125x16xf32, #tpu.memory_space<vmem>>, vector<1x16xf32>,
    %swap3A_96 = vector.shape_cast %swap3A_95 : vector<1x16xf32> to vector<16xf32>
    %swap3A_97 = vector.shape_cast %broadcast_in_dim3A_91 : vector<16xf32> to vector<1x16xf32>
    tpu.vector_store %arg10[%swap3A_93, %swap3A_94], %swap3A_97 {strides = array<i32>} : memref<125x16xf32, #tpu.memory_space<vmem>>, vector<1x16xf32>,
    %broadcast_in_dim3A_98 = arith.constant 1.000000e+00 : f32
    %broadcast_in_dim3A_99 = vector.broadcast %broadcast_in_dim3A_98 : f32 to vector<16xf32>
    %swap3A_100 = arith.constant 10 : i32
    %swap3A_101 = arith.index_cast %swap3A_100 : i32 to index
    %swap3A_102 = arith.constant 0 : index
    %swap3A_103 = tpu.vector_load %arg10[%swap3A_101, %swap3A_102] {strides = array<i32>} : memref<125x16xf32, #tpu.memory_space<vmem>>, vector<1x16xf32>,
    %swap3A_104 = vector.shape_cast %swap3A_103 : vector<1x16xf32> to vector<16xf32>
    %swap3A_105 = vector.shape_cast %broadcast_in_dim3A_99 : vector<16xf32> to vector<1x16xf32>
    tpu.vector_store %arg10[%swap3A_101, %swap3A_102], %swap3A_105 {strides = array<i32>} : memref<125x16xf32, #tpu.memory_space<vmem>>, vector<1x16xf32>,
    %broadcast_in_dim3A_106 = arith.constant 1.000000e+00 : f32
    %broadcast_in_dim3A_107 = vector.broadcast %broadcast_in_dim3A_106 : f32 to vector<16xf32>
    %swap3A_108 = arith.constant 11 : i32
    %swap3A_109 = arith.index_cast %swap3A_108 : i32 to index
    %swap3A_110 = arith.constant 0 : index
    %swap3A_111 = tpu.vector_load %arg10[%swap3A_109, %swap3A_110] {strides = array<i32>} : memref<125x16xf32, #tpu.memory_space<vmem>>, vector<1x16xf32>,
    %swap3A_112 = vector.shape_cast %swap3A_111 : vector<1x16xf32> to vector<16xf32>
    %swap3A_113 = vector.shape_cast %broadcast_in_dim3A_107 : vector<16xf32> to vector<1x16xf32>
    tpu.vector_store %arg10[%swap3A_109, %swap3A_110], %swap3A_113 {strides = array<i32>} : memref<125x16xf32, #tpu.memory_space<vmem>>, vector<1x16xf32>,
    %broadcast_in_dim3A_114 = arith.constant 1.000000e+00 : f32
    %broadcast_in_dim3A_115 = vector.broadcast %broadcast_in_dim3A_114 : f32 to vector<16xf32>
    %swap3A_116 = arith.constant 12 : i32
    %swap3A_117 = arith.index_cast %swap3A_116 : i32 to index
    %swap3A_118 = arith.constant 0 : index
    %swap3A_119 = tpu.vector_load %arg10[%swap3A_117, %swap3A_118] {strides = array<i32>} : memref<125x16xf32, #tpu.memory_space<vmem>>, vector<1x16xf32>,
    %swap3A_120 = vector.shape_cast %swap3A_119 : vector<1x16xf32> to vector<16xf32>
    %swap3A_121 = vector.shape_cast %broadcast_in_dim3A_115 : vector<16xf32> to vector<1x16xf32>
    tpu.vector_store %arg10[%swap3A_117, %swap3A_118], %swap3A_121 {strides = array<i32>} : memref<125x16xf32, #tpu.memory_space<vmem>>, vector<1x16xf32>,
    %broadcast_in_dim3A_122 = arith.constant 1.000000e+00 : f32
    %broadcast_in_dim3A_123 = vector.broadcast %broadcast_in_dim3A_122 : f32 to vector<16xf32>
    %swap3A_124 = arith.constant 13 : i32
    %swap3A_125 = arith.index_cast %swap3A_124 : i32 to index
    %swap3A_126 = arith.constant 0 : index
    %swap3A_127 = tpu.vector_load %arg10[%swap3A_125, %swap3A_126] {strides = array<i32>} : memref<125x16xf32, #tpu.memory_space<vmem>>, vector<1x16xf32>,
    %swap3A_128 = vector.shape_cast %swap3A_127 : vector<1x16xf32> to vector<16xf32>
    %swap3A_129 = vector.shape_cast %broadcast_in_dim3A_123 : vector<16xf32> to vector<1x16xf32>
    tpu.vector_store %arg10[%swap3A_125, %swap3A_126], %swap3A_129 {strides = array<i32>} : memref<125x16xf32, #tpu.memory_space<vmem>>, vector<1x16xf32>,
    %broadcast_in_dim3A_130 = arith.constant 1.000000e+00 : f32
    %broadcast_in_dim3A_131 = vector.broadcast %broadcast_in_dim3A_130 : f32 to vector<16xf32>
    %swap3A_132 = arith.constant 14 : i32
    %swap3A_133 = arith.index_cast %swap3A_132 : i32 to index
    %swap3A_134 = arith.constant 0 : index
    %swap3A_135 = tpu.vector_load %arg10[%swap3A_133, %swap3A_134] {strides = array<i32>} : memref<125x16xf32, #tpu.memory_space<vmem>>, vector<1x16xf32>,
    %swap3A_136 = vector.shape_cast %swap3A_135 : vector<1x16xf32> to vector<16xf32>
    %swap3A_137 = vector.shape_cast %broadcast_in_dim3A_131 : vector<16xf32> to vector<1x16xf32>
    tpu.vector_store %arg10[%swap3A_133, %swap3A_134], %swap3A_137 {strides = array<i32>} : memref<125x16xf32, #tpu.memory_space<vmem>>, vector<1x16xf32>,
    %broadcast_in_dim3A_138 = arith.constant 1.000000e+00 : f32
    %broadcast_in_dim3A_139 = vector.broadcast %broadcast_in_dim3A_138 : f32 to vector<16xf32>
    %swap3A_140 = arith.constant 15 : i32
    %swap3A_141 = arith.index_cast %swap3A_140 : i32 to index
    %swap3A_142 = arith.constant 0 : index
    %swap3A_143 = tpu.vector_load %arg10[%swap3A_141, %swap3A_142] {strides = array<i32>} : memref<125x16xf32, #tpu.memory_space<vmem>>, vector<1x16xf32>,
    %swap3A_144 = vector.shape_cast %swap3A_143 : vector<1x16xf32> to vector<16xf32>
    %swap3A_145 = vector.shape_cast %broadcast_in_dim3A_139 : vector<16xf32> to vector<1x16xf32>
    tpu.vector_store %arg10[%swap3A_141, %swap3A_142], %swap3A_145 {strides = array<i32>} : memref<125x16xf32, #tpu.memory_space<vmem>>, vector<1x16xf32>,
    %broadcast_in_dim3A_146 = arith.constant 1.000000e+00 : f32
    %broadcast_in_dim3A_147 = vector.broadcast %broadcast_in_dim3A_146 : f32 to vector<16xf32>
    %swap3A_148 = arith.constant 16 : i32
    %swap3A_149 = arith.index_cast %swap3A_148 : i32 to index
    %swap3A_150 = arith.constant 0 : index
    %swap3A_151 = tpu.vector_load %arg10[%swap3A_149, %swap3A_150] {strides = array<i32>} : memref<125x16xf32, #tpu.memory_space<vmem>>, vector<1x16xf32>,
    %swap3A_152 = vector.shape_cast %swap3A_151 : vector<1x16xf32> to vector<16xf32>
    %swap3A_153 = vector.shape_cast %broadcast_in_dim3A_147 : vector<16xf32> to vector<1x16xf32>
    tpu.vector_store %arg10[%swap3A_149, %swap3A_150], %swap3A_153 {strides = array<i32>} : memref<125x16xf32, #tpu.memory_space<vmem>>, vector<1x16xf32>,
    %broadcast_in_dim3A_154 = arith.constant 1.000000e+00 : f32
    %broadcast_in_dim3A_155 = vector.broadcast %broadcast_in_dim3A_154 : f32 to vector<16xf32>
    %swap3A_156 = arith.constant 17 : i32
    %swap3A_157 = arith.index_cast %swap3A_156 : i32 to index
    %swap3A_158 = arith.constant 0 : index
    %swap3A_159 = tpu.vector_load %arg10[%swap3A_157, %swap3A_158] {strides = array<i32>} : memref<125x16xf32, #tpu.memory_space<vmem>>, vector<1x16xf32>,
    %swap3A_160 = vector.shape_cast %swap3A_159 : vector<1x16xf32> to vector<16xf32>
    %swap3A_161 = vector.shape_cast %broadcast_in_dim3A_155 : vector<16xf32> to vector<1x16xf32>
    tpu.vector_store %arg10[%swap3A_157, %swap3A_158], %swap3A_161 {strides = array<i32>} : memref<125x16xf32, #tpu.memory_space<vmem>>, vector<1x16xf32>,
    %broadcast_in_dim3A_162 = arith.constant 1.000000e+00 : f32
    %broadcast_in_dim3A_163 = vector.broadcast %broadcast_in_dim3A_162 : f32 to vector<16xf32>
    %swap3A_164 = arith.constant 18 : i32
    %swap3A_165 = arith.index_cast %swap3A_164 : i32 to index
    %swap3A_166 = arith.constant 0 : index
    %swap3A_167 = tpu.vector_load %arg10[%swap3A_165, %swap3A_166] {strides = array<i32>} : memref<125x16xf32, #tpu.memory_space<vmem>>, vector<1x16xf32>,
    %swap3A_168 = vector.shape_cast %swap3A_167 : vector<1x16xf32> to vector<16xf32>
    %swap3A_169 = vector.shape_cast %broadcast_in_dim3A_163 : vector<16xf32> to vector<1x16xf32>
    tpu.vector_store %arg10[%swap3A_165, %swap3A_166], %swap3A_169 {strides = array<i32>} : memref<125x16xf32, #tpu.memory_space<vmem>>, vector<1x16xf32>,
    %broadcast_in_dim3A_170 = arith.constant 1.000000e+00 : f32
    %broadcast_in_dim3A_171 = vector.broadcast %broadcast_in_dim3A_170 : f32 to vector<16xf32>
    %swap3A_172 = arith.constant 19 : i32
    %swap3A_173 = arith.index_cast %swap3A_172 : i32 to index
    %swap3A_174 = arith.constant 0 : index
    %swap3A_175 = tpu.vector_load %arg10[%swap3A_173, %swap3A_174] {strides = array<i32>} : memref<125x16xf32, #tpu.memory_space<vmem>>, vector<1x16xf32>,
    %swap3A_176 = vector.shape_cast %swap3A_175 : vector<1x16xf32> to vector<16xf32>
    %swap3A_177 = vector.shape_cast %broadcast_in_dim3A_171 : vector<16xf32> to vector<1x16xf32>
    tpu.vector_store %arg10[%swap3A_173, %swap3A_174], %swap3A_177 {strides = array<i32>} : memref<125x16xf32, #tpu.memory_space<vmem>>, vector<1x16xf32>,
    %broadcast_in_dim3A_178 = arith.constant 1.000000e+00 : f32
    %broadcast_in_dim3A_179 = vector.broadcast %broadcast_in_dim3A_178 : f32 to vector<16xf32>
    %swap3A_180 = arith.constant 20 : i32
    %swap3A_181 = arith.index_cast %swap3A_180 : i32 to index
    %swap3A_182 = arith.constant 0 : index
    %swap3A_183 = tpu.vector_load %arg10[%swap3A_181, %swap3A_182] {strides = array<i32>} : memref<125x16xf32, #tpu.memory_space<vmem>>, vector<1x16xf32>,
    %swap3A_184 = vector.shape_cast %swap3A_183 : vector<1x16xf32> to vector<16xf32>
    %swap3A_185 = vector.shape_cast %broadcast_in_dim3A_179 : vector<16xf32> to vector<1x16xf32>
    tpu.vector_store %arg10[%swap3A_181, %swap3A_182], %swap3A_185 {strides = array<i32>} : memref<125x16xf32, #tpu.memory_space<vmem>>, vector<1x16xf32>,
    %broadcast_in_dim3A_186 = arith.constant 1.000000e+00 : f32
    %broadcast_in_dim3A_187 = vector.broadcast %broadcast_in_dim3A_186 : f32 to vector<16xf32>
    %swap3A_188 = arith.constant 21 : i32
    %swap3A_189 = arith.index_cast %swap3A_188 : i32 to index
    %swap3A_190 = arith.constant 0 : index
    %swap3A_191 = tpu.vector_load %arg10[%swap3A_189, %swap3A_190] {strides = array<i32>} : memref<125x16xf32, #tpu.memory_space<vmem>>, vector<1x16xf32>,
    %swap3A_192 = vector.shape_cast %swap3A_191 : vector<1x16xf32> to vector<16xf32>
    %swap3A_193 = vector.shape_cast %broadcast_in_dim3A_187 : vector<16xf32> to vector<1x16xf32>
    tpu.vector_store %arg10[%swap3A_189, %swap3A_190], %swap3A_193 {strides = array<i32>} : memref<125x16xf32, #tpu.memory_space<vmem>>, vector<1x16xf32>,
    %broadcast_in_dim3A_194 = arith.constant 1.000000e+00 : f32
    %broadcast_in_dim3A_195 = vector.broadcast %broadcast_in_dim3A_194 : f32 to vector<16xf32>
    %swap3A_196 = arith.constant 22 : i32
    %swap3A_197 = arith.index_cast %swap3A_196 : i32 to index
    %swap3A_198 = arith.constant 0 : index
    %swap3A_199 = tpu.vector_load %arg10[%swap3A_197, %swap3A_198] {strides = array<i32>} : memref<125x16xf32, #tpu.memory_space<vmem>>, vector<1x16xf32>,
    %swap3A_200 = vector.shape_cast %swap3A_199 : vector<1x16xf32> to vector<16xf32>
    %swap3A_201 = vector.shape_cast %broadcast_in_dim3A_195 : vector<16xf32> to vector<1x16xf32>
    tpu.vector_store %arg10[%swap3A_197, %swap3A_198], %swap3A_201 {strides = array<i32>} : memref<125x16xf32, #tpu.memory_space<vmem>>, vector<1x16xf32>,
    %broadcast_in_dim3A_202 = arith.constant 1.000000e+00 : f32
    %broadcast_in_dim3A_203 = vector.broadcast %broadcast_in_dim3A_202 : f32 to vector<16xf32>
    %swap3A_204 = arith.constant 23 : i32
    %swap3A_205 = arith.index_cast %swap3A_204 : i32 to index
    %swap3A_206 = arith.constant 0 : index
    %swap3A_207 = tpu.vector_load %arg10[%swap3A_205, %swap3A_206] {strides = array<i32>} : memref<125x16xf32, #tpu.memory_space<vmem>>, vector<1x16xf32>,
    %swap3A_208 = vector.shape_cast %swap3A_207 : vector<1x16xf32> to vector<16xf32>
    %swap3A_209 = vector.shape_cast %broadcast_in_dim3A_203 : vector<16xf32> to vector<1x16xf32>
    tpu.vector_store %arg10[%swap3A_205, %swap3A_206], %swap3A_209 {strides = array<i32>} : memref<125x16xf32, #tpu.memory_space<vmem>>, vector<1x16xf32>,
    %broadcast_in_dim3A_210 = arith.constant 1.000000e+00 : f32
    %broadcast_in_dim3A_211 = vector.broadcast %broadcast_in_dim3A_210 : f32 to vector<16xf32>
    %swap3A_212 = arith.constant 24 : i32
    %swap3A_213 = arith.index_cast %swap3A_212 : i32 to index
    %swap3A_214 = arith.constant 0 : index
    %swap3A_215 = tpu.vector_load %arg10[%swap3A_213, %swap3A_214] {strides = array<i32>} : memref<125x16xf32, #tpu.memory_space<vmem>>, vector<1x16xf32>,
    %swap3A_216 = vector.shape_cast %swap3A_215 : vector<1x16xf32> to vector<16xf32>
    %swap3A_217 = vector.shape_cast %broadcast_in_dim3A_211 : vector<16xf32> to vector<1x16xf32>
    tpu.vector_store %arg10[%swap3A_213, %swap3A_214], %swap3A_217 {strides = array<i32>} : memref<125x16xf32, #tpu.memory_space<vmem>>, vector<1x16xf32>,
    %broadcast_in_dim3A_218 = arith.constant 1.000000e+00 : f32
    %broadcast_in_dim3A_219 = vector.broadcast %broadcast_in_dim3A_218 : f32 to vector<16xf32>
    %swap3A_220 = arith.constant 25 : i32
    %swap3A_221 = arith.index_cast %swap3A_220 : i32 to index
    %swap3A_222 = arith.constant 0 : index
    %swap3A_223 = tpu.vector_load %arg10[%swap3A_221, %swap3A_222] {strides = array<i32>} : memref<125x16xf32, #tpu.memory_space<vmem>>, vector<1x16xf32>,
    %swap3A_224 = vector.shape_cast %swap3A_223 : vector<1x16xf32> to vector<16xf32>
    %swap3A_225 = vector.shape_cast %broadcast_in_dim3A_219 : vector<16xf32> to vector<1x16xf32>
    tpu.vector_store %arg10[%swap3A_221, %swap3A_222], %swap3A_225 {strides = array<i32>} : memref<125x16xf32, #tpu.memory_space<vmem>>, vector<1x16xf32>,
    %broadcast_in_dim3A_226 = arith.constant 1.000000e+00 : f32
    %broadcast_in_dim3A_227 = vector.broadcast %broadcast_in_dim3A_226 : f32 to vector<16xf32>
    %swap3A_228 = arith.constant 26 : i32
    %swap3A_229 = arith.index_cast %swap3A_228 : i32 to index
    %swap3A_230 = arith.constant 0 : index
    %swap3A_231 = tpu.vector_load %arg10[%swap3A_229, %swap3A_230] {strides = array<i32>} : memref<125x16xf32, #tpu.memory_space<vmem>>, vector<1x16xf32>,
    %swap3A_232 = vector.shape_cast %swap3A_231 : vector<1x16xf32> to vector<16xf32>
    %swap3A_233 = vector.shape_cast %broadcast_in_dim3A_227 : vector<16xf32> to vector<1x16xf32>
    tpu.vector_store %arg10[%swap3A_229, %swap3A_230], %swap3A_233 {strides = array<i32>} : memref<125x16xf32, #tpu.memory_space<vmem>>, vector<1x16xf32>,
    %broadcast_in_dim3A_234 = arith.constant 1.000000e+00 : f32
    %broadcast_in_dim3A_235 = vector.broadcast %broadcast_in_dim3A_234 : f32 to vector<16xf32>
    %swap3A_236 = arith.constant 27 : i32
    %swap3A_237 = arith.index_cast %swap3A_236 : i32 to index
    %swap3A_238 = arith.constant 0 : index
    %swap3A_239 = tpu.vector_load %arg10[%swap3A_237, %swap3A_238] {strides = array<i32>} : memref<125x16xf32, #tpu.memory_space<vmem>>, vector<1x16xf32>,
    %swap3A_240 = vector.shape_cast %swap3A_239 : vector<1x16xf32> to vector<16xf32>
    %swap3A_241 = vector.shape_cast %broadcast_in_dim3A_235 : vector<16xf32> to vector<1x16xf32>
    tpu.vector_store %arg10[%swap3A_237, %swap3A_238], %swap3A_241 {strides = array<i32>} : memref<125x16xf32, #tpu.memory_space<vmem>>, vector<1x16xf32>,
    %broadcast_in_dim3A_242 = arith.constant 1.000000e+00 : f32
    %broadcast_in_dim3A_243 = vector.broadcast %broadcast_in_dim3A_242 : f32 to vector<16xf32>
    %swap3A_244 = arith.constant 28 : i32
    %swap3A_245 = arith.index_cast %swap3A_244 : i32 to index
    %swap3A_246 = arith.constant 0 : index
    %swap3A_247 = tpu.vector_load %arg10[%swap3A_245, %swap3A_246] {strides = array<i32>} : memref<125x16xf32, #tpu.memory_space<vmem>>, vector<1x16xf32>,
    %swap3A_248 = vector.shape_cast %swap3A_247 : vector<1x16xf32> to vector<16xf32>
    %swap3A_249 = vector.shape_cast %broadcast_in_dim3A_243 : vector<16xf32> to vector<1x16xf32>
    tpu.vector_store %arg10[%swap3A_245, %swap3A_246], %swap3A_249 {strides = array<i32>} : memref<125x16xf32, #tpu.memory_space<vmem>>, vector<1x16xf32>,
    %broadcast_in_dim3A_250 = arith.constant 1.000000e+00 : f32
    %broadcast_in_dim3A_251 = vector.broadcast %broadcast_in_dim3A_250 : f32 to vector<16xf32>
    %swap3A_252 = arith.constant 29 : i32
    %swap3A_253 = arith.index_cast %swap3A_252 : i32 to index
    %swap3A_254 = arith.constant 0 : index
    %swap3A_255 = tpu.vector_load %arg10[%swap3A_253, %swap3A_254] {strides = array<i32>} : memref<125x16xf32, #tpu.memory_space<vmem>>, vector<1x16xf32>,
    %swap3A_256 = vector.shape_cast %swap3A_255 : vector<1x16xf32> to vector<16xf32>
    %swap3A_257 = vector.shape_cast %broadcast_in_dim3A_251 : vector<16xf32> to vector<1x16xf32>
    tpu.vector_store %arg10[%swap3A_253, %swap3A_254], %swap3A_257 {strides = array<i32>} : memref<125x16xf32, #tpu.memory_space<vmem>>, vector<1x16xf32>,
    %broadcast_in_dim3A_258 = arith.constant 1.000000e+00 : f32
    %broadcast_in_dim3A_259 = vector.broadcast %broadcast_in_dim3A_258 : f32 to vector<16xf32>
    %swap3A_260 = arith.constant 30 : i32
    %swap3A_261 = arith.index_cast %swap3A_260 : i32 to index
    %swap3A_262 = arith.constant 0 : index
    %swap3A_263 = tpu.vector_load %arg10[%swap3A_261, %swap3A_262] {strides = array<i32>} : memref<125x16xf32, #tpu.memory_space<vmem>>, vector<1x16xf32>,
    %swap3A_264 = vector.shape_cast %swap3A_263 : vector<1x16xf32> to vector<16xf32>
    %swap3A_265 = vector.shape_cast %broadcast_in_dim3A_259 : vector<16xf32> to vector<1x16xf32>
    tpu.vector_store %arg10[%swap3A_261, %swap3A_262], %swap3A_265 {strides = array<i32>} : memref<125x16xf32, #tpu.memory_space<vmem>>, vector<1x16xf32>,
    %broadcast_in_dim3A_266 = arith.constant 1.000000e+00 : f32
    %broadcast_in_dim3A_267 = vector.broadcast %broadcast_in_dim3A_266 : f32 to vector<16xf32>
    %swap3A_268 = arith.constant 31 : i32
    %swap3A_269 = arith.index_cast %swap3A_268 : i32 to index
    %swap3A_270 = arith.constant 0 : index
    %swap3A_271 = tpu.vector_load %arg10[%swap3A_269, %swap3A_270] {strides = array<i32>} : memref<125x16xf32, #tpu.memory_space<vmem>>, vector<1x16xf32>,
    %swap3A_272 = vector.shape_cast %swap3A_271 : vector<1x16xf32> to vector<16xf32>
    %swap3A_273 = vector.shape_cast %broadcast_in_dim3A_267 : vector<16xf32> to vector<1x16xf32>
    tpu.vector_store %arg10[%swap3A_269, %swap3A_270], %swap3A_273 {strides = array<i32>} : memref<125x16xf32, #tpu.memory_space<vmem>>, vector<1x16xf32>,
    %broadcast_in_dim3A_274 = arith.constant 1.000000e+00 : f32
    %broadcast_in_dim3A_275 = vector.broadcast %broadcast_in_dim3A_274 : f32 to vector<16xf32>
    %swap3A_276 = arith.constant 32 : i32
    %swap3A_277 = arith.index_cast %swap3A_276 : i32 to index
    %swap3A_278 = arith.constant 0 : index
    %swap3A_279 = tpu.vector_load %arg10[%swap3A_277, %swap3A_278] {strides = array<i32>} : memref<125x16xf32, #tpu.memory_space<vmem>>, vector<1x16xf32>,
    %swap3A_280 = vector.shape_cast %swap3A_279 : vector<1x16xf32> to vector<16xf32>
    %swap3A_281 = vector.shape_cast %broadcast_in_dim3A_275 : vector<16xf32> to vector<1x16xf32>
    tpu.vector_store %arg10[%swap3A_277, %swap3A_278], %swap3A_281 {strides = array<i32>} : memref<125x16xf32, #tpu.memory_space<vmem>>, vector<1x16xf32>,
    %broadcast_in_dim3A_282 = arith.constant 1.000000e+00 : f32
    %broadcast_in_dim3A_283 = vector.broadcast %broadcast_in_dim3A_282 : f32 to vector<16xf32>
    %swap3A_284 = arith.constant 33 : i32
    %swap3A_285 = arith.index_cast %swap3A_284 : i32 to index
    %swap3A_286 = arith.constant 0 : index
    %swap3A_287 = tpu.vector_load %arg10[%swap3A_285, %swap3A_286] {strides = array<i32>} : memref<125x16xf32, #tpu.memory_space<vmem>>, vector<1x16xf32>,
    %swap3A_288 = vector.shape_cast %swap3A_287 : vector<1x16xf32> to vector<16xf32>
    %swap3A_289 = vector.shape_cast %broadcast_in_dim3A_283 : vector<16xf32> to vector<1x16xf32>
    tpu.vector_store %arg10[%swap3A_285, %swap3A_286], %swap3A_289 {strides = array<i32>} : memref<125x16xf32, #tpu.memory_space<vmem>>, vector<1x16xf32>,
    %broadcast_in_dim3A_290 = arith.constant 1.000000e+00 : f32
    %broadcast_in_dim3A_291 = vector.broadcast %broadcast_in_dim3A_290 : f32 to vector<16xf32>
    %swap3A_292 = arith.constant 34 : i32
    %swap3A_293 = arith.index_cast %swap3A_292 : i32 to index
    %swap3A_294 = arith.constant 0 : index
    %swap3A_295 = tpu.vector_load %arg10[%swap3A_293, %swap3A_294] {strides = array<i32>} : memref<125x16xf32, #tpu.memory_space<vmem>>, vector<1x16xf32>,
    %swap3A_296 = vector.shape_cast %swap3A_295 : vector<1x16xf32> to vector<16xf32>
    %swap3A_297 = vector.shape_cast %broadcast_in_dim3A_291 : vector<16xf32> to vector<1x16xf32>
    tpu.vector_store %arg10[%swap3A_293, %swap3A_294], %swap3A_297 {strides = array<i32>} : memref<125x16xf32, #tpu.memory_space<vmem>>, vector<1x16xf32>,
    %broadcast_in_dim3A_298 = arith.constant 1.000000e+00 : f32
    %broadcast_in_dim3A_299 = vector.broadcast %broadcast_in_dim3A_298 : f32 to vector<16xf32>
    %swap3A_300 = arith.constant 35 : i32
    %swap3A_301 = arith.index_cast %swap3A_300 : i32 to index
    %swap3A_302 = arith.constant 0 : index
    %swap3A_303 = tpu.vector_load %arg10[%swap3A_301, %swap3A_302] {strides = array<i32>} : memref<125x16xf32, #tpu.memory_space<vmem>>, vector<1x16xf32>,
    %swap3A_304 = vector.shape_cast %swap3A_303 : vector<1x16xf32> to vector<16xf32>
    %swap3A_305 = vector.shape_cast %broadcast_in_dim3A_299 : vector<16xf32> to vector<1x16xf32>
    tpu.vector_store %arg10[%swap3A_301, %swap3A_302], %swap3A_305 {strides = array<i32>} : memref<125x16xf32, #tpu.memory_space<vmem>>, vector<1x16xf32>,
    %broadcast_in_dim3A_306 = arith.constant 1.000000e+00 : f32
    %broadcast_in_dim3A_307 = vector.broadcast %broadcast_in_dim3A_306 : f32 to vector<16xf32>
    %swap3A_308 = arith.constant 36 : i32
    %swap3A_309 = arith.index_cast %swap3A_308 : i32 to index
    %swap3A_310 = arith.constant 0 : index
    %swap3A_311 = tpu.vector_load %arg10[%swap3A_309, %swap3A_310] {strides = array<i32>} : memref<125x16xf32, #tpu.memory_space<vmem>>, vector<1x16xf32>,
    %swap3A_312 = vector.shape_cast %swap3A_311 : vector<1x16xf32> to vector<16xf32>
    %swap3A_313 = vector.shape_cast %broadcast_in_dim3A_307 : vector<16xf32> to vector<1x16xf32>
    tpu.vector_store %arg10[%swap3A_309, %swap3A_310], %swap3A_313 {strides = array<i32>} : memref<125x16xf32, #tpu.memory_space<vmem>>, vector<1x16xf32>,
    %broadcast_in_dim3A_314 = arith.constant 1.000000e+00 : f32
    %broadcast_in_dim3A_315 = vector.broadcast %broadcast_in_dim3A_314 : f32 to vector<16xf32>
    %swap3A_316 = arith.constant 37 : i32
    %swap3A_317 = arith.index_cast %swap3A_316 : i32 to index
    %swap3A_318 = arith.constant 0 : index
    %swap3A_319 = tpu.vector_load %arg10[%swap3A_317, %swap3A_318] {strides = array<i32>} : memref<125x16xf32, #tpu.memory_space<vmem>>, vector<1x16xf32>,
    %swap3A_320 = vector.shape_cast %swap3A_319 : vector<1x16xf32> to vector<16xf32>
    %swap3A_321 = vector.shape_cast %broadcast_in_dim3A_315 : vector<16xf32> to vector<1x16xf32>
    tpu.vector_store %arg10[%swap3A_317, %swap3A_318], %swap3A_321 {strides = array<i32>} : memref<125x16xf32, #tpu.memory_space<vmem>>, vector<1x16xf32>,
    %broadcast_in_dim3A_322 = arith.constant 1.000000e+00 : f32
    %broadcast_in_dim3A_323 = vector.broadcast %broadcast_in_dim3A_322 : f32 to vector<16xf32>
    %swap3A_324 = arith.constant 38 : i32
    %swap3A_325 = arith.index_cast %swap3A_324 : i32 to index
    %swap3A_326 = arith.constant 0 : index
    %swap3A_327 = tpu.vector_load %arg10[%swap3A_325, %swap3A_326] {strides = array<i32>} : memref<125x16xf32, #tpu.memory_space<vmem>>, vector<1x16xf32>,
    %swap3A_328 = vector.shape_cast %swap3A_327 : vector<1x16xf32> to vector<16xf32>
    %swap3A_329 = vector.shape_cast %broadcast_in_dim3A_323 : vector<16xf32> to vector<1x16xf32>
    tpu.vector_store %arg10[%swap3A_325, %swap3A_326], %swap3A_329 {strides = array<i32>} : memref<125x16xf32, #tpu.memory_space<vmem>>, vector<1x16xf32>,
    %broadcast_in_dim3A_330 = arith.constant 1.000000e+00 : f32
    %broadcast_in_dim3A_331 = vector.broadcast %broadcast_in_dim3A_330 : f32 to vector<16xf32>
    %swap3A_332 = arith.constant 39 : i32
    %swap3A_333 = arith.index_cast %swap3A_332 : i32 to index
    %swap3A_334 = arith.constant 0 : index
    %swap3A_335 = tpu.vector_load %arg10[%swap3A_333, %swap3A_334] {strides = array<i32>} : memref<125x16xf32, #tpu.memory_space<vmem>>, vector<1x16xf32>,
    %swap3A_336 = vector.shape_cast %swap3A_335 : vector<1x16xf32> to vector<16xf32>
    %swap3A_337 = vector.shape_cast %broadcast_in_dim3A_331 : vector<16xf32> to vector<1x16xf32>
    tpu.vector_store %arg10[%swap3A_333, %swap3A_334], %swap3A_337 {strides = array<i32>} : memref<125x16xf32, #tpu.memory_space<vmem>>, vector<1x16xf32>,
    %broadcast_in_dim3A_338 = arith.constant 1.000000e+00 : f32
    %broadcast_in_dim3A_339 = vector.broadcast %broadcast_in_dim3A_338 : f32 to vector<16xf32>
    %swap3A_340 = arith.constant 40 : i32
    %swap3A_341 = arith.index_cast %swap3A_340 : i32 to index
    %swap3A_342 = arith.constant 0 : index
    %swap3A_343 = tpu.vector_load %arg10[%swap3A_341, %swap3A_342] {strides = array<i32>} : memref<125x16xf32, #tpu.memory_space<vmem>>, vector<1x16xf32>,
    %swap3A_344 = vector.shape_cast %swap3A_343 : vector<1x16xf32> to vector<16xf32>
    %swap3A_345 = vector.shape_cast %broadcast_in_dim3A_339 : vector<16xf32> to vector<1x16xf32>
    tpu.vector_store %arg10[%swap3A_341, %swap3A_342], %swap3A_345 {strides = array<i32>} : memref<125x16xf32, #tpu.memory_space<vmem>>, vector<1x16xf32>,
    %broadcast_in_dim3A_346 = arith.constant 1.000000e+00 : f32
    %broadcast_in_dim3A_347 = vector.broadcast %broadcast_in_dim3A_346 : f32 to vector<16xf32>
    %swap3A_348 = arith.constant 41 : i32
    %swap3A_349 = arith.index_cast %swap3A_348 : i32 to index
    %swap3A_350 = arith.constant 0 : index
    %swap3A_351 = tpu.vector_load %arg10[%swap3A_349, %swap3A_350] {strides = array<i32>} : memref<125x16xf32, #tpu.memory_space<vmem>>, vector<1x16xf32>,
    %swap3A_352 = vector.shape_cast %swap3A_351 : vector<1x16xf32> to vector<16xf32>
    %swap3A_353 = vector.shape_cast %broadcast_in_dim3A_347 : vector<16xf32> to vector<1x16xf32>
    tpu.vector_store %arg10[%swap3A_349, %swap3A_350], %swap3A_353 {strides = array<i32>} : memref<125x16xf32, #tpu.memory_space<vmem>>, vector<1x16xf32>,
    %broadcast_in_dim3A_354 = arith.constant 1.000000e+00 : f32
    %broadcast_in_dim3A_355 = vector.broadcast %broadcast_in_dim3A_354 : f32 to vector<16xf32>
    %swap3A_356 = arith.constant 42 : i32
    %swap3A_357 = arith.index_cast %swap3A_356 : i32 to index
    %swap3A_358 = arith.constant 0 : index
    %swap3A_359 = tpu.vector_load %arg10[%swap3A_357, %swap3A_358] {strides = array<i32>} : memref<125x16xf32, #tpu.memory_space<vmem>>, vector<1x16xf32>,
    %swap3A_360 = vector.shape_cast %swap3A_359 : vector<1x16xf32> to vector<16xf32>
    %swap3A_361 = vector.shape_cast %broadcast_in_dim3A_355 : vector<16xf32> to vector<1x16xf32>
    tpu.vector_store %arg10[%swap3A_357, %swap3A_358], %swap3A_361 {strides = array<i32>} : memref<125x16xf32, #tpu.memory_space<vmem>>, vector<1x16xf32>,
    %broadcast_in_dim3A_362 = arith.constant 1.000000e+00 : f32
    %broadcast_in_dim3A_363 = vector.broadcast %broadcast_in_dim3A_362 : f32 to vector<16xf32>
    %swap3A_364 = arith.constant 43 : i32
    %swap3A_365 = arith.index_cast %swap3A_364 : i32 to index
    %swap3A_366 = arith.constant 0 : index
    %swap3A_367 = tpu.vector_load %arg10[%swap3A_365, %swap3A_366] {strides = array<i32>} : memref<125x16xf32, #tpu.memory_space<vmem>>, vector<1x16xf32>,
    %swap3A_368 = vector.shape_cast %swap3A_367 : vector<1x16xf32> to vector<16xf32>
    %swap3A_369 = vector.shape_cast %broadcast_in_dim3A_363 : vector<16xf32> to vector<1x16xf32>
    tpu.vector_store %arg10[%swap3A_365, %swap3A_366], %swap3A_369 {strides = array<i32>} : memref<125x16xf32, #tpu.memory_space<vmem>>, vector<1x16xf32>,
    %broadcast_in_dim3A_370 = arith.constant 1.000000e+00 : f32
    %broadcast_in_dim3A_371 = vector.broadcast %broadcast_in_dim3A_370 : f32 to vector<16xf32>
    %swap3A_372 = arith.constant 44 : i32
    %swap3A_373 = arith.index_cast %swap3A_372 : i32 to index
    %swap3A_374 = arith.constant 0 : index
    %swap3A_375 = tpu.vector_load %arg10[%swap3A_373, %swap3A_374] {strides = array<i32>} : memref<125x16xf32, #tpu.memory_space<vmem>>, vector<1x16xf32>,
    %swap3A_376 = vector.shape_cast %swap3A_375 : vector<1x16xf32> to vector<16xf32>
    %swap3A_377 = vector.shape_cast %broadcast_in_dim3A_371 : vector<16xf32> to vector<1x16xf32>
    tpu.vector_store %arg10[%swap3A_373, %swap3A_374], %swap3A_377 {strides = array<i32>} : memref<125x16xf32, #tpu.memory_space<vmem>>, vector<1x16xf32>,
    %broadcast_in_dim3A_378 = arith.constant 1.000000e+00 : f32
    %broadcast_in_dim3A_379 = vector.broadcast %broadcast_in_dim3A_378 : f32 to vector<16xf32>
    %swap3A_380 = arith.constant 45 : i32
    %swap3A_381 = arith.index_cast %swap3A_380 : i32 to index
    %swap3A_382 = arith.constant 0 : index
    %swap3A_383 = tpu.vector_load %arg10[%swap3A_381, %swap3A_382] {strides = array<i32>} : memref<125x16xf32, #tpu.memory_space<vmem>>, vector<1x16xf32>,
    %swap3A_384 = vector.shape_cast %swap3A_383 : vector<1x16xf32> to vector<16xf32>
    %swap3A_385 = vector.shape_cast %broadcast_in_dim3A_379 : vector<16xf32> to vector<1x16xf32>
    tpu.vector_store %arg10[%swap3A_381, %swap3A_382], %swap3A_385 {strides = array<i32>} : memref<125x16xf32, #tpu.memory_space<vmem>>, vector<1x16xf32>,
    %broadcast_in_dim3A_386 = arith.constant 1.000000e+00 : f32
    %broadcast_in_dim3A_387 = vector.broadcast %broadcast_in_dim3A_386 : f32 to vector<16xf32>
    %swap3A_388 = arith.constant 46 : i32
    %swap3A_389 = arith.index_cast %swap3A_388 : i32 to index
    %swap3A_390 = arith.constant 0 : index
    %swap3A_391 = tpu.vector_load %arg10[%swap3A_389, %swap3A_390] {strides = array<i32>} : memref<125x16xf32, #tpu.memory_space<vmem>>, vector<1x16xf32>,
    %swap3A_392 = vector.shape_cast %swap3A_391 : vector<1x16xf32> to vector<16xf32>
    %swap3A_393 = vector.shape_cast %broadcast_in_dim3A_387 : vector<16xf32> to vector<1x16xf32>
    tpu.vector_store %arg10[%swap3A_389, %swap3A_390], %swap3A_393 {strides = array<i32>} : memref<125x16xf32, #tpu.memory_space<vmem>>, vector<1x16xf32>,
    %broadcast_in_dim3A_394 = arith.constant 1.000000e+00 : f32
    %broadcast_in_dim3A_395 = vector.broadcast %broadcast_in_dim3A_394 : f32 to vector<16xf32>
    %swap3A_396 = arith.constant 47 : i32
    %swap3A_397 = arith.index_cast %swap3A_396 : i32 to index
    %swap3A_398 = arith.constant 0 : index
    %swap3A_399 = tpu.vector_load %arg10[%swap3A_397, %swap3A_398] {strides = array<i32>} : memref<125x16xf32, #tpu.memory_space<vmem>>, vector<1x16xf32>,
    %swap3A_400 = vector.shape_cast %swap3A_399 : vector<1x16xf32> to vector<16xf32>
    %swap3A_401 = vector.shape_cast %broadcast_in_dim3A_395 : vector<16xf32> to vector<1x16xf32>
    tpu.vector_store %arg10[%swap3A_397, %swap3A_398], %swap3A_401 {strides = array<i32>} : memref<125x16xf32, #tpu.memory_space<vmem>>, vector<1x16xf32>,
    %broadcast_in_dim3A_402 = arith.constant 1.000000e+00 : f32
    %broadcast_in_dim3A_403 = vector.broadcast %broadcast_in_dim3A_402 : f32 to vector<16xf32>
    %swap3A_404 = arith.constant 48 : i32
    %swap3A_405 = arith.index_cast %swap3A_404 : i32 to index
    %swap3A_406 = arith.constant 0 : index
    %swap3A_407 = tpu.vector_load %arg10[%swap3A_405, %swap3A_406] {strides = array<i32>} : memref<125x16xf32, #tpu.memory_space<vmem>>, vector<1x16xf32>,
    %swap3A_408 = vector.shape_cast %swap3A_407 : vector<1x16xf32> to vector<16xf32>
    %swap3A_409 = vector.shape_cast %broadcast_in_dim3A_403 : vector<16xf32> to vector<1x16xf32>
    tpu.vector_store %arg10[%swap3A_405, %swap3A_406], %swap3A_409 {strides = array<i32>} : memref<125x16xf32, #tpu.memory_space<vmem>>, vector<1x16xf32>,
    %broadcast_in_dim3A_410 = arith.constant 1.000000e+00 : f32
    %broadcast_in_dim3A_411 = vector.broadcast %broadcast_in_dim3A_410 : f32 to vector<16xf32>
    %swap3A_412 = arith.constant 49 : i32
    %swap3A_413 = arith.index_cast %swap3A_412 : i32 to index
    %swap3A_414 = arith.constant 0 : index
    %swap3A_415 = tpu.vector_load %arg10[%swap3A_413, %swap3A_414] {strides = array<i32>} : memref<125x16xf32, #tpu.memory_space<vmem>>, vector<1x16xf32>,
    %swap3A_416 = vector.shape_cast %swap3A_415 : vector<1x16xf32> to vector<16xf32>
    %swap3A_417 = vector.shape_cast %broadcast_in_dim3A_411 : vector<16xf32> to vector<1x16xf32>
    tpu.vector_store %arg10[%swap3A_413, %swap3A_414], %swap3A_417 {strides = array<i32>} : memref<125x16xf32, #tpu.memory_space<vmem>>, vector<1x16xf32>,
    %broadcast_in_dim3A_418 = arith.constant 1.000000e+00 : f32
    %broadcast_in_dim3A_419 = vector.broadcast %broadcast_in_dim3A_418 : f32 to vector<16xf32>
    %swap3A_420 = arith.constant 50 : i32
    %swap3A_421 = arith.index_cast %swap3A_420 : i32 to index
    %swap3A_422 = arith.constant 0 : index
    %swap3A_423 = tpu.vector_load %arg10[%swap3A_421, %swap3A_422] {strides = array<i32>} : memref<125x16xf32, #tpu.memory_space<vmem>>, vector<1x16xf32>,
    %swap3A_424 = vector.shape_cast %swap3A_423 : vector<1x16xf32> to vector<16xf32>
    %swap3A_425 = vector.shape_cast %broadcast_in_dim3A_419 : vector<16xf32> to vector<1x16xf32>
    tpu.vector_store %arg10[%swap3A_421, %swap3A_422], %swap3A_425 {strides = array<i32>} : memref<125x16xf32, #tpu.memory_space<vmem>>, vector<1x16xf32>,
    %broadcast_in_dim3A_426 = arith.constant 1.000000e+00 : f32
    %broadcast_in_dim3A_427 = vector.broadcast %broadcast_in_dim3A_426 : f32 to vector<16xf32>
    %swap3A_428 = arith.constant 51 : i32
    %swap3A_429 = arith.index_cast %swap3A_428 : i32 to index
    %swap3A_430 = arith.constant 0 : index
    %swap3A_431 = tpu.vector_load %arg10[%swap3A_429, %swap3A_430] {strides = array<i32>} : memref<125x16xf32, #tpu.memory_space<vmem>>, vector<1x16xf32>,
    %swap3A_432 = vector.shape_cast %swap3A_431 : vector<1x16xf32> to vector<16xf32>
    %swap3A_433 = vector.shape_cast %broadcast_in_dim3A_427 : vector<16xf32> to vector<1x16xf32>
    tpu.vector_store %arg10[%swap3A_429, %swap3A_430], %swap3A_433 {strides = array<i32>} : memref<125x16xf32, #tpu.memory_space<vmem>>, vector<1x16xf32>,
    %broadcast_in_dim3A_434 = arith.constant 1.000000e+00 : f32
    %broadcast_in_dim3A_435 = vector.broadcast %broadcast_in_dim3A_434 : f32 to vector<16xf32>
    %swap3A_436 = arith.constant 52 : i32
    %swap3A_437 = arith.index_cast %swap3A_436 : i32 to index
    %swap3A_438 = arith.constant 0 : index
    %swap3A_439 = tpu.vector_load %arg10[%swap3A_437, %swap3A_438] {strides = array<i32>} : memref<125x16xf32, #tpu.memory_space<vmem>>, vector<1x16xf32>,
    %swap3A_440 = vector.shape_cast %swap3A_439 : vector<1x16xf32> to vector<16xf32>
    %swap3A_441 = vector.shape_cast %broadcast_in_dim3A_435 : vector<16xf32> to vector<1x16xf32>
    tpu.vector_store %arg10[%swap3A_437, %swap3A_438], %swap3A_441 {strides = array<i32>} : memref<125x16xf32, #tpu.memory_space<vmem>>, vector<1x16xf32>,
    %broadcast_in_dim3A_442 = arith.constant 1.000000e+00 : f32
    %broadcast_in_dim3A_443 = vector.broadcast %broadcast_in_dim3A_442 : f32 to vector<16xf32>
    %swap3A_444 = arith.constant 53 : i32
    %swap3A_445 = arith.index_cast %swap3A_444 : i32 to index
    %swap3A_446 = arith.constant 0 : index
    %swap3A_447 = tpu.vector_load %arg10[%swap3A_445, %swap3A_446] {strides = array<i32>} : memref<125x16xf32, #tpu.memory_space<vmem>>, vector<1x16xf32>,
    %swap3A_448 = vector.shape_cast %swap3A_447 : vector<1x16xf32> to vector<16xf32>
    %swap3A_449 = vector.shape_cast %broadcast_in_dim3A_443 : vector<16xf32> to vector<1x16xf32>
    tpu.vector_store %arg10[%swap3A_445, %swap3A_446], %swap3A_449 {strides = array<i32>} : memref<125x16xf32, #tpu.memory_space<vmem>>, vector<1x16xf32>,
    %broadcast_in_dim3A_450 = arith.constant 1.000000e+00 : f32
    %broadcast_in_dim3A_451 = vector.broadcast %broadcast_in_dim3A_450 : f32 to vector<16xf32>
    %swap3A_452 = arith.constant 54 : i32
    %swap3A_453 = arith.index_cast %swap3A_452 : i32 to index
    %swap3A_454 = arith.constant 0 : index
    %swap3A_455 = tpu.vector_load %arg10[%swap3A_453, %swap3A_454] {strides = array<i32>} : memref<125x16xf32, #tpu.memory_space<vmem>>, vector<1x16xf32>,
    %swap3A_456 = vector.shape_cast %swap3A_455 : vector<1x16xf32> to vector<16xf32>
    %swap3A_457 = vector.shape_cast %broadcast_in_dim3A_451 : vector<16xf32> to vector<1x16xf32>
    tpu.vector_store %arg10[%swap3A_453, %swap3A_454], %swap3A_457 {strides = array<i32>} : memref<125x16xf32, #tpu.memory_space<vmem>>, vector<1x16xf32>,
    %broadcast_in_dim3A_458 = arith.constant 1.000000e+00 : f32
    %broadcast_in_dim3A_459 = vector.broadcast %broadcast_in_dim3A_458 : f32 to vector<16xf32>
    %swap3A_460 = arith.constant 55 : i32
    %swap3A_461 = arith.index_cast %swap3A_460 : i32 to index
    %swap3A_462 = arith.constant 0 : index
    %swap3A_463 = tpu.vector_load %arg10[%swap3A_461, %swap3A_462] {strides = array<i32>} : memref<125x16xf32, #tpu.memory_space<vmem>>, vector<1x16xf32>,
    %swap3A_464 = vector.shape_cast %swap3A_463 : vector<1x16xf32> to vector<16xf32>
    %swap3A_465 = vector.shape_cast %broadcast_in_dim3A_459 : vector<16xf32> to vector<1x16xf32>
    tpu.vector_store %arg10[%swap3A_461, %swap3A_462], %swap3A_465 {strides = array<i32>} : memref<125x16xf32, #tpu.memory_space<vmem>>, vector<1x16xf32>,
    %broadcast_in_dim3A_466 = arith.constant 1.000000e+00 : f32
    %broadcast_in_dim3A_467 = vector.broadcast %broadcast_in_dim3A_466 : f32 to vector<16xf32>
    %swap3A_468 = arith.constant 56 : i32
    %swap3A_469 = arith.index_cast %swap3A_468 : i32 to index
    %swap3A_470 = arith.constant 0 : index
    %swap3A_471 = tpu.vector_load %arg10[%swap3A_469, %swap3A_470] {strides = array<i32>} : memref<125x16xf32, #tpu.memory_space<vmem>>, vector<1x16xf32>,
    %swap3A_472 = vector.shape_cast %swap3A_471 : vector<1x16xf32> to vector<16xf32>
    %swap3A_473 = vector.shape_cast %broadcast_in_dim3A_467 : vector<16xf32> to vector<1x16xf32>
    tpu.vector_store %arg10[%swap3A_469, %swap3A_470], %swap3A_473 {strides = array<i32>} : memref<125x16xf32, #tpu.memory_space<vmem>>, vector<1x16xf32>,
    %broadcast_in_dim3A_474 = arith.constant 1.000000e+00 : f32
    %broadcast_in_dim3A_475 = vector.broadcast %broadcast_in_dim3A_474 : f32 to vector<16xf32>
    %swap3A_476 = arith.constant 57 : i32
    %swap3A_477 = arith.index_cast %swap3A_476 : i32 to index
    %swap3A_478 = arith.constant 0 : index
    %swap3A_479 = tpu.vector_load %arg10[%swap3A_477, %swap3A_478] {strides = array<i32>} : memref<125x16xf32, #tpu.memory_space<vmem>>, vector<1x16xf32>,
    %swap3A_480 = vector.shape_cast %swap3A_479 : vector<1x16xf32> to vector<16xf32>
    %swap3A_481 = vector.shape_cast %broadcast_in_dim3A_475 : vector<16xf32> to vector<1x16xf32>
    tpu.vector_store %arg10[%swap3A_477, %swap3A_478], %swap3A_481 {strides = array<i32>} : memref<125x16xf32, #tpu.memory_space<vmem>>, vector<1x16xf32>,
    %broadcast_in_dim3A_482 = arith.constant 1.000000e+00 : f32
    %broadcast_in_dim3A_483 = vector.broadcast %broadcast_in_dim3A_482 : f32 to vector<16xf32>
    %swap3A_484 = arith.constant 58 : i32
    %swap3A_485 = arith.index_cast %swap3A_484 : i32 to index
    %swap3A_486 = arith.constant 0 : index
    %swap3A_487 = tpu.vector_load %arg10[%swap3A_485, %swap3A_486] {strides = array<i32>} : memref<125x16xf32, #tpu.memory_space<vmem>>, vector<1x16xf32>,
    %swap3A_488 = vector.shape_cast %swap3A_487 : vector<1x16xf32> to vector<16xf32>
    %swap3A_489 = vector.shape_cast %broadcast_in_dim3A_483 : vector<16xf32> to vector<1x16xf32>
    tpu.vector_store %arg10[%swap3A_485, %swap3A_486], %swap3A_489 {strides = array<i32>} : memref<125x16xf32, #tpu.memory_space<vmem>>, vector<1x16xf32>,
    %broadcast_in_dim3A_490 = arith.constant 1.000000e+00 : f32
    %broadcast_in_dim3A_491 = vector.broadcast %broadcast_in_dim3A_490 : f32 to vector<16xf32>
    %swap3A_492 = arith.constant 59 : i32
    %swap3A_493 = arith.index_cast %swap3A_492 : i32 to index
    %swap3A_494 = arith.constant 0 : index
    %swap3A_495 = tpu.vector_load %arg10[%swap3A_493, %swap3A_494] {strides = array<i32>} : memref<125x16xf32, #tpu.memory_space<vmem>>, vector<1x16xf32>,
    %swap3A_496 = vector.shape_cast %swap3A_495 : vector<1x16xf32> to vector<16xf32>
    %swap3A_497 = vector.shape_cast %broadcast_in_dim3A_491 : vector<16xf32> to vector<1x16xf32>
    tpu.vector_store %arg10[%swap3A_493, %swap3A_494], %swap3A_497 {strides = array<i32>} : memref<125x16xf32, #tpu.memory_space<vmem>>, vector<1x16xf32>,
    %broadcast_in_dim3A_498 = arith.constant 1.000000e+00 : f32
    %broadcast_in_dim3A_499 = vector.broadcast %broadcast_in_dim3A_498 : f32 to vector<16xf32>
    %swap3A_500 = arith.constant 60 : i32
    %swap3A_501 = arith.index_cast %swap3A_500 : i32 to index
    %swap3A_502 = arith.constant 0 : index
    %swap3A_503 = tpu.vector_load %arg10[%swap3A_501, %swap3A_502] {strides = array<i32>} : memref<125x16xf32, #tpu.memory_space<vmem>>, vector<1x16xf32>,
    %swap3A_504 = vector.shape_cast %swap3A_503 : vector<1x16xf32> to vector<16xf32>
    %swap3A_505 = vector.shape_cast %broadcast_in_dim3A_499 : vector<16xf32> to vector<1x16xf32>
    tpu.vector_store %arg10[%swap3A_501, %swap3A_502], %swap3A_505 {strides = array<i32>} : memref<125x16xf32, #tpu.memory_space<vmem>>, vector<1x16xf32>,
    %broadcast_in_dim3A_506 = arith.constant 1.000000e+00 : f32
    %broadcast_in_dim3A_507 = vector.broadcast %broadcast_in_dim3A_506 : f32 to vector<16xf32>
    %swap3A_508 = arith.constant 61 : i32
    %swap3A_509 = arith.index_cast %swap3A_508 : i32 to index
    %swap3A_510 = arith.constant 0 : index
    %swap3A_511 = tpu.vector_load %arg10[%swap3A_509, %swap3A_510] {strides = array<i32>} : memref<125x16xf32, #tpu.memory_space<vmem>>, vector<1x16xf32>,
    %swap3A_512 = vector.shape_cast %swap3A_511 : vector<1x16xf32> to vector<16xf32>
    %swap3A_513 = vector.shape_cast %broadcast_in_dim3A_507 : vector<16xf32> to vector<1x16xf32>
    tpu.vector_store %arg10[%swap3A_509, %swap3A_510], %swap3A_513 {strides = array<i32>} : memref<125x16xf32, #tpu.memory_space<vmem>>, vector<1x16xf32>,
    %broadcast_in_dim3A_514 = arith.constant 1.000000e+00 : f32
    %broadcast_in_dim3A_515 = vector.broadcast %broadcast_in_dim3A_514 : f32 to vector<16xf32>
    %swap3A_516 = arith.constant 62 : i32
    %swap3A_517 = arith.index_cast %swap3A_516 : i32 to index
    %swap3A_518 = arith.constant 0 : index
    %swap3A_519 = tpu.vector_load %arg10[%swap3A_517, %swap3A_518] {strides = array<i32>} : memref<125x16xf32, #tpu.memory_space<vmem>>, vector<1x16xf32>,
    %swap3A_520 = vector.shape_cast %swap3A_519 : vector<1x16xf32> to vector<16xf32>
    %swap3A_521 = vector.shape_cast %broadcast_in_dim3A_515 : vector<16xf32> to vector<1x16xf32>
    tpu.vector_store %arg10[%swap3A_517, %swap3A_518], %swap3A_521 {strides = array<i32>} : memref<125x16xf32, #tpu.memory_space<vmem>>, vector<1x16xf32>,
    %broadcast_in_dim3A_522 = arith.constant 1.000000e+00 : f32
    %broadcast_in_dim3A_523 = vector.broadcast %broadcast_in_dim3A_522 : f32 to vector<16xf32>
    %swap3A_524 = arith.constant 63 : i32
    %swap3A_525 = arith.index_cast %swap3A_524 : i32 to index
    %swap3A_526 = arith.constant 0 : index
    %swap3A_527 = tpu.vector_load %arg10[%swap3A_525, %swap3A_526] {strides = array<i32>} : memref<125x16xf32, #tpu.memory_space<vmem>>, vector<1x16xf32>,
    %swap3A_528 = vector.shape_cast %swap3A_527 : vector<1x16xf32> to vector<16xf32>
    %swap3A_529 = vector.shape_cast %broadcast_in_dim3A_523 : vector<16xf32> to vector<1x16xf32>
    tpu.vector_store %arg10[%swap3A_525, %swap3A_526], %swap3A_529 {strides = array<i32>} : memref<125x16xf32, #tpu.memory_space<vmem>>, vector<1x16xf32>,
    %broadcast_in_dim3A_530 = arith.constant 1.000000e+00 : f32
    %broadcast_in_dim3A_531 = vector.broadcast %broadcast_in_dim3A_530 : f32 to vector<16xf32>
    %swap3A_532 = arith.constant 64 : i32
    %swap3A_533 = arith.index_cast %swap3A_532 : i32 to index
    %swap3A_534 = arith.constant 0 : index
    %swap3A_535 = tpu.vector_load %arg10[%swap3A_533, %swap3A_534] {strides = array<i32>} : memref<125x16xf32, #tpu.memory_space<vmem>>, vector<1x16xf32>,
    %swap3A_536 = vector.shape_cast %swap3A_535 : vector<1x16xf32> to vector<16xf32>
    %swap3A_537 = vector.shape_cast %broadcast_in_dim3A_531 : vector<16xf32> to vector<1x16xf32>
    tpu.vector_store %arg10[%swap3A_533, %swap3A_534], %swap3A_537 {strides = array<i32>} : memref<125x16xf32, #tpu.memory_space<vmem>>, vector<1x16xf32>,
    %broadcast_in_dim3A_538 = arith.constant 1.000000e+00 : f32
    %broadcast_in_dim3A_539 = vector.broadcast %broadcast_in_dim3A_538 : f32 to vector<16xf32>
    %swap3A_540 = arith.constant 65 : i32
    %swap3A_541 = arith.index_cast %swap3A_540 : i32 to index
    %swap3A_542 = arith.constant 0 : index
    %swap3A_543 = tpu.vector_load %arg10[%swap3A_541, %swap3A_542] {strides = array<i32>} : memref<125x16xf32, #tpu.memory_space<vmem>>, vector<1x16xf32>,
    %swap3A_544 = vector.shape_cast %swap3A_543 : vector<1x16xf32> to vector<16xf32>
    %swap3A_545 = vector.shape_cast %broadcast_in_dim3A_539 : vector<16xf32> to vector<1x16xf32>
    tpu.vector_store %arg10[%swap3A_541, %swap3A_542], %swap3A_545 {strides = array<i32>} : memref<125x16xf32, #tpu.memory_space<vmem>>, vector<1x16xf32>,
    %broadcast_in_dim3A_546 = arith.constant 1.000000e+00 : f32
    %broadcast_in_dim3A_547 = vector.broadcast %broadcast_in_dim3A_546 : f32 to vector<16xf32>
    %swap3A_548 = arith.constant 66 : i32
    %swap3A_549 = arith.index_cast %swap3A_548 : i32 to index
    %swap3A_550 = arith.constant 0 : index
    %swap3A_551 = tpu.vector_load %arg10[%swap3A_549, %swap3A_550] {strides = array<i32>} : memref<125x16xf32, #tpu.memory_space<vmem>>, vector<1x16xf32>,
    %swap3A_552 = vector.shape_cast %swap3A_551 : vector<1x16xf32> to vector<16xf32>
    %swap3A_553 = vector.shape_cast %broadcast_in_dim3A_547 : vector<16xf32> to vector<1x16xf32>
    tpu.vector_store %arg10[%swap3A_549, %swap3A_550], %swap3A_553 {strides = array<i32>} : memref<125x16xf32, #tpu.memory_space<vmem>>, vector<1x16xf32>,
    %broadcast_in_dim3A_554 = arith.constant 1.000000e+00 : f32
    %broadcast_in_dim3A_555 = vector.broadcast %broadcast_in_dim3A_554 : f32 to vector<16xf32>
    %swap3A_556 = arith.constant 67 : i32
    %swap3A_557 = arith.index_cast %swap3A_556 : i32 to index
    %swap3A_558 = arith.constant 0 : index
    %swap3A_559 = tpu.vector_load %arg10[%swap3A_557, %swap3A_558] {strides = array<i32>} : memref<125x16xf32, #tpu.memory_space<vmem>>, vector<1x16xf32>,
    %swap3A_560 = vector.shape_cast %swap3A_559 : vector<1x16xf32> to vector<16xf32>
    %swap3A_561 = vector.shape_cast %broadcast_in_dim3A_555 : vector<16xf32> to vector<1x16xf32>
    tpu.vector_store %arg10[%swap3A_557, %swap3A_558], %swap3A_561 {strides = array<i32>} : memref<125x16xf32, #tpu.memory_space<vmem>>, vector<1x16xf32>,
    %broadcast_in_dim3A_562 = arith.constant 1.000000e+00 : f32
    %broadcast_in_dim3A_563 = vector.broadcast %broadcast_in_dim3A_562 : f32 to vector<16xf32>
    %swap3A_564 = arith.constant 68 : i32
    %swap3A_565 = arith.index_cast %swap3A_564 : i32 to index
    %swap3A_566 = arith.constant 0 : index
    %swap3A_567 = tpu.vector_load %arg10[%swap3A_565, %swap3A_566] {strides = array<i32>} : memref<125x16xf32, #tpu.memory_space<vmem>>, vector<1x16xf32>,
    %swap3A_568 = vector.shape_cast %swap3A_567 : vector<1x16xf32> to vector<16xf32>
    %swap3A_569 = vector.shape_cast %broadcast_in_dim3A_563 : vector<16xf32> to vector<1x16xf32>
    tpu.vector_store %arg10[%swap3A_565, %swap3A_566], %swap3A_569 {strides = array<i32>} : memref<125x16xf32, #tpu.memory_space<vmem>>, vector<1x16xf32>,
    %broadcast_in_dim3A_570 = arith.constant 1.000000e+00 : f32
    %broadcast_in_dim3A_571 = vector.broadcast %broadcast_in_dim3A_570 : f32 to vector<16xf32>
    %swap3A_572 = arith.constant 69 : i32
    %swap3A_573 = arith.index_cast %swap3A_572 : i32 to index
    %swap3A_574 = arith.constant 0 : index
    %swap3A_575 = tpu.vector_load %arg10[%swap3A_573, %swap3A_574] {strides = array<i32>} : memref<125x16xf32, #tpu.memory_space<vmem>>, vector<1x16xf32>,
    %swap3A_576 = vector.shape_cast %swap3A_575 : vector<1x16xf32> to vector<16xf32>
    %swap3A_577 = vector.shape_cast %broadcast_in_dim3A_571 : vector<16xf32> to vector<1x16xf32>
    tpu.vector_store %arg10[%swap3A_573, %swap3A_574], %swap3A_577 {strides = array<i32>} : memref<125x16xf32, #tpu.memory_space<vmem>>, vector<1x16xf32>,
    %broadcast_in_dim3A_578 = arith.constant 1.000000e+00 : f32
    %broadcast_in_dim3A_579 = vector.broadcast %broadcast_in_dim3A_578 : f32 to vector<16xf32>
    %swap3A_580 = arith.constant 70 : i32
    %swap3A_581 = arith.index_cast %swap3A_580 : i32 to index
    %swap3A_582 = arith.constant 0 : index
    %swap3A_583 = tpu.vector_load %arg10[%swap3A_581, %swap3A_582] {strides = array<i32>} : memref<125x16xf32, #tpu.memory_space<vmem>>, vector<1x16xf32>,
    %swap3A_584 = vector.shape_cast %swap3A_583 : vector<1x16xf32> to vector<16xf32>
    %swap3A_585 = vector.shape_cast %broadcast_in_dim3A_579 : vector<16xf32> to vector<1x16xf32>
    tpu.vector_store %arg10[%swap3A_581, %swap3A_582], %swap3A_585 {strides = array<i32>} : memref<125x16xf32, #tpu.memory_space<vmem>>, vector<1x16xf32>,
    %broadcast_in_dim3A_586 = arith.constant 1.000000e+00 : f32
    %broadcast_in_dim3A_587 = vector.broadcast %broadcast_in_dim3A_586 : f32 to vector<16xf32>
    %swap3A_588 = arith.constant 71 : i32
    %swap3A_589 = arith.index_cast %swap3A_588 : i32 to index
    %swap3A_590 = arith.constant 0 : index
    %swap3A_591 = tpu.vector_load %arg10[%swap3A_589, %swap3A_590] {strides = array<i32>} : memref<125x16xf32, #tpu.memory_space<vmem>>, vector<1x16xf32>,
    %swap3A_592 = vector.shape_cast %swap3A_591 : vector<1x16xf32> to vector<16xf32>
    %swap3A_593 = vector.shape_cast %broadcast_in_dim3A_587 : vector<16xf32> to vector<1x16xf32>
    tpu.vector_store %arg10[%swap3A_589, %swap3A_590], %swap3A_593 {strides = array<i32>} : memref<125x16xf32, #tpu.memory_space<vmem>>, vector<1x16xf32>,
    %broadcast_in_dim3A_594 = arith.constant 1.000000e+00 : f32
    %broadcast_in_dim3A_595 = vector.broadcast %broadcast_in_dim3A_594 : f32 to vector<16xf32>
    %swap3A_596 = arith.constant 72 : i32
    %swap3A_597 = arith.index_cast %swap3A_596 : i32 to index
    %swap3A_598 = arith.constant 0 : index
    %swap3A_599 = tpu.vector_load %arg10[%swap3A_597, %swap3A_598] {strides = array<i32>} : memref<125x16xf32, #tpu.memory_space<vmem>>, vector<1x16xf32>,
    %swap3A_600 = vector.shape_cast %swap3A_599 : vector<1x16xf32> to vector<16xf32>
    %swap3A_601 = vector.shape_cast %broadcast_in_dim3A_595 : vector<16xf32> to vector<1x16xf32>
    tpu.vector_store %arg10[%swap3A_597, %swap3A_598], %swap3A_601 {strides = array<i32>} : memref<125x16xf32, #tpu.memory_space<vmem>>, vector<1x16xf32>,
    %broadcast_in_dim3A_602 = arith.constant 1.000000e+00 : f32
    %broadcast_in_dim3A_603 = vector.broadcast %broadcast_in_dim3A_602 : f32 to vector<16xf32>
    %swap3A_604 = arith.constant 73 : i32
    %swap3A_605 = arith.index_cast %swap3A_604 : i32 to index
    %swap3A_606 = arith.constant 0 : index
    %swap3A_607 = tpu.vector_load %arg10[%swap3A_605, %swap3A_606] {strides = array<i32>} : memref<125x16xf32, #tpu.memory_space<vmem>>, vector<1x16xf32>,
    %swap3A_608 = vector.shape_cast %swap3A_607 : vector<1x16xf32> to vector<16xf32>
    %swap3A_609 = vector.shape_cast %broadcast_in_dim3A_603 : vector<16xf32> to vector<1x16xf32>
    tpu.vector_store %arg10[%swap3A_605, %swap3A_606], %swap3A_609 {strides = array<i32>} : memref<125x16xf32, #tpu.memory_space<vmem>>, vector<1x16xf32>,
    %broadcast_in_dim3A_610 = arith.constant 1.000000e+00 : f32
    %broadcast_in_dim3A_611 = vector.broadcast %broadcast_in_dim3A_610 : f32 to vector<16xf32>
    %swap3A_612 = arith.constant 74 : i32
    %swap3A_613 = arith.index_cast %swap3A_612 : i32 to index
    %swap3A_614 = arith.constant 0 : index
    %swap3A_615 = tpu.vector_load %arg10[%swap3A_613, %swap3A_614] {strides = array<i32>} : memref<125x16xf32, #tpu.memory_space<vmem>>, vector<1x16xf32>,
    %swap3A_616 = vector.shape_cast %swap3A_615 : vector<1x16xf32> to vector<16xf32>
    %swap3A_617 = vector.shape_cast %broadcast_in_dim3A_611 : vector<16xf32> to vector<1x16xf32>
    tpu.vector_store %arg10[%swap3A_613, %swap3A_614], %swap3A_617 {strides = array<i32>} : memref<125x16xf32, #tpu.memory_space<vmem>>, vector<1x16xf32>,
    %broadcast_in_dim3A_618 = arith.constant 1.000000e+00 : f32
    %broadcast_in_dim3A_619 = vector.broadcast %broadcast_in_dim3A_618 : f32 to vector<16xf32>
    %swap3A_620 = arith.constant 75 : i32
    %swap3A_621 = arith.index_cast %swap3A_620 : i32 to index
    %swap3A_622 = arith.constant 0 : index
    %swap3A_623 = tpu.vector_load %arg10[%swap3A_621, %swap3A_622] {strides = array<i32>} : memref<125x16xf32, #tpu.memory_space<vmem>>, vector<1x16xf32>,
    %swap3A_624 = vector.shape_cast %swap3A_623 : vector<1x16xf32> to vector<16xf32>
    %swap3A_625 = vector.shape_cast %broadcast_in_dim3A_619 : vector<16xf32> to vector<1x16xf32>
    tpu.vector_store %arg10[%swap3A_621, %swap3A_622], %swap3A_625 {strides = array<i32>} : memref<125x16xf32, #tpu.memory_space<vmem>>, vector<1x16xf32>,
    %broadcast_in_dim3A_626 = arith.constant 1.000000e+00 : f32
    %broadcast_in_dim3A_627 = vector.broadcast %broadcast_in_dim3A_626 : f32 to vector<16xf32>
    %swap3A_628 = arith.constant 76 : i32
    %swap3A_629 = arith.index_cast %swap3A_628 : i32 to index
    %swap3A_630 = arith.constant 0 : index
    %swap3A_631 = tpu.vector_load %arg10[%swap3A_629, %swap3A_630] {strides = array<i32>} : memref<125x16xf32, #tpu.memory_space<vmem>>, vector<1x16xf32>,
    %swap3A_632 = vector.shape_cast %swap3A_631 : vector<1x16xf32> to vector<16xf32>
    %swap3A_633 = vector.shape_cast %broadcast_in_dim3A_627 : vector<16xf32> to vector<1x16xf32>
    tpu.vector_store %arg10[%swap3A_629, %swap3A_630], %swap3A_633 {strides = array<i32>} : memref<125x16xf32, #tpu.memory_space<vmem>>, vector<1x16xf32>,
    %broadcast_in_dim3A_634 = arith.constant 1.000000e+00 : f32
    %broadcast_in_dim3A_635 = vector.broadcast %broadcast_in_dim3A_634 : f32 to vector<16xf32>
    %swap3A_636 = arith.constant 77 : i32
    %swap3A_637 = arith.index_cast %swap3A_636 : i32 to index
    %swap3A_638 = arith.constant 0 : index
    %swap3A_639 = tpu.vector_load %arg10[%swap3A_637, %swap3A_638] {strides = array<i32>} : memref<125x16xf32, #tpu.memory_space<vmem>>, vector<1x16xf32>,
    %swap3A_640 = vector.shape_cast %swap3A_639 : vector<1x16xf32> to vector<16xf32>
    %swap3A_641 = vector.shape_cast %broadcast_in_dim3A_635 : vector<16xf32> to vector<1x16xf32>
    tpu.vector_store %arg10[%swap3A_637, %swap3A_638], %swap3A_641 {strides = array<i32>} : memref<125x16xf32, #tpu.memory_space<vmem>>, vector<1x16xf32>,
    %broadcast_in_dim3A_642 = arith.constant 1.000000e+00 : f32
    %broadcast_in_dim3A_643 = vector.broadcast %broadcast_in_dim3A_642 : f32 to vector<16xf32>
    %swap3A_644 = arith.constant 78 : i32
    %swap3A_645 = arith.index_cast %swap3A_644 : i32 to index
    %swap3A_646 = arith.constant 0 : index
    %swap3A_647 = tpu.vector_load %arg10[%swap3A_645, %swap3A_646] {strides = array<i32>} : memref<125x16xf32, #tpu.memory_space<vmem>>, vector<1x16xf32>,
    %swap3A_648 = vector.shape_cast %swap3A_647 : vector<1x16xf32> to vector<16xf32>
    %swap3A_649 = vector.shape_cast %broadcast_in_dim3A_643 : vector<16xf32> to vector<1x16xf32>
    tpu.vector_store %arg10[%swap3A_645, %swap3A_646], %swap3A_649 {strides = array<i32>} : memref<125x16xf32, #tpu.memory_space<vmem>>, vector<1x16xf32>,
    %broadcast_in_dim3A_650 = arith.constant 1.000000e+00 : f32
    %broadcast_in_dim3A_651 = vector.broadcast %broadcast_in_dim3A_650 : f32 to vector<16xf32>
    %swap3A_652 = arith.constant 79 : i32
    %swap3A_653 = arith.index_cast %swap3A_652 : i32 to index
    %swap3A_654 = arith.constant 0 : index
    %swap3A_655 = tpu.vector_load %arg10[%swap3A_653, %swap3A_654] {strides = array<i32>} : memref<125x16xf32, #tpu.memory_space<vmem>>, vector<1x16xf32>,
    %swap3A_656 = vector.shape_cast %swap3A_655 : vector<1x16xf32> to vector<16xf32>
    %swap3A_657 = vector.shape_cast %broadcast_in_dim3A_651 : vector<16xf32> to vector<1x16xf32>
    tpu.vector_store %arg10[%swap3A_653, %swap3A_654], %swap3A_657 {strides = array<i32>} : memref<125x16xf32, #tpu.memory_space<vmem>>, vector<1x16xf32>,
    %broadcast_in_dim3A_658 = arith.constant 1.000000e+00 : f32
    %broadcast_in_dim3A_659 = vector.broadcast %broadcast_in_dim3A_658 : f32 to vector<16xf32>
    %swap3A_660 = arith.constant 80 : i32
    %swap3A_661 = arith.index_cast %swap3A_660 : i32 to index
    %swap3A_662 = arith.constant 0 : index
    %swap3A_663 = tpu.vector_load %arg10[%swap3A_661, %swap3A_662] {strides = array<i32>} : memref<125x16xf32, #tpu.memory_space<vmem>>, vector<1x16xf32>,
    %swap3A_664 = vector.shape_cast %swap3A_663 : vector<1x16xf32> to vector<16xf32>
    %swap3A_665 = vector.shape_cast %broadcast_in_dim3A_659 : vector<16xf32> to vector<1x16xf32>
    tpu.vector_store %arg10[%swap3A_661, %swap3A_662], %swap3A_665 {strides = array<i32>} : memref<125x16xf32, #tpu.memory_space<vmem>>, vector<1x16xf32>,
    %broadcast_in_dim3A_666 = arith.constant 1.000000e+00 : f32
    %broadcast_in_dim3A_667 = vector.broadcast %broadcast_in_dim3A_666 : f32 to vector<16xf32>
    %swap3A_668 = arith.constant 81 : i32
    %swap3A_669 = arith.index_cast %swap3A_668 : i32 to index
    %swap3A_670 = arith.constant 0 : index
    %swap3A_671 = tpu.vector_load %arg10[%swap3A_669, %swap3A_670] {strides = array<i32>} : memref<125x16xf32, #tpu.memory_space<vmem>>, vector<1x16xf32>,
    %swap3A_672 = vector.shape_cast %swap3A_671 : vector<1x16xf32> to vector<16xf32>
    %swap3A_673 = vector.shape_cast %broadcast_in_dim3A_667 : vector<16xf32> to vector<1x16xf32>
    tpu.vector_store %arg10[%swap3A_669, %swap3A_670], %swap3A_673 {strides = array<i32>} : memref<125x16xf32, #tpu.memory_space<vmem>>, vector<1x16xf32>,
    %broadcast_in_dim3A_674 = arith.constant 1.000000e+00 : f32
    %broadcast_in_dim3A_675 = vector.broadcast %broadcast_in_dim3A_674 : f32 to vector<16xf32>
    %swap3A_676 = arith.constant 82 : i32
    %swap3A_677 = arith.index_cast %swap3A_676 : i32 to index
    %swap3A_678 = arith.constant 0 : index
    %swap3A_679 = tpu.vector_load %arg10[%swap3A_677, %swap3A_678] {strides = array<i32>} : memref<125x16xf32, #tpu.memory_space<vmem>>, vector<1x16xf32>,
    %swap3A_680 = vector.shape_cast %swap3A_679 : vector<1x16xf32> to vector<16xf32>
    %swap3A_681 = vector.shape_cast %broadcast_in_dim3A_675 : vector<16xf32> to vector<1x16xf32>
    tpu.vector_store %arg10[%swap3A_677, %swap3A_678], %swap3A_681 {strides = array<i32>} : memref<125x16xf32, #tpu.memory_space<vmem>>, vector<1x16xf32>,
    %broadcast_in_dim3A_682 = arith.constant 1.000000e+00 : f32
    %broadcast_in_dim3A_683 = vector.broadcast %broadcast_in_dim3A_682 : f32 to vector<16xf32>
    %swap3A_684 = arith.constant 83 : i32
    %swap3A_685 = arith.index_cast %swap3A_684 : i32 to index
    %swap3A_686 = arith.constant 0 : index
    %swap3A_687 = tpu.vector_load %arg10[%swap3A_685, %swap3A_686] {strides = array<i32>} : memref<125x16xf32, #tpu.memory_space<vmem>>, vector<1x16xf32>,
    %swap3A_688 = vector.shape_cast %swap3A_687 : vector<1x16xf32> to vector<16xf32>
    %swap3A_689 = vector.shape_cast %broadcast_in_dim3A_683 : vector<16xf32> to vector<1x16xf32>
    tpu.vector_store %arg10[%swap3A_685, %swap3A_686], %swap3A_689 {strides = array<i32>} : memref<125x16xf32, #tpu.memory_space<vmem>>, vector<1x16xf32>,
    %broadcast_in_dim3A_690 = arith.constant 1.000000e+00 : f32
    %broadcast_in_dim3A_691 = vector.broadcast %broadcast_in_dim3A_690 : f32 to vector<16xf32>
    %swap3A_692 = arith.constant 84 : i32
    %swap3A_693 = arith.index_cast %swap3A_692 : i32 to index
    %swap3A_694 = arith.constant 0 : index
    %swap3A_695 = tpu.vector_load %arg10[%swap3A_693, %swap3A_694] {strides = array<i32>} : memref<125x16xf32, #tpu.memory_space<vmem>>, vector<1x16xf32>,
    %swap3A_696 = vector.shape_cast %swap3A_695 : vector<1x16xf32> to vector<16xf32>
    %swap3A_697 = vector.shape_cast %broadcast_in_dim3A_691 : vector<16xf32> to vector<1x16xf32>
    tpu.vector_store %arg10[%swap3A_693, %swap3A_694], %swap3A_697 {strides = array<i32>} : memref<125x16xf32, #tpu.memory_space<vmem>>, vector<1x16xf32>,
    %broadcast_in_dim3A_698 = arith.constant 1.000000e+00 : f32
    %broadcast_in_dim3A_699 = vector.broadcast %broadcast_in_dim3A_698 : f32 to vector<16xf32>
    %swap3A_700 = arith.constant 85 : i32
    %swap3A_701 = arith.index_cast %swap3A_700 : i32 to index
    %swap3A_702 = arith.constant 0 : index
    %swap3A_703 = tpu.vector_load %arg10[%swap3A_701, %swap3A_702] {strides = array<i32>} : memref<125x16xf32, #tpu.memory_space<vmem>>, vector<1x16xf32>,
    %swap3A_704 = vector.shape_cast %swap3A_703 : vector<1x16xf32> to vector<16xf32>
    %swap3A_705 = vector.shape_cast %broadcast_in_dim3A_699 : vector<16xf32> to vector<1x16xf32>
    tpu.vector_store %arg10[%swap3A_701, %swap3A_702], %swap3A_705 {strides = array<i32>} : memref<125x16xf32, #tpu.memory_space<vmem>>, vector<1x16xf32>,
    %broadcast_in_dim3A_706 = arith.constant 1.000000e+00 : f32
    %broadcast_in_dim3A_707 = vector.broadcast %broadcast_in_dim3A_706 : f32 to vector<16xf32>
    %swap3A_708 = arith.constant 86 : i32
    %swap3A_709 = arith.index_cast %swap3A_708 : i32 to index
    %swap3A_710 = arith.constant 0 : index
    %swap3A_711 = tpu.vector_load %arg10[%swap3A_709, %swap3A_710] {strides = array<i32>} : memref<125x16xf32, #tpu.memory_space<vmem>>, vector<1x16xf32>,
    %swap3A_712 = vector.shape_cast %swap3A_711 : vector<1x16xf32> to vector<16xf32>
    %swap3A_713 = vector.shape_cast %broadcast_in_dim3A_707 : vector<16xf32> to vector<1x16xf32>
    tpu.vector_store %arg10[%swap3A_709, %swap3A_710], %swap3A_713 {strides = array<i32>} : memref<125x16xf32, #tpu.memory_space<vmem>>, vector<1x16xf32>,
    %broadcast_in_dim3A_714 = arith.constant 1.000000e+00 : f32
    %broadcast_in_dim3A_715 = vector.broadcast %broadcast_in_dim3A_714 : f32 to vector<16xf32>
    %swap3A_716 = arith.constant 87 : i32
    %swap3A_717 = arith.index_cast %swap3A_716 : i32 to index
    %swap3A_718 = arith.constant 0 : index
    %swap3A_719 = tpu.vector_load %arg10[%swap3A_717, %swap3A_718] {strides = array<i32>} : memref<125x16xf32, #tpu.memory_space<vmem>>, vector<1x16xf32>,
    %swap3A_720 = vector.shape_cast %swap3A_719 : vector<1x16xf32> to vector<16xf32>
    %swap3A_721 = vector.shape_cast %broadcast_in_dim3A_715 : vector<16xf32> to vector<1x16xf32>
    tpu.vector_store %arg10[%swap3A_717, %swap3A_718], %swap3A_721 {strides = array<i32>} : memref<125x16xf32, #tpu.memory_space<vmem>>, vector<1x16xf32>,
    %broadcast_in_dim3A_722 = arith.constant 1.000000e+00 : f32
    %broadcast_in_dim3A_723 = vector.broadcast %broadcast_in_dim3A_722 : f32 to vector<16xf32>
    %swap3A_724 = arith.constant 88 : i32
    %swap3A_725 = arith.index_cast %swap3A_724 : i32 to index
    %swap3A_726 = arith.constant 0 : index
    %swap3A_727 = tpu.vector_load %arg10[%swap3A_725, %swap3A_726] {strides = array<i32>} : memref<125x16xf32, #tpu.memory_space<vmem>>, vector<1x16xf32>,
    %swap3A_728 = vector.shape_cast %swap3A_727 : vector<1x16xf32> to vector<16xf32>
    %swap3A_729 = vector.shape_cast %broadcast_in_dim3A_723 : vector<16xf32> to vector<1x16xf32>
    tpu.vector_store %arg10[%swap3A_725, %swap3A_726], %swap3A_729 {strides = array<i32>} : memref<125x16xf32, #tpu.memory_space<vmem>>, vector<1x16xf32>,
    %broadcast_in_dim3A_730 = arith.constant 1.000000e+00 : f32
    %broadcast_in_dim3A_731 = vector.broadcast %broadcast_in_dim3A_730 : f32 to vector<16xf32>
    %swap3A_732 = arith.constant 89 : i32
    %swap3A_733 = arith.index_cast %swap3A_732 : i32 to index
    %swap3A_734 = arith.constant 0 : index
    %swap3A_735 = tpu.vector_load %arg10[%swap3A_733, %swap3A_734] {strides = array<i32>} : memref<125x16xf32, #tpu.memory_space<vmem>>, vector<1x16xf32>,
    %swap3A_736 = vector.shape_cast %swap3A_735 : vector<1x16xf32> to vector<16xf32>
    %swap3A_737 = vector.shape_cast %broadcast_in_dim3A_731 : vector<16xf32> to vector<1x16xf32>
    tpu.vector_store %arg10[%swap3A_733, %swap3A_734], %swap3A_737 {strides = array<i32>} : memref<125x16xf32, #tpu.memory_space<vmem>>, vector<1x16xf32>,
    %broadcast_in_dim3A_738 = arith.constant 1.000000e+00 : f32
    %broadcast_in_dim3A_739 = vector.broadcast %broadcast_in_dim3A_738 : f32 to vector<16xf32>
    %swap3A_740 = arith.constant 90 : i32
    %swap3A_741 = arith.index_cast %swap3A_740 : i32 to index
    %swap3A_742 = arith.constant 0 : index
    %swap3A_743 = tpu.vector_load %arg10[%swap3A_741, %swap3A_742] {strides = array<i32>} : memref<125x16xf32, #tpu.memory_space<vmem>>, vector<1x16xf32>,
    %swap3A_744 = vector.shape_cast %swap3A_743 : vector<1x16xf32> to vector<16xf32>
    %swap3A_745 = vector.shape_cast %broadcast_in_dim3A_739 : vector<16xf32> to vector<1x16xf32>
    tpu.vector_store %arg10[%swap3A_741, %swap3A_742], %swap3A_745 {strides = array<i32>} : memref<125x16xf32, #tpu.memory_space<vmem>>, vector<1x16xf32>,
    %broadcast_in_dim3A_746 = arith.constant 1.000000e+00 : f32
    %broadcast_in_dim3A_747 = vector.broadcast %broadcast_in_dim3A_746 : f32 to vector<16xf32>
    %swap3A_748 = arith.constant 91 : i32
    %swap3A_749 = arith.index_cast %swap3A_748 : i32 to index
    %swap3A_750 = arith.constant 0 : index
    %swap3A_751 = tpu.vector_load %arg10[%swap3A_749, %swap3A_750] {strides = array<i32>} : memref<125x16xf32, #tpu.memory_space<vmem>>, vector<1x16xf32>,
    %swap3A_752 = vector.shape_cast %swap3A_751 : vector<1x16xf32> to vector<16xf32>
    %swap3A_753 = vector.shape_cast %broadcast_in_dim3A_747 : vector<16xf32> to vector<1x16xf32>
    tpu.vector_store %arg10[%swap3A_749, %swap3A_750], %swap3A_753 {strides = array<i32>} : memref<125x16xf32, #tpu.memory_space<vmem>>, vector<1x16xf32>,
    %broadcast_in_dim3A_754 = arith.constant 1.000000e+00 : f32
    %broadcast_in_dim3A_755 = vector.broadcast %broadcast_in_dim3A_754 : f32 to vector<16xf32>
    %swap3A_756 = arith.constant 92 : i32
    %swap3A_757 = arith.index_cast %swap3A_756 : i32 to index
    %swap3A_758 = arith.constant 0 : index
    %swap3A_759 = tpu.vector_load %arg10[%swap3A_757, %swap3A_758] {strides = array<i32>} : memref<125x16xf32, #tpu.memory_space<vmem>>, vector<1x16xf32>,
    %swap3A_760 = vector.shape_cast %swap3A_759 : vector<1x16xf32> to vector<16xf32>
    %swap3A_761 = vector.shape_cast %broadcast_in_dim3A_755 : vector<16xf32> to vector<1x16xf32>
    tpu.vector_store %arg10[%swap3A_757, %swap3A_758], %swap3A_761 {strides = array<i32>} : memref<125x16xf32, #tpu.memory_space<vmem>>, vector<1x16xf32>,
    %broadcast_in_dim3A_762 = arith.constant 1.000000e+00 : f32
    %broadcast_in_dim3A_763 = vector.broadcast %broadcast_in_dim3A_762 : f32 to vector<16xf32>
    %swap3A_764 = arith.constant 93 : i32
    %swap3A_765 = arith.index_cast %swap3A_764 : i32 to index
    %swap3A_766 = arith.constant 0 : index
    %swap3A_767 = tpu.vector_load %arg10[%swap3A_765, %swap3A_766] {strides = array<i32>} : memref<125x16xf32, #tpu.memory_space<vmem>>, vector<1x16xf32>,
    %swap3A_768 = vector.shape_cast %swap3A_767 : vector<1x16xf32> to vector<16xf32>
    %swap3A_769 = vector.shape_cast %broadcast_in_dim3A_763 : vector<16xf32> to vector<1x16xf32>
    tpu.vector_store %arg10[%swap3A_765, %swap3A_766], %swap3A_769 {strides = array<i32>} : memref<125x16xf32, #tpu.memory_space<vmem>>, vector<1x16xf32>,
    %broadcast_in_dim3A_770 = arith.constant 1.000000e+00 : f32
    %broadcast_in_dim3A_771 = vector.broadcast %broadcast_in_dim3A_770 : f32 to vector<16xf32>
    %swap3A_772 = arith.constant 94 : i32
    %swap3A_773 = arith.index_cast %swap3A_772 : i32 to index
    %swap3A_774 = arith.constant 0 : index
    %swap3A_775 = tpu.vector_load %arg10[%swap3A_773, %swap3A_774] {strides = array<i32>} : memref<125x16xf32, #tpu.memory_space<vmem>>, vector<1x16xf32>,
    %swap3A_776 = vector.shape_cast %swap3A_775 : vector<1x16xf32> to vector<16xf32>
    %swap3A_777 = vector.shape_cast %broadcast_in_dim3A_771 : vector<16xf32> to vector<1x16xf32>
    tpu.vector_store %arg10[%swap3A_773, %swap3A_774], %swap3A_777 {strides = array<i32>} : memref<125x16xf32, #tpu.memory_space<vmem>>, vector<1x16xf32>,
    %broadcast_in_dim3A_778 = arith.constant 1.000000e+00 : f32
    %broadcast_in_dim3A_779 = vector.broadcast %broadcast_in_dim3A_778 : f32 to vector<16xf32>
    %swap3A_780 = arith.constant 95 : i32
    %swap3A_781 = arith.index_cast %swap3A_780 : i32 to index
    %swap3A_782 = arith.constant 0 : index
    %swap3A_783 = tpu.vector_load %arg10[%swap3A_781, %swap3A_782] {strides = array<i32>} : memref<125x16xf32, #tpu.memory_space<vmem>>, vector<1x16xf32>,
    %swap3A_784 = vector.shape_cast %swap3A_783 : vector<1x16xf32> to vector<16xf32>
    %swap3A_785 = vector.shape_cast %broadcast_in_dim3A_779 : vector<16xf32> to vector<1x16xf32>
    tpu.vector_store %arg10[%swap3A_781, %swap3A_782], %swap3A_785 {strides = array<i32>} : memref<125x16xf32, #tpu.memory_space<vmem>>, vector<1x16xf32>,
    %broadcast_in_dim3A_786 = arith.constant 1.000000e+00 : f32
    %broadcast_in_dim3A_787 = vector.broadcast %broadcast_in_dim3A_786 : f32 to vector<16xf32>
    %swap3A_788 = arith.constant 96 : i32
    %swap3A_789 = arith.index_cast %swap3A_788 : i32 to index
    %swap3A_790 = arith.constant 0 : index
    %swap3A_791 = tpu.vector_load %arg10[%swap3A_789, %swap3A_790] {strides = array<i32>} : memref<125x16xf32, #tpu.memory_space<vmem>>, vector<1x16xf32>,
    %swap3A_792 = vector.shape_cast %swap3A_791 : vector<1x16xf32> to vector<16xf32>
    %swap3A_793 = vector.shape_cast %broadcast_in_dim3A_787 : vector<16xf32> to vector<1x16xf32>
    tpu.vector_store %arg10[%swap3A_789, %swap3A_790], %swap3A_793 {strides = array<i32>} : memref<125x16xf32, #tpu.memory_space<vmem>>, vector<1x16xf32>,
    %broadcast_in_dim3A_794 = arith.constant 1.000000e+00 : f32
    %broadcast_in_dim3A_795 = vector.broadcast %broadcast_in_dim3A_794 : f32 to vector<16xf32>
    %swap3A_796 = arith.constant 97 : i32
    %swap3A_797 = arith.index_cast %swap3A_796 : i32 to index
    %swap3A_798 = arith.constant 0 : index
    %swap3A_799 = tpu.vector_load %arg10[%swap3A_797, %swap3A_798] {strides = array<i32>} : memref<125x16xf32, #tpu.memory_space<vmem>>, vector<1x16xf32>,
    %swap3A_800 = vector.shape_cast %swap3A_799 : vector<1x16xf32> to vector<16xf32>
    %swap3A_801 = vector.shape_cast %broadcast_in_dim3A_795 : vector<16xf32> to vector<1x16xf32>
    tpu.vector_store %arg10[%swap3A_797, %swap3A_798], %swap3A_801 {strides = array<i32>} : memref<125x16xf32, #tpu.memory_space<vmem>>, vector<1x16xf32>,
    %broadcast_in_dim3A_802 = arith.constant 1.000000e+00 : f32
    %broadcast_in_dim3A_803 = vector.broadcast %broadcast_in_dim3A_802 : f32 to vector<16xf32>
    %swap3A_804 = arith.constant 98 : i32
    %swap3A_805 = arith.index_cast %swap3A_804 : i32 to index
    %swap3A_806 = arith.constant 0 : index
    %swap3A_807 = tpu.vector_load %arg10[%swap3A_805, %swap3A_806] {strides = array<i32>} : memref<125x16xf32, #tpu.memory_space<vmem>>, vector<1x16xf32>,
    %swap3A_808 = vector.shape_cast %swap3A_807 : vector<1x16xf32> to vector<16xf32>
    %swap3A_809 = vector.shape_cast %broadcast_in_dim3A_803 : vector<16xf32> to vector<1x16xf32>
    tpu.vector_store %arg10[%swap3A_805, %swap3A_806], %swap3A_809 {strides = array<i32>} : memref<125x16xf32, #tpu.memory_space<vmem>>, vector<1x16xf32>,
    %broadcast_in_dim3A_810 = arith.constant 1.000000e+00 : f32
    %broadcast_in_dim3A_811 = vector.broadcast %broadcast_in_dim3A_810 : f32 to vector<16xf32>
    %swap3A_812 = arith.constant 99 : i32
    %swap3A_813 = arith.index_cast %swap3A_812 : i32 to index
    %swap3A_814 = arith.constant 0 : index
    %swap3A_815 = tpu.vector_load %arg10[%swap3A_813, %swap3A_814] {strides = array<i32>} : memref<125x16xf32, #tpu.memory_space<vmem>>, vector<1x16xf32>,
    %swap3A_816 = vector.shape_cast %swap3A_815 : vector<1x16xf32> to vector<16xf32>
    %swap3A_817 = vector.shape_cast %broadcast_in_dim3A_811 : vector<16xf32> to vector<1x16xf32>
    tpu.vector_store %arg10[%swap3A_813, %swap3A_814], %swap3A_817 {strides = array<i32>} : memref<125x16xf32, #tpu.memory_space<vmem>>, vector<1x16xf32>,
    %broadcast_in_dim3A_818 = arith.constant 1.000000e+00 : f32
    %broadcast_in_dim3A_819 = vector.broadcast %broadcast_in_dim3A_818 : f32 to vector<16xf32>
    %swap3A_820 = arith.constant 100 : i32
    %swap3A_821 = arith.index_cast %swap3A_820 : i32 to index
    %swap3A_822 = arith.constant 0 : index
    %swap3A_823 = tpu.vector_load %arg10[%swap3A_821, %swap3A_822] {strides = array<i32>} : memref<125x16xf32, #tpu.memory_space<vmem>>, vector<1x16xf32>,
    %swap3A_824 = vector.shape_cast %swap3A_823 : vector<1x16xf32> to vector<16xf32>
    %swap3A_825 = vector.shape_cast %broadcast_in_dim3A_819 : vector<16xf32> to vector<1x16xf32>
    tpu.vector_store %arg10[%swap3A_821, %swap3A_822], %swap3A_825 {strides = array<i32>} : memref<125x16xf32, #tpu.memory_space<vmem>>, vector<1x16xf32>,
    %broadcast_in_dim3A_826 = arith.constant 1.000000e+00 : f32
    %broadcast_in_dim3A_827 = vector.broadcast %broadcast_in_dim3A_826 : f32 to vector<16xf32>
    %swap3A_828 = arith.constant 101 : i32
    %swap3A_829 = arith.index_cast %swap3A_828 : i32 to index
    %swap3A_830 = arith.constant 0 : index
    %swap3A_831 = tpu.vector_load %arg10[%swap3A_829, %swap3A_830] {strides = array<i32>} : memref<125x16xf32, #tpu.memory_space<vmem>>, vector<1x16xf32>,
    %swap3A_832 = vector.shape_cast %swap3A_831 : vector<1x16xf32> to vector<16xf32>
    %swap3A_833 = vector.shape_cast %broadcast_in_dim3A_827 : vector<16xf32> to vector<1x16xf32>
    tpu.vector_store %arg10[%swap3A_829, %swap3A_830], %swap3A_833 {strides = array<i32>} : memref<125x16xf32, #tpu.memory_space<vmem>>, vector<1x16xf32>,
    %broadcast_in_dim3A_834 = arith.constant 1.000000e+00 : f32
    %broadcast_in_dim3A_835 = vector.broadcast %broadcast_in_dim3A_834 : f32 to vector<16xf32>
    %swap3A_836 = arith.constant 102 : i32
    %swap3A_837 = arith.index_cast %swap3A_836 : i32 to index
    %swap3A_838 = arith.constant 0 : index
    %swap3A_839 = tpu.vector_load %arg10[%swap3A_837, %swap3A_838] {strides = array<i32>} : memref<125x16xf32, #tpu.memory_space<vmem>>, vector<1x16xf32>,
    %swap3A_840 = vector.shape_cast %swap3A_839 : vector<1x16xf32> to vector<16xf32>
    %swap3A_841 = vector.shape_cast %broadcast_in_dim3A_835 : vector<16xf32> to vector<1x16xf32>
    tpu.vector_store %arg10[%swap3A_837, %swap3A_838], %swap3A_841 {strides = array<i32>} : memref<125x16xf32, #tpu.memory_space<vmem>>, vector<1x16xf32>,
    %broadcast_in_dim3A_842 = arith.constant 1.000000e+00 : f32
    %broadcast_in_dim3A_843 = vector.broadcast %broadcast_in_dim3A_842 : f32 to vector<16xf32>
    %swap3A_844 = arith.constant 103 : i32
    %swap3A_845 = arith.index_cast %swap3A_844 : i32 to index
    %swap3A_846 = arith.constant 0 : index
    %swap3A_847 = tpu.vector_load %arg10[%swap3A_845, %swap3A_846] {strides = array<i32>} : memref<125x16xf32, #tpu.memory_space<vmem>>, vector<1x16xf32>,
    %swap3A_848 = vector.shape_cast %swap3A_847 : vector<1x16xf32> to vector<16xf32>
    %swap3A_849 = vector.shape_cast %broadcast_in_dim3A_843 : vector<16xf32> to vector<1x16xf32>
    tpu.vector_store %arg10[%swap3A_845, %swap3A_846], %swap3A_849 {strides = array<i32>} : memref<125x16xf32, #tpu.memory_space<vmem>>, vector<1x16xf32>,
    %broadcast_in_dim3A_850 = arith.constant 1.000000e+00 : f32
    %broadcast_in_dim3A_851 = vector.broadcast %broadcast_in_dim3A_850 : f32 to vector<16xf32>
    %swap3A_852 = arith.constant 104 : i32
    %swap3A_853 = arith.index_cast %swap3A_852 : i32 to index
    %swap3A_854 = arith.constant 0 : index
    %swap3A_855 = tpu.vector_load %arg10[%swap3A_853, %swap3A_854] {strides = array<i32>} : memref<125x16xf32, #tpu.memory_space<vmem>>, vector<1x16xf32>,
    %swap3A_856 = vector.shape_cast %swap3A_855 : vector<1x16xf32> to vector<16xf32>
    %swap3A_857 = vector.shape_cast %broadcast_in_dim3A_851 : vector<16xf32> to vector<1x16xf32>
    tpu.vector_store %arg10[%swap3A_853, %swap3A_854], %swap3A_857 {strides = array<i32>} : memref<125x16xf32, #tpu.memory_space<vmem>>, vector<1x16xf32>,
    %broadcast_in_dim3A_858 = arith.constant 1.000000e+00 : f32
    %broadcast_in_dim3A_859 = vector.broadcast %broadcast_in_dim3A_858 : f32 to vector<16xf32>
    %swap3A_860 = arith.constant 105 : i32
    %swap3A_861 = arith.index_cast %swap3A_860 : i32 to index
    %swap3A_862 = arith.constant 0 : index
    %swap3A_863 = tpu.vector_load %arg10[%swap3A_861, %swap3A_862] {strides = array<i32>} : memref<125x16xf32, #tpu.memory_space<vmem>>, vector<1x16xf32>,
    %swap3A_864 = vector.shape_cast %swap3A_863 : vector<1x16xf32> to vector<16xf32>
    %swap3A_865 = vector.shape_cast %broadcast_in_dim3A_859 : vector<16xf32> to vector<1x16xf32>
    tpu.vector_store %arg10[%swap3A_861, %swap3A_862], %swap3A_865 {strides = array<i32>} : memref<125x16xf32, #tpu.memory_space<vmem>>, vector<1x16xf32>,
    %broadcast_in_dim3A_866 = arith.constant 1.000000e+00 : f32
    %broadcast_in_dim3A_867 = vector.broadcast %broadcast_in_dim3A_866 : f32 to vector<16xf32>
    %swap3A_868 = arith.constant 106 : i32
    %swap3A_869 = arith.index_cast %swap3A_868 : i32 to index
    %swap3A_870 = arith.constant 0 : index
    %swap3A_871 = tpu.vector_load %arg10[%swap3A_869, %swap3A_870] {strides = array<i32>} : memref<125x16xf32, #tpu.memory_space<vmem>>, vector<1x16xf32>,
    %swap3A_872 = vector.shape_cast %swap3A_871 : vector<1x16xf32> to vector<16xf32>
    %swap3A_873 = vector.shape_cast %broadcast_in_dim3A_867 : vector<16xf32> to vector<1x16xf32>
    tpu.vector_store %arg10[%swap3A_869, %swap3A_870], %swap3A_873 {strides = array<i32>} : memref<125x16xf32, #tpu.memory_space<vmem>>, vector<1x16xf32>,
    %broadcast_in_dim3A_874 = arith.constant 1.000000e+00 : f32
    %broadcast_in_dim3A_875 = vector.broadcast %broadcast_in_dim3A_874 : f32 to vector<16xf32>
    %swap3A_876 = arith.constant 107 : i32
    %swap3A_877 = arith.index_cast %swap3A_876 : i32 to index
    %swap3A_878 = arith.constant 0 : index
    %swap3A_879 = tpu.vector_load %arg10[%swap3A_877, %swap3A_878] {strides = array<i32>} : memref<125x16xf32, #tpu.memory_space<vmem>>, vector<1x16xf32>,
    %swap3A_880 = vector.shape_cast %swap3A_879 : vector<1x16xf32> to vector<16xf32>
    %swap3A_881 = vector.shape_cast %broadcast_in_dim3A_875 : vector<16xf32> to vector<1x16xf32>
    tpu.vector_store %arg10[%swap3A_877, %swap3A_878], %swap3A_881 {strides = array<i32>} : memref<125x16xf32, #tpu.memory_space<vmem>>, vector<1x16xf32>,
    %broadcast_in_dim3A_882 = arith.constant 1.000000e+00 : f32
    %broadcast_in_dim3A_883 = vector.broadcast %broadcast_in_dim3A_882 : f32 to vector<16xf32>
    %swap3A_884 = arith.constant 108 : i32
    %swap3A_885 = arith.index_cast %swap3A_884 : i32 to index
    %swap3A_886 = arith.constant 0 : index
    %swap3A_887 = tpu.vector_load %arg10[%swap3A_885, %swap3A_886] {strides = array<i32>} : memref<125x16xf32, #tpu.memory_space<vmem>>, vector<1x16xf32>,
    %swap3A_888 = vector.shape_cast %swap3A_887 : vector<1x16xf32> to vector<16xf32>
    %swap3A_889 = vector.shape_cast %broadcast_in_dim3A_883 : vector<16xf32> to vector<1x16xf32>
    tpu.vector_store %arg10[%swap3A_885, %swap3A_886], %swap3A_889 {strides = array<i32>} : memref<125x16xf32, #tpu.memory_space<vmem>>, vector<1x16xf32>,
    %broadcast_in_dim3A_890 = arith.constant 1.000000e+00 : f32
    %broadcast_in_dim3A_891 = vector.broadcast %broadcast_in_dim3A_890 : f32 to vector<16xf32>
    %swap3A_892 = arith.constant 109 : i32
    %swap3A_893 = arith.index_cast %swap3A_892 : i32 to index
    %swap3A_894 = arith.constant 0 : index
    %swap3A_895 = tpu.vector_load %arg10[%swap3A_893, %swap3A_894] {strides = array<i32>} : memref<125x16xf32, #tpu.memory_space<vmem>>, vector<1x16xf32>,
    %swap3A_896 = vector.shape_cast %swap3A_895 : vector<1x16xf32> to vector<16xf32>
    %swap3A_897 = vector.shape_cast %broadcast_in_dim3A_891 : vector<16xf32> to vector<1x16xf32>
    tpu.vector_store %arg10[%swap3A_893, %swap3A_894], %swap3A_897 {strides = array<i32>} : memref<125x16xf32, #tpu.memory_space<vmem>>, vector<1x16xf32>,
    %broadcast_in_dim3A_898 = arith.constant 1.000000e+00 : f32
    %broadcast_in_dim3A_899 = vector.broadcast %broadcast_in_dim3A_898 : f32 to vector<16xf32>
    %swap3A_900 = arith.constant 110 : i32
    %swap3A_901 = arith.index_cast %swap3A_900 : i32 to index
    %swap3A_902 = arith.constant 0 : index
    %swap3A_903 = tpu.vector_load %arg10[%swap3A_901, %swap3A_902] {strides = array<i32>} : memref<125x16xf32, #tpu.memory_space<vmem>>, vector<1x16xf32>,
    %swap3A_904 = vector.shape_cast %swap3A_903 : vector<1x16xf32> to vector<16xf32>
    %swap3A_905 = vector.shape_cast %broadcast_in_dim3A_899 : vector<16xf32> to vector<1x16xf32>
    tpu.vector_store %arg10[%swap3A_901, %swap3A_902], %swap3A_905 {strides = array<i32>} : memref<125x16xf32, #tpu.memory_space<vmem>>, vector<1x16xf32>,
    %broadcast_in_dim3A_906 = arith.constant 1.000000e+00 : f32
    %broadcast_in_dim3A_907 = vector.broadcast %broadcast_in_dim3A_906 : f32 to vector<16xf32>
    %swap3A_908 = arith.constant 111 : i32
    %swap3A_909 = arith.index_cast %swap3A_908 : i32 to index
    %swap3A_910 = arith.constant 0 : index
    %swap3A_911 = tpu.vector_load %arg10[%swap3A_909, %swap3A_910] {strides = array<i32>} : memref<125x16xf32, #tpu.memory_space<vmem>>, vector<1x16xf32>,
    %swap3A_912 = vector.shape_cast %swap3A_911 : vector<1x16xf32> to vector<16xf32>
    %swap3A_913 = vector.shape_cast %broadcast_in_dim3A_907 : vector<16xf32> to vector<1x16xf32>
    tpu.vector_store %arg10[%swap3A_909, %swap3A_910], %swap3A_913 {strides = array<i32>} : memref<125x16xf32, #tpu.memory_space<vmem>>, vector<1x16xf32>,
    %broadcast_in_dim3A_914 = arith.constant 1.000000e+00 : f32
    %broadcast_in_dim3A_915 = vector.broadcast %broadcast_in_dim3A_914 : f32 to vector<16xf32>
    %swap3A_916 = arith.constant 112 : i32
    %swap3A_917 = arith.index_cast %swap3A_916 : i32 to index
    %swap3A_918 = arith.constant 0 : index
    %swap3A_919 = tpu.vector_load %arg10[%swap3A_917, %swap3A_918] {strides = array<i32>} : memref<125x16xf32, #tpu.memory_space<vmem>>, vector<1x16xf32>,
    %swap3A_920 = vector.shape_cast %swap3A_919 : vector<1x16xf32> to vector<16xf32>
    %swap3A_921 = vector.shape_cast %broadcast_in_dim3A_915 : vector<16xf32> to vector<1x16xf32>
    tpu.vector_store %arg10[%swap3A_917, %swap3A_918], %swap3A_921 {strides = array<i32>} : memref<125x16xf32, #tpu.memory_space<vmem>>, vector<1x16xf32>,
    %broadcast_in_dim3A_922 = arith.constant 1.000000e+00 : f32
    %broadcast_in_dim3A_923 = vector.broadcast %broadcast_in_dim3A_922 : f32 to vector<16xf32>
    %swap3A_924 = arith.constant 113 : i32
    %swap3A_925 = arith.index_cast %swap3A_924 : i32 to index
    %swap3A_926 = arith.constant 0 : index
    %swap3A_927 = tpu.vector_load %arg10[%swap3A_925, %swap3A_926] {strides = array<i32>} : memref<125x16xf32, #tpu.memory_space<vmem>>, vector<1x16xf32>,
    %swap3A_928 = vector.shape_cast %swap3A_927 : vector<1x16xf32> to vector<16xf32>
    %swap3A_929 = vector.shape_cast %broadcast_in_dim3A_923 : vector<16xf32> to vector<1x16xf32>
    tpu.vector_store %arg10[%swap3A_925, %swap3A_926], %swap3A_929 {strides = array<i32>} : memref<125x16xf32, #tpu.memory_space<vmem>>, vector<1x16xf32>,
    %broadcast_in_dim3A_930 = arith.constant 1.000000e+00 : f32
    %broadcast_in_dim3A_931 = vector.broadcast %broadcast_in_dim3A_930 : f32 to vector<16xf32>
    %swap3A_932 = arith.constant 114 : i32
    %swap3A_933 = arith.index_cast %swap3A_932 : i32 to index
    %swap3A_934 = arith.constant 0 : index
    %swap3A_935 = tpu.vector_load %arg10[%swap3A_933, %swap3A_934] {strides = array<i32>} : memref<125x16xf32, #tpu.memory_space<vmem>>, vector<1x16xf32>,
    %swap3A_936 = vector.shape_cast %swap3A_935 : vector<1x16xf32> to vector<16xf32>
    %swap3A_937 = vector.shape_cast %broadcast_in_dim3A_931 : vector<16xf32> to vector<1x16xf32>
    tpu.vector_store %arg10[%swap3A_933, %swap3A_934], %swap3A_937 {strides = array<i32>} : memref<125x16xf32, #tpu.memory_space<vmem>>, vector<1x16xf32>,
    %broadcast_in_dim3A_938 = arith.constant 1.000000e+00 : f32
    %broadcast_in_dim3A_939 = vector.broadcast %broadcast_in_dim3A_938 : f32 to vector<16xf32>
    %swap3A_940 = arith.constant 115 : i32
    %swap3A_941 = arith.index_cast %swap3A_940 : i32 to index
    %swap3A_942 = arith.constant 0 : index
    %swap3A_943 = tpu.vector_load %arg10[%swap3A_941, %swap3A_942] {strides = array<i32>} : memref<125x16xf32, #tpu.memory_space<vmem>>, vector<1x16xf32>,
    %swap3A_944 = vector.shape_cast %swap3A_943 : vector<1x16xf32> to vector<16xf32>
    %swap3A_945 = vector.shape_cast %broadcast_in_dim3A_939 : vector<16xf32> to vector<1x16xf32>
    tpu.vector_store %arg10[%swap3A_941, %swap3A_942], %swap3A_945 {strides = array<i32>} : memref<125x16xf32, #tpu.memory_space<vmem>>, vector<1x16xf32>,
    %broadcast_in_dim3A_946 = arith.constant 1.000000e+00 : f32
    %broadcast_in_dim3A_947 = vector.broadcast %broadcast_in_dim3A_946 : f32 to vector<16xf32>
    %swap3A_948 = arith.constant 116 : i32
    %swap3A_949 = arith.index_cast %swap3A_948 : i32 to index
    %swap3A_950 = arith.constant 0 : index
    %swap3A_951 = tpu.vector_load %arg10[%swap3A_949, %swap3A_950] {strides = array<i32>} : memref<125x16xf32, #tpu.memory_space<vmem>>, vector<1x16xf32>,
    %swap3A_952 = vector.shape_cast %swap3A_951 : vector<1x16xf32> to vector<16xf32>
    %swap3A_953 = vector.shape_cast %broadcast_in_dim3A_947 : vector<16xf32> to vector<1x16xf32>
    tpu.vector_store %arg10[%swap3A_949, %swap3A_950], %swap3A_953 {strides = array<i32>} : memref<125x16xf32, #tpu.memory_space<vmem>>, vector<1x16xf32>,
    %broadcast_in_dim3A_954 = arith.constant 1.000000e+00 : f32
    %broadcast_in_dim3A_955 = vector.broadcast %broadcast_in_dim3A_954 : f32 to vector<16xf32>
    %swap3A_956 = arith.constant 117 : i32
    %swap3A_957 = arith.index_cast %swap3A_956 : i32 to index
    %swap3A_958 = arith.constant 0 : index
    %swap3A_959 = tpu.vector_load %arg10[%swap3A_957, %swap3A_958] {strides = array<i32>} : memref<125x16xf32, #tpu.memory_space<vmem>>, vector<1x16xf32>,
    %swap3A_960 = vector.shape_cast %swap3A_959 : vector<1x16xf32> to vector<16xf32>
    %swap3A_961 = vector.shape_cast %broadcast_in_dim3A_955 : vector<16xf32> to vector<1x16xf32>
    tpu.vector_store %arg10[%swap3A_957, %swap3A_958], %swap3A_961 {strides = array<i32>} : memref<125x16xf32, #tpu.memory_space<vmem>>, vector<1x16xf32>,
    %broadcast_in_dim3A_962 = arith.constant 1.000000e+00 : f32
    %broadcast_in_dim3A_963 = vector.broadcast %broadcast_in_dim3A_962 : f32 to vector<16xf32>
    %swap3A_964 = arith.constant 118 : i32
    %swap3A_965 = arith.index_cast %swap3A_964 : i32 to index
    %swap3A_966 = arith.constant 0 : index
    %swap3A_967 = tpu.vector_load %arg10[%swap3A_965, %swap3A_966] {strides = array<i32>} : memref<125x16xf32, #tpu.memory_space<vmem>>, vector<1x16xf32>,
    %swap3A_968 = vector.shape_cast %swap3A_967 : vector<1x16xf32> to vector<16xf32>
    %swap3A_969 = vector.shape_cast %broadcast_in_dim3A_963 : vector<16xf32> to vector<1x16xf32>
    tpu.vector_store %arg10[%swap3A_965, %swap3A_966], %swap3A_969 {strides = array<i32>} : memref<125x16xf32, #tpu.memory_space<vmem>>, vector<1x16xf32>,
    %broadcast_in_dim3A_970 = arith.constant 1.000000e+00 : f32
    %broadcast_in_dim3A_971 = vector.broadcast %broadcast_in_dim3A_970 : f32 to vector<16xf32>
    %swap3A_972 = arith.constant 119 : i32
    %swap3A_973 = arith.index_cast %swap3A_972 : i32 to index
    %swap3A_974 = arith.constant 0 : index
    %swap3A_975 = tpu.vector_load %arg10[%swap3A_973, %swap3A_974] {strides = array<i32>} : memref<125x16xf32, #tpu.memory_space<vmem>>, vector<1x16xf32>,
    %swap3A_976 = vector.shape_cast %swap3A_975 : vector<1x16xf32> to vector<16xf32>
    %swap3A_977 = vector.shape_cast %broadcast_in_dim3A_971 : vector<16xf32> to vector<1x16xf32>
    tpu.vector_store %arg10[%swap3A_973, %swap3A_974], %swap3A_977 {strides = array<i32>} : memref<125x16xf32, #tpu.memory_space<vmem>>, vector<1x16xf32>,
    %broadcast_in_dim3A_978 = arith.constant 1.000000e+00 : f32
    %broadcast_in_dim3A_979 = vector.broadcast %broadcast_in_dim3A_978 : f32 to vector<16xf32>
    %swap3A_980 = arith.constant 120 : i32
    %swap3A_981 = arith.index_cast %swap3A_980 : i32 to index
    %swap3A_982 = arith.constant 0 : index
    %swap3A_983 = tpu.vector_load %arg10[%swap3A_981, %swap3A_982] {strides = array<i32>} : memref<125x16xf32, #tpu.memory_space<vmem>>, vector<1x16xf32>,
    %swap3A_984 = vector.shape_cast %swap3A_983 : vector<1x16xf32> to vector<16xf32>
    %swap3A_985 = vector.shape_cast %broadcast_in_dim3A_979 : vector<16xf32> to vector<1x16xf32>
    tpu.vector_store %arg10[%swap3A_981, %swap3A_982], %swap3A_985 {strides = array<i32>} : memref<125x16xf32, #tpu.memory_space<vmem>>, vector<1x16xf32>,
    %broadcast_in_dim3A_986 = arith.constant 1.000000e+00 : f32
    %broadcast_in_dim3A_987 = vector.broadcast %broadcast_in_dim3A_986 : f32 to vector<16xf32>
    %swap3A_988 = arith.constant 121 : i32
    %swap3A_989 = arith.index_cast %swap3A_988 : i32 to index
    %swap3A_990 = arith.constant 0 : index
    %swap3A_991 = tpu.vector_load %arg10[%swap3A_989, %swap3A_990] {strides = array<i32>} : memref<125x16xf32, #tpu.memory_space<vmem>>, vector<1x16xf32>,
    %swap3A_992 = vector.shape_cast %swap3A_991 : vector<1x16xf32> to vector<16xf32>
    %swap3A_993 = vector.shape_cast %broadcast_in_dim3A_987 : vector<16xf32> to vector<1x16xf32>
    tpu.vector_store %arg10[%swap3A_989, %swap3A_990], %swap3A_993 {strides = array<i32>} : memref<125x16xf32, #tpu.memory_space<vmem>>, vector<1x16xf32>,
    %broadcast_in_dim3A_994 = arith.constant 1.000000e+00 : f32
    %broadcast_in_dim3A_995 = vector.broadcast %broadcast_in_dim3A_994 : f32 to vector<16xf32>
    %swap3A_996 = arith.constant 122 : i32
    %swap3A_997 = arith.index_cast %swap3A_996 : i32 to index
    %swap3A_998 = arith.constant 0 : index
    %swap3A_999 = tpu.vector_load %arg10[%swap3A_997, %swap3A_998] {strides = array<i32>} : memref<125x16xf32, #tpu.memory_space<vmem>>, vector<1x16xf32>,
    %swap3A_1000 = vector.shape_cast %swap3A_999 : vector<1x16xf32> to vector<16xf32>
    %swap3A_1001 = vector.shape_cast %broadcast_in_dim3A_995 : vector<16xf32> to vector<1x16xf32>
    tpu.vector_store %arg10[%swap3A_997, %swap3A_998], %swap3A_1001 {strides = array<i32>} : memref<125x16xf32, #tpu.memory_space<vmem>>, vector<1x16xf32>,
    %broadcast_in_dim3A_1002 = arith.constant 1.000000e+00 : f32
    %broadcast_in_dim3A_1003 = vector.broadcast %broadcast_in_dim3A_1002 : f32 to vector<16xf32>
    %swap3A_1004 = arith.constant 123 : i32
    %swap3A_1005 = arith.index_cast %swap3A_1004 : i32 to index
    %swap3A_1006 = arith.constant 0 : index
    %swap3A_1007 = tpu.vector_load %arg10[%swap3A_1005, %swap3A_1006] {strides = array<i32>} : memref<125x16xf32, #tpu.memory_space<vmem>>, vector<1x16xf32>,
    %swap3A_1008 = vector.shape_cast %swap3A_1007 : vector<1x16xf32> to vector<16xf32>
    %swap3A_1009 = vector.shape_cast %broadcast_in_dim3A_1003 : vector<16xf32> to vector<1x16xf32>
    tpu.vector_store %arg10[%swap3A_1005, %swap3A_1006], %swap3A_1009 {strides = array<i32>} : memref<125x16xf32, #tpu.memory_space<vmem>>, vector<1x16xf32>,
    %broadcast_in_dim3A_1010 = arith.constant 1.000000e+00 : f32
    %broadcast_in_dim3A_1011 = vector.broadcast %broadcast_in_dim3A_1010 : f32 to vector<16xf32>
    %swap3A_1012 = arith.constant 124 : i32
    %swap3A_1013 = arith.index_cast %swap3A_1012 : i32 to index
    %swap3A_1014 = arith.constant 0 : index
    %swap3A_1015 = tpu.vector_load %arg10[%swap3A_1013, %swap3A_1014] {strides = array<i32>} : memref<125x16xf32, #tpu.memory_space<vmem>>, vector<1x16xf32>,
    %swap3A_1016 = vector.shape_cast %swap3A_1015 : vector<1x16xf32> to vector<16xf32>
    %swap3A_1017 = vector.shape_cast %broadcast_in_dim3A_1011 : vector<16xf32> to vector<1x16xf32>
    tpu.vector_store %arg10[%swap3A_1013, %swap3A_1014], %swap3A_1017 {strides = array<i32>} : memref<125x16xf32, #tpu.memory_space<vmem>>, vector<1x16xf32>,
    %dma_wait3A = arith.constant 0 : i32
    %dma_wait3A_1018 = tpu.memref_slice %arg6[%mul3A_0, %dma_wait3A] : memref<10000x16xf32, #tpu.memory_space<vmem_shared>> -> memref<625x16xf32, #tpu.memory_space<vmem_shared>>
    %dma_wait3A_1019 = arith.constant 0 : i32
    %dma_wait3A_1020 = tpu.memref_slice %arg4[%mul3A_0, %dma_wait3A_1019] : memref<10000x16xf32, #tpu.memory_space<hbm>> -> memref<625x16xf32, #tpu.memory_space<hbm>>
    tpu.wait_dma2 semaphore(%arg11 : memref<!tpu.dma_semaphore, #tpu.memory_space<semaphore_mem>>) src(%dma_wait3A_1020 : memref<625x16xf32, #tpu.memory_space<hbm>>) dst(%dma_wait3A_1018 : memref<625x16xf32, #tpu.memory_space<vmem_shared>>)
    %dma_wait3A_1021 = arith.constant 0 : i32
    %dma_wait3A_1022 = tpu.memref_slice %arg7[%mul3A_0, %dma_wait3A_1021] : memref<10000x16xf32, #tpu.memory_space<vmem_shared>> -> memref<625x16xf32, #tpu.memory_space<vmem_shared>>
    %dma_wait3A_1023 = arith.constant 0 : i32
    %dma_wait3A_1024 = tpu.memref_slice %arg4[%mul3A_0, %dma_wait3A_1023] : memref<10000x16xf32, #tpu.memory_space<hbm>> -> memref<625x16xf32, #tpu.memory_space<hbm>>
    tpu.wait_dma2 semaphore(%arg12 : memref<!tpu.dma_semaphore, #tpu.memory_space<semaphore_mem>>) src(%dma_wait3A_1024 : memref<625x16xf32, #tpu.memory_space<hbm>>) dst(%dma_wait3A_1022 : memref<625x16xf32, #tpu.memory_space<vmem_shared>>)
    %dma_wait3A_1025 = arith.constant 0 : i32
    %dma_wait3A_1026 = tpu.memref_slice %arg2[%mul3A_4, %dma_wait3A_1025] : memref<2560x125xi32, #tpu.memory_space<hbm>> -> memref<80x125xi32, #tpu.memory_space<hbm>>
    %dma_wait3A_1027 = arith.constant 0 : i32
    %dma_wait3A_1028 = tpu.memref_slice %arg2[%mul3A_4, %dma_wait3A_1027] : memref<2560x125xi32, #tpu.memory_space<hbm>> -> memref<80x125xi32, #tpu.memory_space<hbm>>
    tpu.wait_dma2 semaphore(%arg11 : memref<!tpu.dma_semaphore, #tpu.memory_space<semaphore_mem>>) src(%dma_wait3A_1028 : memref<80x125xi32, #tpu.memory_space<hbm>>) dst(%arg8 : memref<80x125xi32, #tpu.memory_space<vmem>>)
    %dma_wait3A_1029 = arith.constant 0 : i32
    %dma_wait3A_1030 = tpu.memref_slice %arg3[%mul3A_4, %dma_wait3A_1029] : memref<2560x125xi32, #tpu.memory_space<hbm>> -> memref<80x125xi32, #tpu.memory_space<hbm>>
    %dma_wait3A_1031 = arith.constant 0 : i32
    %dma_wait3A_1032 = tpu.memref_slice %arg3[%mul3A_4, %dma_wait3A_1031] : memref<2560x125xi32, #tpu.memory_space<hbm>> -> memref<80x125xi32, #tpu.memory_space<hbm>>
    tpu.wait_dma2 semaphore(%arg12 : memref<!tpu.dma_semaphore, #tpu.memory_space<semaphore_mem>>) src(%dma_wait3A_1032 : memref<80x125xi32, #tpu.memory_space<hbm>>) dst(%arg9 : memref<80x125xi32, #tpu.memory_space<vmem>>)
    %barrier3A = arith.constant 0 : index
    tpu.barrier barrier_id(%barrier3A)
    %scan3A = arith.constant 0 : i32
    %scan3A_1033 = arith.constant 0 : i32
    %scan3A_1034 = arith.constant 80 : i32
    %scan3A_1035 = arith.addi %scan3A_1033, %scan3A_1034 : i32
    %scan3A_1036 = arith.constant 1 : i32
    scf.for %scan3A_1046 = %scan3A_1033 to %scan3A_1035 step %scan3A_1036  : i32 {
      %dma_start3A_1047 = arith.constant 0 : i32
      %dma_start3A_1048 = tpu.memref_slice %arg8[%scan3A_1046, %dma_start3A_1047] : memref<80x125xi32, #tpu.memory_space<vmem>> -> memref<1x125xi32, #tpu.memory_space<vmem>>
      %dma_start3A_1049 = tpu.memref_squeeze %dma_start3A_1048 : memref<1x125xi32, #tpu.memory_space<vmem>> -> memref<125xi32, #tpu.memory_space<vmem>>
      %dma_start3A_1050 = arith.constant 0 : i32
      %dma_start3A_1051 = arith.constant 0 : i32
      %dma_start3A_1052 = tpu.memref_slice %arg6[%dma_start3A_1050, %dma_start3A_1051] : memref<10000x16xf32, #tpu.memory_space<vmem_shared>> -> memref<10000x16xf32, #tpu.memory_space<vmem_shared>>
      tpu.enqueue_indirect_dma source(%arg10 : memref<125x16xf32, #tpu.memory_space<vmem>>) target(%dma_start3A_1052 : memref<10000x16xf32, #tpu.memory_space<vmem_shared>>) offsets(%dma_start3A_1049 : memref<125xi32, #tpu.memory_space<vmem>>) semaphore(%arg11 : memref<!tpu.dma_semaphore, #tpu.memory_space<semaphore_mem>>) {add = true}
      %dma_start3A_1053 = arith.constant 0 : i32
      %dma_start3A_1054 = tpu.memref_slice %arg9[%scan3A_1046, %dma_start3A_1053] : memref<80x125xi32, #tpu.memory_space<vmem>> -> memref<1x125xi32, #tpu.memory_space<vmem>>
      %dma_start3A_1055 = tpu.memref_squeeze %dma_start3A_1054 : memref<1x125xi32, #tpu.memory_space<vmem>> -> memref<125xi32, #tpu.memory_space<vmem>>
      %dma_start3A_1056 = arith.constant 0 : i32
      %dma_start3A_1057 = arith.constant 0 : i32
      %dma_start3A_1058 = tpu.memref_slice %arg7[%dma_start3A_1056, %dma_start3A_1057] : memref<10000x16xf32, #tpu.memory_space<vmem_shared>> -> memref<10000x16xf32, #tpu.memory_space<vmem_shared>>
      tpu.enqueue_indirect_dma source(%arg10 : memref<125x16xf32, #tpu.memory_space<vmem>>) target(%dma_start3A_1058 : memref<10000x16xf32, #tpu.memory_space<vmem_shared>>) offsets(%dma_start3A_1055 : memref<125xi32, #tpu.memory_space<vmem>>) semaphore(%arg12 : memref<!tpu.dma_semaphore, #tpu.memory_space<semaphore_mem>>) {add = true}
      %ge3A = arith.constant 8 : i32
      %ge3A_1059 = arith.cmpi sge, %scan3A_1046, %ge3A : i32
      %convert_element_type3A = arith.extui %ge3A_1059 : i1 to i32
      %cond3A = arith.constant 0 : i32
      %cond3A_1060 = arith.cmpi ne, %convert_element_type3A, %cond3A : i32
      scf.if %cond3A_1060 {
        %sub3A = arith.constant 8 : i32
        %sub3A_1061 = arith.subi %scan3A_1046, %sub3A : i32
        %dma_wait3A_1062 = arith.constant 0 : i32
        %dma_wait3A_1063 = tpu.memref_slice %arg8[%sub3A_1061, %dma_wait3A_1062] : memref<80x125xi32, #tpu.memory_space<vmem>> -> memref<1x125xi32, #tpu.memory_space<vmem>>
        %dma_wait3A_1064 = tpu.memref_squeeze %dma_wait3A_1063 : memref<1x125xi32, #tpu.memory_space<vmem>> -> memref<125xi32, #tpu.memory_space<vmem>>
        %dma_wait3A_1065 = arith.constant 0 : i32
        %dma_wait3A_1066 = arith.constant 0 : i32
        %dma_wait3A_1067 = tpu.memref_slice %arg6[%dma_wait3A_1065, %dma_wait3A_1066] : memref<10000x16xf32, #tpu.memory_space<vmem_shared>> -> memref<10000x16xf32, #tpu.memory_space<vmem_shared>>
        tpu.wait_indirect_dma semaphore(%arg11 : memref<!tpu.dma_semaphore, #tpu.memory_space<semaphore_mem>>) src(%arg10 : memref<125x16xf32, #tpu.memory_space<vmem>>) dst(%dma_wait3A_1067 : memref<10000x16xf32, #tpu.memory_space<vmem_shared>>)
        %sub3A_1068 = arith.constant 8 : i32
        %sub3A_1069 = arith.subi %scan3A_1046, %sub3A_1068 : i32
        %dma_wait3A_1070 = arith.constant 0 : i32
        %dma_wait3A_1071 = tpu.memref_slice %arg9[%sub3A_1069, %dma_wait3A_1070] : memref<80x125xi32, #tpu.memory_space<vmem>> -> memref<1x125xi32, #tpu.memory_space<vmem>>
        %dma_wait3A_1072 = tpu.memref_squeeze %dma_wait3A_1071 : memref<1x125xi32, #tpu.memory_space<vmem>> -> memref<125xi32, #tpu.memory_space<vmem>>
        %dma_wait3A_1073 = arith.constant 0 : i32
        %dma_wait3A_1074 = arith.constant 0 : i32
        %dma_wait3A_1075 = tpu.memref_slice %arg7[%dma_wait3A_1073, %dma_wait3A_1074] : memref<10000x16xf32, #tpu.memory_space<vmem_shared>> -> memref<10000x16xf32, #tpu.memory_space<vmem_shared>>
        tpu.wait_indirect_dma semaphore(%arg12 : memref<!tpu.dma_semaphore, #tpu.memory_space<semaphore_mem>>) src(%arg10 : memref<125x16xf32, #tpu.memory_space<vmem>>) dst(%dma_wait3A_1075 : memref<10000x16xf32, #tpu.memory_space<vmem_shared>>)
      } else {
      }
    }
    %scan3A_1037 = arith.constant 80 : i32
    %scan3A_1038 = arith.constant 0 : i32
    %scan3A_1039 = arith.constant 72 : i32
    %scan3A_1040 = arith.constant 8 : i32
    %scan3A_1041 = arith.addi %scan3A_1039, %scan3A_1040 : i32
    %scan3A_1042 = arith.constant 1 : i32
    scf.for %scan3A_1046 = %scan3A_1039 to %scan3A_1041 step %scan3A_1042  : i32 {
      %dma_wait3A_1047 = arith.constant 0 : i32
      %dma_wait3A_1048 = tpu.memref_slice %arg8[%scan3A_1046, %dma_wait3A_1047] : memref<80x125xi32, #tpu.memory_space<vmem>> -> memref<1x125xi32, #tpu.memory_space<vmem>>
      %dma_wait3A_1049 = tpu.memref_squeeze %dma_wait3A_1048 : memref<1x125xi32, #tpu.memory_space<vmem>> -> memref<125xi32, #tpu.memory_space<vmem>>
      %dma_wait3A_1050 = arith.constant 0 : i32
      %dma_wait3A_1051 = arith.constant 0 : i32
      %dma_wait3A_1052 = tpu.memref_slice %arg6[%dma_wait3A_1050, %dma_wait3A_1051] : memref<10000x16xf32, #tpu.memory_space<vmem_shared>> -> memref<10000x16xf32, #tpu.memory_space<vmem_shared>>
      tpu.wait_indirect_dma semaphore(%arg11 : memref<!tpu.dma_semaphore, #tpu.memory_space<semaphore_mem>>) src(%arg10 : memref<125x16xf32, #tpu.memory_space<vmem>>) dst(%dma_wait3A_1052 : memref<10000x16xf32, #tpu.memory_space<vmem_shared>>)
      %dma_wait3A_1053 = arith.constant 0 : i32
      %dma_wait3A_1054 = tpu.memref_slice %arg9[%scan3A_1046, %dma_wait3A_1053] : memref<80x125xi32, #tpu.memory_space<vmem>> -> memref<1x125xi32, #tpu.memory_space<vmem>>
      %dma_wait3A_1055 = tpu.memref_squeeze %dma_wait3A_1054 : memref<1x125xi32, #tpu.memory_space<vmem>> -> memref<125xi32, #tpu.memory_space<vmem>>
      %dma_wait3A_1056 = arith.constant 0 : i32
      %dma_wait3A_1057 = arith.constant 0 : i32
      %dma_wait3A_1058 = tpu.memref_slice %arg7[%dma_wait3A_1056, %dma_wait3A_1057] : memref<10000x16xf32, #tpu.memory_space<vmem_shared>> -> memref<10000x16xf32, #tpu.memory_space<vmem_shared>>
      tpu.wait_indirect_dma semaphore(%arg12 : memref<!tpu.dma_semaphore, #tpu.memory_space<semaphore_mem>>) src(%arg10 : memref<125x16xf32, #tpu.memory_space<vmem>>) dst(%dma_wait3A_1058 : memref<10000x16xf32, #tpu.memory_space<vmem_shared>>)
    }
    %scan3A_1043 = arith.constant 8 : i32
    %barrier3A_1044 = arith.constant 0 : index
    tpu.barrier barrier_id(%barrier3A_1044)
    %run_scoped3A = arith.constant 0 : i32
    "tpu.region"() ({
      %run_scoped3A_1046 = tpu.sem_alloc : memref<!tpu.dma_semaphore, #tpu.memory_space<semaphore_mem>>
      %dma_start3A_1047 = arith.constant 0 : i32
      %dma_start3A_1048 = tpu.memref_slice %arg5[%arg0, %run_scoped3A, %mul3A_0, %dma_start3A_1047] : memref<2x2x10000x16xf32, #tpu.memory_space<hbm>> -> memref<1x1x625x16xf32, #tpu.memory_space<hbm>>
      %dma_start3A_1049 = tpu.memref_squeeze %dma_start3A_1048 : memref<1x1x625x16xf32, #tpu.memory_space<hbm>> -> memref<625x16xf32, #tpu.memory_space<hbm>>
      %dma_start3A_1050 = arith.constant 0 : i32
      %dma_start3A_1051 = tpu.memref_slice %arg6[%mul3A_0, %dma_start3A_1050] : memref<10000x16xf32, #tpu.memory_space<vmem_shared>> -> memref<625x16xf32, #tpu.memory_space<vmem_shared>>
      tpu.enqueue_dma source(%dma_start3A_1051 : memref<625x16xf32, #tpu.memory_space<vmem_shared>>) target(%dma_start3A_1049 : memref<625x16xf32, #tpu.memory_space<hbm>>) target_semaphore(%run_scoped3A_1046 : memref<!tpu.dma_semaphore, #tpu.memory_space<semaphore_mem>>)
      %dma_wait3A_1052 = arith.constant 0 : i32
      %dma_wait3A_1053 = tpu.memref_slice %arg5[%arg0, %run_scoped3A, %mul3A_0, %dma_wait3A_1052] : memref<2x2x10000x16xf32, #tpu.memory_space<hbm>> -> memref<1x1x625x16xf32, #tpu.memory_space<hbm>>
      %dma_wait3A_1054 = tpu.memref_squeeze %dma_wait3A_1053 : memref<1x1x625x16xf32, #tpu.memory_space<hbm>> -> memref<625x16xf32, #tpu.memory_space<hbm>>
      %dma_wait3A_1055 = arith.constant 0 : i32
      %dma_wait3A_1056 = tpu.memref_slice %arg6[%mul3A_0, %dma_wait3A_1055] : memref<10000x16xf32, #tpu.memory_space<vmem_shared>> -> memref<625x16xf32, #tpu.memory_space<vmem_shared>>
      tpu.wait_dma2 semaphore(%run_scoped3A_1046 : memref<!tpu.dma_semaphore, #tpu.memory_space<semaphore_mem>>) src(%dma_wait3A_1056 : memref<625x16xf32, #tpu.memory_space<vmem_shared>>) dst(%dma_wait3A_1054 : memref<625x16xf32, #tpu.memory_space<hbm>>)
      tpu.yield
    }) : () -> ()
    %run_scoped3A_1045 = arith.constant 1 : i32
    "tpu.region"() ({
      %run_scoped3A_1046 = tpu.sem_alloc : memref<!tpu.dma_semaphore, #tpu.memory_space<semaphore_mem>>
      %dma_start3A_1047 = arith.constant 0 : i32
      %dma_start3A_1048 = tpu.memref_slice %arg5[%arg0, %run_scoped3A_1045, %mul3A_0, %dma_start3A_1047] : memref<2x2x10000x16xf32, #tpu.memory_space<hbm>> -> memref<1x1x625x16xf32, #tpu.memory_space<hbm>>
      %dma_start3A_1049 = tpu.memref_squeeze %dma_start3A_1048 : memref<1x1x625x16xf32, #tpu.memory_space<hbm>> -> memref<625x16xf32, #tpu.memory_space<hbm>>
      %dma_start3A_1050 = arith.constant 0 : i32
      %dma_start3A_1051 = tpu.memref_slice %arg7[%mul3A_0, %dma_start3A_1050] : memref<10000x16xf32, #tpu.memory_space<vmem_shared>> -> memref<625x16xf32, #tpu.memory_space<vmem_shared>>
      tpu.enqueue_dma source(%dma_start3A_1051 : memref<625x16xf32, #tpu.memory_space<vmem_shared>>) target(%dma_start3A_1049 : memref<625x16xf32, #tpu.memory_space<hbm>>) target_semaphore(%run_scoped3A_1046 : memref<!tpu.dma_semaphore, #tpu.memory_space<semaphore_mem>>)
      %dma_wait3A_1052 = arith.constant 0 : i32
      %dma_wait3A_1053 = tpu.memref_slice %arg5[%arg0, %run_scoped3A_1045, %mul3A_0, %dma_wait3A_1052] : memref<2x2x10000x16xf32, #tpu.memory_space<hbm>> -> memref<1x1x625x16xf32, #tpu.memory_space<hbm>>
      %dma_wait3A_1054 = tpu.memref_squeeze %dma_wait3A_1053 : memref<1x1x625x16xf32, #tpu.memory_space<hbm>> -> memref<625x16xf32, #tpu.memory_space<hbm>>
      %dma_wait3A_1055 = arith.constant 0 : i32
      %dma_wait3A_1056 = tpu.memref_slice %arg7[%mul3A_0, %dma_wait3A_1055] : memref<10000x16xf32, #tpu.memory_space<vmem_shared>> -> memref<625x16xf32, #tpu.memory_space<vmem_shared>>
      tpu.wait_dma2 semaphore(%run_scoped3A_1046 : memref<!tpu.dma_semaphore, #tpu.memory_space<semaphore_mem>>) src(%dma_wait3A_1056 : memref<625x16xf32, #tpu.memory_space<vmem_shared>>) dst(%dma_wait3A_1054 : memref<625x16xf32, #tpu.memory_space<hbm>>)
      tpu.yield
    }) : () -> ()
    return
  }
}

#map = affine_map<(d0, d1) -> (0, 0)>
#map1 = affine_map<(d0, d1) -> (0, 0, 0)>
module attributes {stable_mosaic.version = 14 : i64} {
  func.func @k(%arg0: i32, %arg1: i32, %arg2: memref<10000x128xf32, #tpu.memory_space<hbm>>, %arg3: memref<8000x40xi32, #tpu.memory_space<hbm>>, %arg4: memref<8000x40xi32, #tpu.memory_space<hbm>>, %arg5: memref<10000x128xf32, #tpu.memory_space<hbm>>, %arg6: memref<2x10000x128xf32, #tpu.memory_space<hbm>>, %arg7: memref<10000x128xf32, #tpu.memory_space<vmem_shared>>, %arg8: memref<250x40xi32, #tpu.memory_space<vmem>>, %arg9: memref<250x40xi32, #tpu.memory_space<vmem>>, %arg10: memref<40x128xf32, #tpu.memory_space<vmem>>, %arg11: memref<40x128xf32, #tpu.memory_space<vmem>>, %arg12: memref<40x128xf32, #tpu.memory_space<vmem>>, %arg13: memref<40x128xf32, #tpu.memory_space<vmem>>, %arg14: memref<40x128xf32, #tpu.memory_space<vmem>>, %arg15: memref<40x128xf32, #tpu.memory_space<vmem>>, %arg16: memref<6x!tpu.dma_semaphore, #tpu.memory_space<semaphore_mem>>, %arg17: memref<6x!tpu.dma_semaphore, #tpu.memory_space<semaphore_mem>>) attributes {dimension_semantics = [#tpu.dimension_semantics<core_parallel>, #tpu.dimension_semantics<subcore_parallel>], iteration_bounds = array<i64: 2, 16>, scalar_prefetch = 0 : i64, scratch_operands = 11 : i64, tpu.core_type = #tpu.core_type<sc_vector_subcore>, window_params = [{transform_indices = #map}, {transform_indices = #map}, {transform_indices = #map}, {transform_indices = #map}, {transform_indices = #map1}]} {
    %mul3A = arith.constant 625 : i32
    %mul3A_0 = arith.muli %arg1, %mul3A : i32
    %mul3A_1 = arith.constant 16 : i32
    %mul3A_2 = arith.muli %arg0, %mul3A_1 : i32
    %add3A = arith.addi %mul3A_2, %arg1 : i32
    %mul3A_3 = arith.constant 250 : i32
    %mul3A_4 = arith.muli %add3A, %mul3A_3 : i32
    %dma_start3A = arith.constant 0 : i32
    %dma_start3A_5 = tpu.memref_slice %arg16[%dma_start3A] : memref<6x!tpu.dma_semaphore, #tpu.memory_space<semaphore_mem>> -> memref<1x!tpu.dma_semaphore, #tpu.memory_space<semaphore_mem>>
    %dma_start3A_6 = tpu.memref_squeeze %dma_start3A_5 : memref<1x!tpu.dma_semaphore, #tpu.memory_space<semaphore_mem>> -> memref<!tpu.dma_semaphore, #tpu.memory_space<semaphore_mem>>
    %dma_start3A_7 = arith.constant 0 : i32
    %dma_start3A_8 = tpu.memref_slice %arg7[%mul3A_0, %dma_start3A_7] : memref<10000x128xf32, #tpu.memory_space<vmem_shared>> -> memref<625x128xf32, #tpu.memory_space<vmem_shared>>
    %dma_start3A_9 = arith.constant 0 : i32
    %dma_start3A_10 = tpu.memref_slice %arg5[%mul3A_0, %dma_start3A_9] : memref<10000x128xf32, #tpu.memory_space<hbm>> -> memref<625x128xf32, #tpu.memory_space<hbm>>
    tpu.enqueue_dma source(%dma_start3A_10 : memref<625x128xf32, #tpu.memory_space<hbm>>) target(%dma_start3A_8 : memref<625x128xf32, #tpu.memory_space<vmem_shared>>) target_semaphore(%dma_start3A_6 : memref<!tpu.dma_semaphore, #tpu.memory_space<semaphore_mem>>)
    %dma_start3A_11 = arith.constant 1 : i32
    %dma_start3A_12 = arith.constant 0 : i32
    %dma_start3A_13 = tpu.memref_slice %arg3[%mul3A_4, %dma_start3A_12] : memref<8000x40xi32, #tpu.memory_space<hbm>> -> memref<250x40xi32, #tpu.memory_space<hbm>>
    %dma_start3A_14 = tpu.memref_slice %arg16[%dma_start3A_11] : memref<6x!tpu.dma_semaphore, #tpu.memory_space<semaphore_mem>> -> memref<1x!tpu.dma_semaphore, #tpu.memory_space<semaphore_mem>>
    %dma_start3A_15 = tpu.memref_squeeze %dma_start3A_14 : memref<1x!tpu.dma_semaphore, #tpu.memory_space<semaphore_mem>> -> memref<!tpu.dma_semaphore, #tpu.memory_space<semaphore_mem>>
    %dma_start3A_16 = arith.constant 0 : i32
    %dma_start3A_17 = tpu.memref_slice %arg3[%mul3A_4, %dma_start3A_16] : memref<8000x40xi32, #tpu.memory_space<hbm>> -> memref<250x40xi32, #tpu.memory_space<hbm>>
    tpu.enqueue_dma source(%dma_start3A_17 : memref<250x40xi32, #tpu.memory_space<hbm>>) target(%arg8 : memref<250x40xi32, #tpu.memory_space<vmem>>) target_semaphore(%dma_start3A_15 : memref<!tpu.dma_semaphore, #tpu.memory_space<semaphore_mem>>)
    %dma_start3A_18 = arith.constant 2 : i32
    %dma_start3A_19 = arith.constant 0 : i32
    %dma_start3A_20 = tpu.memref_slice %arg4[%mul3A_4, %dma_start3A_19] : memref<8000x40xi32, #tpu.memory_space<hbm>> -> memref<250x40xi32, #tpu.memory_space<hbm>>
    %dma_start3A_21 = tpu.memref_slice %arg16[%dma_start3A_18] : memref<6x!tpu.dma_semaphore, #tpu.memory_space<semaphore_mem>> -> memref<1x!tpu.dma_semaphore, #tpu.memory_space<semaphore_mem>>
    %dma_start3A_22 = tpu.memref_squeeze %dma_start3A_21 : memref<1x!tpu.dma_semaphore, #tpu.memory_space<semaphore_mem>> -> memref<!tpu.dma_semaphore, #tpu.memory_space<semaphore_mem>>
    %dma_start3A_23 = arith.constant 0 : i32
    %dma_start3A_24 = tpu.memref_slice %arg4[%mul3A_4, %dma_start3A_23] : memref<8000x40xi32, #tpu.memory_space<hbm>> -> memref<250x40xi32, #tpu.memory_space<hbm>>
    tpu.enqueue_dma source(%dma_start3A_24 : memref<250x40xi32, #tpu.memory_space<hbm>>) target(%arg9 : memref<250x40xi32, #tpu.memory_space<vmem>>) target_semaphore(%dma_start3A_22 : memref<!tpu.dma_semaphore, #tpu.memory_space<semaphore_mem>>)
    %dma_wait3A = arith.constant 0 : i32
    %dma_wait3A_25 = tpu.memref_slice %arg16[%dma_wait3A] : memref<6x!tpu.dma_semaphore, #tpu.memory_space<semaphore_mem>> -> memref<1x!tpu.dma_semaphore, #tpu.memory_space<semaphore_mem>>
    %dma_wait3A_26 = tpu.memref_squeeze %dma_wait3A_25 : memref<1x!tpu.dma_semaphore, #tpu.memory_space<semaphore_mem>> -> memref<!tpu.dma_semaphore, #tpu.memory_space<semaphore_mem>>
    %dma_wait3A_27 = arith.constant 0 : i32
    %dma_wait3A_28 = tpu.memref_slice %arg7[%mul3A_0, %dma_wait3A_27] : memref<10000x128xf32, #tpu.memory_space<vmem_shared>> -> memref<625x128xf32, #tpu.memory_space<vmem_shared>>
    %dma_wait3A_29 = arith.constant 0 : i32
    %dma_wait3A_30 = tpu.memref_slice %arg5[%mul3A_0, %dma_wait3A_29] : memref<10000x128xf32, #tpu.memory_space<hbm>> -> memref<625x128xf32, #tpu.memory_space<hbm>>
    tpu.wait_dma2 semaphore(%dma_wait3A_26 : memref<!tpu.dma_semaphore, #tpu.memory_space<semaphore_mem>>) src(%dma_wait3A_30 : memref<625x128xf32, #tpu.memory_space<hbm>>) dst(%dma_wait3A_28 : memref<625x128xf32, #tpu.memory_space<vmem_shared>>)
    %dma_wait3A_31 = arith.constant 1 : i32
    %dma_wait3A_32 = arith.constant 0 : i32
    %dma_wait3A_33 = tpu.memref_slice %arg3[%mul3A_4, %dma_wait3A_32] : memref<8000x40xi32, #tpu.memory_space<hbm>> -> memref<250x40xi32, #tpu.memory_space<hbm>>
    %dma_wait3A_34 = tpu.memref_slice %arg16[%dma_wait3A_31] : memref<6x!tpu.dma_semaphore, #tpu.memory_space<semaphore_mem>> -> memref<1x!tpu.dma_semaphore, #tpu.memory_space<semaphore_mem>>
    %dma_wait3A_35 = tpu.memref_squeeze %dma_wait3A_34 : memref<1x!tpu.dma_semaphore, #tpu.memory_space<semaphore_mem>> -> memref<!tpu.dma_semaphore, #tpu.memory_space<semaphore_mem>>
    %dma_wait3A_36 = arith.constant 0 : i32
    %dma_wait3A_37 = tpu.memref_slice %arg3[%mul3A_4, %dma_wait3A_36] : memref<8000x40xi32, #tpu.memory_space<hbm>> -> memref<250x40xi32, #tpu.memory_space<hbm>>
    tpu.wait_dma2 semaphore(%dma_wait3A_35 : memref<!tpu.dma_semaphore, #tpu.memory_space<semaphore_mem>>) src(%dma_wait3A_37 : memref<250x40xi32, #tpu.memory_space<hbm>>) dst(%arg8 : memref<250x40xi32, #tpu.memory_space<vmem>>)
    %dma_wait3A_38 = arith.constant 2 : i32
    %dma_wait3A_39 = arith.constant 0 : i32
    %dma_wait3A_40 = tpu.memref_slice %arg4[%mul3A_4, %dma_wait3A_39] : memref<8000x40xi32, #tpu.memory_space<hbm>> -> memref<250x40xi32, #tpu.memory_space<hbm>>
    %dma_wait3A_41 = tpu.memref_slice %arg16[%dma_wait3A_38] : memref<6x!tpu.dma_semaphore, #tpu.memory_space<semaphore_mem>> -> memref<1x!tpu.dma_semaphore, #tpu.memory_space<semaphore_mem>>
    %dma_wait3A_42 = tpu.memref_squeeze %dma_wait3A_41 : memref<1x!tpu.dma_semaphore, #tpu.memory_space<semaphore_mem>> -> memref<!tpu.dma_semaphore, #tpu.memory_space<semaphore_mem>>
    %dma_wait3A_43 = arith.constant 0 : i32
    %dma_wait3A_44 = tpu.memref_slice %arg4[%mul3A_4, %dma_wait3A_43] : memref<8000x40xi32, #tpu.memory_space<hbm>> -> memref<250x40xi32, #tpu.memory_space<hbm>>
    tpu.wait_dma2 semaphore(%dma_wait3A_42 : memref<!tpu.dma_semaphore, #tpu.memory_space<semaphore_mem>>) src(%dma_wait3A_44 : memref<250x40xi32, #tpu.memory_space<hbm>>) dst(%arg9 : memref<250x40xi32, #tpu.memory_space<vmem>>)
    %barrier3A = arith.constant 0 : index
    tpu.barrier barrier_id(%barrier3A)
    %dma_start3A_45 = arith.constant 0 : i32
    %dma_start3A_46 = arith.constant 0 : i32
    %dma_start3A_47 = arith.constant 0 : i32
    %dma_start3A_48 = tpu.memref_slice %arg8[%dma_start3A_45, %dma_start3A_47] : memref<250x40xi32, #tpu.memory_space<vmem>> -> memref<1x40xi32, #tpu.memory_space<vmem>>
    %dma_start3A_49 = tpu.memref_squeeze %dma_start3A_48 : memref<1x40xi32, #tpu.memory_space<vmem>> -> memref<40xi32, #tpu.memory_space<vmem>>
    %dma_start3A_50 = arith.constant 0 : i32
    %dma_start3A_51 = arith.constant 0 : i32
    %dma_start3A_52 = tpu.memref_slice %arg2[%dma_start3A_50, %dma_start3A_51] : memref<10000x128xf32, #tpu.memory_space<hbm>> -> memref<10000x128xf32, #tpu.memory_space<hbm>>
    %dma_start3A_53 = tpu.memref_slice %arg16[%dma_start3A_46] : memref<6x!tpu.dma_semaphore, #tpu.memory_space<semaphore_mem>> -> memref<1x!tpu.dma_semaphore, #tpu.memory_space<semaphore_mem>>
    %dma_start3A_54 = tpu.memref_squeeze %dma_start3A_53 : memref<1x!tpu.dma_semaphore, #tpu.memory_space<semaphore_mem>> -> memref<!tpu.dma_semaphore, #tpu.memory_space<semaphore_mem>>
    tpu.enqueue_indirect_dma source(%dma_start3A_52 : memref<10000x128xf32, #tpu.memory_space<hbm>>) target(%arg10 : memref<40x128xf32, #tpu.memory_space<vmem>>) offsets(%dma_start3A_49 : memref<40xi32, #tpu.memory_space<vmem>>) semaphore(%dma_start3A_54 : memref<!tpu.dma_semaphore, #tpu.memory_space<semaphore_mem>>)
    %dma_start3A_55 = arith.constant 1 : i32
    %dma_start3A_56 = arith.constant 1 : i32
    %dma_start3A_57 = arith.constant 0 : i32
    %dma_start3A_58 = tpu.memref_slice %arg8[%dma_start3A_55, %dma_start3A_57] : memref<250x40xi32, #tpu.memory_space<vmem>> -> memref<1x40xi32, #tpu.memory_space<vmem>>
    %dma_start3A_59 = tpu.memref_squeeze %dma_start3A_58 : memref<1x40xi32, #tpu.memory_space<vmem>> -> memref<40xi32, #tpu.memory_space<vmem>>
    %dma_start3A_60 = arith.constant 0 : i32
    %dma_start3A_61 = arith.constant 0 : i32
    %dma_start3A_62 = tpu.memref_slice %arg2[%dma_start3A_60, %dma_start3A_61] : memref<10000x128xf32, #tpu.memory_space<hbm>> -> memref<10000x128xf32, #tpu.memory_space<hbm>>
    %dma_start3A_63 = tpu.memref_slice %arg16[%dma_start3A_56] : memref<6x!tpu.dma_semaphore, #tpu.memory_space<semaphore_mem>> -> memref<1x!tpu.dma_semaphore, #tpu.memory_space<semaphore_mem>>
    %dma_start3A_64 = tpu.memref_squeeze %dma_start3A_63 : memref<1x!tpu.dma_semaphore, #tpu.memory_space<semaphore_mem>> -> memref<!tpu.dma_semaphore, #tpu.memory_space<semaphore_mem>>
    tpu.enqueue_indirect_dma source(%dma_start3A_62 : memref<10000x128xf32, #tpu.memory_space<hbm>>) target(%arg11 : memref<40x128xf32, #tpu.memory_space<vmem>>) offsets(%dma_start3A_59 : memref<40xi32, #tpu.memory_space<vmem>>) semaphore(%dma_start3A_64 : memref<!tpu.dma_semaphore, #tpu.memory_space<semaphore_mem>>)
    %dma_start3A_65 = arith.constant 2 : i32
    %dma_start3A_66 = arith.constant 2 : i32
    %dma_start3A_67 = arith.constant 0 : i32
    %dma_start3A_68 = tpu.memref_slice %arg8[%dma_start3A_65, %dma_start3A_67] : memref<250x40xi32, #tpu.memory_space<vmem>> -> memref<1x40xi32, #tpu.memory_space<vmem>>
    %dma_start3A_69 = tpu.memref_squeeze %dma_start3A_68 : memref<1x40xi32, #tpu.memory_space<vmem>> -> memref<40xi32, #tpu.memory_space<vmem>>
    %dma_start3A_70 = arith.constant 0 : i32
    %dma_start3A_71 = arith.constant 0 : i32
    %dma_start3A_72 = tpu.memref_slice %arg2[%dma_start3A_70, %dma_start3A_71] : memref<10000x128xf32, #tpu.memory_space<hbm>> -> memref<10000x128xf32, #tpu.memory_space<hbm>>
    %dma_start3A_73 = tpu.memref_slice %arg16[%dma_start3A_66] : memref<6x!tpu.dma_semaphore, #tpu.memory_space<semaphore_mem>> -> memref<1x!tpu.dma_semaphore, #tpu.memory_space<semaphore_mem>>
    %dma_start3A_74 = tpu.memref_squeeze %dma_start3A_73 : memref<1x!tpu.dma_semaphore, #tpu.memory_space<semaphore_mem>> -> memref<!tpu.dma_semaphore, #tpu.memory_space<semaphore_mem>>
    tpu.enqueue_indirect_dma source(%dma_start3A_72 : memref<10000x128xf32, #tpu.memory_space<hbm>>) target(%arg12 : memref<40x128xf32, #tpu.memory_space<vmem>>) offsets(%dma_start3A_69 : memref<40xi32, #tpu.memory_space<vmem>>) semaphore(%dma_start3A_74 : memref<!tpu.dma_semaphore, #tpu.memory_space<semaphore_mem>>)
    %dma_start3A_75 = arith.constant 3 : i32
    %dma_start3A_76 = arith.constant 3 : i32
    %dma_start3A_77 = arith.constant 0 : i32
    %dma_start3A_78 = tpu.memref_slice %arg8[%dma_start3A_75, %dma_start3A_77] : memref<250x40xi32, #tpu.memory_space<vmem>> -> memref<1x40xi32, #tpu.memory_space<vmem>>
    %dma_start3A_79 = tpu.memref_squeeze %dma_start3A_78 : memref<1x40xi32, #tpu.memory_space<vmem>> -> memref<40xi32, #tpu.memory_space<vmem>>
    %dma_start3A_80 = arith.constant 0 : i32
    %dma_start3A_81 = arith.constant 0 : i32
    %dma_start3A_82 = tpu.memref_slice %arg2[%dma_start3A_80, %dma_start3A_81] : memref<10000x128xf32, #tpu.memory_space<hbm>> -> memref<10000x128xf32, #tpu.memory_space<hbm>>
    %dma_start3A_83 = tpu.memref_slice %arg16[%dma_start3A_76] : memref<6x!tpu.dma_semaphore, #tpu.memory_space<semaphore_mem>> -> memref<1x!tpu.dma_semaphore, #tpu.memory_space<semaphore_mem>>
    %dma_start3A_84 = tpu.memref_squeeze %dma_start3A_83 : memref<1x!tpu.dma_semaphore, #tpu.memory_space<semaphore_mem>> -> memref<!tpu.dma_semaphore, #tpu.memory_space<semaphore_mem>>
    tpu.enqueue_indirect_dma source(%dma_start3A_82 : memref<10000x128xf32, #tpu.memory_space<hbm>>) target(%arg13 : memref<40x128xf32, #tpu.memory_space<vmem>>) offsets(%dma_start3A_79 : memref<40xi32, #tpu.memory_space<vmem>>) semaphore(%dma_start3A_84 : memref<!tpu.dma_semaphore, #tpu.memory_space<semaphore_mem>>)
    %dma_start3A_85 = arith.constant 4 : i32
    %dma_start3A_86 = arith.constant 4 : i32
    %dma_start3A_87 = arith.constant 0 : i32
    %dma_start3A_88 = tpu.memref_slice %arg8[%dma_start3A_85, %dma_start3A_87] : memref<250x40xi32, #tpu.memory_space<vmem>> -> memref<1x40xi32, #tpu.memory_space<vmem>>
    %dma_start3A_89 = tpu.memref_squeeze %dma_start3A_88 : memref<1x40xi32, #tpu.memory_space<vmem>> -> memref<40xi32, #tpu.memory_space<vmem>>
    %dma_start3A_90 = arith.constant 0 : i32
    %dma_start3A_91 = arith.constant 0 : i32
    %dma_start3A_92 = tpu.memref_slice %arg2[%dma_start3A_90, %dma_start3A_91] : memref<10000x128xf32, #tpu.memory_space<hbm>> -> memref<10000x128xf32, #tpu.memory_space<hbm>>
    %dma_start3A_93 = tpu.memref_slice %arg16[%dma_start3A_86] : memref<6x!tpu.dma_semaphore, #tpu.memory_space<semaphore_mem>> -> memref<1x!tpu.dma_semaphore, #tpu.memory_space<semaphore_mem>>
    %dma_start3A_94 = tpu.memref_squeeze %dma_start3A_93 : memref<1x!tpu.dma_semaphore, #tpu.memory_space<semaphore_mem>> -> memref<!tpu.dma_semaphore, #tpu.memory_space<semaphore_mem>>
    tpu.enqueue_indirect_dma source(%dma_start3A_92 : memref<10000x128xf32, #tpu.memory_space<hbm>>) target(%arg14 : memref<40x128xf32, #tpu.memory_space<vmem>>) offsets(%dma_start3A_89 : memref<40xi32, #tpu.memory_space<vmem>>) semaphore(%dma_start3A_94 : memref<!tpu.dma_semaphore, #tpu.memory_space<semaphore_mem>>)
    %dma_start3A_95 = arith.constant 5 : i32
    %dma_start3A_96 = arith.constant 5 : i32
    %dma_start3A_97 = arith.constant 0 : i32
    %dma_start3A_98 = tpu.memref_slice %arg8[%dma_start3A_95, %dma_start3A_97] : memref<250x40xi32, #tpu.memory_space<vmem>> -> memref<1x40xi32, #tpu.memory_space<vmem>>
    %dma_start3A_99 = tpu.memref_squeeze %dma_start3A_98 : memref<1x40xi32, #tpu.memory_space<vmem>> -> memref<40xi32, #tpu.memory_space<vmem>>
    %dma_start3A_100 = arith.constant 0 : i32
    %dma_start3A_101 = arith.constant 0 : i32
    %dma_start3A_102 = tpu.memref_slice %arg2[%dma_start3A_100, %dma_start3A_101] : memref<10000x128xf32, #tpu.memory_space<hbm>> -> memref<10000x128xf32, #tpu.memory_space<hbm>>
    %dma_start3A_103 = tpu.memref_slice %arg16[%dma_start3A_96] : memref<6x!tpu.dma_semaphore, #tpu.memory_space<semaphore_mem>> -> memref<1x!tpu.dma_semaphore, #tpu.memory_space<semaphore_mem>>
    %dma_start3A_104 = tpu.memref_squeeze %dma_start3A_103 : memref<1x!tpu.dma_semaphore, #tpu.memory_space<semaphore_mem>> -> memref<!tpu.dma_semaphore, #tpu.memory_space<semaphore_mem>>
    tpu.enqueue_indirect_dma source(%dma_start3A_102 : memref<10000x128xf32, #tpu.memory_space<hbm>>) target(%arg15 : memref<40x128xf32, #tpu.memory_space<vmem>>) offsets(%dma_start3A_99 : memref<40xi32, #tpu.memory_space<vmem>>) semaphore(%dma_start3A_104 : memref<!tpu.dma_semaphore, #tpu.memory_space<semaphore_mem>>)
    %scan3A = arith.constant 0 : i32
    %scan3A_105 = arith.constant 0 : i32
    %scan3A_106 = arith.constant 41 : i32
    %scan3A_107 = arith.addi %scan3A_105, %scan3A_106 : i32
    %scan3A_108 = arith.constant 1 : i32
    scf.for %scan3A_255 = %scan3A_105 to %scan3A_107 step %scan3A_108  : i32 {
      %mul3A_256 = arith.constant 6 : i32
      %mul3A_257 = arith.muli %scan3A_255, %mul3A_256 : i32
      %add3A_258 = arith.constant 0 : i32
      %add3A_259 = arith.addi %mul3A_257, %add3A_258 : i32
      %dma_wait3A_260 = arith.constant 0 : i32
      %dma_wait3A_261 = arith.constant 0 : i32
      %dma_wait3A_262 = tpu.memref_slice %arg8[%add3A_259, %dma_wait3A_261] : memref<250x40xi32, #tpu.memory_space<vmem>> -> memref<1x40xi32, #tpu.memory_space<vmem>>
      %dma_wait3A_263 = tpu.memref_squeeze %dma_wait3A_262 : memref<1x40xi32, #tpu.memory_space<vmem>> -> memref<40xi32, #tpu.memory_space<vmem>>
      %dma_wait3A_264 = arith.constant 0 : i32
      %dma_wait3A_265 = arith.constant 0 : i32
      %dma_wait3A_266 = tpu.memref_slice %arg2[%dma_wait3A_264, %dma_wait3A_265] : memref<10000x128xf32, #tpu.memory_space<hbm>> -> memref<10000x128xf32, #tpu.memory_space<hbm>>
      %dma_wait3A_267 = tpu.memref_slice %arg16[%dma_wait3A_260] : memref<6x!tpu.dma_semaphore, #tpu.memory_space<semaphore_mem>> -> memref<1x!tpu.dma_semaphore, #tpu.memory_space<semaphore_mem>>
      %dma_wait3A_268 = tpu.memref_squeeze %dma_wait3A_267 : memref<1x!tpu.dma_semaphore, #tpu.memory_space<semaphore_mem>> -> memref<!tpu.dma_semaphore, #tpu.memory_space<semaphore_mem>>
      tpu.wait_indirect_dma semaphore(%dma_wait3A_268 : memref<!tpu.dma_semaphore, #tpu.memory_space<semaphore_mem>>) src(%dma_wait3A_266 : memref<10000x128xf32, #tpu.memory_space<hbm>>) dst(%arg10 : memref<40x128xf32, #tpu.memory_space<vmem>>)
      %add3A_269 = arith.constant 0 : i32
      %add3A_270 = arith.addi %mul3A_257, %add3A_269 : i32
      %dma_start3A_271 = arith.constant 0 : i32
      %dma_start3A_272 = arith.constant 0 : i32
      %dma_start3A_273 = tpu.memref_slice %arg9[%add3A_270, %dma_start3A_272] : memref<250x40xi32, #tpu.memory_space<vmem>> -> memref<1x40xi32, #tpu.memory_space<vmem>>
      %dma_start3A_274 = tpu.memref_squeeze %dma_start3A_273 : memref<1x40xi32, #tpu.memory_space<vmem>> -> memref<40xi32, #tpu.memory_space<vmem>>
      %dma_start3A_275 = arith.constant 0 : i32
      %dma_start3A_276 = arith.constant 0 : i32
      %dma_start3A_277 = tpu.memref_slice %arg7[%dma_start3A_275, %dma_start3A_276] : memref<10000x128xf32, #tpu.memory_space<vmem_shared>> -> memref<10000x128xf32, #tpu.memory_space<vmem_shared>>
      %dma_start3A_278 = tpu.memref_slice %arg17[%dma_start3A_271] : memref<6x!tpu.dma_semaphore, #tpu.memory_space<semaphore_mem>> -> memref<1x!tpu.dma_semaphore, #tpu.memory_space<semaphore_mem>>
      %dma_start3A_279 = tpu.memref_squeeze %dma_start3A_278 : memref<1x!tpu.dma_semaphore, #tpu.memory_space<semaphore_mem>> -> memref<!tpu.dma_semaphore, #tpu.memory_space<semaphore_mem>>
      tpu.enqueue_indirect_dma source(%arg10 : memref<40x128xf32, #tpu.memory_space<vmem>>) target(%dma_start3A_277 : memref<10000x128xf32, #tpu.memory_space<vmem_shared>>) offsets(%dma_start3A_274 : memref<40xi32, #tpu.memory_space<vmem>>) semaphore(%dma_start3A_279 : memref<!tpu.dma_semaphore, #tpu.memory_space<semaphore_mem>>) {add = true}
      %add3A_280 = arith.constant 1 : i32
      %add3A_281 = arith.addi %mul3A_257, %add3A_280 : i32
      %dma_wait3A_282 = arith.constant 1 : i32
      %dma_wait3A_283 = arith.constant 0 : i32
      %dma_wait3A_284 = tpu.memref_slice %arg8[%add3A_281, %dma_wait3A_283] : memref<250x40xi32, #tpu.memory_space<vmem>> -> memref<1x40xi32, #tpu.memory_space<vmem>>
      %dma_wait3A_285 = tpu.memref_squeeze %dma_wait3A_284 : memref<1x40xi32, #tpu.memory_space<vmem>> -> memref<40xi32, #tpu.memory_space<vmem>>
      %dma_wait3A_286 = arith.constant 0 : i32
      %dma_wait3A_287 = arith.constant 0 : i32
      %dma_wait3A_288 = tpu.memref_slice %arg2[%dma_wait3A_286, %dma_wait3A_287] : memref<10000x128xf32, #tpu.memory_space<hbm>> -> memref<10000x128xf32, #tpu.memory_space<hbm>>
      %dma_wait3A_289 = tpu.memref_slice %arg16[%dma_wait3A_282] : memref<6x!tpu.dma_semaphore, #tpu.memory_space<semaphore_mem>> -> memref<1x!tpu.dma_semaphore, #tpu.memory_space<semaphore_mem>>
      %dma_wait3A_290 = tpu.memref_squeeze %dma_wait3A_289 : memref<1x!tpu.dma_semaphore, #tpu.memory_space<semaphore_mem>> -> memref<!tpu.dma_semaphore, #tpu.memory_space<semaphore_mem>>
      tpu.wait_indirect_dma semaphore(%dma_wait3A_290 : memref<!tpu.dma_semaphore, #tpu.memory_space<semaphore_mem>>) src(%dma_wait3A_288 : memref<10000x128xf32, #tpu.memory_space<hbm>>) dst(%arg11 : memref<40x128xf32, #tpu.memory_space<vmem>>)
      %add3A_291 = arith.constant 1 : i32
      %add3A_292 = arith.addi %mul3A_257, %add3A_291 : i32
      %dma_start3A_293 = arith.constant 1 : i32
      %dma_start3A_294 = arith.constant 0 : i32
      %dma_start3A_295 = tpu.memref_slice %arg9[%add3A_292, %dma_start3A_294] : memref<250x40xi32, #tpu.memory_space<vmem>> -> memref<1x40xi32, #tpu.memory_space<vmem>>
      %dma_start3A_296 = tpu.memref_squeeze %dma_start3A_295 : memref<1x40xi32, #tpu.memory_space<vmem>> -> memref<40xi32, #tpu.memory_space<vmem>>
      %dma_start3A_297 = arith.constant 0 : i32
      %dma_start3A_298 = arith.constant 0 : i32
      %dma_start3A_299 = tpu.memref_slice %arg7[%dma_start3A_297, %dma_start3A_298] : memref<10000x128xf32, #tpu.memory_space<vmem_shared>> -> memref<10000x128xf32, #tpu.memory_space<vmem_shared>>
      %dma_start3A_300 = tpu.memref_slice %arg17[%dma_start3A_293] : memref<6x!tpu.dma_semaphore, #tpu.memory_space<semaphore_mem>> -> memref<1x!tpu.dma_semaphore, #tpu.memory_space<semaphore_mem>>
      %dma_start3A_301 = tpu.memref_squeeze %dma_start3A_300 : memref<1x!tpu.dma_semaphore, #tpu.memory_space<semaphore_mem>> -> memref<!tpu.dma_semaphore, #tpu.memory_space<semaphore_mem>>
      tpu.enqueue_indirect_dma source(%arg11 : memref<40x128xf32, #tpu.memory_space<vmem>>) target(%dma_start3A_299 : memref<10000x128xf32, #tpu.memory_space<vmem_shared>>) offsets(%dma_start3A_296 : memref<40xi32, #tpu.memory_space<vmem>>) semaphore(%dma_start3A_301 : memref<!tpu.dma_semaphore, #tpu.memory_space<semaphore_mem>>) {add = true}
      %add3A_302 = arith.constant 2 : i32
      %add3A_303 = arith.addi %mul3A_257, %add3A_302 : i32
      %dma_wait3A_304 = arith.constant 2 : i32
      %dma_wait3A_305 = arith.constant 0 : i32
      %dma_wait3A_306 = tpu.memref_slice %arg8[%add3A_303, %dma_wait3A_305] : memref<250x40xi32, #tpu.memory_space<vmem>> -> memref<1x40xi32, #tpu.memory_space<vmem>>
      %dma_wait3A_307 = tpu.memref_squeeze %dma_wait3A_306 : memref<1x40xi32, #tpu.memory_space<vmem>> -> memref<40xi32, #tpu.memory_space<vmem>>
      %dma_wait3A_308 = arith.constant 0 : i32
      %dma_wait3A_309 = arith.constant 0 : i32
      %dma_wait3A_310 = tpu.memref_slice %arg2[%dma_wait3A_308, %dma_wait3A_309] : memref<10000x128xf32, #tpu.memory_space<hbm>> -> memref<10000x128xf32, #tpu.memory_space<hbm>>
      %dma_wait3A_311 = tpu.memref_slice %arg16[%dma_wait3A_304] : memref<6x!tpu.dma_semaphore, #tpu.memory_space<semaphore_mem>> -> memref<1x!tpu.dma_semaphore, #tpu.memory_space<semaphore_mem>>
      %dma_wait3A_312 = tpu.memref_squeeze %dma_wait3A_311 : memref<1x!tpu.dma_semaphore, #tpu.memory_space<semaphore_mem>> -> memref<!tpu.dma_semaphore, #tpu.memory_space<semaphore_mem>>
      tpu.wait_indirect_dma semaphore(%dma_wait3A_312 : memref<!tpu.dma_semaphore, #tpu.memory_space<semaphore_mem>>) src(%dma_wait3A_310 : memref<10000x128xf32, #tpu.memory_space<hbm>>) dst(%arg12 : memref<40x128xf32, #tpu.memory_space<vmem>>)
      %add3A_313 = arith.constant 2 : i32
      %add3A_314 = arith.addi %mul3A_257, %add3A_313 : i32
      %dma_start3A_315 = arith.constant 2 : i32
      %dma_start3A_316 = arith.constant 0 : i32
      %dma_start3A_317 = tpu.memref_slice %arg9[%add3A_314, %dma_start3A_316] : memref<250x40xi32, #tpu.memory_space<vmem>> -> memref<1x40xi32, #tpu.memory_space<vmem>>
      %dma_start3A_318 = tpu.memref_squeeze %dma_start3A_317 : memref<1x40xi32, #tpu.memory_space<vmem>> -> memref<40xi32, #tpu.memory_space<vmem>>
      %dma_start3A_319 = arith.constant 0 : i32
      %dma_start3A_320 = arith.constant 0 : i32
      %dma_start3A_321 = tpu.memref_slice %arg7[%dma_start3A_319, %dma_start3A_320] : memref<10000x128xf32, #tpu.memory_space<vmem_shared>> -> memref<10000x128xf32, #tpu.memory_space<vmem_shared>>
      %dma_start3A_322 = tpu.memref_slice %arg17[%dma_start3A_315] : memref<6x!tpu.dma_semaphore, #tpu.memory_space<semaphore_mem>> -> memref<1x!tpu.dma_semaphore, #tpu.memory_space<semaphore_mem>>
      %dma_start3A_323 = tpu.memref_squeeze %dma_start3A_322 : memref<1x!tpu.dma_semaphore, #tpu.memory_space<semaphore_mem>> -> memref<!tpu.dma_semaphore, #tpu.memory_space<semaphore_mem>>
      tpu.enqueue_indirect_dma source(%arg12 : memref<40x128xf32, #tpu.memory_space<vmem>>) target(%dma_start3A_321 : memref<10000x128xf32, #tpu.memory_space<vmem_shared>>) offsets(%dma_start3A_318 : memref<40xi32, #tpu.memory_space<vmem>>) semaphore(%dma_start3A_323 : memref<!tpu.dma_semaphore, #tpu.memory_space<semaphore_mem>>) {add = true}
      %add3A_324 = arith.constant 3 : i32
      %add3A_325 = arith.addi %mul3A_257, %add3A_324 : i32
      %dma_wait3A_326 = arith.constant 3 : i32
      %dma_wait3A_327 = arith.constant 0 : i32
      %dma_wait3A_328 = tpu.memref_slice %arg8[%add3A_325, %dma_wait3A_327] : memref<250x40xi32, #tpu.memory_space<vmem>> -> memref<1x40xi32, #tpu.memory_space<vmem>>
      %dma_wait3A_329 = tpu.memref_squeeze %dma_wait3A_328 : memref<1x40xi32, #tpu.memory_space<vmem>> -> memref<40xi32, #tpu.memory_space<vmem>>
      %dma_wait3A_330 = arith.constant 0 : i32
      %dma_wait3A_331 = arith.constant 0 : i32
      %dma_wait3A_332 = tpu.memref_slice %arg2[%dma_wait3A_330, %dma_wait3A_331] : memref<10000x128xf32, #tpu.memory_space<hbm>> -> memref<10000x128xf32, #tpu.memory_space<hbm>>
      %dma_wait3A_333 = tpu.memref_slice %arg16[%dma_wait3A_326] : memref<6x!tpu.dma_semaphore, #tpu.memory_space<semaphore_mem>> -> memref<1x!tpu.dma_semaphore, #tpu.memory_space<semaphore_mem>>
      %dma_wait3A_334 = tpu.memref_squeeze %dma_wait3A_333 : memref<1x!tpu.dma_semaphore, #tpu.memory_space<semaphore_mem>> -> memref<!tpu.dma_semaphore, #tpu.memory_space<semaphore_mem>>
      tpu.wait_indirect_dma semaphore(%dma_wait3A_334 : memref<!tpu.dma_semaphore, #tpu.memory_space<semaphore_mem>>) src(%dma_wait3A_332 : memref<10000x128xf32, #tpu.memory_space<hbm>>) dst(%arg13 : memref<40x128xf32, #tpu.memory_space<vmem>>)
      %add3A_335 = arith.constant 3 : i32
      %add3A_336 = arith.addi %mul3A_257, %add3A_335 : i32
      %dma_start3A_337 = arith.constant 3 : i32
      %dma_start3A_338 = arith.constant 0 : i32
      %dma_start3A_339 = tpu.memref_slice %arg9[%add3A_336, %dma_start3A_338] : memref<250x40xi32, #tpu.memory_space<vmem>> -> memref<1x40xi32, #tpu.memory_space<vmem>>
      %dma_start3A_340 = tpu.memref_squeeze %dma_start3A_339 : memref<1x40xi32, #tpu.memory_space<vmem>> -> memref<40xi32, #tpu.memory_space<vmem>>
      %dma_start3A_341 = arith.constant 0 : i32
      %dma_start3A_342 = arith.constant 0 : i32
      %dma_start3A_343 = tpu.memref_slice %arg7[%dma_start3A_341, %dma_start3A_342] : memref<10000x128xf32, #tpu.memory_space<vmem_shared>> -> memref<10000x128xf32, #tpu.memory_space<vmem_shared>>
      %dma_start3A_344 = tpu.memref_slice %arg17[%dma_start3A_337] : memref<6x!tpu.dma_semaphore, #tpu.memory_space<semaphore_mem>> -> memref<1x!tpu.dma_semaphore, #tpu.memory_space<semaphore_mem>>
      %dma_start3A_345 = tpu.memref_squeeze %dma_start3A_344 : memref<1x!tpu.dma_semaphore, #tpu.memory_space<semaphore_mem>> -> memref<!tpu.dma_semaphore, #tpu.memory_space<semaphore_mem>>
      tpu.enqueue_indirect_dma source(%arg13 : memref<40x128xf32, #tpu.memory_space<vmem>>) target(%dma_start3A_343 : memref<10000x128xf32, #tpu.memory_space<vmem_shared>>) offsets(%dma_start3A_340 : memref<40xi32, #tpu.memory_space<vmem>>) semaphore(%dma_start3A_345 : memref<!tpu.dma_semaphore, #tpu.memory_space<semaphore_mem>>) {add = true}
      %add3A_346 = arith.constant 4 : i32
      %add3A_347 = arith.addi %mul3A_257, %add3A_346 : i32
      %dma_wait3A_348 = arith.constant 4 : i32
      %dma_wait3A_349 = arith.constant 0 : i32
      %dma_wait3A_350 = tpu.memref_slice %arg8[%add3A_347, %dma_wait3A_349] : memref<250x40xi32, #tpu.memory_space<vmem>> -> memref<1x40xi32, #tpu.memory_space<vmem>>
      %dma_wait3A_351 = tpu.memref_squeeze %dma_wait3A_350 : memref<1x40xi32, #tpu.memory_space<vmem>> -> memref<40xi32, #tpu.memory_space<vmem>>
      %dma_wait3A_352 = arith.constant 0 : i32
      %dma_wait3A_353 = arith.constant 0 : i32
      %dma_wait3A_354 = tpu.memref_slice %arg2[%dma_wait3A_352, %dma_wait3A_353] : memref<10000x128xf32, #tpu.memory_space<hbm>> -> memref<10000x128xf32, #tpu.memory_space<hbm>>
      %dma_wait3A_355 = tpu.memref_slice %arg16[%dma_wait3A_348] : memref<6x!tpu.dma_semaphore, #tpu.memory_space<semaphore_mem>> -> memref<1x!tpu.dma_semaphore, #tpu.memory_space<semaphore_mem>>
      %dma_wait3A_356 = tpu.memref_squeeze %dma_wait3A_355 : memref<1x!tpu.dma_semaphore, #tpu.memory_space<semaphore_mem>> -> memref<!tpu.dma_semaphore, #tpu.memory_space<semaphore_mem>>
      tpu.wait_indirect_dma semaphore(%dma_wait3A_356 : memref<!tpu.dma_semaphore, #tpu.memory_space<semaphore_mem>>) src(%dma_wait3A_354 : memref<10000x128xf32, #tpu.memory_space<hbm>>) dst(%arg14 : memref<40x128xf32, #tpu.memory_space<vmem>>)
      %add3A_357 = arith.constant 4 : i32
      %add3A_358 = arith.addi %mul3A_257, %add3A_357 : i32
      %dma_start3A_359 = arith.constant 4 : i32
      %dma_start3A_360 = arith.constant 0 : i32
      %dma_start3A_361 = tpu.memref_slice %arg9[%add3A_358, %dma_start3A_360] : memref<250x40xi32, #tpu.memory_space<vmem>> -> memref<1x40xi32, #tpu.memory_space<vmem>>
      %dma_start3A_362 = tpu.memref_squeeze %dma_start3A_361 : memref<1x40xi32, #tpu.memory_space<vmem>> -> memref<40xi32, #tpu.memory_space<vmem>>
      %dma_start3A_363 = arith.constant 0 : i32
      %dma_start3A_364 = arith.constant 0 : i32
      %dma_start3A_365 = tpu.memref_slice %arg7[%dma_start3A_363, %dma_start3A_364] : memref<10000x128xf32, #tpu.memory_space<vmem_shared>> -> memref<10000x128xf32, #tpu.memory_space<vmem_shared>>
      %dma_start3A_366 = tpu.memref_slice %arg17[%dma_start3A_359] : memref<6x!tpu.dma_semaphore, #tpu.memory_space<semaphore_mem>> -> memref<1x!tpu.dma_semaphore, #tpu.memory_space<semaphore_mem>>
      %dma_start3A_367 = tpu.memref_squeeze %dma_start3A_366 : memref<1x!tpu.dma_semaphore, #tpu.memory_space<semaphore_mem>> -> memref<!tpu.dma_semaphore, #tpu.memory_space<semaphore_mem>>
      tpu.enqueue_indirect_dma source(%arg14 : memref<40x128xf32, #tpu.memory_space<vmem>>) target(%dma_start3A_365 : memref<10000x128xf32, #tpu.memory_space<vmem_shared>>) offsets(%dma_start3A_362 : memref<40xi32, #tpu.memory_space<vmem>>) semaphore(%dma_start3A_367 : memref<!tpu.dma_semaphore, #tpu.memory_space<semaphore_mem>>) {add = true}
      %add3A_368 = arith.constant 5 : i32
      %add3A_369 = arith.addi %mul3A_257, %add3A_368 : i32
      %dma_wait3A_370 = arith.constant 5 : i32
      %dma_wait3A_371 = arith.constant 0 : i32
      %dma_wait3A_372 = tpu.memref_slice %arg8[%add3A_369, %dma_wait3A_371] : memref<250x40xi32, #tpu.memory_space<vmem>> -> memref<1x40xi32, #tpu.memory_space<vmem>>
      %dma_wait3A_373 = tpu.memref_squeeze %dma_wait3A_372 : memref<1x40xi32, #tpu.memory_space<vmem>> -> memref<40xi32, #tpu.memory_space<vmem>>
      %dma_wait3A_374 = arith.constant 0 : i32
      %dma_wait3A_375 = arith.constant 0 : i32
      %dma_wait3A_376 = tpu.memref_slice %arg2[%dma_wait3A_374, %dma_wait3A_375] : memref<10000x128xf32, #tpu.memory_space<hbm>> -> memref<10000x128xf32, #tpu.memory_space<hbm>>
      %dma_wait3A_377 = tpu.memref_slice %arg16[%dma_wait3A_370] : memref<6x!tpu.dma_semaphore, #tpu.memory_space<semaphore_mem>> -> memref<1x!tpu.dma_semaphore, #tpu.memory_space<semaphore_mem>>
      %dma_wait3A_378 = tpu.memref_squeeze %dma_wait3A_377 : memref<1x!tpu.dma_semaphore, #tpu.memory_space<semaphore_mem>> -> memref<!tpu.dma_semaphore, #tpu.memory_space<semaphore_mem>>
      tpu.wait_indirect_dma semaphore(%dma_wait3A_378 : memref<!tpu.dma_semaphore, #tpu.memory_space<semaphore_mem>>) src(%dma_wait3A_376 : memref<10000x128xf32, #tpu.memory_space<hbm>>) dst(%arg15 : memref<40x128xf32, #tpu.memory_space<vmem>>)
      %add3A_379 = arith.constant 5 : i32
      %add3A_380 = arith.addi %mul3A_257, %add3A_379 : i32
      %dma_start3A_381 = arith.constant 5 : i32
      %dma_start3A_382 = arith.constant 0 : i32
      %dma_start3A_383 = tpu.memref_slice %arg9[%add3A_380, %dma_start3A_382] : memref<250x40xi32, #tpu.memory_space<vmem>> -> memref<1x40xi32, #tpu.memory_space<vmem>>
      %dma_start3A_384 = tpu.memref_squeeze %dma_start3A_383 : memref<1x40xi32, #tpu.memory_space<vmem>> -> memref<40xi32, #tpu.memory_space<vmem>>
      %dma_start3A_385 = arith.constant 0 : i32
      %dma_start3A_386 = arith.constant 0 : i32
      %dma_start3A_387 = tpu.memref_slice %arg7[%dma_start3A_385, %dma_start3A_386] : memref<10000x128xf32, #tpu.memory_space<vmem_shared>> -> memref<10000x128xf32, #tpu.memory_space<vmem_shared>>
      %dma_start3A_388 = tpu.memref_slice %arg17[%dma_start3A_381] : memref<6x!tpu.dma_semaphore, #tpu.memory_space<semaphore_mem>> -> memref<1x!tpu.dma_semaphore, #tpu.memory_space<semaphore_mem>>
      %dma_start3A_389 = tpu.memref_squeeze %dma_start3A_388 : memref<1x!tpu.dma_semaphore, #tpu.memory_space<semaphore_mem>> -> memref<!tpu.dma_semaphore, #tpu.memory_space<semaphore_mem>>
      tpu.enqueue_indirect_dma source(%arg15 : memref<40x128xf32, #tpu.memory_space<vmem>>) target(%dma_start3A_387 : memref<10000x128xf32, #tpu.memory_space<vmem_shared>>) offsets(%dma_start3A_384 : memref<40xi32, #tpu.memory_space<vmem>>) semaphore(%dma_start3A_389 : memref<!tpu.dma_semaphore, #tpu.memory_space<semaphore_mem>>) {add = true}
      %add3A_390 = arith.constant 0 : i32
      %add3A_391 = arith.addi %mul3A_257, %add3A_390 : i32
      %dma_wait3A_392 = arith.constant 0 : i32
      %dma_wait3A_393 = arith.constant 0 : i32
      %dma_wait3A_394 = tpu.memref_slice %arg9[%add3A_391, %dma_wait3A_393] : memref<250x40xi32, #tpu.memory_space<vmem>> -> memref<1x40xi32, #tpu.memory_space<vmem>>
      %dma_wait3A_395 = tpu.memref_squeeze %dma_wait3A_394 : memref<1x40xi32, #tpu.memory_space<vmem>> -> memref<40xi32, #tpu.memory_space<vmem>>
      %dma_wait3A_396 = arith.constant 0 : i32
      %dma_wait3A_397 = arith.constant 0 : i32
      %dma_wait3A_398 = tpu.memref_slice %arg7[%dma_wait3A_396, %dma_wait3A_397] : memref<10000x128xf32, #tpu.memory_space<vmem_shared>> -> memref<10000x128xf32, #tpu.memory_space<vmem_shared>>
      %dma_wait3A_399 = tpu.memref_slice %arg17[%dma_wait3A_392] : memref<6x!tpu.dma_semaphore, #tpu.memory_space<semaphore_mem>> -> memref<1x!tpu.dma_semaphore, #tpu.memory_space<semaphore_mem>>
      %dma_wait3A_400 = tpu.memref_squeeze %dma_wait3A_399 : memref<1x!tpu.dma_semaphore, #tpu.memory_space<semaphore_mem>> -> memref<!tpu.dma_semaphore, #tpu.memory_space<semaphore_mem>>
      tpu.wait_indirect_dma semaphore(%dma_wait3A_400 : memref<!tpu.dma_semaphore, #tpu.memory_space<semaphore_mem>>) src(%arg10 : memref<40x128xf32, #tpu.memory_space<vmem>>) dst(%dma_wait3A_398 : memref<10000x128xf32, #tpu.memory_space<vmem_shared>>)
      %add3A_401 = arith.constant 6 : i32
      %add3A_402 = arith.addi %mul3A_257, %add3A_401 : i32
      %add3A_403 = arith.constant 0 : i32
      %add3A_404 = arith.addi %add3A_402, %add3A_403 : i32
      %lt3A = arith.constant 250 : i32
      %lt3A_405 = arith.cmpi slt, %add3A_404, %lt3A : i32
      %convert_element_type3A = arith.extui %lt3A_405 : i1 to i32
      %cond3A = arith.constant 0 : i32
      %cond3A_406 = arith.cmpi ne, %convert_element_type3A, %cond3A : i32
      scf.if %cond3A_406 {
        %dma_start3A_507 = arith.constant 0 : i32
        %dma_start3A_508 = arith.constant 0 : i32
        %dma_start3A_509 = tpu.memref_slice %arg8[%add3A_404, %dma_start3A_508] : memref<250x40xi32, #tpu.memory_space<vmem>> -> memref<1x40xi32, #tpu.memory_space<vmem>>
        %dma_start3A_510 = tpu.memref_squeeze %dma_start3A_509 : memref<1x40xi32, #tpu.memory_space<vmem>> -> memref<40xi32, #tpu.memory_space<vmem>>
        %dma_start3A_511 = arith.constant 0 : i32
        %dma_start3A_512 = arith.constant 0 : i32
        %dma_start3A_513 = tpu.memref_slice %arg2[%dma_start3A_511, %dma_start3A_512] : memref<10000x128xf32, #tpu.memory_space<hbm>> -> memref<10000x128xf32, #tpu.memory_space<hbm>>
        %dma_start3A_514 = tpu.memref_slice %arg16[%dma_start3A_507] : memref<6x!tpu.dma_semaphore, #tpu.memory_space<semaphore_mem>> -> memref<1x!tpu.dma_semaphore, #tpu.memory_space<semaphore_mem>>
        %dma_start3A_515 = tpu.memref_squeeze %dma_start3A_514 : memref<1x!tpu.dma_semaphore, #tpu.memory_space<semaphore_mem>> -> memref<!tpu.dma_semaphore, #tpu.memory_space<semaphore_mem>>
        tpu.enqueue_indirect_dma source(%dma_start3A_513 : memref<10000x128xf32, #tpu.memory_space<hbm>>) target(%arg10 : memref<40x128xf32, #tpu.memory_space<vmem>>) offsets(%dma_start3A_510 : memref<40xi32, #tpu.memory_space<vmem>>) semaphore(%dma_start3A_515 : memref<!tpu.dma_semaphore, #tpu.memory_space<semaphore_mem>>)
      } else {
      }
      %add3A_407 = arith.constant 1 : i32
      %add3A_408 = arith.addi %mul3A_257, %add3A_407 : i32
      %dma_wait3A_409 = arith.constant 1 : i32
      %dma_wait3A_410 = arith.constant 0 : i32
      %dma_wait3A_411 = tpu.memref_slice %arg9[%add3A_408, %dma_wait3A_410] : memref<250x40xi32, #tpu.memory_space<vmem>> -> memref<1x40xi32, #tpu.memory_space<vmem>>
      %dma_wait3A_412 = tpu.memref_squeeze %dma_wait3A_411 : memref<1x40xi32, #tpu.memory_space<vmem>> -> memref<40xi32, #tpu.memory_space<vmem>>
      %dma_wait3A_413 = arith.constant 0 : i32
      %dma_wait3A_414 = arith.constant 0 : i32
      %dma_wait3A_415 = tpu.memref_slice %arg7[%dma_wait3A_413, %dma_wait3A_414] : memref<10000x128xf32, #tpu.memory_space<vmem_shared>> -> memref<10000x128xf32, #tpu.memory_space<vmem_shared>>
      %dma_wait3A_416 = tpu.memref_slice %arg17[%dma_wait3A_409] : memref<6x!tpu.dma_semaphore, #tpu.memory_space<semaphore_mem>> -> memref<1x!tpu.dma_semaphore, #tpu.memory_space<semaphore_mem>>
      %dma_wait3A_417 = tpu.memref_squeeze %dma_wait3A_416 : memref<1x!tpu.dma_semaphore, #tpu.memory_space<semaphore_mem>> -> memref<!tpu.dma_semaphore, #tpu.memory_space<semaphore_mem>>
      tpu.wait_indirect_dma semaphore(%dma_wait3A_417 : memref<!tpu.dma_semaphore, #tpu.memory_space<semaphore_mem>>) src(%arg11 : memref<40x128xf32, #tpu.memory_space<vmem>>) dst(%dma_wait3A_415 : memref<10000x128xf32, #tpu.memory_space<vmem_shared>>)
      %add3A_418 = arith.constant 6 : i32
      %add3A_419 = arith.addi %mul3A_257, %add3A_418 : i32
      %add3A_420 = arith.constant 1 : i32
      %add3A_421 = arith.addi %add3A_419, %add3A_420 : i32
      %lt3A_422 = arith.constant 250 : i32
      %lt3A_423 = arith.cmpi slt, %add3A_421, %lt3A_422 : i32
      %convert_element_type3A_424 = arith.extui %lt3A_423 : i1 to i32
      %cond3A_425 = arith.constant 0 : i32
      %cond3A_426 = arith.cmpi ne, %convert_element_type3A_424, %cond3A_425 : i32
      scf.if %cond3A_426 {
        %dma_start3A_507 = arith.constant 1 : i32
        %dma_start3A_508 = arith.constant 0 : i32
        %dma_start3A_509 = tpu.memref_slice %arg8[%add3A_421, %dma_start3A_508] : memref<250x40xi32, #tpu.memory_space<vmem>> -> memref<1x40xi32, #tpu.memory_space<vmem>>
        %dma_start3A_510 = tpu.memref_squeeze %dma_start3A_509 : memref<1x40xi32, #tpu.memory_space<vmem>> -> memref<40xi32, #tpu.memory_space<vmem>>
        %dma_start3A_511 = arith.constant 0 : i32
        %dma_start3A_512 = arith.constant 0 : i32
        %dma_start3A_513 = tpu.memref_slice %arg2[%dma_start3A_511, %dma_start3A_512] : memref<10000x128xf32, #tpu.memory_space<hbm>> -> memref<10000x128xf32, #tpu.memory_space<hbm>>
        %dma_start3A_514 = tpu.memref_slice %arg16[%dma_start3A_507] : memref<6x!tpu.dma_semaphore, #tpu.memory_space<semaphore_mem>> -> memref<1x!tpu.dma_semaphore, #tpu.memory_space<semaphore_mem>>
        %dma_start3A_515 = tpu.memref_squeeze %dma_start3A_514 : memref<1x!tpu.dma_semaphore, #tpu.memory_space<semaphore_mem>> -> memref<!tpu.dma_semaphore, #tpu.memory_space<semaphore_mem>>
        tpu.enqueue_indirect_dma source(%dma_start3A_513 : memref<10000x128xf32, #tpu.memory_space<hbm>>) target(%arg11 : memref<40x128xf32, #tpu.memory_space<vmem>>) offsets(%dma_start3A_510 : memref<40xi32, #tpu.memory_space<vmem>>) semaphore(%dma_start3A_515 : memref<!tpu.dma_semaphore, #tpu.memory_space<semaphore_mem>>)
      } else {
      }
      %add3A_427 = arith.constant 2 : i32
      %add3A_428 = arith.addi %mul3A_257, %add3A_427 : i32
      %dma_wait3A_429 = arith.constant 2 : i32
      %dma_wait3A_430 = arith.constant 0 : i32
      %dma_wait3A_431 = tpu.memref_slice %arg9[%add3A_428, %dma_wait3A_430] : memref<250x40xi32, #tpu.memory_space<vmem>> -> memref<1x40xi32, #tpu.memory_space<vmem>>
      %dma_wait3A_432 = tpu.memref_squeeze %dma_wait3A_431 : memref<1x40xi32, #tpu.memory_space<vmem>> -> memref<40xi32, #tpu.memory_space<vmem>>
      %dma_wait3A_433 = arith.constant 0 : i32
      %dma_wait3A_434 = arith.constant 0 : i32
      %dma_wait3A_435 = tpu.memref_slice %arg7[%dma_wait3A_433, %dma_wait3A_434] : memref<10000x128xf32, #tpu.memory_space<vmem_shared>> -> memref<10000x128xf32, #tpu.memory_space<vmem_shared>>
      %dma_wait3A_436 = tpu.memref_slice %arg17[%dma_wait3A_429] : memref<6x!tpu.dma_semaphore, #tpu.memory_space<semaphore_mem>> -> memref<1x!tpu.dma_semaphore, #tpu.memory_space<semaphore_mem>>
      %dma_wait3A_437 = tpu.memref_squeeze %dma_wait3A_436 : memref<1x!tpu.dma_semaphore, #tpu.memory_space<semaphore_mem>> -> memref<!tpu.dma_semaphore, #tpu.memory_space<semaphore_mem>>
      tpu.wait_indirect_dma semaphore(%dma_wait3A_437 : memref<!tpu.dma_semaphore, #tpu.memory_space<semaphore_mem>>) src(%arg12 : memref<40x128xf32, #tpu.memory_space<vmem>>) dst(%dma_wait3A_435 : memref<10000x128xf32, #tpu.memory_space<vmem_shared>>)
      %add3A_438 = arith.constant 6 : i32
      %add3A_439 = arith.addi %mul3A_257, %add3A_438 : i32
      %add3A_440 = arith.constant 2 : i32
      %add3A_441 = arith.addi %add3A_439, %add3A_440 : i32
      %lt3A_442 = arith.constant 250 : i32
      %lt3A_443 = arith.cmpi slt, %add3A_441, %lt3A_442 : i32
      %convert_element_type3A_444 = arith.extui %lt3A_443 : i1 to i32
      %cond3A_445 = arith.constant 0 : i32
      %cond3A_446 = arith.cmpi ne, %convert_element_type3A_444, %cond3A_445 : i32
      scf.if %cond3A_446 {
        %dma_start3A_507 = arith.constant 2 : i32
        %dma_start3A_508 = arith.constant 0 : i32
        %dma_start3A_509 = tpu.memref_slice %arg8[%add3A_441, %dma_start3A_508] : memref<250x40xi32, #tpu.memory_space<vmem>> -> memref<1x40xi32, #tpu.memory_space<vmem>>
        %dma_start3A_510 = tpu.memref_squeeze %dma_start3A_509 : memref<1x40xi32, #tpu.memory_space<vmem>> -> memref<40xi32, #tpu.memory_space<vmem>>
        %dma_start3A_511 = arith.constant 0 : i32
        %dma_start3A_512 = arith.constant 0 : i32
        %dma_start3A_513 = tpu.memref_slice %arg2[%dma_start3A_511, %dma_start3A_512] : memref<10000x128xf32, #tpu.memory_space<hbm>> -> memref<10000x128xf32, #tpu.memory_space<hbm>>
        %dma_start3A_514 = tpu.memref_slice %arg16[%dma_start3A_507] : memref<6x!tpu.dma_semaphore, #tpu.memory_space<semaphore_mem>> -> memref<1x!tpu.dma_semaphore, #tpu.memory_space<semaphore_mem>>
        %dma_start3A_515 = tpu.memref_squeeze %dma_start3A_514 : memref<1x!tpu.dma_semaphore, #tpu.memory_space<semaphore_mem>> -> memref<!tpu.dma_semaphore, #tpu.memory_space<semaphore_mem>>
        tpu.enqueue_indirect_dma source(%dma_start3A_513 : memref<10000x128xf32, #tpu.memory_space<hbm>>) target(%arg12 : memref<40x128xf32, #tpu.memory_space<vmem>>) offsets(%dma_start3A_510 : memref<40xi32, #tpu.memory_space<vmem>>) semaphore(%dma_start3A_515 : memref<!tpu.dma_semaphore, #tpu.memory_space<semaphore_mem>>)
      } else {
      }
      %add3A_447 = arith.constant 3 : i32
      %add3A_448 = arith.addi %mul3A_257, %add3A_447 : i32
      %dma_wait3A_449 = arith.constant 3 : i32
      %dma_wait3A_450 = arith.constant 0 : i32
      %dma_wait3A_451 = tpu.memref_slice %arg9[%add3A_448, %dma_wait3A_450] : memref<250x40xi32, #tpu.memory_space<vmem>> -> memref<1x40xi32, #tpu.memory_space<vmem>>
      %dma_wait3A_452 = tpu.memref_squeeze %dma_wait3A_451 : memref<1x40xi32, #tpu.memory_space<vmem>> -> memref<40xi32, #tpu.memory_space<vmem>>
      %dma_wait3A_453 = arith.constant 0 : i32
      %dma_wait3A_454 = arith.constant 0 : i32
      %dma_wait3A_455 = tpu.memref_slice %arg7[%dma_wait3A_453, %dma_wait3A_454] : memref<10000x128xf32, #tpu.memory_space<vmem_shared>> -> memref<10000x128xf32, #tpu.memory_space<vmem_shared>>
      %dma_wait3A_456 = tpu.memref_slice %arg17[%dma_wait3A_449] : memref<6x!tpu.dma_semaphore, #tpu.memory_space<semaphore_mem>> -> memref<1x!tpu.dma_semaphore, #tpu.memory_space<semaphore_mem>>
      %dma_wait3A_457 = tpu.memref_squeeze %dma_wait3A_456 : memref<1x!tpu.dma_semaphore, #tpu.memory_space<semaphore_mem>> -> memref<!tpu.dma_semaphore, #tpu.memory_space<semaphore_mem>>
      tpu.wait_indirect_dma semaphore(%dma_wait3A_457 : memref<!tpu.dma_semaphore, #tpu.memory_space<semaphore_mem>>) src(%arg13 : memref<40x128xf32, #tpu.memory_space<vmem>>) dst(%dma_wait3A_455 : memref<10000x128xf32, #tpu.memory_space<vmem_shared>>)
      %add3A_458 = arith.constant 6 : i32
      %add3A_459 = arith.addi %mul3A_257, %add3A_458 : i32
      %add3A_460 = arith.constant 3 : i32
      %add3A_461 = arith.addi %add3A_459, %add3A_460 : i32
      %lt3A_462 = arith.constant 250 : i32
      %lt3A_463 = arith.cmpi slt, %add3A_461, %lt3A_462 : i32
      %convert_element_type3A_464 = arith.extui %lt3A_463 : i1 to i32
      %cond3A_465 = arith.constant 0 : i32
      %cond3A_466 = arith.cmpi ne, %convert_element_type3A_464, %cond3A_465 : i32
      scf.if %cond3A_466 {
        %dma_start3A_507 = arith.constant 3 : i32
        %dma_start3A_508 = arith.constant 0 : i32
        %dma_start3A_509 = tpu.memref_slice %arg8[%add3A_461, %dma_start3A_508] : memref<250x40xi32, #tpu.memory_space<vmem>> -> memref<1x40xi32, #tpu.memory_space<vmem>>
        %dma_start3A_510 = tpu.memref_squeeze %dma_start3A_509 : memref<1x40xi32, #tpu.memory_space<vmem>> -> memref<40xi32, #tpu.memory_space<vmem>>
        %dma_start3A_511 = arith.constant 0 : i32
        %dma_start3A_512 = arith.constant 0 : i32
        %dma_start3A_513 = tpu.memref_slice %arg2[%dma_start3A_511, %dma_start3A_512] : memref<10000x128xf32, #tpu.memory_space<hbm>> -> memref<10000x128xf32, #tpu.memory_space<hbm>>
        %dma_start3A_514 = tpu.memref_slice %arg16[%dma_start3A_507] : memref<6x!tpu.dma_semaphore, #tpu.memory_space<semaphore_mem>> -> memref<1x!tpu.dma_semaphore, #tpu.memory_space<semaphore_mem>>
        %dma_start3A_515 = tpu.memref_squeeze %dma_start3A_514 : memref<1x!tpu.dma_semaphore, #tpu.memory_space<semaphore_mem>> -> memref<!tpu.dma_semaphore, #tpu.memory_space<semaphore_mem>>
        tpu.enqueue_indirect_dma source(%dma_start3A_513 : memref<10000x128xf32, #tpu.memory_space<hbm>>) target(%arg13 : memref<40x128xf32, #tpu.memory_space<vmem>>) offsets(%dma_start3A_510 : memref<40xi32, #tpu.memory_space<vmem>>) semaphore(%dma_start3A_515 : memref<!tpu.dma_semaphore, #tpu.memory_space<semaphore_mem>>)
      } else {
      }
      %add3A_467 = arith.constant 4 : i32
      %add3A_468 = arith.addi %mul3A_257, %add3A_467 : i32
      %dma_wait3A_469 = arith.constant 4 : i32
      %dma_wait3A_470 = arith.constant 0 : i32
      %dma_wait3A_471 = tpu.memref_slice %arg9[%add3A_468, %dma_wait3A_470] : memref<250x40xi32, #tpu.memory_space<vmem>> -> memref<1x40xi32, #tpu.memory_space<vmem>>
      %dma_wait3A_472 = tpu.memref_squeeze %dma_wait3A_471 : memref<1x40xi32, #tpu.memory_space<vmem>> -> memref<40xi32, #tpu.memory_space<vmem>>
      %dma_wait3A_473 = arith.constant 0 : i32
      %dma_wait3A_474 = arith.constant 0 : i32
      %dma_wait3A_475 = tpu.memref_slice %arg7[%dma_wait3A_473, %dma_wait3A_474] : memref<10000x128xf32, #tpu.memory_space<vmem_shared>> -> memref<10000x128xf32, #tpu.memory_space<vmem_shared>>
      %dma_wait3A_476 = tpu.memref_slice %arg17[%dma_wait3A_469] : memref<6x!tpu.dma_semaphore, #tpu.memory_space<semaphore_mem>> -> memref<1x!tpu.dma_semaphore, #tpu.memory_space<semaphore_mem>>
      %dma_wait3A_477 = tpu.memref_squeeze %dma_wait3A_476 : memref<1x!tpu.dma_semaphore, #tpu.memory_space<semaphore_mem>> -> memref<!tpu.dma_semaphore, #tpu.memory_space<semaphore_mem>>
      tpu.wait_indirect_dma semaphore(%dma_wait3A_477 : memref<!tpu.dma_semaphore, #tpu.memory_space<semaphore_mem>>) src(%arg14 : memref<40x128xf32, #tpu.memory_space<vmem>>) dst(%dma_wait3A_475 : memref<10000x128xf32, #tpu.memory_space<vmem_shared>>)
      %add3A_478 = arith.constant 6 : i32
      %add3A_479 = arith.addi %mul3A_257, %add3A_478 : i32
      %add3A_480 = arith.constant 4 : i32
      %add3A_481 = arith.addi %add3A_479, %add3A_480 : i32
      %lt3A_482 = arith.constant 250 : i32
      %lt3A_483 = arith.cmpi slt, %add3A_481, %lt3A_482 : i32
      %convert_element_type3A_484 = arith.extui %lt3A_483 : i1 to i32
      %cond3A_485 = arith.constant 0 : i32
      %cond3A_486 = arith.cmpi ne, %convert_element_type3A_484, %cond3A_485 : i32
      scf.if %cond3A_486 {
        %dma_start3A_507 = arith.constant 4 : i32
        %dma_start3A_508 = arith.constant 0 : i32
        %dma_start3A_509 = tpu.memref_slice %arg8[%add3A_481, %dma_start3A_508] : memref<250x40xi32, #tpu.memory_space<vmem>> -> memref<1x40xi32, #tpu.memory_space<vmem>>
        %dma_start3A_510 = tpu.memref_squeeze %dma_start3A_509 : memref<1x40xi32, #tpu.memory_space<vmem>> -> memref<40xi32, #tpu.memory_space<vmem>>
        %dma_start3A_511 = arith.constant 0 : i32
        %dma_start3A_512 = arith.constant 0 : i32
        %dma_start3A_513 = tpu.memref_slice %arg2[%dma_start3A_511, %dma_start3A_512] : memref<10000x128xf32, #tpu.memory_space<hbm>> -> memref<10000x128xf32, #tpu.memory_space<hbm>>
        %dma_start3A_514 = tpu.memref_slice %arg16[%dma_start3A_507] : memref<6x!tpu.dma_semaphore, #tpu.memory_space<semaphore_mem>> -> memref<1x!tpu.dma_semaphore, #tpu.memory_space<semaphore_mem>>
        %dma_start3A_515 = tpu.memref_squeeze %dma_start3A_514 : memref<1x!tpu.dma_semaphore, #tpu.memory_space<semaphore_mem>> -> memref<!tpu.dma_semaphore, #tpu.memory_space<semaphore_mem>>
        tpu.enqueue_indirect_dma source(%dma_start3A_513 : memref<10000x128xf32, #tpu.memory_space<hbm>>) target(%arg14 : memref<40x128xf32, #tpu.memory_space<vmem>>) offsets(%dma_start3A_510 : memref<40xi32, #tpu.memory_space<vmem>>) semaphore(%dma_start3A_515 : memref<!tpu.dma_semaphore, #tpu.memory_space<semaphore_mem>>)
      } else {
      }
      %add3A_487 = arith.constant 5 : i32
      %add3A_488 = arith.addi %mul3A_257, %add3A_487 : i32
      %dma_wait3A_489 = arith.constant 5 : i32
      %dma_wait3A_490 = arith.constant 0 : i32
      %dma_wait3A_491 = tpu.memref_slice %arg9[%add3A_488, %dma_wait3A_490] : memref<250x40xi32, #tpu.memory_space<vmem>> -> memref<1x40xi32, #tpu.memory_space<vmem>>
      %dma_wait3A_492 = tpu.memref_squeeze %dma_wait3A_491 : memref<1x40xi32, #tpu.memory_space<vmem>> -> memref<40xi32, #tpu.memory_space<vmem>>
      %dma_wait3A_493 = arith.constant 0 : i32
      %dma_wait3A_494 = arith.constant 0 : i32
      %dma_wait3A_495 = tpu.memref_slice %arg7[%dma_wait3A_493, %dma_wait3A_494] : memref<10000x128xf32, #tpu.memory_space<vmem_shared>> -> memref<10000x128xf32, #tpu.memory_space<vmem_shared>>
      %dma_wait3A_496 = tpu.memref_slice %arg17[%dma_wait3A_489] : memref<6x!tpu.dma_semaphore, #tpu.memory_space<semaphore_mem>> -> memref<1x!tpu.dma_semaphore, #tpu.memory_space<semaphore_mem>>
      %dma_wait3A_497 = tpu.memref_squeeze %dma_wait3A_496 : memref<1x!tpu.dma_semaphore, #tpu.memory_space<semaphore_mem>> -> memref<!tpu.dma_semaphore, #tpu.memory_space<semaphore_mem>>
      tpu.wait_indirect_dma semaphore(%dma_wait3A_497 : memref<!tpu.dma_semaphore, #tpu.memory_space<semaphore_mem>>) src(%arg15 : memref<40x128xf32, #tpu.memory_space<vmem>>) dst(%dma_wait3A_495 : memref<10000x128xf32, #tpu.memory_space<vmem_shared>>)
      %add3A_498 = arith.constant 6 : i32
      %add3A_499 = arith.addi %mul3A_257, %add3A_498 : i32
      %add3A_500 = arith.constant 5 : i32
      %add3A_501 = arith.addi %add3A_499, %add3A_500 : i32
      %lt3A_502 = arith.constant 250 : i32
      %lt3A_503 = arith.cmpi slt, %add3A_501, %lt3A_502 : i32
      %convert_element_type3A_504 = arith.extui %lt3A_503 : i1 to i32
      %cond3A_505 = arith.constant 0 : i32
      %cond3A_506 = arith.cmpi ne, %convert_element_type3A_504, %cond3A_505 : i32
      scf.if %cond3A_506 {
        %dma_start3A_507 = arith.constant 5 : i32
        %dma_start3A_508 = arith.constant 0 : i32
        %dma_start3A_509 = tpu.memref_slice %arg8[%add3A_501, %dma_start3A_508] : memref<250x40xi32, #tpu.memory_space<vmem>> -> memref<1x40xi32, #tpu.memory_space<vmem>>
        %dma_start3A_510 = tpu.memref_squeeze %dma_start3A_509 : memref<1x40xi32, #tpu.memory_space<vmem>> -> memref<40xi32, #tpu.memory_space<vmem>>
        %dma_start3A_511 = arith.constant 0 : i32
        %dma_start3A_512 = arith.constant 0 : i32
        %dma_start3A_513 = tpu.memref_slice %arg2[%dma_start3A_511, %dma_start3A_512] : memref<10000x128xf32, #tpu.memory_space<hbm>> -> memref<10000x128xf32, #tpu.memory_space<hbm>>
        %dma_start3A_514 = tpu.memref_slice %arg16[%dma_start3A_507] : memref<6x!tpu.dma_semaphore, #tpu.memory_space<semaphore_mem>> -> memref<1x!tpu.dma_semaphore, #tpu.memory_space<semaphore_mem>>
        %dma_start3A_515 = tpu.memref_squeeze %dma_start3A_514 : memref<1x!tpu.dma_semaphore, #tpu.memory_space<semaphore_mem>> -> memref<!tpu.dma_semaphore, #tpu.memory_space<semaphore_mem>>
        tpu.enqueue_indirect_dma source(%dma_start3A_513 : memref<10000x128xf32, #tpu.memory_space<hbm>>) target(%arg15 : memref<40x128xf32, #tpu.memory_space<vmem>>) offsets(%dma_start3A_510 : memref<40xi32, #tpu.memory_space<vmem>>) semaphore(%dma_start3A_515 : memref<!tpu.dma_semaphore, #tpu.memory_space<semaphore_mem>>)
      } else {
      }
    }
    %scan3A_109 = arith.constant 41 : i32
    %add3A_110 = arith.constant 246 : i32
    %add3A_111 = arith.constant 0 : i32
    %add3A_112 = arith.addi %add3A_110, %add3A_111 : i32
    %dma_wait3A_113 = arith.constant 0 : i32
    %dma_wait3A_114 = arith.constant 0 : i32
    %dma_wait3A_115 = tpu.memref_slice %arg8[%add3A_112, %dma_wait3A_114] : memref<250x40xi32, #tpu.memory_space<vmem>> -> memref<1x40xi32, #tpu.memory_space<vmem>>
    %dma_wait3A_116 = tpu.memref_squeeze %dma_wait3A_115 : memref<1x40xi32, #tpu.memory_space<vmem>> -> memref<40xi32, #tpu.memory_space<vmem>>
    %dma_wait3A_117 = arith.constant 0 : i32
    %dma_wait3A_118 = arith.constant 0 : i32
    %dma_wait3A_119 = tpu.memref_slice %arg2[%dma_wait3A_117, %dma_wait3A_118] : memref<10000x128xf32, #tpu.memory_space<hbm>> -> memref<10000x128xf32, #tpu.memory_space<hbm>>
    %dma_wait3A_120 = tpu.memref_slice %arg16[%dma_wait3A_113] : memref<6x!tpu.dma_semaphore, #tpu.memory_space<semaphore_mem>> -> memref<1x!tpu.dma_semaphore, #tpu.memory_space<semaphore_mem>>
    %dma_wait3A_121 = tpu.memref_squeeze %dma_wait3A_120 : memref<1x!tpu.dma_semaphore, #tpu.memory_space<semaphore_mem>> -> memref<!tpu.dma_semaphore, #tpu.memory_space<semaphore_mem>>
    tpu.wait_indirect_dma semaphore(%dma_wait3A_121 : memref<!tpu.dma_semaphore, #tpu.memory_space<semaphore_mem>>) src(%dma_wait3A_119 : memref<10000x128xf32, #tpu.memory_space<hbm>>) dst(%arg10 : memref<40x128xf32, #tpu.memory_space<vmem>>)
    %add3A_122 = arith.constant 246 : i32
    %add3A_123 = arith.constant 0 : i32
    %add3A_124 = arith.addi %add3A_122, %add3A_123 : i32
    %dma_start3A_125 = arith.constant 0 : i32
    %dma_start3A_126 = arith.constant 0 : i32
    %dma_start3A_127 = tpu.memref_slice %arg9[%add3A_124, %dma_start3A_126] : memref<250x40xi32, #tpu.memory_space<vmem>> -> memref<1x40xi32, #tpu.memory_space<vmem>>
    %dma_start3A_128 = tpu.memref_squeeze %dma_start3A_127 : memref<1x40xi32, #tpu.memory_space<vmem>> -> memref<40xi32, #tpu.memory_space<vmem>>
    %dma_start3A_129 = arith.constant 0 : i32
    %dma_start3A_130 = arith.constant 0 : i32
    %dma_start3A_131 = tpu.memref_slice %arg7[%dma_start3A_129, %dma_start3A_130] : memref<10000x128xf32, #tpu.memory_space<vmem_shared>> -> memref<10000x128xf32, #tpu.memory_space<vmem_shared>>
    %dma_start3A_132 = tpu.memref_slice %arg17[%dma_start3A_125] : memref<6x!tpu.dma_semaphore, #tpu.memory_space<semaphore_mem>> -> memref<1x!tpu.dma_semaphore, #tpu.memory_space<semaphore_mem>>
    %dma_start3A_133 = tpu.memref_squeeze %dma_start3A_132 : memref<1x!tpu.dma_semaphore, #tpu.memory_space<semaphore_mem>> -> memref<!tpu.dma_semaphore, #tpu.memory_space<semaphore_mem>>
    tpu.enqueue_indirect_dma source(%arg10 : memref<40x128xf32, #tpu.memory_space<vmem>>) target(%dma_start3A_131 : memref<10000x128xf32, #tpu.memory_space<vmem_shared>>) offsets(%dma_start3A_128 : memref<40xi32, #tpu.memory_space<vmem>>) semaphore(%dma_start3A_133 : memref<!tpu.dma_semaphore, #tpu.memory_space<semaphore_mem>>) {add = true}
    %add3A_134 = arith.constant 246 : i32
    %add3A_135 = arith.constant 1 : i32
    %add3A_136 = arith.addi %add3A_134, %add3A_135 : i32
    %dma_wait3A_137 = arith.constant 1 : i32
    %dma_wait3A_138 = arith.constant 0 : i32
    %dma_wait3A_139 = tpu.memref_slice %arg8[%add3A_136, %dma_wait3A_138] : memref<250x40xi32, #tpu.memory_space<vmem>> -> memref<1x40xi32, #tpu.memory_space<vmem>>
    %dma_wait3A_140 = tpu.memref_squeeze %dma_wait3A_139 : memref<1x40xi32, #tpu.memory_space<vmem>> -> memref<40xi32, #tpu.memory_space<vmem>>
    %dma_wait3A_141 = arith.constant 0 : i32
    %dma_wait3A_142 = arith.constant 0 : i32
    %dma_wait3A_143 = tpu.memref_slice %arg2[%dma_wait3A_141, %dma_wait3A_142] : memref<10000x128xf32, #tpu.memory_space<hbm>> -> memref<10000x128xf32, #tpu.memory_space<hbm>>
    %dma_wait3A_144 = tpu.memref_slice %arg16[%dma_wait3A_137] : memref<6x!tpu.dma_semaphore, #tpu.memory_space<semaphore_mem>> -> memref<1x!tpu.dma_semaphore, #tpu.memory_space<semaphore_mem>>
    %dma_wait3A_145 = tpu.memref_squeeze %dma_wait3A_144 : memref<1x!tpu.dma_semaphore, #tpu.memory_space<semaphore_mem>> -> memref<!tpu.dma_semaphore, #tpu.memory_space<semaphore_mem>>
    tpu.wait_indirect_dma semaphore(%dma_wait3A_145 : memref<!tpu.dma_semaphore, #tpu.memory_space<semaphore_mem>>) src(%dma_wait3A_143 : memref<10000x128xf32, #tpu.memory_space<hbm>>) dst(%arg11 : memref<40x128xf32, #tpu.memory_space<vmem>>)
    %add3A_146 = arith.constant 246 : i32
    %add3A_147 = arith.constant 1 : i32
    %add3A_148 = arith.addi %add3A_146, %add3A_147 : i32
    %dma_start3A_149 = arith.constant 1 : i32
    %dma_start3A_150 = arith.constant 0 : i32
    %dma_start3A_151 = tpu.memref_slice %arg9[%add3A_148, %dma_start3A_150] : memref<250x40xi32, #tpu.memory_space<vmem>> -> memref<1x40xi32, #tpu.memory_space<vmem>>
    %dma_start3A_152 = tpu.memref_squeeze %dma_start3A_151 : memref<1x40xi32, #tpu.memory_space<vmem>> -> memref<40xi32, #tpu.memory_space<vmem>>
    %dma_start3A_153 = arith.constant 0 : i32
    %dma_start3A_154 = arith.constant 0 : i32
    %dma_start3A_155 = tpu.memref_slice %arg7[%dma_start3A_153, %dma_start3A_154] : memref<10000x128xf32, #tpu.memory_space<vmem_shared>> -> memref<10000x128xf32, #tpu.memory_space<vmem_shared>>
    %dma_start3A_156 = tpu.memref_slice %arg17[%dma_start3A_149] : memref<6x!tpu.dma_semaphore, #tpu.memory_space<semaphore_mem>> -> memref<1x!tpu.dma_semaphore, #tpu.memory_space<semaphore_mem>>
    %dma_start3A_157 = tpu.memref_squeeze %dma_start3A_156 : memref<1x!tpu.dma_semaphore, #tpu.memory_space<semaphore_mem>> -> memref<!tpu.dma_semaphore, #tpu.memory_space<semaphore_mem>>
    tpu.enqueue_indirect_dma source(%arg11 : memref<40x128xf32, #tpu.memory_space<vmem>>) target(%dma_start3A_155 : memref<10000x128xf32, #tpu.memory_space<vmem_shared>>) offsets(%dma_start3A_152 : memref<40xi32, #tpu.memory_space<vmem>>) semaphore(%dma_start3A_157 : memref<!tpu.dma_semaphore, #tpu.memory_space<semaphore_mem>>) {add = true}
    %add3A_158 = arith.constant 246 : i32
    %add3A_159 = arith.constant 2 : i32
    %add3A_160 = arith.addi %add3A_158, %add3A_159 : i32
    %dma_wait3A_161 = arith.constant 2 : i32
    %dma_wait3A_162 = arith.constant 0 : i32
    %dma_wait3A_163 = tpu.memref_slice %arg8[%add3A_160, %dma_wait3A_162] : memref<250x40xi32, #tpu.memory_space<vmem>> -> memref<1x40xi32, #tpu.memory_space<vmem>>
    %dma_wait3A_164 = tpu.memref_squeeze %dma_wait3A_163 : memref<1x40xi32, #tpu.memory_space<vmem>> -> memref<40xi32, #tpu.memory_space<vmem>>
    %dma_wait3A_165 = arith.constant 0 : i32
    %dma_wait3A_166 = arith.constant 0 : i32
    %dma_wait3A_167 = tpu.memref_slice %arg2[%dma_wait3A_165, %dma_wait3A_166] : memref<10000x128xf32, #tpu.memory_space<hbm>> -> memref<10000x128xf32, #tpu.memory_space<hbm>>
    %dma_wait3A_168 = tpu.memref_slice %arg16[%dma_wait3A_161] : memref<6x!tpu.dma_semaphore, #tpu.memory_space<semaphore_mem>> -> memref<1x!tpu.dma_semaphore, #tpu.memory_space<semaphore_mem>>
    %dma_wait3A_169 = tpu.memref_squeeze %dma_wait3A_168 : memref<1x!tpu.dma_semaphore, #tpu.memory_space<semaphore_mem>> -> memref<!tpu.dma_semaphore, #tpu.memory_space<semaphore_mem>>
    tpu.wait_indirect_dma semaphore(%dma_wait3A_169 : memref<!tpu.dma_semaphore, #tpu.memory_space<semaphore_mem>>) src(%dma_wait3A_167 : memref<10000x128xf32, #tpu.memory_space<hbm>>) dst(%arg12 : memref<40x128xf32, #tpu.memory_space<vmem>>)
    %add3A_170 = arith.constant 246 : i32
    %add3A_171 = arith.constant 2 : i32
    %add3A_172 = arith.addi %add3A_170, %add3A_171 : i32
    %dma_start3A_173 = arith.constant 2 : i32
    %dma_start3A_174 = arith.constant 0 : i32
    %dma_start3A_175 = tpu.memref_slice %arg9[%add3A_172, %dma_start3A_174] : memref<250x40xi32, #tpu.memory_space<vmem>> -> memref<1x40xi32, #tpu.memory_space<vmem>>
    %dma_start3A_176 = tpu.memref_squeeze %dma_start3A_175 : memref<1x40xi32, #tpu.memory_space<vmem>> -> memref<40xi32, #tpu.memory_space<vmem>>
    %dma_start3A_177 = arith.constant 0 : i32
    %dma_start3A_178 = arith.constant 0 : i32
    %dma_start3A_179 = tpu.memref_slice %arg7[%dma_start3A_177, %dma_start3A_178] : memref<10000x128xf32, #tpu.memory_space<vmem_shared>> -> memref<10000x128xf32, #tpu.memory_space<vmem_shared>>
    %dma_start3A_180 = tpu.memref_slice %arg17[%dma_start3A_173] : memref<6x!tpu.dma_semaphore, #tpu.memory_space<semaphore_mem>> -> memref<1x!tpu.dma_semaphore, #tpu.memory_space<semaphore_mem>>
    %dma_start3A_181 = tpu.memref_squeeze %dma_start3A_180 : memref<1x!tpu.dma_semaphore, #tpu.memory_space<semaphore_mem>> -> memref<!tpu.dma_semaphore, #tpu.memory_space<semaphore_mem>>
    tpu.enqueue_indirect_dma source(%arg12 : memref<40x128xf32, #tpu.memory_space<vmem>>) target(%dma_start3A_179 : memref<10000x128xf32, #tpu.memory_space<vmem_shared>>) offsets(%dma_start3A_176 : memref<40xi32, #tpu.memory_space<vmem>>) semaphore(%dma_start3A_181 : memref<!tpu.dma_semaphore, #tpu.memory_space<semaphore_mem>>) {add = true}
    %add3A_182 = arith.constant 246 : i32
    %add3A_183 = arith.constant 3 : i32
    %add3A_184 = arith.addi %add3A_182, %add3A_183 : i32
    %dma_wait3A_185 = arith.constant 3 : i32
    %dma_wait3A_186 = arith.constant 0 : i32
    %dma_wait3A_187 = tpu.memref_slice %arg8[%add3A_184, %dma_wait3A_186] : memref<250x40xi32, #tpu.memory_space<vmem>> -> memref<1x40xi32, #tpu.memory_space<vmem>>
    %dma_wait3A_188 = tpu.memref_squeeze %dma_wait3A_187 : memref<1x40xi32, #tpu.memory_space<vmem>> -> memref<40xi32, #tpu.memory_space<vmem>>
    %dma_wait3A_189 = arith.constant 0 : i32
    %dma_wait3A_190 = arith.constant 0 : i32
    %dma_wait3A_191 = tpu.memref_slice %arg2[%dma_wait3A_189, %dma_wait3A_190] : memref<10000x128xf32, #tpu.memory_space<hbm>> -> memref<10000x128xf32, #tpu.memory_space<hbm>>
    %dma_wait3A_192 = tpu.memref_slice %arg16[%dma_wait3A_185] : memref<6x!tpu.dma_semaphore, #tpu.memory_space<semaphore_mem>> -> memref<1x!tpu.dma_semaphore, #tpu.memory_space<semaphore_mem>>
    %dma_wait3A_193 = tpu.memref_squeeze %dma_wait3A_192 : memref<1x!tpu.dma_semaphore, #tpu.memory_space<semaphore_mem>> -> memref<!tpu.dma_semaphore, #tpu.memory_space<semaphore_mem>>
    tpu.wait_indirect_dma semaphore(%dma_wait3A_193 : memref<!tpu.dma_semaphore, #tpu.memory_space<semaphore_mem>>) src(%dma_wait3A_191 : memref<10000x128xf32, #tpu.memory_space<hbm>>) dst(%arg13 : memref<40x128xf32, #tpu.memory_space<vmem>>)
    %add3A_194 = arith.constant 246 : i32
    %add3A_195 = arith.constant 3 : i32
    %add3A_196 = arith.addi %add3A_194, %add3A_195 : i32
    %dma_start3A_197 = arith.constant 3 : i32
    %dma_start3A_198 = arith.constant 0 : i32
    %dma_start3A_199 = tpu.memref_slice %arg9[%add3A_196, %dma_start3A_198] : memref<250x40xi32, #tpu.memory_space<vmem>> -> memref<1x40xi32, #tpu.memory_space<vmem>>
    %dma_start3A_200 = tpu.memref_squeeze %dma_start3A_199 : memref<1x40xi32, #tpu.memory_space<vmem>> -> memref<40xi32, #tpu.memory_space<vmem>>
    %dma_start3A_201 = arith.constant 0 : i32
    %dma_start3A_202 = arith.constant 0 : i32
    %dma_start3A_203 = tpu.memref_slice %arg7[%dma_start3A_201, %dma_start3A_202] : memref<10000x128xf32, #tpu.memory_space<vmem_shared>> -> memref<10000x128xf32, #tpu.memory_space<vmem_shared>>
    %dma_start3A_204 = tpu.memref_slice %arg17[%dma_start3A_197] : memref<6x!tpu.dma_semaphore, #tpu.memory_space<semaphore_mem>> -> memref<1x!tpu.dma_semaphore, #tpu.memory_space<semaphore_mem>>
    %dma_start3A_205 = tpu.memref_squeeze %dma_start3A_204 : memref<1x!tpu.dma_semaphore, #tpu.memory_space<semaphore_mem>> -> memref<!tpu.dma_semaphore, #tpu.memory_space<semaphore_mem>>
    tpu.enqueue_indirect_dma source(%arg13 : memref<40x128xf32, #tpu.memory_space<vmem>>) target(%dma_start3A_203 : memref<10000x128xf32, #tpu.memory_space<vmem_shared>>) offsets(%dma_start3A_200 : memref<40xi32, #tpu.memory_space<vmem>>) semaphore(%dma_start3A_205 : memref<!tpu.dma_semaphore, #tpu.memory_space<semaphore_mem>>) {add = true}
    %add3A_206 = arith.constant 246 : i32
    %add3A_207 = arith.constant 0 : i32
    %add3A_208 = arith.addi %add3A_206, %add3A_207 : i32
    %dma_wait3A_209 = arith.constant 0 : i32
    %dma_wait3A_210 = arith.constant 0 : i32
    %dma_wait3A_211 = tpu.memref_slice %arg9[%add3A_208, %dma_wait3A_210] : memref<250x40xi32, #tpu.memory_space<vmem>> -> memref<1x40xi32, #tpu.memory_space<vmem>>
    %dma_wait3A_212 = tpu.memref_squeeze %dma_wait3A_211 : memref<1x40xi32, #tpu.memory_space<vmem>> -> memref<40xi32, #tpu.memory_space<vmem>>
    %dma_wait3A_213 = arith.constant 0 : i32
    %dma_wait3A_214 = arith.constant 0 : i32
    %dma_wait3A_215 = tpu.memref_slice %arg7[%dma_wait3A_213, %dma_wait3A_214] : memref<10000x128xf32, #tpu.memory_space<vmem_shared>> -> memref<10000x128xf32, #tpu.memory_space<vmem_shared>>
    %dma_wait3A_216 = tpu.memref_slice %arg17[%dma_wait3A_209] : memref<6x!tpu.dma_semaphore, #tpu.memory_space<semaphore_mem>> -> memref<1x!tpu.dma_semaphore, #tpu.memory_space<semaphore_mem>>
    %dma_wait3A_217 = tpu.memref_squeeze %dma_wait3A_216 : memref<1x!tpu.dma_semaphore, #tpu.memory_space<semaphore_mem>> -> memref<!tpu.dma_semaphore, #tpu.memory_space<semaphore_mem>>
    tpu.wait_indirect_dma semaphore(%dma_wait3A_217 : memref<!tpu.dma_semaphore, #tpu.memory_space<semaphore_mem>>) src(%arg10 : memref<40x128xf32, #tpu.memory_space<vmem>>) dst(%dma_wait3A_215 : memref<10000x128xf32, #tpu.memory_space<vmem_shared>>)
    %add3A_218 = arith.constant 246 : i32
    %add3A_219 = arith.constant 1 : i32
    %add3A_220 = arith.addi %add3A_218, %add3A_219 : i32
    %dma_wait3A_221 = arith.constant 1 : i32
    %dma_wait3A_222 = arith.constant 0 : i32
    %dma_wait3A_223 = tpu.memref_slice %arg9[%add3A_220, %dma_wait3A_222] : memref<250x40xi32, #tpu.memory_space<vmem>> -> memref<1x40xi32, #tpu.memory_space<vmem>>
    %dma_wait3A_224 = tpu.memref_squeeze %dma_wait3A_223 : memref<1x40xi32, #tpu.memory_space<vmem>> -> memref<40xi32, #tpu.memory_space<vmem>>
    %dma_wait3A_225 = arith.constant 0 : i32
    %dma_wait3A_226 = arith.constant 0 : i32
    %dma_wait3A_227 = tpu.memref_slice %arg7[%dma_wait3A_225, %dma_wait3A_226] : memref<10000x128xf32, #tpu.memory_space<vmem_shared>> -> memref<10000x128xf32, #tpu.memory_space<vmem_shared>>
    %dma_wait3A_228 = tpu.memref_slice %arg17[%dma_wait3A_221] : memref<6x!tpu.dma_semaphore, #tpu.memory_space<semaphore_mem>> -> memref<1x!tpu.dma_semaphore, #tpu.memory_space<semaphore_mem>>
    %dma_wait3A_229 = tpu.memref_squeeze %dma_wait3A_228 : memref<1x!tpu.dma_semaphore, #tpu.memory_space<semaphore_mem>> -> memref<!tpu.dma_semaphore, #tpu.memory_space<semaphore_mem>>
    tpu.wait_indirect_dma semaphore(%dma_wait3A_229 : memref<!tpu.dma_semaphore, #tpu.memory_space<semaphore_mem>>) src(%arg11 : memref<40x128xf32, #tpu.memory_space<vmem>>) dst(%dma_wait3A_227 : memref<10000x128xf32, #tpu.memory_space<vmem_shared>>)
    %add3A_230 = arith.constant 246 : i32
    %add3A_231 = arith.constant 2 : i32
    %add3A_232 = arith.addi %add3A_230, %add3A_231 : i32
    %dma_wait3A_233 = arith.constant 2 : i32
    %dma_wait3A_234 = arith.constant 0 : i32
    %dma_wait3A_235 = tpu.memref_slice %arg9[%add3A_232, %dma_wait3A_234] : memref<250x40xi32, #tpu.memory_space<vmem>> -> memref<1x40xi32, #tpu.memory_space<vmem>>
    %dma_wait3A_236 = tpu.memref_squeeze %dma_wait3A_235 : memref<1x40xi32, #tpu.memory_space<vmem>> -> memref<40xi32, #tpu.memory_space<vmem>>
    %dma_wait3A_237 = arith.constant 0 : i32
    %dma_wait3A_238 = arith.constant 0 : i32
    %dma_wait3A_239 = tpu.memref_slice %arg7[%dma_wait3A_237, %dma_wait3A_238] : memref<10000x128xf32, #tpu.memory_space<vmem_shared>> -> memref<10000x128xf32, #tpu.memory_space<vmem_shared>>
    %dma_wait3A_240 = tpu.memref_slice %arg17[%dma_wait3A_233] : memref<6x!tpu.dma_semaphore, #tpu.memory_space<semaphore_mem>> -> memref<1x!tpu.dma_semaphore, #tpu.memory_space<semaphore_mem>>
    %dma_wait3A_241 = tpu.memref_squeeze %dma_wait3A_240 : memref<1x!tpu.dma_semaphore, #tpu.memory_space<semaphore_mem>> -> memref<!tpu.dma_semaphore, #tpu.memory_space<semaphore_mem>>
    tpu.wait_indirect_dma semaphore(%dma_wait3A_241 : memref<!tpu.dma_semaphore, #tpu.memory_space<semaphore_mem>>) src(%arg12 : memref<40x128xf32, #tpu.memory_space<vmem>>) dst(%dma_wait3A_239 : memref<10000x128xf32, #tpu.memory_space<vmem_shared>>)
    %add3A_242 = arith.constant 246 : i32
    %add3A_243 = arith.constant 3 : i32
    %add3A_244 = arith.addi %add3A_242, %add3A_243 : i32
    %dma_wait3A_245 = arith.constant 3 : i32
    %dma_wait3A_246 = arith.constant 0 : i32
    %dma_wait3A_247 = tpu.memref_slice %arg9[%add3A_244, %dma_wait3A_246] : memref<250x40xi32, #tpu.memory_space<vmem>> -> memref<1x40xi32, #tpu.memory_space<vmem>>
    %dma_wait3A_248 = tpu.memref_squeeze %dma_wait3A_247 : memref<1x40xi32, #tpu.memory_space<vmem>> -> memref<40xi32, #tpu.memory_space<vmem>>
    %dma_wait3A_249 = arith.constant 0 : i32
    %dma_wait3A_250 = arith.constant 0 : i32
    %dma_wait3A_251 = tpu.memref_slice %arg7[%dma_wait3A_249, %dma_wait3A_250] : memref<10000x128xf32, #tpu.memory_space<vmem_shared>> -> memref<10000x128xf32, #tpu.memory_space<vmem_shared>>
    %dma_wait3A_252 = tpu.memref_slice %arg17[%dma_wait3A_245] : memref<6x!tpu.dma_semaphore, #tpu.memory_space<semaphore_mem>> -> memref<1x!tpu.dma_semaphore, #tpu.memory_space<semaphore_mem>>
    %dma_wait3A_253 = tpu.memref_squeeze %dma_wait3A_252 : memref<1x!tpu.dma_semaphore, #tpu.memory_space<semaphore_mem>> -> memref<!tpu.dma_semaphore, #tpu.memory_space<semaphore_mem>>
    tpu.wait_indirect_dma semaphore(%dma_wait3A_253 : memref<!tpu.dma_semaphore, #tpu.memory_space<semaphore_mem>>) src(%arg13 : memref<40x128xf32, #tpu.memory_space<vmem>>) dst(%dma_wait3A_251 : memref<10000x128xf32, #tpu.memory_space<vmem_shared>>)
    %barrier3A_254 = arith.constant 0 : index
    tpu.barrier barrier_id(%barrier3A_254)
    "tpu.region"() ({
      %run_scoped3A = tpu.sem_alloc : memref<!tpu.dma_semaphore, #tpu.memory_space<semaphore_mem>>
      %dma_start3A_255 = arith.constant 0 : i32
      %dma_start3A_256 = tpu.memref_slice %arg6[%arg0, %mul3A_0, %dma_start3A_255] : memref<2x10000x128xf32, #tpu.memory_space<hbm>> -> memref<1x625x128xf32, #tpu.memory_space<hbm>>
      %dma_start3A_257 = tpu.memref_squeeze %dma_start3A_256 : memref<1x625x128xf32, #tpu.memory_space<hbm>> -> memref<625x128xf32, #tpu.memory_space<hbm>>
      %dma_start3A_258 = arith.constant 0 : i32
      %dma_start3A_259 = tpu.memref_slice %arg7[%mul3A_0, %dma_start3A_258] : memref<10000x128xf32, #tpu.memory_space<vmem_shared>> -> memref<625x128xf32, #tpu.memory_space<vmem_shared>>
      tpu.enqueue_dma source(%dma_start3A_259 : memref<625x128xf32, #tpu.memory_space<vmem_shared>>) target(%dma_start3A_257 : memref<625x128xf32, #tpu.memory_space<hbm>>) target_semaphore(%run_scoped3A : memref<!tpu.dma_semaphore, #tpu.memory_space<semaphore_mem>>)
      %dma_wait3A_260 = arith.constant 0 : i32
      %dma_wait3A_261 = tpu.memref_slice %arg6[%arg0, %mul3A_0, %dma_wait3A_260] : memref<2x10000x128xf32, #tpu.memory_space<hbm>> -> memref<1x625x128xf32, #tpu.memory_space<hbm>>
      %dma_wait3A_262 = tpu.memref_squeeze %dma_wait3A_261 : memref<1x625x128xf32, #tpu.memory_space<hbm>> -> memref<625x128xf32, #tpu.memory_space<hbm>>
      %dma_wait3A_263 = arith.constant 0 : i32
      %dma_wait3A_264 = tpu.memref_slice %arg7[%mul3A_0, %dma_wait3A_263] : memref<10000x128xf32, #tpu.memory_space<vmem_shared>> -> memref<625x128xf32, #tpu.memory_space<vmem_shared>>
      tpu.wait_dma2 semaphore(%run_scoped3A : memref<!tpu.dma_semaphore, #tpu.memory_space<semaphore_mem>>) src(%dma_wait3A_264 : memref<625x128xf32, #tpu.memory_space<vmem_shared>>) dst(%dma_wait3A_262 : memref<625x128xf32, #tpu.memory_space<hbm>>)
      tpu.yield
    }) : () -> ()
    return
  }
}

#map = affine_map<(d0, d1) -> (0, 0)>
#map1 = affine_map<(d0, d1) -> (0, 0, 0)>
module attributes {stable_mosaic.version = 14 : i64} {
  func.func @k(%arg0: i32, %arg1: i32, %arg2: memref<10000x128xf32, #tpu.memory_space<hbm>>, %arg3: memref<8000x40xi32, #tpu.memory_space<hbm>>, %arg4: memref<8000x40xi32, #tpu.memory_space<hbm>>, %arg5: memref<10000x128xf32, #tpu.memory_space<hbm>>, %arg6: memref<2x10000x128xf32, #tpu.memory_space<hbm>>, %arg7: memref<10000x128xf32, #tpu.memory_space<vmem_shared>>, %arg8: memref<250x40xi32, #tpu.memory_space<vmem>>, %arg9: memref<250x40xi32, #tpu.memory_space<vmem>>, %arg10: memref<40x128xf32, #tpu.memory_space<vmem>>, %arg11: memref<40x128xf32, #tpu.memory_space<vmem>>, %arg12: memref<40x128xf32, #tpu.memory_space<vmem>>, %arg13: memref<40x128xf32, #tpu.memory_space<vmem>>, %arg14: memref<40x128xf32, #tpu.memory_space<vmem>>, %arg15: memref<40x128xf32, #tpu.memory_space<vmem>>, %arg16: memref<6x!tpu.dma_semaphore, #tpu.memory_space<semaphore_mem>>, %arg17: memref<6x!tpu.dma_semaphore, #tpu.memory_space<semaphore_mem>>) attributes {dimension_semantics = [#tpu.dimension_semantics<core_parallel>, #tpu.dimension_semantics<subcore_parallel>], iteration_bounds = array<i64: 2, 16>, scalar_prefetch = 0 : i64, scratch_operands = 11 : i64, tpu.core_type = #tpu.core_type<sc_vector_subcore>, window_params = [{transform_indices = #map}, {transform_indices = #map}, {transform_indices = #map}, {transform_indices = #map}, {transform_indices = #map1}]} {
    %mul3A = arith.constant 625 : i32
    %mul3A_0 = arith.muli %arg1, %mul3A : i32
    %mul3A_1 = arith.constant 16 : i32
    %mul3A_2 = arith.muli %arg0, %mul3A_1 : i32
    %add3A = arith.addi %mul3A_2, %arg1 : i32
    %mul3A_3 = arith.constant 250 : i32
    %mul3A_4 = arith.muli %add3A, %mul3A_3 : i32
    %dma_start3A = arith.constant 0 : i32
    %dma_start3A_5 = tpu.memref_slice %arg16[%dma_start3A] : memref<6x!tpu.dma_semaphore, #tpu.memory_space<semaphore_mem>> -> memref<1x!tpu.dma_semaphore, #tpu.memory_space<semaphore_mem>>
    %dma_start3A_6 = tpu.memref_squeeze %dma_start3A_5 : memref<1x!tpu.dma_semaphore, #tpu.memory_space<semaphore_mem>> -> memref<!tpu.dma_semaphore, #tpu.memory_space<semaphore_mem>>
    %dma_start3A_7 = arith.constant 0 : i32
    %dma_start3A_8 = tpu.memref_slice %arg7[%mul3A_0, %dma_start3A_7] : memref<10000x128xf32, #tpu.memory_space<vmem_shared>> -> memref<625x128xf32, #tpu.memory_space<vmem_shared>>
    %dma_start3A_9 = arith.constant 0 : i32
    %dma_start3A_10 = tpu.memref_slice %arg5[%mul3A_0, %dma_start3A_9] : memref<10000x128xf32, #tpu.memory_space<hbm>> -> memref<625x128xf32, #tpu.memory_space<hbm>>
    tpu.enqueue_dma source(%dma_start3A_10 : memref<625x128xf32, #tpu.memory_space<hbm>>) target(%dma_start3A_8 : memref<625x128xf32, #tpu.memory_space<vmem_shared>>) target_semaphore(%dma_start3A_6 : memref<!tpu.dma_semaphore, #tpu.memory_space<semaphore_mem>>)
    %dma_start3A_11 = arith.constant 1 : i32
    %dma_start3A_12 = arith.constant 0 : i32
    %dma_start3A_13 = tpu.memref_slice %arg3[%mul3A_4, %dma_start3A_12] : memref<8000x40xi32, #tpu.memory_space<hbm>> -> memref<250x40xi32, #tpu.memory_space<hbm>>
    %dma_start3A_14 = tpu.memref_slice %arg16[%dma_start3A_11] : memref<6x!tpu.dma_semaphore, #tpu.memory_space<semaphore_mem>> -> memref<1x!tpu.dma_semaphore, #tpu.memory_space<semaphore_mem>>
    %dma_start3A_15 = tpu.memref_squeeze %dma_start3A_14 : memref<1x!tpu.dma_semaphore, #tpu.memory_space<semaphore_mem>> -> memref<!tpu.dma_semaphore, #tpu.memory_space<semaphore_mem>>
    %dma_start3A_16 = arith.constant 0 : i32
    %dma_start3A_17 = tpu.memref_slice %arg3[%mul3A_4, %dma_start3A_16] : memref<8000x40xi32, #tpu.memory_space<hbm>> -> memref<250x40xi32, #tpu.memory_space<hbm>>
    tpu.enqueue_dma source(%dma_start3A_17 : memref<250x40xi32, #tpu.memory_space<hbm>>) target(%arg8 : memref<250x40xi32, #tpu.memory_space<vmem>>) target_semaphore(%dma_start3A_15 : memref<!tpu.dma_semaphore, #tpu.memory_space<semaphore_mem>>)
    %dma_start3A_18 = arith.constant 2 : i32
    %dma_start3A_19 = arith.constant 0 : i32
    %dma_start3A_20 = tpu.memref_slice %arg4[%mul3A_4, %dma_start3A_19] : memref<8000x40xi32, #tpu.memory_space<hbm>> -> memref<250x40xi32, #tpu.memory_space<hbm>>
    %dma_start3A_21 = tpu.memref_slice %arg16[%dma_start3A_18] : memref<6x!tpu.dma_semaphore, #tpu.memory_space<semaphore_mem>> -> memref<1x!tpu.dma_semaphore, #tpu.memory_space<semaphore_mem>>
    %dma_start3A_22 = tpu.memref_squeeze %dma_start3A_21 : memref<1x!tpu.dma_semaphore, #tpu.memory_space<semaphore_mem>> -> memref<!tpu.dma_semaphore, #tpu.memory_space<semaphore_mem>>
    %dma_start3A_23 = arith.constant 0 : i32
    %dma_start3A_24 = tpu.memref_slice %arg4[%mul3A_4, %dma_start3A_23] : memref<8000x40xi32, #tpu.memory_space<hbm>> -> memref<250x40xi32, #tpu.memory_space<hbm>>
    tpu.enqueue_dma source(%dma_start3A_24 : memref<250x40xi32, #tpu.memory_space<hbm>>) target(%arg9 : memref<250x40xi32, #tpu.memory_space<vmem>>) target_semaphore(%dma_start3A_22 : memref<!tpu.dma_semaphore, #tpu.memory_space<semaphore_mem>>)
    %dma_wait3A = arith.constant 0 : i32
    %dma_wait3A_25 = tpu.memref_slice %arg16[%dma_wait3A] : memref<6x!tpu.dma_semaphore, #tpu.memory_space<semaphore_mem>> -> memref<1x!tpu.dma_semaphore, #tpu.memory_space<semaphore_mem>>
    %dma_wait3A_26 = tpu.memref_squeeze %dma_wait3A_25 : memref<1x!tpu.dma_semaphore, #tpu.memory_space<semaphore_mem>> -> memref<!tpu.dma_semaphore, #tpu.memory_space<semaphore_mem>>
    %dma_wait3A_27 = arith.constant 0 : i32
    %dma_wait3A_28 = tpu.memref_slice %arg7[%mul3A_0, %dma_wait3A_27] : memref<10000x128xf32, #tpu.memory_space<vmem_shared>> -> memref<625x128xf32, #tpu.memory_space<vmem_shared>>
    %dma_wait3A_29 = arith.constant 0 : i32
    %dma_wait3A_30 = tpu.memref_slice %arg5[%mul3A_0, %dma_wait3A_29] : memref<10000x128xf32, #tpu.memory_space<hbm>> -> memref<625x128xf32, #tpu.memory_space<hbm>>
    tpu.wait_dma2 semaphore(%dma_wait3A_26 : memref<!tpu.dma_semaphore, #tpu.memory_space<semaphore_mem>>) src(%dma_wait3A_30 : memref<625x128xf32, #tpu.memory_space<hbm>>) dst(%dma_wait3A_28 : memref<625x128xf32, #tpu.memory_space<vmem_shared>>)
    %dma_wait3A_31 = arith.constant 1 : i32
    %dma_wait3A_32 = arith.constant 0 : i32
    %dma_wait3A_33 = tpu.memref_slice %arg3[%mul3A_4, %dma_wait3A_32] : memref<8000x40xi32, #tpu.memory_space<hbm>> -> memref<250x40xi32, #tpu.memory_space<hbm>>
    %dma_wait3A_34 = tpu.memref_slice %arg16[%dma_wait3A_31] : memref<6x!tpu.dma_semaphore, #tpu.memory_space<semaphore_mem>> -> memref<1x!tpu.dma_semaphore, #tpu.memory_space<semaphore_mem>>
    %dma_wait3A_35 = tpu.memref_squeeze %dma_wait3A_34 : memref<1x!tpu.dma_semaphore, #tpu.memory_space<semaphore_mem>> -> memref<!tpu.dma_semaphore, #tpu.memory_space<semaphore_mem>>
    %dma_wait3A_36 = arith.constant 0 : i32
    %dma_wait3A_37 = tpu.memref_slice %arg3[%mul3A_4, %dma_wait3A_36] : memref<8000x40xi32, #tpu.memory_space<hbm>> -> memref<250x40xi32, #tpu.memory_space<hbm>>
    tpu.wait_dma2 semaphore(%dma_wait3A_35 : memref<!tpu.dma_semaphore, #tpu.memory_space<semaphore_mem>>) src(%dma_wait3A_37 : memref<250x40xi32, #tpu.memory_space<hbm>>) dst(%arg8 : memref<250x40xi32, #tpu.memory_space<vmem>>)
    %dma_wait3A_38 = arith.constant 2 : i32
    %dma_wait3A_39 = arith.constant 0 : i32
    %dma_wait3A_40 = tpu.memref_slice %arg4[%mul3A_4, %dma_wait3A_39] : memref<8000x40xi32, #tpu.memory_space<hbm>> -> memref<250x40xi32, #tpu.memory_space<hbm>>
    %dma_wait3A_41 = tpu.memref_slice %arg16[%dma_wait3A_38] : memref<6x!tpu.dma_semaphore, #tpu.memory_space<semaphore_mem>> -> memref<1x!tpu.dma_semaphore, #tpu.memory_space<semaphore_mem>>
    %dma_wait3A_42 = tpu.memref_squeeze %dma_wait3A_41 : memref<1x!tpu.dma_semaphore, #tpu.memory_space<semaphore_mem>> -> memref<!tpu.dma_semaphore, #tpu.memory_space<semaphore_mem>>
    %dma_wait3A_43 = arith.constant 0 : i32
    %dma_wait3A_44 = tpu.memref_slice %arg4[%mul3A_4, %dma_wait3A_43] : memref<8000x40xi32, #tpu.memory_space<hbm>> -> memref<250x40xi32, #tpu.memory_space<hbm>>
    tpu.wait_dma2 semaphore(%dma_wait3A_42 : memref<!tpu.dma_semaphore, #tpu.memory_space<semaphore_mem>>) src(%dma_wait3A_44 : memref<250x40xi32, #tpu.memory_space<hbm>>) dst(%arg9 : memref<250x40xi32, #tpu.memory_space<vmem>>)
    %barrier3A = arith.constant 0 : index
    tpu.barrier barrier_id(%barrier3A)
    %dma_start3A_45 = arith.constant 0 : i32
    %dma_start3A_46 = arith.constant 0 : i32
    %dma_start3A_47 = arith.constant 0 : i32
    %dma_start3A_48 = tpu.memref_slice %arg8[%dma_start3A_45, %dma_start3A_47] : memref<250x40xi32, #tpu.memory_space<vmem>> -> memref<1x40xi32, #tpu.memory_space<vmem>>
    %dma_start3A_49 = tpu.memref_squeeze %dma_start3A_48 : memref<1x40xi32, #tpu.memory_space<vmem>> -> memref<40xi32, #tpu.memory_space<vmem>>
    %dma_start3A_50 = arith.constant 0 : i32
    %dma_start3A_51 = arith.constant 0 : i32
    %dma_start3A_52 = tpu.memref_slice %arg2[%dma_start3A_50, %dma_start3A_51] : memref<10000x128xf32, #tpu.memory_space<hbm>> -> memref<10000x128xf32, #tpu.memory_space<hbm>>
    %dma_start3A_53 = tpu.memref_slice %arg16[%dma_start3A_46] : memref<6x!tpu.dma_semaphore, #tpu.memory_space<semaphore_mem>> -> memref<1x!tpu.dma_semaphore, #tpu.memory_space<semaphore_mem>>
    %dma_start3A_54 = tpu.memref_squeeze %dma_start3A_53 : memref<1x!tpu.dma_semaphore, #tpu.memory_space<semaphore_mem>> -> memref<!tpu.dma_semaphore, #tpu.memory_space<semaphore_mem>>
    tpu.enqueue_indirect_dma source(%dma_start3A_52 : memref<10000x128xf32, #tpu.memory_space<hbm>>) target(%arg10 : memref<40x128xf32, #tpu.memory_space<vmem>>) offsets(%dma_start3A_49 : memref<40xi32, #tpu.memory_space<vmem>>) semaphore(%dma_start3A_54 : memref<!tpu.dma_semaphore, #tpu.memory_space<semaphore_mem>>)
    %dma_start3A_55 = arith.constant 1 : i32
    %dma_start3A_56 = arith.constant 1 : i32
    %dma_start3A_57 = arith.constant 0 : i32
    %dma_start3A_58 = tpu.memref_slice %arg8[%dma_start3A_55, %dma_start3A_57] : memref<250x40xi32, #tpu.memory_space<vmem>> -> memref<1x40xi32, #tpu.memory_space<vmem>>
    %dma_start3A_59 = tpu.memref_squeeze %dma_start3A_58 : memref<1x40xi32, #tpu.memory_space<vmem>> -> memref<40xi32, #tpu.memory_space<vmem>>
    %dma_start3A_60 = arith.constant 0 : i32
    %dma_start3A_61 = arith.constant 0 : i32
    %dma_start3A_62 = tpu.memref_slice %arg2[%dma_start3A_60, %dma_start3A_61] : memref<10000x128xf32, #tpu.memory_space<hbm>> -> memref<10000x128xf32, #tpu.memory_space<hbm>>
    %dma_start3A_63 = tpu.memref_slice %arg16[%dma_start3A_56] : memref<6x!tpu.dma_semaphore, #tpu.memory_space<semaphore_mem>> -> memref<1x!tpu.dma_semaphore, #tpu.memory_space<semaphore_mem>>
    %dma_start3A_64 = tpu.memref_squeeze %dma_start3A_63 : memref<1x!tpu.dma_semaphore, #tpu.memory_space<semaphore_mem>> -> memref<!tpu.dma_semaphore, #tpu.memory_space<semaphore_mem>>
    tpu.enqueue_indirect_dma source(%dma_start3A_62 : memref<10000x128xf32, #tpu.memory_space<hbm>>) target(%arg11 : memref<40x128xf32, #tpu.memory_space<vmem>>) offsets(%dma_start3A_59 : memref<40xi32, #tpu.memory_space<vmem>>) semaphore(%dma_start3A_64 : memref<!tpu.dma_semaphore, #tpu.memory_space<semaphore_mem>>)
    %dma_start3A_65 = arith.constant 2 : i32
    %dma_start3A_66 = arith.constant 2 : i32
    %dma_start3A_67 = arith.constant 0 : i32
    %dma_start3A_68 = tpu.memref_slice %arg8[%dma_start3A_65, %dma_start3A_67] : memref<250x40xi32, #tpu.memory_space<vmem>> -> memref<1x40xi32, #tpu.memory_space<vmem>>
    %dma_start3A_69 = tpu.memref_squeeze %dma_start3A_68 : memref<1x40xi32, #tpu.memory_space<vmem>> -> memref<40xi32, #tpu.memory_space<vmem>>
    %dma_start3A_70 = arith.constant 0 : i32
    %dma_start3A_71 = arith.constant 0 : i32
    %dma_start3A_72 = tpu.memref_slice %arg2[%dma_start3A_70, %dma_start3A_71] : memref<10000x128xf32, #tpu.memory_space<hbm>> -> memref<10000x128xf32, #tpu.memory_space<hbm>>
    %dma_start3A_73 = tpu.memref_slice %arg16[%dma_start3A_66] : memref<6x!tpu.dma_semaphore, #tpu.memory_space<semaphore_mem>> -> memref<1x!tpu.dma_semaphore, #tpu.memory_space<semaphore_mem>>
    %dma_start3A_74 = tpu.memref_squeeze %dma_start3A_73 : memref<1x!tpu.dma_semaphore, #tpu.memory_space<semaphore_mem>> -> memref<!tpu.dma_semaphore, #tpu.memory_space<semaphore_mem>>
    tpu.enqueue_indirect_dma source(%dma_start3A_72 : memref<10000x128xf32, #tpu.memory_space<hbm>>) target(%arg12 : memref<40x128xf32, #tpu.memory_space<vmem>>) offsets(%dma_start3A_69 : memref<40xi32, #tpu.memory_space<vmem>>) semaphore(%dma_start3A_74 : memref<!tpu.dma_semaphore, #tpu.memory_space<semaphore_mem>>)
    %dma_start3A_75 = arith.constant 3 : i32
    %dma_start3A_76 = arith.constant 3 : i32
    %dma_start3A_77 = arith.constant 0 : i32
    %dma_start3A_78 = tpu.memref_slice %arg8[%dma_start3A_75, %dma_start3A_77] : memref<250x40xi32, #tpu.memory_space<vmem>> -> memref<1x40xi32, #tpu.memory_space<vmem>>
    %dma_start3A_79 = tpu.memref_squeeze %dma_start3A_78 : memref<1x40xi32, #tpu.memory_space<vmem>> -> memref<40xi32, #tpu.memory_space<vmem>>
    %dma_start3A_80 = arith.constant 0 : i32
    %dma_start3A_81 = arith.constant 0 : i32
    %dma_start3A_82 = tpu.memref_slice %arg2[%dma_start3A_80, %dma_start3A_81] : memref<10000x128xf32, #tpu.memory_space<hbm>> -> memref<10000x128xf32, #tpu.memory_space<hbm>>
    %dma_start3A_83 = tpu.memref_slice %arg16[%dma_start3A_76] : memref<6x!tpu.dma_semaphore, #tpu.memory_space<semaphore_mem>> -> memref<1x!tpu.dma_semaphore, #tpu.memory_space<semaphore_mem>>
    %dma_start3A_84 = tpu.memref_squeeze %dma_start3A_83 : memref<1x!tpu.dma_semaphore, #tpu.memory_space<semaphore_mem>> -> memref<!tpu.dma_semaphore, #tpu.memory_space<semaphore_mem>>
    tpu.enqueue_indirect_dma source(%dma_start3A_82 : memref<10000x128xf32, #tpu.memory_space<hbm>>) target(%arg13 : memref<40x128xf32, #tpu.memory_space<vmem>>) offsets(%dma_start3A_79 : memref<40xi32, #tpu.memory_space<vmem>>) semaphore(%dma_start3A_84 : memref<!tpu.dma_semaphore, #tpu.memory_space<semaphore_mem>>)
    %dma_start3A_85 = arith.constant 4 : i32
    %dma_start3A_86 = arith.constant 4 : i32
    %dma_start3A_87 = arith.constant 0 : i32
    %dma_start3A_88 = tpu.memref_slice %arg8[%dma_start3A_85, %dma_start3A_87] : memref<250x40xi32, #tpu.memory_space<vmem>> -> memref<1x40xi32, #tpu.memory_space<vmem>>
    %dma_start3A_89 = tpu.memref_squeeze %dma_start3A_88 : memref<1x40xi32, #tpu.memory_space<vmem>> -> memref<40xi32, #tpu.memory_space<vmem>>
    %dma_start3A_90 = arith.constant 0 : i32
    %dma_start3A_91 = arith.constant 0 : i32
    %dma_start3A_92 = tpu.memref_slice %arg2[%dma_start3A_90, %dma_start3A_91] : memref<10000x128xf32, #tpu.memory_space<hbm>> -> memref<10000x128xf32, #tpu.memory_space<hbm>>
    %dma_start3A_93 = tpu.memref_slice %arg16[%dma_start3A_86] : memref<6x!tpu.dma_semaphore, #tpu.memory_space<semaphore_mem>> -> memref<1x!tpu.dma_semaphore, #tpu.memory_space<semaphore_mem>>
    %dma_start3A_94 = tpu.memref_squeeze %dma_start3A_93 : memref<1x!tpu.dma_semaphore, #tpu.memory_space<semaphore_mem>> -> memref<!tpu.dma_semaphore, #tpu.memory_space<semaphore_mem>>
    tpu.enqueue_indirect_dma source(%dma_start3A_92 : memref<10000x128xf32, #tpu.memory_space<hbm>>) target(%arg14 : memref<40x128xf32, #tpu.memory_space<vmem>>) offsets(%dma_start3A_89 : memref<40xi32, #tpu.memory_space<vmem>>) semaphore(%dma_start3A_94 : memref<!tpu.dma_semaphore, #tpu.memory_space<semaphore_mem>>)
    %dma_start3A_95 = arith.constant 5 : i32
    %dma_start3A_96 = arith.constant 5 : i32
    %dma_start3A_97 = arith.constant 0 : i32
    %dma_start3A_98 = tpu.memref_slice %arg8[%dma_start3A_95, %dma_start3A_97] : memref<250x40xi32, #tpu.memory_space<vmem>> -> memref<1x40xi32, #tpu.memory_space<vmem>>
    %dma_start3A_99 = tpu.memref_squeeze %dma_start3A_98 : memref<1x40xi32, #tpu.memory_space<vmem>> -> memref<40xi32, #tpu.memory_space<vmem>>
    %dma_start3A_100 = arith.constant 0 : i32
    %dma_start3A_101 = arith.constant 0 : i32
    %dma_start3A_102 = tpu.memref_slice %arg2[%dma_start3A_100, %dma_start3A_101] : memref<10000x128xf32, #tpu.memory_space<hbm>> -> memref<10000x128xf32, #tpu.memory_space<hbm>>
    %dma_start3A_103 = tpu.memref_slice %arg16[%dma_start3A_96] : memref<6x!tpu.dma_semaphore, #tpu.memory_space<semaphore_mem>> -> memref<1x!tpu.dma_semaphore, #tpu.memory_space<semaphore_mem>>
    %dma_start3A_104 = tpu.memref_squeeze %dma_start3A_103 : memref<1x!tpu.dma_semaphore, #tpu.memory_space<semaphore_mem>> -> memref<!tpu.dma_semaphore, #tpu.memory_space<semaphore_mem>>
    tpu.enqueue_indirect_dma source(%dma_start3A_102 : memref<10000x128xf32, #tpu.memory_space<hbm>>) target(%arg15 : memref<40x128xf32, #tpu.memory_space<vmem>>) offsets(%dma_start3A_99 : memref<40xi32, #tpu.memory_space<vmem>>) semaphore(%dma_start3A_104 : memref<!tpu.dma_semaphore, #tpu.memory_space<semaphore_mem>>)
    %scan3A = arith.constant 0 : i32
    %scan3A_105 = arith.constant 0 : i32
    %scan3A_106 = arith.constant 41 : i32
    %scan3A_107 = arith.addi %scan3A_105, %scan3A_106 : i32
    %scan3A_108 = arith.constant 1 : i32
    scf.for %scan3A_255 = %scan3A_105 to %scan3A_107 step %scan3A_108  : i32 {
      %mul3A_256 = arith.constant 6 : i32
      %mul3A_257 = arith.muli %scan3A_255, %mul3A_256 : i32
      %add3A_258 = arith.constant 0 : i32
      %add3A_259 = arith.addi %mul3A_257, %add3A_258 : i32
      %dma_wait3A_260 = arith.constant 0 : i32
      %dma_wait3A_261 = arith.constant 0 : i32
      %dma_wait3A_262 = tpu.memref_slice %arg8[%add3A_259, %dma_wait3A_261] : memref<250x40xi32, #tpu.memory_space<vmem>> -> memref<1x40xi32, #tpu.memory_space<vmem>>
      %dma_wait3A_263 = tpu.memref_squeeze %dma_wait3A_262 : memref<1x40xi32, #tpu.memory_space<vmem>> -> memref<40xi32, #tpu.memory_space<vmem>>
      %dma_wait3A_264 = arith.constant 0 : i32
      %dma_wait3A_265 = arith.constant 0 : i32
      %dma_wait3A_266 = tpu.memref_slice %arg2[%dma_wait3A_264, %dma_wait3A_265] : memref<10000x128xf32, #tpu.memory_space<hbm>> -> memref<10000x128xf32, #tpu.memory_space<hbm>>
      %dma_wait3A_267 = tpu.memref_slice %arg16[%dma_wait3A_260] : memref<6x!tpu.dma_semaphore, #tpu.memory_space<semaphore_mem>> -> memref<1x!tpu.dma_semaphore, #tpu.memory_space<semaphore_mem>>
      %dma_wait3A_268 = tpu.memref_squeeze %dma_wait3A_267 : memref<1x!tpu.dma_semaphore, #tpu.memory_space<semaphore_mem>> -> memref<!tpu.dma_semaphore, #tpu.memory_space<semaphore_mem>>
      tpu.wait_indirect_dma semaphore(%dma_wait3A_268 : memref<!tpu.dma_semaphore, #tpu.memory_space<semaphore_mem>>) src(%dma_wait3A_266 : memref<10000x128xf32, #tpu.memory_space<hbm>>) dst(%arg10 : memref<40x128xf32, #tpu.memory_space<vmem>>)
      %add3A_269 = arith.constant 0 : i32
      %add3A_270 = arith.addi %mul3A_257, %add3A_269 : i32
      %dma_start3A_271 = arith.constant 0 : i32
      %dma_start3A_272 = arith.constant 0 : i32
      %dma_start3A_273 = tpu.memref_slice %arg9[%add3A_270, %dma_start3A_272] : memref<250x40xi32, #tpu.memory_space<vmem>> -> memref<1x40xi32, #tpu.memory_space<vmem>>
      %dma_start3A_274 = tpu.memref_squeeze %dma_start3A_273 : memref<1x40xi32, #tpu.memory_space<vmem>> -> memref<40xi32, #tpu.memory_space<vmem>>
      %dma_start3A_275 = arith.constant 0 : i32
      %dma_start3A_276 = arith.constant 0 : i32
      %dma_start3A_277 = tpu.memref_slice %arg7[%dma_start3A_275, %dma_start3A_276] : memref<10000x128xf32, #tpu.memory_space<vmem_shared>> -> memref<10000x128xf32, #tpu.memory_space<vmem_shared>>
      %dma_start3A_278 = tpu.memref_slice %arg17[%dma_start3A_271] : memref<6x!tpu.dma_semaphore, #tpu.memory_space<semaphore_mem>> -> memref<1x!tpu.dma_semaphore, #tpu.memory_space<semaphore_mem>>
      %dma_start3A_279 = tpu.memref_squeeze %dma_start3A_278 : memref<1x!tpu.dma_semaphore, #tpu.memory_space<semaphore_mem>> -> memref<!tpu.dma_semaphore, #tpu.memory_space<semaphore_mem>>
      tpu.enqueue_indirect_dma source(%arg10 : memref<40x128xf32, #tpu.memory_space<vmem>>) target(%dma_start3A_277 : memref<10000x128xf32, #tpu.memory_space<vmem_shared>>) offsets(%dma_start3A_274 : memref<40xi32, #tpu.memory_space<vmem>>) semaphore(%dma_start3A_279 : memref<!tpu.dma_semaphore, #tpu.memory_space<semaphore_mem>>) {add = true}
      %add3A_280 = arith.constant 1 : i32
      %add3A_281 = arith.addi %mul3A_257, %add3A_280 : i32
      %dma_wait3A_282 = arith.constant 1 : i32
      %dma_wait3A_283 = arith.constant 0 : i32
      %dma_wait3A_284 = tpu.memref_slice %arg8[%add3A_281, %dma_wait3A_283] : memref<250x40xi32, #tpu.memory_space<vmem>> -> memref<1x40xi32, #tpu.memory_space<vmem>>
      %dma_wait3A_285 = tpu.memref_squeeze %dma_wait3A_284 : memref<1x40xi32, #tpu.memory_space<vmem>> -> memref<40xi32, #tpu.memory_space<vmem>>
      %dma_wait3A_286 = arith.constant 0 : i32
      %dma_wait3A_287 = arith.constant 0 : i32
      %dma_wait3A_288 = tpu.memref_slice %arg2[%dma_wait3A_286, %dma_wait3A_287] : memref<10000x128xf32, #tpu.memory_space<hbm>> -> memref<10000x128xf32, #tpu.memory_space<hbm>>
      %dma_wait3A_289 = tpu.memref_slice %arg16[%dma_wait3A_282] : memref<6x!tpu.dma_semaphore, #tpu.memory_space<semaphore_mem>> -> memref<1x!tpu.dma_semaphore, #tpu.memory_space<semaphore_mem>>
      %dma_wait3A_290 = tpu.memref_squeeze %dma_wait3A_289 : memref<1x!tpu.dma_semaphore, #tpu.memory_space<semaphore_mem>> -> memref<!tpu.dma_semaphore, #tpu.memory_space<semaphore_mem>>
      tpu.wait_indirect_dma semaphore(%dma_wait3A_290 : memref<!tpu.dma_semaphore, #tpu.memory_space<semaphore_mem>>) src(%dma_wait3A_288 : memref<10000x128xf32, #tpu.memory_space<hbm>>) dst(%arg11 : memref<40x128xf32, #tpu.memory_space<vmem>>)
      %add3A_291 = arith.constant 1 : i32
      %add3A_292 = arith.addi %mul3A_257, %add3A_291 : i32
      %dma_start3A_293 = arith.constant 1 : i32
      %dma_start3A_294 = arith.constant 0 : i32
      %dma_start3A_295 = tpu.memref_slice %arg9[%add3A_292, %dma_start3A_294] : memref<250x40xi32, #tpu.memory_space<vmem>> -> memref<1x40xi32, #tpu.memory_space<vmem>>
      %dma_start3A_296 = tpu.memref_squeeze %dma_start3A_295 : memref<1x40xi32, #tpu.memory_space<vmem>> -> memref<40xi32, #tpu.memory_space<vmem>>
      %dma_start3A_297 = arith.constant 0 : i32
      %dma_start3A_298 = arith.constant 0 : i32
      %dma_start3A_299 = tpu.memref_slice %arg7[%dma_start3A_297, %dma_start3A_298] : memref<10000x128xf32, #tpu.memory_space<vmem_shared>> -> memref<10000x128xf32, #tpu.memory_space<vmem_shared>>
      %dma_start3A_300 = tpu.memref_slice %arg17[%dma_start3A_293] : memref<6x!tpu.dma_semaphore, #tpu.memory_space<semaphore_mem>> -> memref<1x!tpu.dma_semaphore, #tpu.memory_space<semaphore_mem>>
      %dma_start3A_301 = tpu.memref_squeeze %dma_start3A_300 : memref<1x!tpu.dma_semaphore, #tpu.memory_space<semaphore_mem>> -> memref<!tpu.dma_semaphore, #tpu.memory_space<semaphore_mem>>
      tpu.enqueue_indirect_dma source(%arg11 : memref<40x128xf32, #tpu.memory_space<vmem>>) target(%dma_start3A_299 : memref<10000x128xf32, #tpu.memory_space<vmem_shared>>) offsets(%dma_start3A_296 : memref<40xi32, #tpu.memory_space<vmem>>) semaphore(%dma_start3A_301 : memref<!tpu.dma_semaphore, #tpu.memory_space<semaphore_mem>>) {add = true}
      %add3A_302 = arith.constant 2 : i32
      %add3A_303 = arith.addi %mul3A_257, %add3A_302 : i32
      %dma_wait3A_304 = arith.constant 2 : i32
      %dma_wait3A_305 = arith.constant 0 : i32
      %dma_wait3A_306 = tpu.memref_slice %arg8[%add3A_303, %dma_wait3A_305] : memref<250x40xi32, #tpu.memory_space<vmem>> -> memref<1x40xi32, #tpu.memory_space<vmem>>
      %dma_wait3A_307 = tpu.memref_squeeze %dma_wait3A_306 : memref<1x40xi32, #tpu.memory_space<vmem>> -> memref<40xi32, #tpu.memory_space<vmem>>
      %dma_wait3A_308 = arith.constant 0 : i32
      %dma_wait3A_309 = arith.constant 0 : i32
      %dma_wait3A_310 = tpu.memref_slice %arg2[%dma_wait3A_308, %dma_wait3A_309] : memref<10000x128xf32, #tpu.memory_space<hbm>> -> memref<10000x128xf32, #tpu.memory_space<hbm>>
      %dma_wait3A_311 = tpu.memref_slice %arg16[%dma_wait3A_304] : memref<6x!tpu.dma_semaphore, #tpu.memory_space<semaphore_mem>> -> memref<1x!tpu.dma_semaphore, #tpu.memory_space<semaphore_mem>>
      %dma_wait3A_312 = tpu.memref_squeeze %dma_wait3A_311 : memref<1x!tpu.dma_semaphore, #tpu.memory_space<semaphore_mem>> -> memref<!tpu.dma_semaphore, #tpu.memory_space<semaphore_mem>>
      tpu.wait_indirect_dma semaphore(%dma_wait3A_312 : memref<!tpu.dma_semaphore, #tpu.memory_space<semaphore_mem>>) src(%dma_wait3A_310 : memref<10000x128xf32, #tpu.memory_space<hbm>>) dst(%arg12 : memref<40x128xf32, #tpu.memory_space<vmem>>)
      %add3A_313 = arith.constant 2 : i32
      %add3A_314 = arith.addi %mul3A_257, %add3A_313 : i32
      %dma_start3A_315 = arith.constant 2 : i32
      %dma_start3A_316 = arith.constant 0 : i32
      %dma_start3A_317 = tpu.memref_slice %arg9[%add3A_314, %dma_start3A_316] : memref<250x40xi32, #tpu.memory_space<vmem>> -> memref<1x40xi32, #tpu.memory_space<vmem>>
      %dma_start3A_318 = tpu.memref_squeeze %dma_start3A_317 : memref<1x40xi32, #tpu.memory_space<vmem>> -> memref<40xi32, #tpu.memory_space<vmem>>
      %dma_start3A_319 = arith.constant 0 : i32
      %dma_start3A_320 = arith.constant 0 : i32
      %dma_start3A_321 = tpu.memref_slice %arg7[%dma_start3A_319, %dma_start3A_320] : memref<10000x128xf32, #tpu.memory_space<vmem_shared>> -> memref<10000x128xf32, #tpu.memory_space<vmem_shared>>
      %dma_start3A_322 = tpu.memref_slice %arg17[%dma_start3A_315] : memref<6x!tpu.dma_semaphore, #tpu.memory_space<semaphore_mem>> -> memref<1x!tpu.dma_semaphore, #tpu.memory_space<semaphore_mem>>
      %dma_start3A_323 = tpu.memref_squeeze %dma_start3A_322 : memref<1x!tpu.dma_semaphore, #tpu.memory_space<semaphore_mem>> -> memref<!tpu.dma_semaphore, #tpu.memory_space<semaphore_mem>>
      tpu.enqueue_indirect_dma source(%arg12 : memref<40x128xf32, #tpu.memory_space<vmem>>) target(%dma_start3A_321 : memref<10000x128xf32, #tpu.memory_space<vmem_shared>>) offsets(%dma_start3A_318 : memref<40xi32, #tpu.memory_space<vmem>>) semaphore(%dma_start3A_323 : memref<!tpu.dma_semaphore, #tpu.memory_space<semaphore_mem>>) {add = true}
      %add3A_324 = arith.constant 3 : i32
      %add3A_325 = arith.addi %mul3A_257, %add3A_324 : i32
      %dma_wait3A_326 = arith.constant 3 : i32
      %dma_wait3A_327 = arith.constant 0 : i32
      %dma_wait3A_328 = tpu.memref_slice %arg8[%add3A_325, %dma_wait3A_327] : memref<250x40xi32, #tpu.memory_space<vmem>> -> memref<1x40xi32, #tpu.memory_space<vmem>>
      %dma_wait3A_329 = tpu.memref_squeeze %dma_wait3A_328 : memref<1x40xi32, #tpu.memory_space<vmem>> -> memref<40xi32, #tpu.memory_space<vmem>>
      %dma_wait3A_330 = arith.constant 0 : i32
      %dma_wait3A_331 = arith.constant 0 : i32
      %dma_wait3A_332 = tpu.memref_slice %arg2[%dma_wait3A_330, %dma_wait3A_331] : memref<10000x128xf32, #tpu.memory_space<hbm>> -> memref<10000x128xf32, #tpu.memory_space<hbm>>
      %dma_wait3A_333 = tpu.memref_slice %arg16[%dma_wait3A_326] : memref<6x!tpu.dma_semaphore, #tpu.memory_space<semaphore_mem>> -> memref<1x!tpu.dma_semaphore, #tpu.memory_space<semaphore_mem>>
      %dma_wait3A_334 = tpu.memref_squeeze %dma_wait3A_333 : memref<1x!tpu.dma_semaphore, #tpu.memory_space<semaphore_mem>> -> memref<!tpu.dma_semaphore, #tpu.memory_space<semaphore_mem>>
      tpu.wait_indirect_dma semaphore(%dma_wait3A_334 : memref<!tpu.dma_semaphore, #tpu.memory_space<semaphore_mem>>) src(%dma_wait3A_332 : memref<10000x128xf32, #tpu.memory_space<hbm>>) dst(%arg13 : memref<40x128xf32, #tpu.memory_space<vmem>>)
      %add3A_335 = arith.constant 3 : i32
      %add3A_336 = arith.addi %mul3A_257, %add3A_335 : i32
      %dma_start3A_337 = arith.constant 3 : i32
      %dma_start3A_338 = arith.constant 0 : i32
      %dma_start3A_339 = tpu.memref_slice %arg9[%add3A_336, %dma_start3A_338] : memref<250x40xi32, #tpu.memory_space<vmem>> -> memref<1x40xi32, #tpu.memory_space<vmem>>
      %dma_start3A_340 = tpu.memref_squeeze %dma_start3A_339 : memref<1x40xi32, #tpu.memory_space<vmem>> -> memref<40xi32, #tpu.memory_space<vmem>>
      %dma_start3A_341 = arith.constant 0 : i32
      %dma_start3A_342 = arith.constant 0 : i32
      %dma_start3A_343 = tpu.memref_slice %arg7[%dma_start3A_341, %dma_start3A_342] : memref<10000x128xf32, #tpu.memory_space<vmem_shared>> -> memref<10000x128xf32, #tpu.memory_space<vmem_shared>>
      %dma_start3A_344 = tpu.memref_slice %arg17[%dma_start3A_337] : memref<6x!tpu.dma_semaphore, #tpu.memory_space<semaphore_mem>> -> memref<1x!tpu.dma_semaphore, #tpu.memory_space<semaphore_mem>>
      %dma_start3A_345 = tpu.memref_squeeze %dma_start3A_344 : memref<1x!tpu.dma_semaphore, #tpu.memory_space<semaphore_mem>> -> memref<!tpu.dma_semaphore, #tpu.memory_space<semaphore_mem>>
      tpu.enqueue_indirect_dma source(%arg13 : memref<40x128xf32, #tpu.memory_space<vmem>>) target(%dma_start3A_343 : memref<10000x128xf32, #tpu.memory_space<vmem_shared>>) offsets(%dma_start3A_340 : memref<40xi32, #tpu.memory_space<vmem>>) semaphore(%dma_start3A_345 : memref<!tpu.dma_semaphore, #tpu.memory_space<semaphore_mem>>) {add = true}
      %add3A_346 = arith.constant 4 : i32
      %add3A_347 = arith.addi %mul3A_257, %add3A_346 : i32
      %dma_wait3A_348 = arith.constant 4 : i32
      %dma_wait3A_349 = arith.constant 0 : i32
      %dma_wait3A_350 = tpu.memref_slice %arg8[%add3A_347, %dma_wait3A_349] : memref<250x40xi32, #tpu.memory_space<vmem>> -> memref<1x40xi32, #tpu.memory_space<vmem>>
      %dma_wait3A_351 = tpu.memref_squeeze %dma_wait3A_350 : memref<1x40xi32, #tpu.memory_space<vmem>> -> memref<40xi32, #tpu.memory_space<vmem>>
      %dma_wait3A_352 = arith.constant 0 : i32
      %dma_wait3A_353 = arith.constant 0 : i32
      %dma_wait3A_354 = tpu.memref_slice %arg2[%dma_wait3A_352, %dma_wait3A_353] : memref<10000x128xf32, #tpu.memory_space<hbm>> -> memref<10000x128xf32, #tpu.memory_space<hbm>>
      %dma_wait3A_355 = tpu.memref_slice %arg16[%dma_wait3A_348] : memref<6x!tpu.dma_semaphore, #tpu.memory_space<semaphore_mem>> -> memref<1x!tpu.dma_semaphore, #tpu.memory_space<semaphore_mem>>
      %dma_wait3A_356 = tpu.memref_squeeze %dma_wait3A_355 : memref<1x!tpu.dma_semaphore, #tpu.memory_space<semaphore_mem>> -> memref<!tpu.dma_semaphore, #tpu.memory_space<semaphore_mem>>
      tpu.wait_indirect_dma semaphore(%dma_wait3A_356 : memref<!tpu.dma_semaphore, #tpu.memory_space<semaphore_mem>>) src(%dma_wait3A_354 : memref<10000x128xf32, #tpu.memory_space<hbm>>) dst(%arg14 : memref<40x128xf32, #tpu.memory_space<vmem>>)
      %add3A_357 = arith.constant 4 : i32
      %add3A_358 = arith.addi %mul3A_257, %add3A_357 : i32
      %dma_start3A_359 = arith.constant 4 : i32
      %dma_start3A_360 = arith.constant 0 : i32
      %dma_start3A_361 = tpu.memref_slice %arg9[%add3A_358, %dma_start3A_360] : memref<250x40xi32, #tpu.memory_space<vmem>> -> memref<1x40xi32, #tpu.memory_space<vmem>>
      %dma_start3A_362 = tpu.memref_squeeze %dma_start3A_361 : memref<1x40xi32, #tpu.memory_space<vmem>> -> memref<40xi32, #tpu.memory_space<vmem>>
      %dma_start3A_363 = arith.constant 0 : i32
      %dma_start3A_364 = arith.constant 0 : i32
      %dma_start3A_365 = tpu.memref_slice %arg7[%dma_start3A_363, %dma_start3A_364] : memref<10000x128xf32, #tpu.memory_space<vmem_shared>> -> memref<10000x128xf32, #tpu.memory_space<vmem_shared>>
      %dma_start3A_366 = tpu.memref_slice %arg17[%dma_start3A_359] : memref<6x!tpu.dma_semaphore, #tpu.memory_space<semaphore_mem>> -> memref<1x!tpu.dma_semaphore, #tpu.memory_space<semaphore_mem>>
      %dma_start3A_367 = tpu.memref_squeeze %dma_start3A_366 : memref<1x!tpu.dma_semaphore, #tpu.memory_space<semaphore_mem>> -> memref<!tpu.dma_semaphore, #tpu.memory_space<semaphore_mem>>
      tpu.enqueue_indirect_dma source(%arg14 : memref<40x128xf32, #tpu.memory_space<vmem>>) target(%dma_start3A_365 : memref<10000x128xf32, #tpu.memory_space<vmem_shared>>) offsets(%dma_start3A_362 : memref<40xi32, #tpu.memory_space<vmem>>) semaphore(%dma_start3A_367 : memref<!tpu.dma_semaphore, #tpu.memory_space<semaphore_mem>>) {add = true}
      %add3A_368 = arith.constant 5 : i32
      %add3A_369 = arith.addi %mul3A_257, %add3A_368 : i32
      %dma_wait3A_370 = arith.constant 5 : i32
      %dma_wait3A_371 = arith.constant 0 : i32
      %dma_wait3A_372 = tpu.memref_slice %arg8[%add3A_369, %dma_wait3A_371] : memref<250x40xi32, #tpu.memory_space<vmem>> -> memref<1x40xi32, #tpu.memory_space<vmem>>
      %dma_wait3A_373 = tpu.memref_squeeze %dma_wait3A_372 : memref<1x40xi32, #tpu.memory_space<vmem>> -> memref<40xi32, #tpu.memory_space<vmem>>
      %dma_wait3A_374 = arith.constant 0 : i32
      %dma_wait3A_375 = arith.constant 0 : i32
      %dma_wait3A_376 = tpu.memref_slice %arg2[%dma_wait3A_374, %dma_wait3A_375] : memref<10000x128xf32, #tpu.memory_space<hbm>> -> memref<10000x128xf32, #tpu.memory_space<hbm>>
      %dma_wait3A_377 = tpu.memref_slice %arg16[%dma_wait3A_370] : memref<6x!tpu.dma_semaphore, #tpu.memory_space<semaphore_mem>> -> memref<1x!tpu.dma_semaphore, #tpu.memory_space<semaphore_mem>>
      %dma_wait3A_378 = tpu.memref_squeeze %dma_wait3A_377 : memref<1x!tpu.dma_semaphore, #tpu.memory_space<semaphore_mem>> -> memref<!tpu.dma_semaphore, #tpu.memory_space<semaphore_mem>>
      tpu.wait_indirect_dma semaphore(%dma_wait3A_378 : memref<!tpu.dma_semaphore, #tpu.memory_space<semaphore_mem>>) src(%dma_wait3A_376 : memref<10000x128xf32, #tpu.memory_space<hbm>>) dst(%arg15 : memref<40x128xf32, #tpu.memory_space<vmem>>)
      %add3A_379 = arith.constant 5 : i32
      %add3A_380 = arith.addi %mul3A_257, %add3A_379 : i32
      %dma_start3A_381 = arith.constant 5 : i32
      %dma_start3A_382 = arith.constant 0 : i32
      %dma_start3A_383 = tpu.memref_slice %arg9[%add3A_380, %dma_start3A_382] : memref<250x40xi32, #tpu.memory_space<vmem>> -> memref<1x40xi32, #tpu.memory_space<vmem>>
      %dma_start3A_384 = tpu.memref_squeeze %dma_start3A_383 : memref<1x40xi32, #tpu.memory_space<vmem>> -> memref<40xi32, #tpu.memory_space<vmem>>
      %dma_start3A_385 = arith.constant 0 : i32
      %dma_start3A_386 = arith.constant 0 : i32
      %dma_start3A_387 = tpu.memref_slice %arg7[%dma_start3A_385, %dma_start3A_386] : memref<10000x128xf32, #tpu.memory_space<vmem_shared>> -> memref<10000x128xf32, #tpu.memory_space<vmem_shared>>
      %dma_start3A_388 = tpu.memref_slice %arg17[%dma_start3A_381] : memref<6x!tpu.dma_semaphore, #tpu.memory_space<semaphore_mem>> -> memref<1x!tpu.dma_semaphore, #tpu.memory_space<semaphore_mem>>
      %dma_start3A_389 = tpu.memref_squeeze %dma_start3A_388 : memref<1x!tpu.dma_semaphore, #tpu.memory_space<semaphore_mem>> -> memref<!tpu.dma_semaphore, #tpu.memory_space<semaphore_mem>>
      tpu.enqueue_indirect_dma source(%arg15 : memref<40x128xf32, #tpu.memory_space<vmem>>) target(%dma_start3A_387 : memref<10000x128xf32, #tpu.memory_space<vmem_shared>>) offsets(%dma_start3A_384 : memref<40xi32, #tpu.memory_space<vmem>>) semaphore(%dma_start3A_389 : memref<!tpu.dma_semaphore, #tpu.memory_space<semaphore_mem>>) {add = true}
      %add3A_390 = arith.constant 0 : i32
      %add3A_391 = arith.addi %mul3A_257, %add3A_390 : i32
      %dma_wait3A_392 = arith.constant 0 : i32
      %dma_wait3A_393 = arith.constant 0 : i32
      %dma_wait3A_394 = tpu.memref_slice %arg9[%add3A_391, %dma_wait3A_393] : memref<250x40xi32, #tpu.memory_space<vmem>> -> memref<1x40xi32, #tpu.memory_space<vmem>>
      %dma_wait3A_395 = tpu.memref_squeeze %dma_wait3A_394 : memref<1x40xi32, #tpu.memory_space<vmem>> -> memref<40xi32, #tpu.memory_space<vmem>>
      %dma_wait3A_396 = arith.constant 0 : i32
      %dma_wait3A_397 = arith.constant 0 : i32
      %dma_wait3A_398 = tpu.memref_slice %arg7[%dma_wait3A_396, %dma_wait3A_397] : memref<10000x128xf32, #tpu.memory_space<vmem_shared>> -> memref<10000x128xf32, #tpu.memory_space<vmem_shared>>
      %dma_wait3A_399 = tpu.memref_slice %arg17[%dma_wait3A_392] : memref<6x!tpu.dma_semaphore, #tpu.memory_space<semaphore_mem>> -> memref<1x!tpu.dma_semaphore, #tpu.memory_space<semaphore_mem>>
      %dma_wait3A_400 = tpu.memref_squeeze %dma_wait3A_399 : memref<1x!tpu.dma_semaphore, #tpu.memory_space<semaphore_mem>> -> memref<!tpu.dma_semaphore, #tpu.memory_space<semaphore_mem>>
      tpu.wait_indirect_dma semaphore(%dma_wait3A_400 : memref<!tpu.dma_semaphore, #tpu.memory_space<semaphore_mem>>) src(%arg10 : memref<40x128xf32, #tpu.memory_space<vmem>>) dst(%dma_wait3A_398 : memref<10000x128xf32, #tpu.memory_space<vmem_shared>>)
      %add3A_401 = arith.constant 6 : i32
      %add3A_402 = arith.addi %mul3A_257, %add3A_401 : i32
      %add3A_403 = arith.constant 0 : i32
      %add3A_404 = arith.addi %add3A_402, %add3A_403 : i32
      %lt3A = arith.constant 250 : i32
      %lt3A_405 = arith.cmpi slt, %add3A_404, %lt3A : i32
      %convert_element_type3A = arith.extui %lt3A_405 : i1 to i32
      %cond3A = arith.constant 0 : i32
      %cond3A_406 = arith.cmpi ne, %convert_element_type3A, %cond3A : i32
      scf.if %cond3A_406 {
        %dma_start3A_507 = arith.constant 0 : i32
        %dma_start3A_508 = arith.constant 0 : i32
        %dma_start3A_509 = tpu.memref_slice %arg8[%add3A_404, %dma_start3A_508] : memref<250x40xi32, #tpu.memory_space<vmem>> -> memref<1x40xi32, #tpu.memory_space<vmem>>
        %dma_start3A_510 = tpu.memref_squeeze %dma_start3A_509 : memref<1x40xi32, #tpu.memory_space<vmem>> -> memref<40xi32, #tpu.memory_space<vmem>>
        %dma_start3A_511 = arith.constant 0 : i32
        %dma_start3A_512 = arith.constant 0 : i32
        %dma_start3A_513 = tpu.memref_slice %arg2[%dma_start3A_511, %dma_start3A_512] : memref<10000x128xf32, #tpu.memory_space<hbm>> -> memref<10000x128xf32, #tpu.memory_space<hbm>>
        %dma_start3A_514 = tpu.memref_slice %arg16[%dma_start3A_507] : memref<6x!tpu.dma_semaphore, #tpu.memory_space<semaphore_mem>> -> memref<1x!tpu.dma_semaphore, #tpu.memory_space<semaphore_mem>>
        %dma_start3A_515 = tpu.memref_squeeze %dma_start3A_514 : memref<1x!tpu.dma_semaphore, #tpu.memory_space<semaphore_mem>> -> memref<!tpu.dma_semaphore, #tpu.memory_space<semaphore_mem>>
        tpu.enqueue_indirect_dma source(%dma_start3A_513 : memref<10000x128xf32, #tpu.memory_space<hbm>>) target(%arg10 : memref<40x128xf32, #tpu.memory_space<vmem>>) offsets(%dma_start3A_510 : memref<40xi32, #tpu.memory_space<vmem>>) semaphore(%dma_start3A_515 : memref<!tpu.dma_semaphore, #tpu.memory_space<semaphore_mem>>)
      } else {
      }
      %add3A_407 = arith.constant 1 : i32
      %add3A_408 = arith.addi %mul3A_257, %add3A_407 : i32
      %dma_wait3A_409 = arith.constant 1 : i32
      %dma_wait3A_410 = arith.constant 0 : i32
      %dma_wait3A_411 = tpu.memref_slice %arg9[%add3A_408, %dma_wait3A_410] : memref<250x40xi32, #tpu.memory_space<vmem>> -> memref<1x40xi32, #tpu.memory_space<vmem>>
      %dma_wait3A_412 = tpu.memref_squeeze %dma_wait3A_411 : memref<1x40xi32, #tpu.memory_space<vmem>> -> memref<40xi32, #tpu.memory_space<vmem>>
      %dma_wait3A_413 = arith.constant 0 : i32
      %dma_wait3A_414 = arith.constant 0 : i32
      %dma_wait3A_415 = tpu.memref_slice %arg7[%dma_wait3A_413, %dma_wait3A_414] : memref<10000x128xf32, #tpu.memory_space<vmem_shared>> -> memref<10000x128xf32, #tpu.memory_space<vmem_shared>>
      %dma_wait3A_416 = tpu.memref_slice %arg17[%dma_wait3A_409] : memref<6x!tpu.dma_semaphore, #tpu.memory_space<semaphore_mem>> -> memref<1x!tpu.dma_semaphore, #tpu.memory_space<semaphore_mem>>
      %dma_wait3A_417 = tpu.memref_squeeze %dma_wait3A_416 : memref<1x!tpu.dma_semaphore, #tpu.memory_space<semaphore_mem>> -> memref<!tpu.dma_semaphore, #tpu.memory_space<semaphore_mem>>
      tpu.wait_indirect_dma semaphore(%dma_wait3A_417 : memref<!tpu.dma_semaphore, #tpu.memory_space<semaphore_mem>>) src(%arg11 : memref<40x128xf32, #tpu.memory_space<vmem>>) dst(%dma_wait3A_415 : memref<10000x128xf32, #tpu.memory_space<vmem_shared>>)
      %add3A_418 = arith.constant 6 : i32
      %add3A_419 = arith.addi %mul3A_257, %add3A_418 : i32
      %add3A_420 = arith.constant 1 : i32
      %add3A_421 = arith.addi %add3A_419, %add3A_420 : i32
      %lt3A_422 = arith.constant 250 : i32
      %lt3A_423 = arith.cmpi slt, %add3A_421, %lt3A_422 : i32
      %convert_element_type3A_424 = arith.extui %lt3A_423 : i1 to i32
      %cond3A_425 = arith.constant 0 : i32
      %cond3A_426 = arith.cmpi ne, %convert_element_type3A_424, %cond3A_425 : i32
      scf.if %cond3A_426 {
        %dma_start3A_507 = arith.constant 1 : i32
        %dma_start3A_508 = arith.constant 0 : i32
        %dma_start3A_509 = tpu.memref_slice %arg8[%add3A_421, %dma_start3A_508] : memref<250x40xi32, #tpu.memory_space<vmem>> -> memref<1x40xi32, #tpu.memory_space<vmem>>
        %dma_start3A_510 = tpu.memref_squeeze %dma_start3A_509 : memref<1x40xi32, #tpu.memory_space<vmem>> -> memref<40xi32, #tpu.memory_space<vmem>>
        %dma_start3A_511 = arith.constant 0 : i32
        %dma_start3A_512 = arith.constant 0 : i32
        %dma_start3A_513 = tpu.memref_slice %arg2[%dma_start3A_511, %dma_start3A_512] : memref<10000x128xf32, #tpu.memory_space<hbm>> -> memref<10000x128xf32, #tpu.memory_space<hbm>>
        %dma_start3A_514 = tpu.memref_slice %arg16[%dma_start3A_507] : memref<6x!tpu.dma_semaphore, #tpu.memory_space<semaphore_mem>> -> memref<1x!tpu.dma_semaphore, #tpu.memory_space<semaphore_mem>>
        %dma_start3A_515 = tpu.memref_squeeze %dma_start3A_514 : memref<1x!tpu.dma_semaphore, #tpu.memory_space<semaphore_mem>> -> memref<!tpu.dma_semaphore, #tpu.memory_space<semaphore_mem>>
        tpu.enqueue_indirect_dma source(%dma_start3A_513 : memref<10000x128xf32, #tpu.memory_space<hbm>>) target(%arg11 : memref<40x128xf32, #tpu.memory_space<vmem>>) offsets(%dma_start3A_510 : memref<40xi32, #tpu.memory_space<vmem>>) semaphore(%dma_start3A_515 : memref<!tpu.dma_semaphore, #tpu.memory_space<semaphore_mem>>)
      } else {
      }
      %add3A_427 = arith.constant 2 : i32
      %add3A_428 = arith.addi %mul3A_257, %add3A_427 : i32
      %dma_wait3A_429 = arith.constant 2 : i32
      %dma_wait3A_430 = arith.constant 0 : i32
      %dma_wait3A_431 = tpu.memref_slice %arg9[%add3A_428, %dma_wait3A_430] : memref<250x40xi32, #tpu.memory_space<vmem>> -> memref<1x40xi32, #tpu.memory_space<vmem>>
      %dma_wait3A_432 = tpu.memref_squeeze %dma_wait3A_431 : memref<1x40xi32, #tpu.memory_space<vmem>> -> memref<40xi32, #tpu.memory_space<vmem>>
      %dma_wait3A_433 = arith.constant 0 : i32
      %dma_wait3A_434 = arith.constant 0 : i32
      %dma_wait3A_435 = tpu.memref_slice %arg7[%dma_wait3A_433, %dma_wait3A_434] : memref<10000x128xf32, #tpu.memory_space<vmem_shared>> -> memref<10000x128xf32, #tpu.memory_space<vmem_shared>>
      %dma_wait3A_436 = tpu.memref_slice %arg17[%dma_wait3A_429] : memref<6x!tpu.dma_semaphore, #tpu.memory_space<semaphore_mem>> -> memref<1x!tpu.dma_semaphore, #tpu.memory_space<semaphore_mem>>
      %dma_wait3A_437 = tpu.memref_squeeze %dma_wait3A_436 : memref<1x!tpu.dma_semaphore, #tpu.memory_space<semaphore_mem>> -> memref<!tpu.dma_semaphore, #tpu.memory_space<semaphore_mem>>
      tpu.wait_indirect_dma semaphore(%dma_wait3A_437 : memref<!tpu.dma_semaphore, #tpu.memory_space<semaphore_mem>>) src(%arg12 : memref<40x128xf32, #tpu.memory_space<vmem>>) dst(%dma_wait3A_435 : memref<10000x128xf32, #tpu.memory_space<vmem_shared>>)
      %add3A_438 = arith.constant 6 : i32
      %add3A_439 = arith.addi %mul3A_257, %add3A_438 : i32
      %add3A_440 = arith.constant 2 : i32
      %add3A_441 = arith.addi %add3A_439, %add3A_440 : i32
      %lt3A_442 = arith.constant 250 : i32
      %lt3A_443 = arith.cmpi slt, %add3A_441, %lt3A_442 : i32
      %convert_element_type3A_444 = arith.extui %lt3A_443 : i1 to i32
      %cond3A_445 = arith.constant 0 : i32
      %cond3A_446 = arith.cmpi ne, %convert_element_type3A_444, %cond3A_445 : i32
      scf.if %cond3A_446 {
        %dma_start3A_507 = arith.constant 2 : i32
        %dma_start3A_508 = arith.constant 0 : i32
        %dma_start3A_509 = tpu.memref_slice %arg8[%add3A_441, %dma_start3A_508] : memref<250x40xi32, #tpu.memory_space<vmem>> -> memref<1x40xi32, #tpu.memory_space<vmem>>
        %dma_start3A_510 = tpu.memref_squeeze %dma_start3A_509 : memref<1x40xi32, #tpu.memory_space<vmem>> -> memref<40xi32, #tpu.memory_space<vmem>>
        %dma_start3A_511 = arith.constant 0 : i32
        %dma_start3A_512 = arith.constant 0 : i32
        %dma_start3A_513 = tpu.memref_slice %arg2[%dma_start3A_511, %dma_start3A_512] : memref<10000x128xf32, #tpu.memory_space<hbm>> -> memref<10000x128xf32, #tpu.memory_space<hbm>>
        %dma_start3A_514 = tpu.memref_slice %arg16[%dma_start3A_507] : memref<6x!tpu.dma_semaphore, #tpu.memory_space<semaphore_mem>> -> memref<1x!tpu.dma_semaphore, #tpu.memory_space<semaphore_mem>>
        %dma_start3A_515 = tpu.memref_squeeze %dma_start3A_514 : memref<1x!tpu.dma_semaphore, #tpu.memory_space<semaphore_mem>> -> memref<!tpu.dma_semaphore, #tpu.memory_space<semaphore_mem>>
        tpu.enqueue_indirect_dma source(%dma_start3A_513 : memref<10000x128xf32, #tpu.memory_space<hbm>>) target(%arg12 : memref<40x128xf32, #tpu.memory_space<vmem>>) offsets(%dma_start3A_510 : memref<40xi32, #tpu.memory_space<vmem>>) semaphore(%dma_start3A_515 : memref<!tpu.dma_semaphore, #tpu.memory_space<semaphore_mem>>)
      } else {
      }
      %add3A_447 = arith.constant 3 : i32
      %add3A_448 = arith.addi %mul3A_257, %add3A_447 : i32
      %dma_wait3A_449 = arith.constant 3 : i32
      %dma_wait3A_450 = arith.constant 0 : i32
      %dma_wait3A_451 = tpu.memref_slice %arg9[%add3A_448, %dma_wait3A_450] : memref<250x40xi32, #tpu.memory_space<vmem>> -> memref<1x40xi32, #tpu.memory_space<vmem>>
      %dma_wait3A_452 = tpu.memref_squeeze %dma_wait3A_451 : memref<1x40xi32, #tpu.memory_space<vmem>> -> memref<40xi32, #tpu.memory_space<vmem>>
      %dma_wait3A_453 = arith.constant 0 : i32
      %dma_wait3A_454 = arith.constant 0 : i32
      %dma_wait3A_455 = tpu.memref_slice %arg7[%dma_wait3A_453, %dma_wait3A_454] : memref<10000x128xf32, #tpu.memory_space<vmem_shared>> -> memref<10000x128xf32, #tpu.memory_space<vmem_shared>>
      %dma_wait3A_456 = tpu.memref_slice %arg17[%dma_wait3A_449] : memref<6x!tpu.dma_semaphore, #tpu.memory_space<semaphore_mem>> -> memref<1x!tpu.dma_semaphore, #tpu.memory_space<semaphore_mem>>
      %dma_wait3A_457 = tpu.memref_squeeze %dma_wait3A_456 : memref<1x!tpu.dma_semaphore, #tpu.memory_space<semaphore_mem>> -> memref<!tpu.dma_semaphore, #tpu.memory_space<semaphore_mem>>
      tpu.wait_indirect_dma semaphore(%dma_wait3A_457 : memref<!tpu.dma_semaphore, #tpu.memory_space<semaphore_mem>>) src(%arg13 : memref<40x128xf32, #tpu.memory_space<vmem>>) dst(%dma_wait3A_455 : memref<10000x128xf32, #tpu.memory_space<vmem_shared>>)
      %add3A_458 = arith.constant 6 : i32
      %add3A_459 = arith.addi %mul3A_257, %add3A_458 : i32
      %add3A_460 = arith.constant 3 : i32
      %add3A_461 = arith.addi %add3A_459, %add3A_460 : i32
      %lt3A_462 = arith.constant 250 : i32
      %lt3A_463 = arith.cmpi slt, %add3A_461, %lt3A_462 : i32
      %convert_element_type3A_464 = arith.extui %lt3A_463 : i1 to i32
      %cond3A_465 = arith.constant 0 : i32
      %cond3A_466 = arith.cmpi ne, %convert_element_type3A_464, %cond3A_465 : i32
      scf.if %cond3A_466 {
        %dma_start3A_507 = arith.constant 3 : i32
        %dma_start3A_508 = arith.constant 0 : i32
        %dma_start3A_509 = tpu.memref_slice %arg8[%add3A_461, %dma_start3A_508] : memref<250x40xi32, #tpu.memory_space<vmem>> -> memref<1x40xi32, #tpu.memory_space<vmem>>
        %dma_start3A_510 = tpu.memref_squeeze %dma_start3A_509 : memref<1x40xi32, #tpu.memory_space<vmem>> -> memref<40xi32, #tpu.memory_space<vmem>>
        %dma_start3A_511 = arith.constant 0 : i32
        %dma_start3A_512 = arith.constant 0 : i32
        %dma_start3A_513 = tpu.memref_slice %arg2[%dma_start3A_511, %dma_start3A_512] : memref<10000x128xf32, #tpu.memory_space<hbm>> -> memref<10000x128xf32, #tpu.memory_space<hbm>>
        %dma_start3A_514 = tpu.memref_slice %arg16[%dma_start3A_507] : memref<6x!tpu.dma_semaphore, #tpu.memory_space<semaphore_mem>> -> memref<1x!tpu.dma_semaphore, #tpu.memory_space<semaphore_mem>>
        %dma_start3A_515 = tpu.memref_squeeze %dma_start3A_514 : memref<1x!tpu.dma_semaphore, #tpu.memory_space<semaphore_mem>> -> memref<!tpu.dma_semaphore, #tpu.memory_space<semaphore_mem>>
        tpu.enqueue_indirect_dma source(%dma_start3A_513 : memref<10000x128xf32, #tpu.memory_space<hbm>>) target(%arg13 : memref<40x128xf32, #tpu.memory_space<vmem>>) offsets(%dma_start3A_510 : memref<40xi32, #tpu.memory_space<vmem>>) semaphore(%dma_start3A_515 : memref<!tpu.dma_semaphore, #tpu.memory_space<semaphore_mem>>)
      } else {
      }
      %add3A_467 = arith.constant 4 : i32
      %add3A_468 = arith.addi %mul3A_257, %add3A_467 : i32
      %dma_wait3A_469 = arith.constant 4 : i32
      %dma_wait3A_470 = arith.constant 0 : i32
      %dma_wait3A_471 = tpu.memref_slice %arg9[%add3A_468, %dma_wait3A_470] : memref<250x40xi32, #tpu.memory_space<vmem>> -> memref<1x40xi32, #tpu.memory_space<vmem>>
      %dma_wait3A_472 = tpu.memref_squeeze %dma_wait3A_471 : memref<1x40xi32, #tpu.memory_space<vmem>> -> memref<40xi32, #tpu.memory_space<vmem>>
      %dma_wait3A_473 = arith.constant 0 : i32
      %dma_wait3A_474 = arith.constant 0 : i32
      %dma_wait3A_475 = tpu.memref_slice %arg7[%dma_wait3A_473, %dma_wait3A_474] : memref<10000x128xf32, #tpu.memory_space<vmem_shared>> -> memref<10000x128xf32, #tpu.memory_space<vmem_shared>>
      %dma_wait3A_476 = tpu.memref_slice %arg17[%dma_wait3A_469] : memref<6x!tpu.dma_semaphore, #tpu.memory_space<semaphore_mem>> -> memref<1x!tpu.dma_semaphore, #tpu.memory_space<semaphore_mem>>
      %dma_wait3A_477 = tpu.memref_squeeze %dma_wait3A_476 : memref<1x!tpu.dma_semaphore, #tpu.memory_space<semaphore_mem>> -> memref<!tpu.dma_semaphore, #tpu.memory_space<semaphore_mem>>
      tpu.wait_indirect_dma semaphore(%dma_wait3A_477 : memref<!tpu.dma_semaphore, #tpu.memory_space<semaphore_mem>>) src(%arg14 : memref<40x128xf32, #tpu.memory_space<vmem>>) dst(%dma_wait3A_475 : memref<10000x128xf32, #tpu.memory_space<vmem_shared>>)
      %add3A_478 = arith.constant 6 : i32
      %add3A_479 = arith.addi %mul3A_257, %add3A_478 : i32
      %add3A_480 = arith.constant 4 : i32
      %add3A_481 = arith.addi %add3A_479, %add3A_480 : i32
      %lt3A_482 = arith.constant 250 : i32
      %lt3A_483 = arith.cmpi slt, %add3A_481, %lt3A_482 : i32
      %convert_element_type3A_484 = arith.extui %lt3A_483 : i1 to i32
      %cond3A_485 = arith.constant 0 : i32
      %cond3A_486 = arith.cmpi ne, %convert_element_type3A_484, %cond3A_485 : i32
      scf.if %cond3A_486 {
        %dma_start3A_507 = arith.constant 4 : i32
        %dma_start3A_508 = arith.constant 0 : i32
        %dma_start3A_509 = tpu.memref_slice %arg8[%add3A_481, %dma_start3A_508] : memref<250x40xi32, #tpu.memory_space<vmem>> -> memref<1x40xi32, #tpu.memory_space<vmem>>
        %dma_start3A_510 = tpu.memref_squeeze %dma_start3A_509 : memref<1x40xi32, #tpu.memory_space<vmem>> -> memref<40xi32, #tpu.memory_space<vmem>>
        %dma_start3A_511 = arith.constant 0 : i32
        %dma_start3A_512 = arith.constant 0 : i32
        %dma_start3A_513 = tpu.memref_slice %arg2[%dma_start3A_511, %dma_start3A_512] : memref<10000x128xf32, #tpu.memory_space<hbm>> -> memref<10000x128xf32, #tpu.memory_space<hbm>>
        %dma_start3A_514 = tpu.memref_slice %arg16[%dma_start3A_507] : memref<6x!tpu.dma_semaphore, #tpu.memory_space<semaphore_mem>> -> memref<1x!tpu.dma_semaphore, #tpu.memory_space<semaphore_mem>>
        %dma_start3A_515 = tpu.memref_squeeze %dma_start3A_514 : memref<1x!tpu.dma_semaphore, #tpu.memory_space<semaphore_mem>> -> memref<!tpu.dma_semaphore, #tpu.memory_space<semaphore_mem>>
        tpu.enqueue_indirect_dma source(%dma_start3A_513 : memref<10000x128xf32, #tpu.memory_space<hbm>>) target(%arg14 : memref<40x128xf32, #tpu.memory_space<vmem>>) offsets(%dma_start3A_510 : memref<40xi32, #tpu.memory_space<vmem>>) semaphore(%dma_start3A_515 : memref<!tpu.dma_semaphore, #tpu.memory_space<semaphore_mem>>)
      } else {
      }
      %add3A_487 = arith.constant 5 : i32
      %add3A_488 = arith.addi %mul3A_257, %add3A_487 : i32
      %dma_wait3A_489 = arith.constant 5 : i32
      %dma_wait3A_490 = arith.constant 0 : i32
      %dma_wait3A_491 = tpu.memref_slice %arg9[%add3A_488, %dma_wait3A_490] : memref<250x40xi32, #tpu.memory_space<vmem>> -> memref<1x40xi32, #tpu.memory_space<vmem>>
      %dma_wait3A_492 = tpu.memref_squeeze %dma_wait3A_491 : memref<1x40xi32, #tpu.memory_space<vmem>> -> memref<40xi32, #tpu.memory_space<vmem>>
      %dma_wait3A_493 = arith.constant 0 : i32
      %dma_wait3A_494 = arith.constant 0 : i32
      %dma_wait3A_495 = tpu.memref_slice %arg7[%dma_wait3A_493, %dma_wait3A_494] : memref<10000x128xf32, #tpu.memory_space<vmem_shared>> -> memref<10000x128xf32, #tpu.memory_space<vmem_shared>>
      %dma_wait3A_496 = tpu.memref_slice %arg17[%dma_wait3A_489] : memref<6x!tpu.dma_semaphore, #tpu.memory_space<semaphore_mem>> -> memref<1x!tpu.dma_semaphore, #tpu.memory_space<semaphore_mem>>
      %dma_wait3A_497 = tpu.memref_squeeze %dma_wait3A_496 : memref<1x!tpu.dma_semaphore, #tpu.memory_space<semaphore_mem>> -> memref<!tpu.dma_semaphore, #tpu.memory_space<semaphore_mem>>
      tpu.wait_indirect_dma semaphore(%dma_wait3A_497 : memref<!tpu.dma_semaphore, #tpu.memory_space<semaphore_mem>>) src(%arg15 : memref<40x128xf32, #tpu.memory_space<vmem>>) dst(%dma_wait3A_495 : memref<10000x128xf32, #tpu.memory_space<vmem_shared>>)
      %add3A_498 = arith.constant 6 : i32
      %add3A_499 = arith.addi %mul3A_257, %add3A_498 : i32
      %add3A_500 = arith.constant 5 : i32
      %add3A_501 = arith.addi %add3A_499, %add3A_500 : i32
      %lt3A_502 = arith.constant 250 : i32
      %lt3A_503 = arith.cmpi slt, %add3A_501, %lt3A_502 : i32
      %convert_element_type3A_504 = arith.extui %lt3A_503 : i1 to i32
      %cond3A_505 = arith.constant 0 : i32
      %cond3A_506 = arith.cmpi ne, %convert_element_type3A_504, %cond3A_505 : i32
      scf.if %cond3A_506 {
        %dma_start3A_507 = arith.constant 5 : i32
        %dma_start3A_508 = arith.constant 0 : i32
        %dma_start3A_509 = tpu.memref_slice %arg8[%add3A_501, %dma_start3A_508] : memref<250x40xi32, #tpu.memory_space<vmem>> -> memref<1x40xi32, #tpu.memory_space<vmem>>
        %dma_start3A_510 = tpu.memref_squeeze %dma_start3A_509 : memref<1x40xi32, #tpu.memory_space<vmem>> -> memref<40xi32, #tpu.memory_space<vmem>>
        %dma_start3A_511 = arith.constant 0 : i32
        %dma_start3A_512 = arith.constant 0 : i32
        %dma_start3A_513 = tpu.memref_slice %arg2[%dma_start3A_511, %dma_start3A_512] : memref<10000x128xf32, #tpu.memory_space<hbm>> -> memref<10000x128xf32, #tpu.memory_space<hbm>>
        %dma_start3A_514 = tpu.memref_slice %arg16[%dma_start3A_507] : memref<6x!tpu.dma_semaphore, #tpu.memory_space<semaphore_mem>> -> memref<1x!tpu.dma_semaphore, #tpu.memory_space<semaphore_mem>>
        %dma_start3A_515 = tpu.memref_squeeze %dma_start3A_514 : memref<1x!tpu.dma_semaphore, #tpu.memory_space<semaphore_mem>> -> memref<!tpu.dma_semaphore, #tpu.memory_space<semaphore_mem>>
        tpu.enqueue_indirect_dma source(%dma_start3A_513 : memref<10000x128xf32, #tpu.memory_space<hbm>>) target(%arg15 : memref<40x128xf32, #tpu.memory_space<vmem>>) offsets(%dma_start3A_510 : memref<40xi32, #tpu.memory_space<vmem>>) semaphore(%dma_start3A_515 : memref<!tpu.dma_semaphore, #tpu.memory_space<semaphore_mem>>)
      } else {
      }
    }
    %scan3A_109 = arith.constant 41 : i32
    %add3A_110 = arith.constant 246 : i32
    %add3A_111 = arith.constant 0 : i32
    %add3A_112 = arith.addi %add3A_110, %add3A_111 : i32
    %dma_wait3A_113 = arith.constant 0 : i32
    %dma_wait3A_114 = arith.constant 0 : i32
    %dma_wait3A_115 = tpu.memref_slice %arg8[%add3A_112, %dma_wait3A_114] : memref<250x40xi32, #tpu.memory_space<vmem>> -> memref<1x40xi32, #tpu.memory_space<vmem>>
    %dma_wait3A_116 = tpu.memref_squeeze %dma_wait3A_115 : memref<1x40xi32, #tpu.memory_space<vmem>> -> memref<40xi32, #tpu.memory_space<vmem>>
    %dma_wait3A_117 = arith.constant 0 : i32
    %dma_wait3A_118 = arith.constant 0 : i32
    %dma_wait3A_119 = tpu.memref_slice %arg2[%dma_wait3A_117, %dma_wait3A_118] : memref<10000x128xf32, #tpu.memory_space<hbm>> -> memref<10000x128xf32, #tpu.memory_space<hbm>>
    %dma_wait3A_120 = tpu.memref_slice %arg16[%dma_wait3A_113] : memref<6x!tpu.dma_semaphore, #tpu.memory_space<semaphore_mem>> -> memref<1x!tpu.dma_semaphore, #tpu.memory_space<semaphore_mem>>
    %dma_wait3A_121 = tpu.memref_squeeze %dma_wait3A_120 : memref<1x!tpu.dma_semaphore, #tpu.memory_space<semaphore_mem>> -> memref<!tpu.dma_semaphore, #tpu.memory_space<semaphore_mem>>
    tpu.wait_indirect_dma semaphore(%dma_wait3A_121 : memref<!tpu.dma_semaphore, #tpu.memory_space<semaphore_mem>>) src(%dma_wait3A_119 : memref<10000x128xf32, #tpu.memory_space<hbm>>) dst(%arg10 : memref<40x128xf32, #tpu.memory_space<vmem>>)
    %add3A_122 = arith.constant 246 : i32
    %add3A_123 = arith.constant 0 : i32
    %add3A_124 = arith.addi %add3A_122, %add3A_123 : i32
    %dma_start3A_125 = arith.constant 0 : i32
    %dma_start3A_126 = arith.constant 0 : i32
    %dma_start3A_127 = tpu.memref_slice %arg9[%add3A_124, %dma_start3A_126] : memref<250x40xi32, #tpu.memory_space<vmem>> -> memref<1x40xi32, #tpu.memory_space<vmem>>
    %dma_start3A_128 = tpu.memref_squeeze %dma_start3A_127 : memref<1x40xi32, #tpu.memory_space<vmem>> -> memref<40xi32, #tpu.memory_space<vmem>>
    %dma_start3A_129 = arith.constant 0 : i32
    %dma_start3A_130 = arith.constant 0 : i32
    %dma_start3A_131 = tpu.memref_slice %arg7[%dma_start3A_129, %dma_start3A_130] : memref<10000x128xf32, #tpu.memory_space<vmem_shared>> -> memref<10000x128xf32, #tpu.memory_space<vmem_shared>>
    %dma_start3A_132 = tpu.memref_slice %arg17[%dma_start3A_125] : memref<6x!tpu.dma_semaphore, #tpu.memory_space<semaphore_mem>> -> memref<1x!tpu.dma_semaphore, #tpu.memory_space<semaphore_mem>>
    %dma_start3A_133 = tpu.memref_squeeze %dma_start3A_132 : memref<1x!tpu.dma_semaphore, #tpu.memory_space<semaphore_mem>> -> memref<!tpu.dma_semaphore, #tpu.memory_space<semaphore_mem>>
    tpu.enqueue_indirect_dma source(%arg10 : memref<40x128xf32, #tpu.memory_space<vmem>>) target(%dma_start3A_131 : memref<10000x128xf32, #tpu.memory_space<vmem_shared>>) offsets(%dma_start3A_128 : memref<40xi32, #tpu.memory_space<vmem>>) semaphore(%dma_start3A_133 : memref<!tpu.dma_semaphore, #tpu.memory_space<semaphore_mem>>) {add = true}
    %add3A_134 = arith.constant 246 : i32
    %add3A_135 = arith.constant 1 : i32
    %add3A_136 = arith.addi %add3A_134, %add3A_135 : i32
    %dma_wait3A_137 = arith.constant 1 : i32
    %dma_wait3A_138 = arith.constant 0 : i32
    %dma_wait3A_139 = tpu.memref_slice %arg8[%add3A_136, %dma_wait3A_138] : memref<250x40xi32, #tpu.memory_space<vmem>> -> memref<1x40xi32, #tpu.memory_space<vmem>>
    %dma_wait3A_140 = tpu.memref_squeeze %dma_wait3A_139 : memref<1x40xi32, #tpu.memory_space<vmem>> -> memref<40xi32, #tpu.memory_space<vmem>>
    %dma_wait3A_141 = arith.constant 0 : i32
    %dma_wait3A_142 = arith.constant 0 : i32
    %dma_wait3A_143 = tpu.memref_slice %arg2[%dma_wait3A_141, %dma_wait3A_142] : memref<10000x128xf32, #tpu.memory_space<hbm>> -> memref<10000x128xf32, #tpu.memory_space<hbm>>
    %dma_wait3A_144 = tpu.memref_slice %arg16[%dma_wait3A_137] : memref<6x!tpu.dma_semaphore, #tpu.memory_space<semaphore_mem>> -> memref<1x!tpu.dma_semaphore, #tpu.memory_space<semaphore_mem>>
    %dma_wait3A_145 = tpu.memref_squeeze %dma_wait3A_144 : memref<1x!tpu.dma_semaphore, #tpu.memory_space<semaphore_mem>> -> memref<!tpu.dma_semaphore, #tpu.memory_space<semaphore_mem>>
    tpu.wait_indirect_dma semaphore(%dma_wait3A_145 : memref<!tpu.dma_semaphore, #tpu.memory_space<semaphore_mem>>) src(%dma_wait3A_143 : memref<10000x128xf32, #tpu.memory_space<hbm>>) dst(%arg11 : memref<40x128xf32, #tpu.memory_space<vmem>>)
    %add3A_146 = arith.constant 246 : i32
    %add3A_147 = arith.constant 1 : i32
    %add3A_148 = arith.addi %add3A_146, %add3A_147 : i32
    %dma_start3A_149 = arith.constant 1 : i32
    %dma_start3A_150 = arith.constant 0 : i32
    %dma_start3A_151 = tpu.memref_slice %arg9[%add3A_148, %dma_start3A_150] : memref<250x40xi32, #tpu.memory_space<vmem>> -> memref<1x40xi32, #tpu.memory_space<vmem>>
    %dma_start3A_152 = tpu.memref_squeeze %dma_start3A_151 : memref<1x40xi32, #tpu.memory_space<vmem>> -> memref<40xi32, #tpu.memory_space<vmem>>
    %dma_start3A_153 = arith.constant 0 : i32
    %dma_start3A_154 = arith.constant 0 : i32
    %dma_start3A_155 = tpu.memref_slice %arg7[%dma_start3A_153, %dma_start3A_154] : memref<10000x128xf32, #tpu.memory_space<vmem_shared>> -> memref<10000x128xf32, #tpu.memory_space<vmem_shared>>
    %dma_start3A_156 = tpu.memref_slice %arg17[%dma_start3A_149] : memref<6x!tpu.dma_semaphore, #tpu.memory_space<semaphore_mem>> -> memref<1x!tpu.dma_semaphore, #tpu.memory_space<semaphore_mem>>
    %dma_start3A_157 = tpu.memref_squeeze %dma_start3A_156 : memref<1x!tpu.dma_semaphore, #tpu.memory_space<semaphore_mem>> -> memref<!tpu.dma_semaphore, #tpu.memory_space<semaphore_mem>>
    tpu.enqueue_indirect_dma source(%arg11 : memref<40x128xf32, #tpu.memory_space<vmem>>) target(%dma_start3A_155 : memref<10000x128xf32, #tpu.memory_space<vmem_shared>>) offsets(%dma_start3A_152 : memref<40xi32, #tpu.memory_space<vmem>>) semaphore(%dma_start3A_157 : memref<!tpu.dma_semaphore, #tpu.memory_space<semaphore_mem>>) {add = true}
    %add3A_158 = arith.constant 246 : i32
    %add3A_159 = arith.constant 2 : i32
    %add3A_160 = arith.addi %add3A_158, %add3A_159 : i32
    %dma_wait3A_161 = arith.constant 2 : i32
    %dma_wait3A_162 = arith.constant 0 : i32
    %dma_wait3A_163 = tpu.memref_slice %arg8[%add3A_160, %dma_wait3A_162] : memref<250x40xi32, #tpu.memory_space<vmem>> -> memref<1x40xi32, #tpu.memory_space<vmem>>
    %dma_wait3A_164 = tpu.memref_squeeze %dma_wait3A_163 : memref<1x40xi32, #tpu.memory_space<vmem>> -> memref<40xi32, #tpu.memory_space<vmem>>
    %dma_wait3A_165 = arith.constant 0 : i32
    %dma_wait3A_166 = arith.constant 0 : i32
    %dma_wait3A_167 = tpu.memref_slice %arg2[%dma_wait3A_165, %dma_wait3A_166] : memref<10000x128xf32, #tpu.memory_space<hbm>> -> memref<10000x128xf32, #tpu.memory_space<hbm>>
    %dma_wait3A_168 = tpu.memref_slice %arg16[%dma_wait3A_161] : memref<6x!tpu.dma_semaphore, #tpu.memory_space<semaphore_mem>> -> memref<1x!tpu.dma_semaphore, #tpu.memory_space<semaphore_mem>>
    %dma_wait3A_169 = tpu.memref_squeeze %dma_wait3A_168 : memref<1x!tpu.dma_semaphore, #tpu.memory_space<semaphore_mem>> -> memref<!tpu.dma_semaphore, #tpu.memory_space<semaphore_mem>>
    tpu.wait_indirect_dma semaphore(%dma_wait3A_169 : memref<!tpu.dma_semaphore, #tpu.memory_space<semaphore_mem>>) src(%dma_wait3A_167 : memref<10000x128xf32, #tpu.memory_space<hbm>>) dst(%arg12 : memref<40x128xf32, #tpu.memory_space<vmem>>)
    %add3A_170 = arith.constant 246 : i32
    %add3A_171 = arith.constant 2 : i32
    %add3A_172 = arith.addi %add3A_170, %add3A_171 : i32
    %dma_start3A_173 = arith.constant 2 : i32
    %dma_start3A_174 = arith.constant 0 : i32
    %dma_start3A_175 = tpu.memref_slice %arg9[%add3A_172, %dma_start3A_174] : memref<250x40xi32, #tpu.memory_space<vmem>> -> memref<1x40xi32, #tpu.memory_space<vmem>>
    %dma_start3A_176 = tpu.memref_squeeze %dma_start3A_175 : memref<1x40xi32, #tpu.memory_space<vmem>> -> memref<40xi32, #tpu.memory_space<vmem>>
    %dma_start3A_177 = arith.constant 0 : i32
    %dma_start3A_178 = arith.constant 0 : i32
    %dma_start3A_179 = tpu.memref_slice %arg7[%dma_start3A_177, %dma_start3A_178] : memref<10000x128xf32, #tpu.memory_space<vmem_shared>> -> memref<10000x128xf32, #tpu.memory_space<vmem_shared>>
    %dma_start3A_180 = tpu.memref_slice %arg17[%dma_start3A_173] : memref<6x!tpu.dma_semaphore, #tpu.memory_space<semaphore_mem>> -> memref<1x!tpu.dma_semaphore, #tpu.memory_space<semaphore_mem>>
    %dma_start3A_181 = tpu.memref_squeeze %dma_start3A_180 : memref<1x!tpu.dma_semaphore, #tpu.memory_space<semaphore_mem>> -> memref<!tpu.dma_semaphore, #tpu.memory_space<semaphore_mem>>
    tpu.enqueue_indirect_dma source(%arg12 : memref<40x128xf32, #tpu.memory_space<vmem>>) target(%dma_start3A_179 : memref<10000x128xf32, #tpu.memory_space<vmem_shared>>) offsets(%dma_start3A_176 : memref<40xi32, #tpu.memory_space<vmem>>) semaphore(%dma_start3A_181 : memref<!tpu.dma_semaphore, #tpu.memory_space<semaphore_mem>>) {add = true}
    %add3A_182 = arith.constant 246 : i32
    %add3A_183 = arith.constant 3 : i32
    %add3A_184 = arith.addi %add3A_182, %add3A_183 : i32
    %dma_wait3A_185 = arith.constant 3 : i32
    %dma_wait3A_186 = arith.constant 0 : i32
    %dma_wait3A_187 = tpu.memref_slice %arg8[%add3A_184, %dma_wait3A_186] : memref<250x40xi32, #tpu.memory_space<vmem>> -> memref<1x40xi32, #tpu.memory_space<vmem>>
    %dma_wait3A_188 = tpu.memref_squeeze %dma_wait3A_187 : memref<1x40xi32, #tpu.memory_space<vmem>> -> memref<40xi32, #tpu.memory_space<vmem>>
    %dma_wait3A_189 = arith.constant 0 : i32
    %dma_wait3A_190 = arith.constant 0 : i32
    %dma_wait3A_191 = tpu.memref_slice %arg2[%dma_wait3A_189, %dma_wait3A_190] : memref<10000x128xf32, #tpu.memory_space<hbm>> -> memref<10000x128xf32, #tpu.memory_space<hbm>>
    %dma_wait3A_192 = tpu.memref_slice %arg16[%dma_wait3A_185] : memref<6x!tpu.dma_semaphore, #tpu.memory_space<semaphore_mem>> -> memref<1x!tpu.dma_semaphore, #tpu.memory_space<semaphore_mem>>
    %dma_wait3A_193 = tpu.memref_squeeze %dma_wait3A_192 : memref<1x!tpu.dma_semaphore, #tpu.memory_space<semaphore_mem>> -> memref<!tpu.dma_semaphore, #tpu.memory_space<semaphore_mem>>
    tpu.wait_indirect_dma semaphore(%dma_wait3A_193 : memref<!tpu.dma_semaphore, #tpu.memory_space<semaphore_mem>>) src(%dma_wait3A_191 : memref<10000x128xf32, #tpu.memory_space<hbm>>) dst(%arg13 : memref<40x128xf32, #tpu.memory_space<vmem>>)
    %add3A_194 = arith.constant 246 : i32
    %add3A_195 = arith.constant 3 : i32
    %add3A_196 = arith.addi %add3A_194, %add3A_195 : i32
    %dma_start3A_197 = arith.constant 3 : i32
    %dma_start3A_198 = arith.constant 0 : i32
    %dma_start3A_199 = tpu.memref_slice %arg9[%add3A_196, %dma_start3A_198] : memref<250x40xi32, #tpu.memory_space<vmem>> -> memref<1x40xi32, #tpu.memory_space<vmem>>
    %dma_start3A_200 = tpu.memref_squeeze %dma_start3A_199 : memref<1x40xi32, #tpu.memory_space<vmem>> -> memref<40xi32, #tpu.memory_space<vmem>>
    %dma_start3A_201 = arith.constant 0 : i32
    %dma_start3A_202 = arith.constant 0 : i32
    %dma_start3A_203 = tpu.memref_slice %arg7[%dma_start3A_201, %dma_start3A_202] : memref<10000x128xf32, #tpu.memory_space<vmem_shared>> -> memref<10000x128xf32, #tpu.memory_space<vmem_shared>>
    %dma_start3A_204 = tpu.memref_slice %arg17[%dma_start3A_197] : memref<6x!tpu.dma_semaphore, #tpu.memory_space<semaphore_mem>> -> memref<1x!tpu.dma_semaphore, #tpu.memory_space<semaphore_mem>>
    %dma_start3A_205 = tpu.memref_squeeze %dma_start3A_204 : memref<1x!tpu.dma_semaphore, #tpu.memory_space<semaphore_mem>> -> memref<!tpu.dma_semaphore, #tpu.memory_space<semaphore_mem>>
    tpu.enqueue_indirect_dma source(%arg13 : memref<40x128xf32, #tpu.memory_space<vmem>>) target(%dma_start3A_203 : memref<10000x128xf32, #tpu.memory_space<vmem_shared>>) offsets(%dma_start3A_200 : memref<40xi32, #tpu.memory_space<vmem>>) semaphore(%dma_start3A_205 : memref<!tpu.dma_semaphore, #tpu.memory_space<semaphore_mem>>) {add = true}
    %add3A_206 = arith.constant 246 : i32
    %add3A_207 = arith.constant 0 : i32
    %add3A_208 = arith.addi %add3A_206, %add3A_207 : i32
    %dma_wait3A_209 = arith.constant 0 : i32
    %dma_wait3A_210 = arith.constant 0 : i32
    %dma_wait3A_211 = tpu.memref_slice %arg9[%add3A_208, %dma_wait3A_210] : memref<250x40xi32, #tpu.memory_space<vmem>> -> memref<1x40xi32, #tpu.memory_space<vmem>>
    %dma_wait3A_212 = tpu.memref_squeeze %dma_wait3A_211 : memref<1x40xi32, #tpu.memory_space<vmem>> -> memref<40xi32, #tpu.memory_space<vmem>>
    %dma_wait3A_213 = arith.constant 0 : i32
    %dma_wait3A_214 = arith.constant 0 : i32
    %dma_wait3A_215 = tpu.memref_slice %arg7[%dma_wait3A_213, %dma_wait3A_214] : memref<10000x128xf32, #tpu.memory_space<vmem_shared>> -> memref<10000x128xf32, #tpu.memory_space<vmem_shared>>
    %dma_wait3A_216 = tpu.memref_slice %arg17[%dma_wait3A_209] : memref<6x!tpu.dma_semaphore, #tpu.memory_space<semaphore_mem>> -> memref<1x!tpu.dma_semaphore, #tpu.memory_space<semaphore_mem>>
    %dma_wait3A_217 = tpu.memref_squeeze %dma_wait3A_216 : memref<1x!tpu.dma_semaphore, #tpu.memory_space<semaphore_mem>> -> memref<!tpu.dma_semaphore, #tpu.memory_space<semaphore_mem>>
    tpu.wait_indirect_dma semaphore(%dma_wait3A_217 : memref<!tpu.dma_semaphore, #tpu.memory_space<semaphore_mem>>) src(%arg10 : memref<40x128xf32, #tpu.memory_space<vmem>>) dst(%dma_wait3A_215 : memref<10000x128xf32, #tpu.memory_space<vmem_shared>>)
    %add3A_218 = arith.constant 246 : i32
    %add3A_219 = arith.constant 1 : i32
    %add3A_220 = arith.addi %add3A_218, %add3A_219 : i32
    %dma_wait3A_221 = arith.constant 1 : i32
    %dma_wait3A_222 = arith.constant 0 : i32
    %dma_wait3A_223 = tpu.memref_slice %arg9[%add3A_220, %dma_wait3A_222] : memref<250x40xi32, #tpu.memory_space<vmem>> -> memref<1x40xi32, #tpu.memory_space<vmem>>
    %dma_wait3A_224 = tpu.memref_squeeze %dma_wait3A_223 : memref<1x40xi32, #tpu.memory_space<vmem>> -> memref<40xi32, #tpu.memory_space<vmem>>
    %dma_wait3A_225 = arith.constant 0 : i32
    %dma_wait3A_226 = arith.constant 0 : i32
    %dma_wait3A_227 = tpu.memref_slice %arg7[%dma_wait3A_225, %dma_wait3A_226] : memref<10000x128xf32, #tpu.memory_space<vmem_shared>> -> memref<10000x128xf32, #tpu.memory_space<vmem_shared>>
    %dma_wait3A_228 = tpu.memref_slice %arg17[%dma_wait3A_221] : memref<6x!tpu.dma_semaphore, #tpu.memory_space<semaphore_mem>> -> memref<1x!tpu.dma_semaphore, #tpu.memory_space<semaphore_mem>>
    %dma_wait3A_229 = tpu.memref_squeeze %dma_wait3A_228 : memref<1x!tpu.dma_semaphore, #tpu.memory_space<semaphore_mem>> -> memref<!tpu.dma_semaphore, #tpu.memory_space<semaphore_mem>>
    tpu.wait_indirect_dma semaphore(%dma_wait3A_229 : memref<!tpu.dma_semaphore, #tpu.memory_space<semaphore_mem>>) src(%arg11 : memref<40x128xf32, #tpu.memory_space<vmem>>) dst(%dma_wait3A_227 : memref<10000x128xf32, #tpu.memory_space<vmem_shared>>)
    %add3A_230 = arith.constant 246 : i32
    %add3A_231 = arith.constant 2 : i32
    %add3A_232 = arith.addi %add3A_230, %add3A_231 : i32
    %dma_wait3A_233 = arith.constant 2 : i32
    %dma_wait3A_234 = arith.constant 0 : i32
    %dma_wait3A_235 = tpu.memref_slice %arg9[%add3A_232, %dma_wait3A_234] : memref<250x40xi32, #tpu.memory_space<vmem>> -> memref<1x40xi32, #tpu.memory_space<vmem>>
    %dma_wait3A_236 = tpu.memref_squeeze %dma_wait3A_235 : memref<1x40xi32, #tpu.memory_space<vmem>> -> memref<40xi32, #tpu.memory_space<vmem>>
    %dma_wait3A_237 = arith.constant 0 : i32
    %dma_wait3A_238 = arith.constant 0 : i32
    %dma_wait3A_239 = tpu.memref_slice %arg7[%dma_wait3A_237, %dma_wait3A_238] : memref<10000x128xf32, #tpu.memory_space<vmem_shared>> -> memref<10000x128xf32, #tpu.memory_space<vmem_shared>>
    %dma_wait3A_240 = tpu.memref_slice %arg17[%dma_wait3A_233] : memref<6x!tpu.dma_semaphore, #tpu.memory_space<semaphore_mem>> -> memref<1x!tpu.dma_semaphore, #tpu.memory_space<semaphore_mem>>
    %dma_wait3A_241 = tpu.memref_squeeze %dma_wait3A_240 : memref<1x!tpu.dma_semaphore, #tpu.memory_space<semaphore_mem>> -> memref<!tpu.dma_semaphore, #tpu.memory_space<semaphore_mem>>
    tpu.wait_indirect_dma semaphore(%dma_wait3A_241 : memref<!tpu.dma_semaphore, #tpu.memory_space<semaphore_mem>>) src(%arg12 : memref<40x128xf32, #tpu.memory_space<vmem>>) dst(%dma_wait3A_239 : memref<10000x128xf32, #tpu.memory_space<vmem_shared>>)
    %add3A_242 = arith.constant 246 : i32
    %add3A_243 = arith.constant 3 : i32
    %add3A_244 = arith.addi %add3A_242, %add3A_243 : i32
    %dma_wait3A_245 = arith.constant 3 : i32
    %dma_wait3A_246 = arith.constant 0 : i32
    %dma_wait3A_247 = tpu.memref_slice %arg9[%add3A_244, %dma_wait3A_246] : memref<250x40xi32, #tpu.memory_space<vmem>> -> memref<1x40xi32, #tpu.memory_space<vmem>>
    %dma_wait3A_248 = tpu.memref_squeeze %dma_wait3A_247 : memref<1x40xi32, #tpu.memory_space<vmem>> -> memref<40xi32, #tpu.memory_space<vmem>>
    %dma_wait3A_249 = arith.constant 0 : i32
    %dma_wait3A_250 = arith.constant 0 : i32
    %dma_wait3A_251 = tpu.memref_slice %arg7[%dma_wait3A_249, %dma_wait3A_250] : memref<10000x128xf32, #tpu.memory_space<vmem_shared>> -> memref<10000x128xf32, #tpu.memory_space<vmem_shared>>
    %dma_wait3A_252 = tpu.memref_slice %arg17[%dma_wait3A_245] : memref<6x!tpu.dma_semaphore, #tpu.memory_space<semaphore_mem>> -> memref<1x!tpu.dma_semaphore, #tpu.memory_space<semaphore_mem>>
    %dma_wait3A_253 = tpu.memref_squeeze %dma_wait3A_252 : memref<1x!tpu.dma_semaphore, #tpu.memory_space<semaphore_mem>> -> memref<!tpu.dma_semaphore, #tpu.memory_space<semaphore_mem>>
    tpu.wait_indirect_dma semaphore(%dma_wait3A_253 : memref<!tpu.dma_semaphore, #tpu.memory_space<semaphore_mem>>) src(%arg13 : memref<40x128xf32, #tpu.memory_space<vmem>>) dst(%dma_wait3A_251 : memref<10000x128xf32, #tpu.memory_space<vmem_shared>>)
    %barrier3A_254 = arith.constant 0 : index
    tpu.barrier barrier_id(%barrier3A_254)
    "tpu.region"() ({
      %run_scoped3A = tpu.sem_alloc : memref<!tpu.dma_semaphore, #tpu.memory_space<semaphore_mem>>
      %dma_start3A_255 = arith.constant 0 : i32
      %dma_start3A_256 = tpu.memref_slice %arg6[%arg0, %mul3A_0, %dma_start3A_255] : memref<2x10000x128xf32, #tpu.memory_space<hbm>> -> memref<1x625x128xf32, #tpu.memory_space<hbm>>
      %dma_start3A_257 = tpu.memref_squeeze %dma_start3A_256 : memref<1x625x128xf32, #tpu.memory_space<hbm>> -> memref<625x128xf32, #tpu.memory_space<hbm>>
      %dma_start3A_258 = arith.constant 0 : i32
      %dma_start3A_259 = tpu.memref_slice %arg7[%mul3A_0, %dma_start3A_258] : memref<10000x128xf32, #tpu.memory_space<vmem_shared>> -> memref<625x128xf32, #tpu.memory_space<vmem_shared>>
      tpu.enqueue_dma source(%dma_start3A_259 : memref<625x128xf32, #tpu.memory_space<vmem_shared>>) target(%dma_start3A_257 : memref<625x128xf32, #tpu.memory_space<hbm>>) target_semaphore(%run_scoped3A : memref<!tpu.dma_semaphore, #tpu.memory_space<semaphore_mem>>)
      %dma_wait3A_260 = arith.constant 0 : i32
      %dma_wait3A_261 = tpu.memref_slice %arg6[%arg0, %mul3A_0, %dma_wait3A_260] : memref<2x10000x128xf32, #tpu.memory_space<hbm>> -> memref<1x625x128xf32, #tpu.memory_space<hbm>>
      %dma_wait3A_262 = tpu.memref_squeeze %dma_wait3A_261 : memref<1x625x128xf32, #tpu.memory_space<hbm>> -> memref<625x128xf32, #tpu.memory_space<hbm>>
      %dma_wait3A_263 = arith.constant 0 : i32
      %dma_wait3A_264 = tpu.memref_slice %arg7[%mul3A_0, %dma_wait3A_263] : memref<10000x128xf32, #tpu.memory_space<vmem_shared>> -> memref<625x128xf32, #tpu.memory_space<vmem_shared>>
      tpu.wait_dma2 semaphore(%run_scoped3A : memref<!tpu.dma_semaphore, #tpu.memory_space<semaphore_mem>>) src(%dma_wait3A_264 : memref<625x128xf32, #tpu.memory_space<vmem_shared>>) dst(%dma_wait3A_262 : memref<625x128xf32, #tpu.memory_space<hbm>>)
      tpu.yield
    }) : () -> ()
    return
  }
}

module attributes {stable_mosaic.version = 14 : i64} {
  func.func @_prep_body(%arg0: i32, %arg1: memref<2000x128xf32, #tpu.memory_space<vmem>>, %arg2: memref<2000x16xf32, #tpu.memory_space<vmem>>, %arg3: memref<2000x16xf32, #tpu.memory_space<vmem>>, %arg4: memref<2000x128xf32, #tpu.memory_space<vmem>>) attributes {dimension_semantics = [#tpu.dimension_semantics<arbitrary>], iteration_bounds = array<i64: 5>, scalar_prefetch = 0 : i64, scratch_operands = 0 : i64, tpu.core_type = #tpu.core_type<tc>, window_params = [{transform_indices = @transform_0, window_bounds = array<i64: 2000, 128>}, {transform_indices = @transform_1, window_bounds = array<i64: 2000, 16>}, {transform_indices = @transform_2, window_bounds = array<i64: 2000, 16>}, {transform_indices = @transform_3, window_bounds = array<i64: 2000, 128>}]} {
    %get3A = arith.constant 0 : index
    %get3A_0 = arith.constant 0 : index
    %get3A_1 = vector.load %arg2[%get3A, %get3A_0] : memref<2000x16xf32, #tpu.memory_space<vmem>>, vector<2000x16xf32>
    %get3A_2 = arith.constant 0 : index
    %get3A_3 = arith.constant 0 : index
    %get3A_4 = vector.load %arg3[%get3A_2, %get3A_3] : memref<2000x16xf32, #tpu.memory_space<vmem>>, vector<2000x16xf32>
    %add3A = arith.addf %get3A_1, %get3A_4 : vector<2000x16xf32>
    %gt3A = arith.constant 0.000000e+00 : f32
    %gt3A_5 = vector.broadcast %gt3A : f32 to vector<2000x16xf32>
    %gt3A_6 = arith.cmpf ogt, %add3A, %gt3A_5 : vector<2000x16xf32>
    %max3A = arith.constant 1.000000e+00 : f32
    %max3A_7 = vector.broadcast %max3A : f32 to vector<2000x16xf32>
    %max3A_8 = arith.maximumf %add3A, %max3A_7 : vector<2000x16xf32>
    %rsqrt3A = math.rsqrt %max3A_8 : vector<2000x16xf32>
    %jit3A = arith.constant 0.000000e+00 : f32
    %broadcast_in_dim3A = vector.broadcast %jit3A : f32 to vector<2000x16xf32>
    %select_n3A = arith.select %gt3A_6, %rsqrt3A, %broadcast_in_dim3A : vector<2000x16xi1>, vector<2000x16xf32>
    %slice3A = vector.extract_strided_slice %select_n3A {offsets = [0, 0], sizes = [2000, 1], strides = [1, 1]} : vector<2000x16xf32> to vector<2000x1xf32>
    %get3A_9 = arith.constant 0 : index
    %get3A_10 = arith.constant 0 : index
    %get3A_11 = vector.load %arg1[%get3A_9, %get3A_10] : memref<2000x128xf32, #tpu.memory_space<vmem>>, vector<2000x128xf32>
    %mul3A = vector.broadcast %slice3A : vector<2000x1xf32> to vector<2000x128xf32>
    %mul3A_12 = arith.mulf %get3A_11, %mul3A : vector<2000x128xf32>
    %swap3A = arith.constant 0 : index
    %swap3A_13 = arith.constant 0 : index
    %swap3A_14 = vector.load %arg4[%swap3A, %swap3A_13] : memref<2000x128xf32, #tpu.memory_space<vmem>>, vector<2000x128xf32>
    tpu.vector_store %arg4[%swap3A, %swap3A_13], %mul3A_12 {strides = array<i32>} : memref<2000x128xf32, #tpu.memory_space<vmem>>, vector<2000x128xf32>,
    return
  }
  func.func @transform_0(%arg0: i32) -> (i32, i32) {
    %c0_i32 = arith.constant 0 : i32
    %c0_i32_0 = arith.constant 0 : i32
    return %arg0, %c0_i32 : i32, i32
  }
  func.func @transform_1(%arg0: i32) -> (i32, i32) {
    %c0_i32 = arith.constant 0 : i32
    %c0_i32_0 = arith.constant 0 : i32
    return %arg0, %c0_i32 : i32, i32
  }
  func.func @transform_2(%arg0: i32) -> (i32, i32) {
    %c0_i32 = arith.constant 0 : i32
    %c0_i32_0 = arith.constant 0 : i32
    return %arg0, %c0_i32 : i32, i32
  }
  func.func @transform_3(%arg0: i32) -> (i32, i32) {
    %c0_i32 = arith.constant 0 : i32
    %c0_i32_0 = arith.constant 0 : i32
    return %arg0, %c0_i32 : i32, i32
  }
}

module attributes {stable_mosaic.version = 14 : i64} {
  func.func @_layer_body(%arg0: i32, %arg1: memref<2000x128xf32, #tpu.memory_space<vmem>>, %arg2: memref<2000x128xf32, #tpu.memory_space<vmem>>, %arg3: memref<2000x16xf32, #tpu.memory_space<vmem>>, %arg4: memref<2000x16xf32, #tpu.memory_space<vmem>>, %arg5: memref<2000x16xf32, #tpu.memory_space<vmem>>, %arg6: memref<2000x16xf32, #tpu.memory_space<vmem>>, %arg7: memref<128x128xf32, #tpu.memory_space<vmem>>, %arg8: memref<1x128xf32, #tpu.memory_space<vmem>>, %arg9: memref<2000x128xf32, #tpu.memory_space<vmem>>) attributes {dimension_semantics = [#tpu.dimension_semantics<arbitrary>], iteration_bounds = array<i64: 5>, scalar_prefetch = 0 : i64, scratch_operands = 0 : i64, tpu.core_type = #tpu.core_type<tc>, window_params = [{transform_indices = @transform_0, window_bounds = array<i64: 2000, 128>}, {transform_indices = @transform_1, window_bounds = array<i64: 2000, 128>}, {transform_indices = @transform_2, window_bounds = array<i64: 2000, 16>}, {transform_indices = @transform_3, window_bounds = array<i64: 2000, 16>}, {transform_indices = @transform_4, window_bounds = array<i64: 2000, 16>}, {transform_indices = @transform_5, window_bounds = array<i64: 2000, 16>}, {pipeline_mode = #tpu.pipeline_mode<synchronous>, transform_indices = @transform_6, window_bounds = array<i64: 128, 128>}, {pipeline_mode = #tpu.pipeline_mode<synchronous>, transform_indices = @transform_7, window_bounds = array<i64: 1, 128>}, {transform_indices = @transform_8, window_bounds = array<i64: 2000, 128>}]} {
    %get3A = arith.constant 0 : index
    %get3A_0 = arith.constant 0 : index
    %get3A_1 = vector.load %arg3[%get3A, %get3A_0] : memref<2000x16xf32, #tpu.memory_space<vmem>>, vector<2000x16xf32>
    %get3A_2 = arith.constant 0 : index
    %get3A_3 = arith.constant 0 : index
    %get3A_4 = vector.load %arg4[%get3A_2, %get3A_3] : memref<2000x16xf32, #tpu.memory_space<vmem>>, vector<2000x16xf32>
    %add3A = arith.addf %get3A_1, %get3A_4 : vector<2000x16xf32>
    %gt3A = arith.constant 0.000000e+00 : f32
    %gt3A_5 = vector.broadcast %gt3A : f32 to vector<2000x16xf32>
    %gt3A_6 = arith.cmpf ogt, %add3A, %gt3A_5 : vector<2000x16xf32>
    %max3A = arith.constant 1.000000e+00 : f32
    %max3A_7 = vector.broadcast %max3A : f32 to vector<2000x16xf32>
    %max3A_8 = arith.maximumf %add3A, %max3A_7 : vector<2000x16xf32>
    %rsqrt3A = math.rsqrt %max3A_8 : vector<2000x16xf32>
    %jit3A = arith.constant 0.000000e+00 : f32
    %broadcast_in_dim3A = vector.broadcast %jit3A : f32 to vector<2000x16xf32>
    %select_n3A = arith.select %gt3A_6, %rsqrt3A, %broadcast_in_dim3A : vector<2000x16xi1>, vector<2000x16xf32>
    %slice3A = vector.extract_strided_slice %select_n3A {offsets = [0, 0], sizes = [2000, 1], strides = [1, 1]} : vector<2000x16xf32> to vector<2000x1xf32>
    %get3A_9 = arith.constant 0 : index
    %get3A_10 = arith.constant 0 : index
    %get3A_11 = vector.load %arg1[%get3A_9, %get3A_10] : memref<2000x128xf32, #tpu.memory_space<vmem>>, vector<2000x128xf32>
    %get3A_12 = arith.constant 0 : index
    %get3A_13 = arith.constant 0 : index
    %get3A_14 = vector.load %arg2[%get3A_12, %get3A_13] : memref<2000x128xf32, #tpu.memory_space<vmem>>, vector<2000x128xf32>
    %add3A_15 = arith.addf %get3A_11, %get3A_14 : vector<2000x128xf32>
    %mul3A = vector.broadcast %slice3A : vector<2000x1xf32> to vector<2000x128xf32>
    %mul3A_16 = arith.mulf %add3A_15, %mul3A : vector<2000x128xf32>
    %get3A_17 = arith.constant 0 : index
    %get3A_18 = arith.constant 0 : index
    %get3A_19 = vector.load %arg7[%get3A_17, %get3A_18] : memref<128x128xf32, #tpu.memory_space<vmem>>, vector<128x128xf32>
    %dot_general3A = arith.constant dense<0.000000e+00> : vector<2000x128xf32>
    %dot_general3A_20 = tpu.matmul %mul3A_16, %get3A_19, %dot_general3A {dimension_numbers = #tpu.dot_dimension_numbers<[1], [0], [0], [1], [0, 0, 1, 1], [], []>, transpose_lhs_hint = false} : vector<2000x128xf32>, vector<128x128xf32>, vector<2000x128xf32> -> vector<2000x128xf32>
    %get3A_21 = arith.constant 0 : index
    %get3A_22 = arith.constant 0 : index
    %get3A_23 = vector.load %arg8[%get3A_21, %get3A_22] : memref<1x128xf32, #tpu.memory_space<vmem>>, vector<1x128xf32>
    %add3A_24 = vector.broadcast %get3A_23 : vector<1x128xf32> to vector<2000x128xf32>
    %add3A_25 = arith.addf %dot_general3A_20, %add3A_24 : vector<2000x128xf32>
    %max3A_26 = arith.constant 0.000000e+00 : f32
    %max3A_27 = vector.broadcast %max3A_26 : f32 to vector<2000x128xf32>
    %max3A_28 = arith.maximumf %add3A_25, %max3A_27 : vector<2000x128xf32>
    %get3A_29 = arith.constant 0 : index
    %get3A_30 = arith.constant 0 : index
    %get3A_31 = vector.load %arg5[%get3A_29, %get3A_30] : memref<2000x16xf32, #tpu.memory_space<vmem>>, vector<2000x16xf32>
    %get3A_32 = arith.constant 0 : index
    %get3A_33 = arith.constant 0 : index
    %get3A_34 = vector.load %arg6[%get3A_32, %get3A_33] : memref<2000x16xf32, #tpu.memory_space<vmem>>, vector<2000x16xf32>
    %add3A_35 = arith.addf %get3A_31, %get3A_34 : vector<2000x16xf32>
    %gt3A_36 = arith.constant 0.000000e+00 : f32
    %gt3A_37 = vector.broadcast %gt3A_36 : f32 to vector<2000x16xf32>
    %gt3A_38 = arith.cmpf ogt, %add3A_35, %gt3A_37 : vector<2000x16xf32>
    %max3A_39 = arith.constant 1.000000e+00 : f32
    %max3A_40 = vector.broadcast %max3A_39 : f32 to vector<2000x16xf32>
    %max3A_41 = arith.maximumf %add3A_35, %max3A_40 : vector<2000x16xf32>
    %rsqrt3A_42 = math.rsqrt %max3A_41 : vector<2000x16xf32>
    %jit3A_43 = arith.constant 0.000000e+00 : f32
    %broadcast_in_dim3A_44 = vector.broadcast %jit3A_43 : f32 to vector<2000x16xf32>
    %select_n3A_45 = arith.select %gt3A_38, %rsqrt3A_42, %broadcast_in_dim3A_44 : vector<2000x16xi1>, vector<2000x16xf32>
    %slice3A_46 = vector.extract_strided_slice %select_n3A_45 {offsets = [0, 0], sizes = [2000, 1], strides = [1, 1]} : vector<2000x16xf32> to vector<2000x1xf32>
    %mul3A_47 = vector.broadcast %slice3A_46 : vector<2000x1xf32> to vector<2000x128xf32>
    %mul3A_48 = arith.mulf %max3A_28, %mul3A_47 : vector<2000x128xf32>
    %swap3A = arith.constant 0 : index
    %swap3A_49 = arith.constant 0 : index
    %swap3A_50 = vector.load %arg9[%swap3A, %swap3A_49] : memref<2000x128xf32, #tpu.memory_space<vmem>>, vector<2000x128xf32>
    tpu.vector_store %arg9[%swap3A, %swap3A_49], %mul3A_48 {strides = array<i32>} : memref<2000x128xf32, #tpu.memory_space<vmem>>, vector<2000x128xf32>,
    return
  }
  func.func @transform_0(%arg0: i32) -> (i32, i32) {
    %c0_i32 = arith.constant 0 : i32
    %c0_i32_0 = arith.constant 0 : i32
    return %arg0, %c0_i32 : i32, i32
  }
  func.func @transform_1(%arg0: i32) -> (i32, i32) {
    %c0_i32 = arith.constant 0 : i32
    %c0_i32_0 = arith.constant 0 : i32
    return %arg0, %c0_i32 : i32, i32
  }
  func.func @transform_2(%arg0: i32) -> (i32, i32) {
    %c0_i32 = arith.constant 0 : i32
    %c0_i32_0 = arith.constant 0 : i32
    return %arg0, %c0_i32 : i32, i32
  }
  func.func @transform_3(%arg0: i32) -> (i32, i32) {
    %c0_i32 = arith.constant 0 : i32
    %c0_i32_0 = arith.constant 0 : i32
    return %arg0, %c0_i32 : i32, i32
  }
  func.func @transform_4(%arg0: i32) -> (i32, i32) {
    %c0_i32 = arith.constant 0 : i32
    %c0_i32_0 = arith.constant 0 : i32
    return %arg0, %c0_i32 : i32, i32
  }
  func.func @transform_5(%arg0: i32) -> (i32, i32) {
    %c0_i32 = arith.constant 0 : i32
    %c0_i32_0 = arith.constant 0 : i32
    return %arg0, %c0_i32 : i32, i32
  }
  func.func @transform_6(%arg0: i32) -> (i32, i32) {
    %c0_i32 = arith.constant 0 : i32
    %c0_i32_0 = arith.constant 0 : i32
    %c0_i32_1 = arith.constant 0 : i32
    return %c0_i32, %c0_i32_0 : i32, i32
  }
  func.func @transform_7(%arg0: i32) -> (i32, i32) {
    %c0_i32 = arith.constant 0 : i32
    %c0_i32_0 = arith.constant 0 : i32
    %c0_i32_1 = arith.constant 0 : i32
    return %c0_i32, %c0_i32_0 : i32, i32
  }
  func.func @transform_8(%arg0: i32) -> (i32, i32) {
    %c0_i32 = arith.constant 0 : i32
    %c0_i32_0 = arith.constant 0 : i32
    return %arg0, %c0_i32 : i32, i32
  }
}

module attributes {stable_mosaic.version = 14 : i64} {
  func.func @_layer_body(%arg0: i32, %arg1: memref<2000x128xf32, #tpu.memory_space<vmem>>, %arg2: memref<2000x128xf32, #tpu.memory_space<vmem>>, %arg3: memref<2000x16xf32, #tpu.memory_space<vmem>>, %arg4: memref<2000x16xf32, #tpu.memory_space<vmem>>, %arg5: memref<2000x16xf32, #tpu.memory_space<vmem>>, %arg6: memref<2000x16xf32, #tpu.memory_space<vmem>>, %arg7: memref<128x128xf32, #tpu.memory_space<vmem>>, %arg8: memref<1x128xf32, #tpu.memory_space<vmem>>, %arg9: memref<2000x128xf32, #tpu.memory_space<vmem>>) attributes {dimension_semantics = [#tpu.dimension_semantics<arbitrary>], iteration_bounds = array<i64: 5>, scalar_prefetch = 0 : i64, scratch_operands = 0 : i64, tpu.core_type = #tpu.core_type<tc>, window_params = [{transform_indices = @transform_0, window_bounds = array<i64: 2000, 128>}, {transform_indices = @transform_1, window_bounds = array<i64: 2000, 128>}, {transform_indices = @transform_2, window_bounds = array<i64: 2000, 16>}, {transform_indices = @transform_3, window_bounds = array<i64: 2000, 16>}, {transform_indices = @transform_4, window_bounds = array<i64: 2000, 16>}, {transform_indices = @transform_5, window_bounds = array<i64: 2000, 16>}, {pipeline_mode = #tpu.pipeline_mode<synchronous>, transform_indices = @transform_6, window_bounds = array<i64: 128, 128>}, {pipeline_mode = #tpu.pipeline_mode<synchronous>, transform_indices = @transform_7, window_bounds = array<i64: 1, 128>}, {transform_indices = @transform_8, window_bounds = array<i64: 2000, 128>}]} {
    %get3A = arith.constant 0 : index
    %get3A_0 = arith.constant 0 : index
    %get3A_1 = vector.load %arg3[%get3A, %get3A_0] : memref<2000x16xf32, #tpu.memory_space<vmem>>, vector<2000x16xf32>
    %get3A_2 = arith.constant 0 : index
    %get3A_3 = arith.constant 0 : index
    %get3A_4 = vector.load %arg4[%get3A_2, %get3A_3] : memref<2000x16xf32, #tpu.memory_space<vmem>>, vector<2000x16xf32>
    %add3A = arith.addf %get3A_1, %get3A_4 : vector<2000x16xf32>
    %gt3A = arith.constant 0.000000e+00 : f32
    %gt3A_5 = vector.broadcast %gt3A : f32 to vector<2000x16xf32>
    %gt3A_6 = arith.cmpf ogt, %add3A, %gt3A_5 : vector<2000x16xf32>
    %max3A = arith.constant 1.000000e+00 : f32
    %max3A_7 = vector.broadcast %max3A : f32 to vector<2000x16xf32>
    %max3A_8 = arith.maximumf %add3A, %max3A_7 : vector<2000x16xf32>
    %rsqrt3A = math.rsqrt %max3A_8 : vector<2000x16xf32>
    %jit3A = arith.constant 0.000000e+00 : f32
    %broadcast_in_dim3A = vector.broadcast %jit3A : f32 to vector<2000x16xf32>
    %select_n3A = arith.select %gt3A_6, %rsqrt3A, %broadcast_in_dim3A : vector<2000x16xi1>, vector<2000x16xf32>
    %slice3A = vector.extract_strided_slice %select_n3A {offsets = [0, 0], sizes = [2000, 1], strides = [1, 1]} : vector<2000x16xf32> to vector<2000x1xf32>
    %get3A_9 = arith.constant 0 : index
    %get3A_10 = arith.constant 0 : index
    %get3A_11 = vector.load %arg1[%get3A_9, %get3A_10] : memref<2000x128xf32, #tpu.memory_space<vmem>>, vector<2000x128xf32>
    %get3A_12 = arith.constant 0 : index
    %get3A_13 = arith.constant 0 : index
    %get3A_14 = vector.load %arg2[%get3A_12, %get3A_13] : memref<2000x128xf32, #tpu.memory_space<vmem>>, vector<2000x128xf32>
    %add3A_15 = arith.addf %get3A_11, %get3A_14 : vector<2000x128xf32>
    %mul3A = vector.broadcast %slice3A : vector<2000x1xf32> to vector<2000x128xf32>
    %mul3A_16 = arith.mulf %add3A_15, %mul3A : vector<2000x128xf32>
    %get3A_17 = arith.constant 0 : index
    %get3A_18 = arith.constant 0 : index
    %get3A_19 = vector.load %arg7[%get3A_17, %get3A_18] : memref<128x128xf32, #tpu.memory_space<vmem>>, vector<128x128xf32>
    %dot_general3A = arith.constant dense<0.000000e+00> : vector<2000x128xf32>
    %dot_general3A_20 = tpu.matmul %mul3A_16, %get3A_19, %dot_general3A {dimension_numbers = #tpu.dot_dimension_numbers<[1], [0], [0], [1], [0, 0, 1, 1], [], []>, transpose_lhs_hint = false} : vector<2000x128xf32>, vector<128x128xf32>, vector<2000x128xf32> -> vector<2000x128xf32>
    %get3A_21 = arith.constant 0 : index
    %get3A_22 = arith.constant 0 : index
    %get3A_23 = vector.load %arg8[%get3A_21, %get3A_22] : memref<1x128xf32, #tpu.memory_space<vmem>>, vector<1x128xf32>
    %add3A_24 = vector.broadcast %get3A_23 : vector<1x128xf32> to vector<2000x128xf32>
    %add3A_25 = arith.addf %dot_general3A_20, %add3A_24 : vector<2000x128xf32>
    %swap3A = arith.constant 0 : index
    %swap3A_26 = arith.constant 0 : index
    %swap3A_27 = vector.load %arg9[%swap3A, %swap3A_26] : memref<2000x128xf32, #tpu.memory_space<vmem>>, vector<2000x128xf32>
    tpu.vector_store %arg9[%swap3A, %swap3A_26], %add3A_25 {strides = array<i32>} : memref<2000x128xf32, #tpu.memory_space<vmem>>, vector<2000x128xf32>,
    return
  }
  func.func @transform_0(%arg0: i32) -> (i32, i32) {
    %c0_i32 = arith.constant 0 : i32
    %c0_i32_0 = arith.constant 0 : i32
    return %arg0, %c0_i32 : i32, i32
  }
  func.func @transform_1(%arg0: i32) -> (i32, i32) {
    %c0_i32 = arith.constant 0 : i32
    %c0_i32_0 = arith.constant 0 : i32
    return %arg0, %c0_i32 : i32, i32
  }
  func.func @transform_2(%arg0: i32) -> (i32, i32) {
    %c0_i32 = arith.constant 0 : i32
    %c0_i32_0 = arith.constant 0 : i32
    return %arg0, %c0_i32 : i32, i32
  }
  func.func @transform_3(%arg0: i32) -> (i32, i32) {
    %c0_i32 = arith.constant 0 : i32
    %c0_i32_0 = arith.constant 0 : i32
    return %arg0, %c0_i32 : i32, i32
  }
  func.func @transform_4(%arg0: i32) -> (i32, i32) {
    %c0_i32 = arith.constant 0 : i32
    %c0_i32_0 = arith.constant 0 : i32
    return %arg0, %c0_i32 : i32, i32
  }
  func.func @transform_5(%arg0: i32) -> (i32, i32) {
    %c0_i32 = arith.constant 0 : i32
    %c0_i32_0 = arith.constant 0 : i32
    return %arg0, %c0_i32 : i32, i32
  }
  func.func @transform_6(%arg0: i32) -> (i32, i32) {
    %c0_i32 = arith.constant 0 : i32
    %c0_i32_0 = arith.constant 0 : i32
    %c0_i32_1 = arith.constant 0 : i32
    return %c0_i32, %c0_i32_0 : i32, i32
  }
  func.func @transform_7(%arg0: i32) -> (i32, i32) {
    %c0_i32 = arith.constant 0 : i32
    %c0_i32_0 = arith.constant 0 : i32
    %c0_i32_1 = arith.constant 0 : i32
    return %c0_i32, %c0_i32_0 : i32, i32
  }
  func.func @transform_8(%arg0: i32) -> (i32, i32) {
    %c0_i32 = arith.constant 0 : i32
    %c0_i32_0 = arith.constant 0 : i32
    return %arg0, %c0_i32 : i32, i32
  }
}

</mosaic_0001>

<sc_bundles>
// kernel: kernel.10.cloned.1.call-start
scs
__scs_entry_jumppad:
0x0: {  	(pc) =	sbr.rel $0x88, $3  }
0x1: {  	(tag) =	ssettag $0x0;
	lr =	simm.s32 $0x1  }
0x2: {  	[smem:$0x3F99] =	sst lr;
	_ =	strace $0xD0000000  }
0x3: {  	_ = 	snop  }
0x4: {  	_ = 	snop  }
0x5: {  	_ = 	snop  }
0x6: {  	_ = 	snop  }
0x7: {  	_ = 	snop  }
__scs_overlays_trampoline_lowered:
0x8: {  	[smem:$0x3FA8] =	sst s0  }
0x9: {  	[smem:$0x3FA9] =	sst s1  }
0xa: {  	[smem:$0x3FAA] =	sst s2  }
0xb: {  	[smem:$0x3FAB] =	sst s3  }
0xc: {  	[smem:$0x3FAC] =	sst s4  }
0xd: {  	[smem:$0x3FAD] =	sst s5  }
0xe: {  	[smem:$0x3FAE] =	sst s6  }
0xf: {  	[smem:$0x3FAF] =	sst s7  }
0x10: {  	[smem:$0x3FB0] =	sst s8  }
0x11: {  	[smem:$0x3FB1] =	sst s9;
	s0 =	simm.s32 @!p0 $0x0  }
0x12: {  	s1 =	sld [smem:$0x3F97];
	s0 =	simm.s32 @p0 $0x1  }
0x13: {  	[smem:$0x3FB2] =	sst s0;
	s0 =	simm.s32 @!p1 $0x0  }
0x14: {  	s2 =	sld [smem:$0x3F96];
	s0 =	simm.s32 @p1 $0x1  }
0x15: {  	[smem:$0x3FB3] =	sst s0;
	s0 =	simm.s32 @!p2 $0x0  }
0x16: {  	s3 =	sld [smem:$0x3FDB];
	s0 =	simm.s32 @p2 $0x1  }
0x17: {  	s4 =	simm.s32 $0x1BF5;
	[smem:$0x3FB5] =	sst s0  }
0x18: {  	s0 =	sld [smem:$0x3F98];
	_ =	swait.ge [sflag:s4], $0x0  }
0x19: {  	s7 =	sld [smem:$0x3F99]  }
0x1a: {  	s8 =	sadd.s32 $0xFFFFE003, lr  }
0x1b: {  	s9 =	sadd.s32 $0xFFFFFEF7, lr;
	s5 =	simm.s32 $0xFFFFFFFF;
	p2 =	slt.u32 s8, $0xFFFFF086  }
0x1c: {  	p1 =	slt.u32 s9, $0xF7A;
	s5 =	simm.s32 @!p2 $0x0  }
0x1d: {  	s5 =	simm.s32 @p1 $0x1;
	p0 =	seq.s32 s7, s2  }
0x1e: {  	s7 =	smul.u32 @!p0 $0xF7A, s2;
	p2 =	seq.s32 @!p0 s5, $0x0  }
0x1f: {  	s9 =	smul.u32 $0xF7A, s1;
	s8 =	simm.s32 @!p0 $0x1BF5;
	p2 =	por !p2, p0  }
0x20: {  	[sflag:s8] =	ssyncset.s32 @!p0 $0xFFFFF086;
	s6 =	sadd.s32 @!p0 s3, s7;
	s7 =	simm.s32 @!p0 $0x108  }
0x21: {  	s3 =	sadd.s32 s3, s9;
	s6 =	sadd.s32 @!p0 $0x88, s6;
	s7 =	simm.s32 @p2 $0x1082  }
0x22: {  	[simem:s7], [sflag:s8] =	dma.local @!p0 [hbm:s6], $0xF7A  }
0x23: {  	s9 =	sor.u32 $0xD0000000, s2;
	s6 =	simm.s32 $0x108;
	_ =	swait.ge @!p0 [sflag:s8], $0x0  }
0x24: {  	s3 =	sadd.s32 $0x88, s3;
	s6 =	simm.s32 @!p1 $0x1082;
	[sflag:s4] =	ssyncset.s32 $0xFFFFF086  }
0x25: {  	[simem:s6], [sflag:s4] =	dma.local [hbm:s3], $0xF7A  }
0x26: {  	[smem:$0x3F99] =	sst s1;
	(tag) =	ssettag s2;
	_ =	strace s9  }
0x27: {  	s1 =	sld [smem:$0x3FA9]  }
0x28: {  	s2 =	sld [smem:$0x3FAA]  }
0x29: {  	s4 =	sld [smem:$0x3FAC]  }
0x2a: {  	p0 =	seq.s32 s5, $0x0;
	s5 =	sld [smem:$0x3FAD]  }
0x2b: {  	s6 =	sld [smem:$0x3FAE]  }
0x2c: {  	s7 =	sld [smem:$0x3FAF]  }
0x2d: {  	s3 =	simm.s32 $0x108;
	s8 =	sld [smem:$0x3FB0]  }
0x2e: {  	s3 =	simm.s32 @!p0 $0x1082;
	s9 =	sld [smem:$0x3FB1]  }
0x2f: {  	lr =	sadd.s32 s0, s3;
	s0 =	sld [smem:$0x3FA8]  }
0x30: {  	s3 =	sld [smem:$0x3FAB]  }
0x31: {  	[smem:$0x3FB4] =	sst s10  }
0x32: {  	s10 =	sld [smem:$0x3FB2];
	_ =	sdelay $0x3  }
0x33: {  	p0 =	seq.s32 s10, $0x1;
	s10 =	sld [smem:$0x3FB4];
	_ =	sdelay $0x3  }
0x34: {  	[smem:$0x3FB4] =	sst s10  }
0x35: {  	s10 =	sld [smem:$0x3FB3];
	_ =	sdelay $0x3  }
0x36: {  	p1 =	seq.s32 s10, $0x1;
	s10 =	sld [smem:$0x3FB4];
	_ =	sdelay $0x3  }
0x37: {  	[smem:$0x3FB4] =	sst s10  }
0x38: {  	s10 =	sld [smem:$0x3FB5]  }
0x39: {  	_ = 	snop;
	(pc) =	sbr.ind lr, $3  }
0x3a: {  	_ = 	snop  }
0x3b: {  	_ = 	snop  }
0x3c: {  	p2 =	seq.s32 s10, $0x1;
	s10 =	sld [smem:$0x3FB4]  }
0x3d: {  	_ =	shalt  }
0x3e: {  	_ =	shalt  }
0x3f: {  	_ =	shalt  }
0x40: {  	_ =	shalt  }
0x41: {  	_ =	shalt  }
0x42: {  	_ =	shalt  }
0x43: {  	_ =	shalt  }
0x44: {  	_ =	shalt  }
0x45: {  	_ =	shalt  }
0x46: {  	_ =	shalt  }
0x47: {  	_ =	shalt  }
0x48: {  	_ =	shalt  }
0x49: {  	_ =	shalt  }
0x4a: {  	_ =	shalt  }
0x4b: {  	_ =	shalt  }
0x4c: {  	_ =	shalt  }
0x4d: {  	_ =	shalt  }
0x4e: {  	_ =	shalt  }
0x4f: {  	_ =	shalt  }
0x50: {  	_ =	shalt  }
0x51: {  	_ =	shalt  }
0x52: {  	_ =	shalt  }
0x53: {  	_ =	shalt  }
0x54: {  	_ =	shalt  }
0x55: {  	_ =	shalt  }
0x56: {  	_ =	shalt  }
0x57: {  	_ =	shalt  }
0x58: {  	_ =	shalt  }
0x59: {  	_ =	shalt  }
0x5a: {  	_ =	shalt  }
0x5b: {  	_ =	shalt  }
0x5c: {  	_ =	shalt  }
0x5d: {  	_ =	shalt  }
0x5e: {  	_ =	shalt  }
0x5f: {  	_ =	shalt  }
0x60: {  	_ =	shalt  }
0x61: {  	_ =	shalt  }
0x62: {  	_ =	shalt  }
0x63: {  	_ =	shalt  }
0x64: {  	_ =	shalt  }
0x65: {  	_ =	shalt  }
0x66: {  	_ =	shalt  }
0x67: {  	_ =	shalt  }
0x68: {  	_ =	shalt  }
0x69: {  	_ =	shalt  }
0x6a: {  	_ =	shalt  }
0x6b: {  	_ =	shalt  }
0x6c: {  	_ =	shalt  }
0x6d: {  	_ =	shalt  }
0x6e: {  	_ =	shalt  }
0x6f: {  	_ =	shalt  }
0x70: {  	_ =	shalt  }
0x71: {  	_ =	shalt  }
0x72: {  	_ =	shalt  }
0x73: {  	_ =	shalt  }
0x74: {  	_ =	shalt  }
0x75: {  	_ =	shalt  }
0x76: {  	_ =	shalt  }
0x77: {  	_ =	shalt  }
0x78: {  	_ =	shalt  }
0x79: {  	_ =	shalt  }
0x7a: {  	_ =	shalt  }
0x7b: {  	_ =	shalt  }
0x7c: {  	_ =	shalt  }
0x7d: {  	_ =	shalt  }
0x7e: {  	_ =	shalt  }
0x7f: {  	_ =	shalt  }
0x80: {  	_ =	shalt  }
0x81: {  	_ =	shalt  }
0x82: {  	_ =	shalt  }
0x83: {  	_ =	shalt  }
0x84: {  	_ =	shalt  }
0x85: {  	_ =	shalt  }
0x86: {  	_ =	shalt  }
0x87: {  	_ =	shalt  }
.Lfunc_end0:
.L_simem_size_0:
called_computation_lowered:
.L_overlay_start_0:
0x88: {  	s2 =	sld [smem:$0x3FD9]  }
0x89: {  	s3 =	sld [smem:$0x3FFE];
	_ =	sdelay $0x1  }
0x8a: {  	s1 =	srdreg.scid  }
0x8b: {  	s0 =	sand.u32 $0x1, s1  }
0x8c: {  	s17 =	sshll.u32 s0, $0xA;
	s2 =	sadd.s32 s3, s2  }
0x8d: {  	s2 =	sadd.s32 s2, s17  }
0x8e: {  	[smem:$0x3FC0] =	sst s2  }
0x8f: {  	_ = 	snop  }
0x90: {  	s2 =	sld [smem:$0x3FD0];
	(tm) =	ssettm $0x1  }
0x91: {  	s18 =	sld [smem:$0x3FFB];
	_ =	sdelay $0x3  }
0x92: {  	_ =	strace s18  }
0x93: {  	s3 =	sld [smem:$0x3FFC];
	_ =	sdelay $0x3  }
0x94: {  	_ =	strace s3  }
0x95: {  	s3 =	sld [smem:$0x3FFD];
	_ =	sdelay $0x3  }
0x96: {  	_ =	strace s3  }
0x97: {  	_ =	strace $0x8FFFFFFF  }
0x98: {  	s19 =	sld [smem:$0x3FDB];
	_ =	sdelay $0x1  }
0x99: {  	s4 =	simm.s32 $_scs_section_size  }
0x9a: {  	s5 =	simm.s32 $_size__tile_overlayer_lowered;
	s6 =	simm.s32 $_tile_overlayer_lowered  }
0x9b: {  	s22 =	simm.s32 $0x1BFF;
	s21 =	sshll.u32 s6, $0x1;
	s3 =	sadd.s32 s4, s19  }
0x9c: {  	s7 =	simm.s32 $0x0;
	s20 =	sshll.u32 s5, $0x1;
	s5 =	sadd.s32 s21, s3  }
0x9d: {  	[timem:s7], [sflag:s22] =	dma.local [hbm:s5], s20  }
0x9e: {  	_ =	swait.ge [sflag:s22], s20  }
0x9f: {  	s4 =	ssub.s32 $0x0, s20;
	[sflag:s22] =	ssyncset.done $0x0  }
0xa0: {  	[sflag:s22] =	ssyncadd.s32 s4;
	_ =	sdelay $0x1  }
0xa1: {  	s23 =	simm.s32 $0x1B8B  }
0xa2: {  	_ =	swait.ge [sflag:s23], $0x1  }
0xa3: {  	[sflag:s23] =	ssyncset.done $0x0  }
0xa4: {  	s25 =	simm.s32 $0x1B8E;
	s24 =	sld [smem:$0x3FFE];
	[sflag:s23] =	ssyncadd.s32 $0xFFFFFFFF  }
0xa5: {  	s26 =	simm.s32 $execute0_lowered;
	[smem:$0x3FD2] =	sst s25  }
0xa6: {  	s5 =	sshll.u32 s26, $0x1;
	_ =	strace $0x80000046;
	[dreg:$0x1] =	wrdreg $0xFFFFFFFF  }
0xa7: {  	s28 =	simm.s32 $_size_execute0_lowered;
	s3 =	sadd.s32 s3, s5;
	[dreg:$0x0] =	wrdreg $0x0  }
0xa8: {  	s5 =	sshll.u32 s28, $0x1;
	[dreg:$0x2] =	wrdreg s3  }
0xa9: {  	[dreg:$0x3] =	wrdreg s5  }
0xaa: {  	[dreg:$0x4] =	wrdreg $0xC0  }
0xab: {  	_ =	task [dreg:s7], $0x5FFFF  }
0xac: {  	[dreg:$0x1] =	wrdreg $0xFFFFFFFF  }
0xad: {  	[dreg:$0x0] =	wrdreg $0x60  }
0xae: {  	[dreg:$0x2] =	wrdreg s24  }
0xaf: {  	[dreg:$0x3] =	wrdreg s2  }
0xb0: {  	[dreg:$0x4] =	wrdreg $0x0  }
0xb1: {  	[dreg:$0x5] =	wrdreg $0x27100  }
0xb2: {  	[dreg:$0x6] =	wrdreg $0x9  }
0xb3: {  	_ =	task.clear_ibuf [dreg:s7], $0x7FFFF;
	_ =	strace $0x90000046  }
0xb4: {  	s29 =	simm.s32 $0x9;
	_ =	strace $0x80000048  }
0xb5: {  	_ =	swait.ge [sflag:s29], $0x1  }
0xb6: {  	[sflag:s29] =	ssyncadd.s32 $0xFFFFFFFF  }
0xb7: {  	_ =	strace $0x90000048  }
0xb8: {  	_ =	sfence  }
0xb9: {  	s30 =	sld [smem:$0x0];
	_ =	sdelay $0x2  }
0xba: {  	s31 =	sshll.u32 s1, $0xD;
	s1 =	sshrl.u32 s1, $0x2  }
0xbb: {  	s3 =	sand.u32 $0x4000, s31;
	s1 =	sadd.s32 s1, s30  }
0xbc: {  	s0 =	sor.u32 s3, s0;
	s1 =	sshll.u32 s1, $0x11  }
0xbd: {  	s0 =	sor.u32 s1, s0  }
0xbe: {  	s0 =	sadd.s32 $0x8F2B, s0  }
0xbf: {  	[sflag:s0] =	ssyncadd.remote.s32 $0x1  }
0xc0: {  	_ =	sfence.sel $0xFFFF  }
0xc1: {  	[dreg:$0x0] =	wrdreg $0xFFFFFFFF;
	(pc) =	sbr.abs _section_cstart, $3  }
0xc2: {  	[dreg:$0x1] =	wrdreg $0xFFFFFFFF  }
0xc3: {  	_ =	task.clear_ibuf [dreg:s7], $0x2FFFF;
	_ =	strace $0x9FFFFFFF  }
0xc4: {  	(tm) =	ssettm $0x7FFFFFFF  }
0xc5: {  	_ =	shalt  }
tec
execute0_lowered:
.L_overlay_start_1:
0x0: {  	(tag) =	ssettag $0x1  }
0x1: {  	s5 =	rddreg [dreg:$0x0]  }
0x2: {  	s9 =	rddreg [dreg:$0x1]  }
0x3: {  	s1 =	rddreg [dreg:$0x2]  }
0x4: {  	s2 =	rddreg [dreg:$0x3]  }
0x5: {  	s3 =	srdreg.scid;
	s0 =	rddreg [dreg:$0x4];
	s4 =	simm.s32 $0x0  }
0x6: {  	s16 =	simm.s32 $0x1;
	s17 =	simm.s32 $0x2;
	s18 =	simm.s32 $0x7D  }
0x7: {  	s19 =	simm.s32 $0x9E20;
	s20 =	simm.s32 $0x3;
	s21 =	simm.s32 $0x0  }
0x8: {  	s6 =	sand.u32 $0x1, s3;
	s3 =	stileid.u32;
	[smem:$0x7FF] =	sst s4  }
0x9: {  	s7 =	sshll.u32 s6, $0x4;
	s8 =	smul.u32 $0x2710, s3;
	_ =	strace $0x80000047  }
0xa: {  	s10 =	ssub.s32 $0x2, s6;
	s6 =	smul.u32 $0x4E200, s6;
	s7 =	sor.u32 s3, s7  }
0xb: {  	s12 =	sshrl.u32 s10, $0x1;
	s7 =	smul.u32 $0x500, s7;
	s11 =	sshrl.u32 s8, $0x3  }
0xc: {  	s12 =	ssub.s32 s10, s12;
	s14 =	sadd.s32 s8, s1;
	s31 =	sadd.s32 s8, s6  }
0xd: {  	s15 =	sadd.s32 s8, s2;
	s30 =	sadd.s32 s11, s5;
	s10 =	sshrl.u32 s31, $0x3  }
0xe: {  	s12 =	smax.u32 s12, $0x1;
	s15 =	sshrl.u32 s15, $0x3;
	s13 =	sadd.s32 s7, s5  }
0xf: {  	s5 =	sshll.u32 s3, $0x6;
	s6 =	sadd.s32 $0x2BA00, s30;
	s9 =	sadd.s32 s9, s10  }
0x10: {  	s7 =	sor.u32 $0x1C01, s5;
	s8 =	sadd.s32 $0x21A00, s13;
	s10 =	sadd.s32 $0x17A00, s13  }
0x11: {  	v0 =	vimm.f32 $1.000000000e+00;
	s11 =	sadd.s32 $0x4E20, s9;
	s13 =	sshrl.u32 s14, $0x3;
	s14 =	sor.u32 $0x1C02, s5  }
.LBB2_1:
0x12: {  	[spmem:s13], [sflag:s7] =	dma.local [hbm:s6], $0x4E2  }
0x13: {  	s22 =	simm.s32 $0x4E20  }
0x14: {  	[spmem:s15], [sflag:s14] =	dma.local [hbm:s6], $0x4E2  }
0x15: {  	[tilespmem:s22], [sflag:$0x1] =	stream.linear.gather [hbm4b:s8+s4], $0x2800, $0x38;
	[tilespmem:$0xA5F0] =	vst v63  }
0x16: {  	s23 =	simm.s32 $0x7620  }
0x17: {  	[tilespmem:s23], [sflag:$0x2] =	stream.linear.gather [hbm4b:s10+s4], $0x2800, $0x38;
	[tilespmem:$0xA5F0] =	vst v63  }
0x18: {  	[tilespmem:$0x9E20] =	vst v0  }
0x19: {  	[tilespmem:$0x9E30] =	vst v0  }
0x1a: {  	[tilespmem:$0x9E40] =	vst v0  }
0x1b: {  	[tilespmem:$0x9E50] =	vst v0  }
0x1c: {  	[tilespmem:$0x9E60] =	vst v0  }
0x1d: {  	[tilespmem:$0x9E70] =	vst v0  }
0x1e: {  	[tilespmem:$0x9E80] =	vst v0  }
0x1f: {  	[tilespmem:$0x9E90] =	vst v0  }
0x20: {  	[tilespmem:$0x9EA0] =	vst v0  }
0x21: {  	[tilespmem:$0x9EB0] =	vst v0  }
0x22: {  	[tilespmem:$0x9EC0] =	vst v0  }
0x23: {  	[tilespmem:$0x9ED0] =	vst v0  }
0x24: {  	[tilespmem:$0x9EE0] =	vst v0  }
0x25: {  	[tilespmem:$0x9EF0] =	vst v0  }
0x26: {  	[tilespmem:$0x9F00] =	vst v0  }
0x27: {  	[tilespmem:$0x9F10] =	vst v0  }
0x28: {  	[tilespmem:$0x9F20] =	vst v0  }
0x29: {  	[tilespmem:$0x9F30] =	vst v0  }
0x2a: {  	[tilespmem:$0x9F40] =	vst v0  }
0x2b: {  	[tilespmem:$0x9F50] =	vst v0  }
0x2c: {  	[tilespmem:$0x9F60] =	vst v0  }
0x2d: {  	[tilespmem:$0x9F70] =	vst v0  }
0x2e: {  	[tilespmem:$0x9F80] =	vst v0  }
0x2f: {  	[tilespmem:$0x9F90] =	vst v0  }
0x30: {  	[tilespmem:$0x9FA0] =	vst v0  }
0x31: {  	[tilespmem:$0x9FB0] =	vst v0  }
0x32: {  	[tilespmem:$0x9FC0] =	vst v0  }
0x33: {  	[tilespmem:$0x9FD0] =	vst v0  }
0x34: {  	[tilespmem:$0x9FE0] =	vst v0  }
0x35: {  	[tilespmem:$0x9FF0] =	vst v0  }
0x36: {  	[tilespmem:$0xA000] =	vst v0  }
0x37: {  	[tilespmem:$0xA010] =	vst v0  }
0x38: {  	[tilespmem:$0xA020] =	vst v0  }
0x39: {  	[tilespmem:$0xA030] =	vst v0  }
0x3a: {  	[tilespmem:$0xA040] =	vst v0  }
0x3b: {  	[tilespmem:$0xA050] =	vst v0  }
0x3c: {  	[tilespmem:$0xA060] =	vst v0  }
0x3d: {  	[tilespmem:$0xA070] =	vst v0  }
0x3e: {  	[tilespmem:$0xA080] =	vst v0  }
0x3f: {  	[tilespmem:$0xA090] =	vst v0  }
0x40: {  	[tilespmem:$0xA0A0] =	vst v0  }
0x41: {  	[tilespmem:$0xA0B0] =	vst v0  }
0x42: {  	[tilespmem:$0xA0C0] =	vst v0  }
0x43: {  	[tilespmem:$0xA0D0] =	vst v0  }
0x44: {  	[tilespmem:$0xA0E0] =	vst v0  }
0x45: {  	[tilespmem:$0xA0F0] =	vst v0  }
0x46: {  	[tilespmem:$0xA100] =	vst v0  }
0x47: {  	[tilespmem:$0xA110] =	vst v0  }
0x48: {  	[tilespmem:$0xA120] =	vst v0  }
0x49: {  	[tilespmem:$0xA130] =	vst v0  }
0x4a: {  	[tilespmem:$0xA140] =	vst v0  }
0x4b: {  	[tilespmem:$0xA150] =	vst v0  }
0x4c: {  	[tilespmem:$0xA160] =	vst v0  }
0x4d: {  	[tilespmem:$0xA170] =	vst v0  }
0x4e: {  	[tilespmem:$0xA180] =	vst v0  }
0x4f: {  	[tilespmem:$0xA190] =	vst v0  }
0x50: {  	[tilespmem:$0xA1A0] =	vst v0  }
0x51: {  	[tilespmem:$0xA1B0] =	vst v0  }
0x52: {  	[tilespmem:$0xA1C0] =	vst v0  }
0x53: {  	[tilespmem:$0xA1D0] =	vst v0  }
0x54: {  	[tilespmem:$0xA1E0] =	vst v0  }
0x55: {  	[tilespmem:$0xA1F0] =	vst v0  }
0x56: {  	[tilespmem:$0xA200] =	vst v0  }
0x57: {  	[tilespmem:$0xA210] =	vst v0  }
0x58: {  	[tilespmem:$0xA220] =	vst v0  }
0x59: {  	[tilespmem:$0xA230] =	vst v0  }
0x5a: {  	[tilespmem:$0xA240] =	vst v0  }
0x5b: {  	[tilespmem:$0xA250] =	vst v0  }
0x5c: {  	[tilespmem:$0xA260] =	vst v0  }
0x5d: {  	[tilespmem:$0xA270] =	vst v0  }
0x5e: {  	[tilespmem:$0xA280] =	vst v0  }
0x5f: {  	[tilespmem:$0xA290] =	vst v0  }
0x60: {  	[tilespmem:$0xA2A0] =	vst v0  }
0x61: {  	[tilespmem:$0xA2B0] =	vst v0  }
0x62: {  	[tilespmem:$0xA2C0] =	vst v0  }
0x63: {  	[tilespmem:$0xA2D0] =	vst v0  }
0x64: {  	[tilespmem:$0xA2E0] =	vst v0  }
0x65: {  	[tilespmem:$0xA2F0] =	vst v0  }
0x66: {  	[tilespmem:$0xA300] =	vst v0  }
0x67: {  	[tilespmem:$0xA310] =	vst v0  }
0x68: {  	[tilespmem:$0xA320] =	vst v0  }
0x69: {  	[tilespmem:$0xA330] =	vst v0  }
0x6a: {  	[tilespmem:$0xA340] =	vst v0  }
0x6b: {  	[tilespmem:$0xA350] =	vst v0  }
0x6c: {  	[tilespmem:$0xA360] =	vst v0  }
0x6d: {  	[tilespmem:$0xA370] =	vst v0  }
0x6e: {  	[tilespmem:$0xA380] =	vst v0  }
0x6f: {  	[tilespmem:$0xA390] =	vst v0  }
0x70: {  	[tilespmem:$0xA3A0] =	vst v0  }
0x71: {  	[tilespmem:$0xA3B0] =	vst v0  }
0x72: {  	[tilespmem:$0xA3C0] =	vst v0  }
0x73: {  	[tilespmem:$0xA3D0] =	vst v0  }
0x74: {  	[tilespmem:$0xA3E0] =	vst v0  }
0x75: {  	[tilespmem:$0xA3F0] =	vst v0  }
0x76: {  	[tilespmem:$0xA400] =	vst v0  }
0x77: {  	[tilespmem:$0xA410] =	vst v0  }
0x78: {  	[tilespmem:$0xA420] =	vst v0  }
0x79: {  	[tilespmem:$0xA430] =	vst v0  }
0x7a: {  	[tilespmem:$0xA440] =	vst v0  }
0x7b: {  	[tilespmem:$0xA450] =	vst v0  }
0x7c: {  	[tilespmem:$0xA460] =	vst v0  }
0x7d: {  	[tilespmem:$0xA470] =	vst v0  }
0x7e: {  	[tilespmem:$0xA480] =	vst v0  }
0x7f: {  	[tilespmem:$0xA490] =	vst v0  }
0x80: {  	[tilespmem:$0xA4A0] =	vst v0  }
0x81: {  	[tilespmem:$0xA4B0] =	vst v0  }
0x82: {  	[tilespmem:$0xA4C0] =	vst v0  }
0x83: {  	[tilespmem:$0xA4D0] =	vst v0  }
0x84: {  	[tilespmem:$0xA4E0] =	vst v0  }
0x85: {  	[tilespmem:$0xA4F0] =	vst v0  }
0x86: {  	[tilespmem:$0xA500] =	vst v0  }
0x87: {  	[tilespmem:$0xA510] =	vst v0  }
0x88: {  	[tilespmem:$0xA520] =	vst v0  }
0x89: {  	[tilespmem:$0xA530] =	vst v0  }
0x8a: {  	[tilespmem:$0xA540] =	vst v0  }
0x8b: {  	[tilespmem:$0xA550] =	vst v0  }
0x8c: {  	[tilespmem:$0xA560] =	vst v0  }
0x8d: {  	[tilespmem:$0xA570] =	vst v0  }
0x8e: {  	[tilespmem:$0xA580] =	vst v0  }
0x8f: {  	[tilespmem:$0xA590] =	vst v0  }
0x90: {  	[tilespmem:$0xA5A0] =	vst v0  }
0x91: {  	[tilespmem:$0xA5B0] =	vst v0  }
0x92: {  	[tilespmem:$0xA5C0] =	vst v0  }
0x93: {  	[tilespmem:$0xA5D0] =	vst v0  }
0x94: {  	[tilespmem:$0xA5E0] =	vst v0  }
0x95: {  	_ =	swait.ge [sflag:s16], $0x4E2  }
0x96: {  	[sflag:s16] =	ssyncset.done $0x0  }
0x97: {  	[sflag:s16] =	ssyncadd.s32 $0xFFFFFB1E  }
0x98: {  	_ =	swait.ge [sflag:s17], $0x4E2  }
0x99: {  	[sflag:s17] =	ssyncset.done $0x0  }
0x9a: {  	[sflag:s17] =	ssyncadd.s32 $0xFFFFFB1E  }
0x9b: {  	_ =	swait.ge [sflag:s16], $0x2800  }
0x9c: {  	[sflag:s16] =	ssyncset.done $0x0  }
0x9d: {  	[sflag:s16] =	ssyncadd.s32 $0xFFFFD800  }
0x9e: {  	_ =	swait.ge [sflag:s17], $0x2800  }
0x9f: {  	[sflag:s17] =	ssyncset.done $0x0  }
0xa0: {  	[sflag:s17] =	ssyncadd.s32 $0xFFFFD800  }
0xa1: {  	[bflag:$0x0] =	sbarrier.arrive $0xFFFF  }
0xa2: {  	[spmem:s1] =	stream.indirect.scatter.add.f32 [tilespmem:s19], [sflag:$0x1], $0x10, s22, s18, $0xb8;
	[tilespmem:$0xA5F0] =	vst v63  }
0xa3: {  	p0 =	por $0x1, $0x1  }
0xa4: {  	[spmem:s2] =	stream.indirect.scatter.add.f32 [tilespmem:s19], [sflag:$0x2], $0x10, s23, s18, $0xb8;
	[tilespmem:$0xA5F0] =	vst v63  }
0xa5: {  	s23 =	simm.s32 @!p0 $0x1  }
0xa6: {  	_ =	swait.ge @!p0 [sflag:s23], $0x7D0  }
0xa7: {  	[sflag:s23] =	ssyncset.done @!p0 $0x0  }
0xa8: {  	s25 =	simm.s32 @!p0 $0x2;
	[sflag:s23] =	ssyncadd.s32 @!p0 $0xFFFFF830  }
0xa9: {  	s24 =	simm.s32 $0x76A0;
	s23 =	simm.s32 $0x1;
	_ =	swait.ge @!p0 [sflag:s25], $0x7D0  }
.LBB2_2:
0xaa: {  	[sflag:s25] =	ssyncset.done @!p0 $0x0  }
0xab: {  	s22 =	sadd.s32 $0x80, s22;
	s26 =	smov.u32 s23;
	s23 =	sadd.s32 $0x1, s23  }
0xac: {  	p1 =	sne.s32 s23, $0x50;
	[sflag:s25] =	ssyncadd.s32 @!p0 $0xFFFFF830  }
0xad: {  	[spmem:s1] =	stream.indirect.scatter.add.f32 [tilespmem:s19], [sflag:$0x1], $0x10, s22, s18, $0xb8;
	[tilespmem:$0xA5F0] =	vst v63  }
0xae: {  	p0 =	slt.u32 s26, $0x8  }
0xaf: {  	[spmem:s2] =	stream.indirect.scatter.add.f32 [tilespmem:s19], [sflag:$0x2], $0x10, s24, s18, $0xb8;
	[tilespmem:$0xA5F0] =	vst v63  }
.Ltmp0:
0xb0: {  	s26 =	simm.s32 @!p0 $0x1;
	(pc) =	sbr.rel @p1 .LBB2_2-.Ltmp0, $4  }
0xb1: {  	_ =	swait.ge @!p0 [sflag:s26], $0x7D0  }
0xb2: {  	s25 =	simm.s32 @!p0 $0x2;
	[sflag:s26] =	ssyncset.done @!p0 $0x0  }
0xb3: {  	[sflag:s26] =	ssyncadd.s32 @!p0 $0xFFFFF830  }
0xb4: {  	s24 =	sadd.s32 $0x80, s24;
	_ =	swait.ge @!p0 [sflag:s25], $0x7D0  }
0xb5: {  	[sflag:s25] =	ssyncset.done @!p0 $0x0  }
0xb6: {  	[sflag:s25] =	ssyncadd.s32 @!p0 $0xFFFFF830  }
0xb7: {  	_ =	swait.ge [sflag:s16], $0x7D0  }
0xb8: {  	[sflag:s16] =	ssyncset.done $0x0  }
0xb9: {  	[sflag:s16] =	ssyncadd.s32 $0xFFFFF830  }
0xba: {  	_ =	swait.ge [sflag:s17], $0x7D0  }
0xbb: {  	[sflag:s17] =	ssyncset.done $0x0  }
0xbc: {  	[sflag:s17] =	ssyncadd.s32 $0xFFFFF830  }
0xbd: {  	_ =	swait.ge [sflag:s16], $0x7D0  }
0xbe: {  	[sflag:s16] =	ssyncset.done $0x0  }
0xbf: {  	[sflag:s16] =	ssyncadd.s32 $0xFFFFF830  }
0xc0: {  	_ =	swait.ge [sflag:s17], $0x7D0  }
0xc1: {  	[sflag:s17] =	ssyncset.done $0x0  }
0xc2: {  	[sflag:s17] =	ssyncadd.s32 $0xFFFFF830  }
0xc3: {  	_ =	swait.ge [sflag:s16], $0x7D0  }
0xc4: {  	[sflag:s16] =	ssyncset.done $0x0  }
0xc5: {  	[sflag:s16] =	ssyncadd.s32 $0xFFFFF830  }
0xc6: {  	_ =	swait.ge [sflag:s17], $0x7D0  }
0xc7: {  	[sflag:s17] =	ssyncset.done $0x0  }
0xc8: {  	[sflag:s17] =	ssyncadd.s32 $0xFFFFF830  }
0xc9: {  	_ =	swait.ge [sflag:s16], $0x7D0  }
0xca: {  	[sflag:s16] =	ssyncset.done $0x0  }
0xcb: {  	[sflag:s16] =	ssyncadd.s32 $0xFFFFF830  }
0xcc: {  	_ =	swait.ge [sflag:s17], $0x7D0  }
0xcd: {  	[sflag:s17] =	ssyncset.done $0x0  }
0xce: {  	[sflag:s17] =	ssyncadd.s32 $0xFFFFF830  }
0xcf: {  	_ =	swait.ge [sflag:s16], $0x7D0  }
0xd0: {  	[sflag:s16] =	ssyncset.done $0x0  }
0xd1: {  	[sflag:s16] =	ssyncadd.s32 $0xFFFFF830  }
0xd2: {  	_ =	swait.ge [sflag:s17], $0x7D0  }
0xd3: {  	[sflag:s17] =	ssyncset.done $0x0  }
0xd4: {  	[sflag:s17] =	ssyncadd.s32 $0xFFFFF830  }
0xd5: {  	_ =	swait.ge [sflag:s16], $0x7D0  }
0xd6: {  	[sflag:s16] =	ssyncset.done $0x0  }
0xd7: {  	[sflag:s16] =	ssyncadd.s32 $0xFFFFF830  }
0xd8: {  	_ =	swait.ge [sflag:s17], $0x7D0  }
0xd9: {  	[sflag:s17] =	ssyncset.done $0x0  }
0xda: {  	[sflag:s17] =	ssyncadd.s32 $0xFFFFF830  }
0xdb: {  	_ =	swait.ge [sflag:s16], $0x7D0  }
0xdc: {  	[sflag:s16] =	ssyncset.done $0x0  }
0xdd: {  	[sflag:s16] =	ssyncadd.s32 $0xFFFFF830  }
0xde: {  	_ =	swait.ge [sflag:s17], $0x7D0  }
0xdf: {  	[sflag:s17] =	ssyncset.done $0x0  }
0xe0: {  	[sflag:s17] =	ssyncadd.s32 $0xFFFFF830  }
0xe1: {  	_ =	swait.ge [sflag:s16], $0x7D0  }
0xe2: {  	[sflag:s16] =	ssyncset.done $0x0  }
0xe3: {  	[sflag:s16] =	ssyncadd.s32 $0xFFFFF830  }
0xe4: {  	_ =	swait.ge [sflag:s17], $0x7D0  }
0xe5: {  	[sflag:s17] =	ssyncset.done $0x0  }
0xe6: {  	[sflag:s17] =	ssyncadd.s32 $0xFFFFF830  }
0xe7: {  	s22 =	sor.u32 $0x1C03, s5;
	[bflag:$0x0] =	sbarrier.arrive $0xFFFF  }
0xe8: {  	[hbm:s9], [sflag:s22] =	dma.local [spmem:s13], $0x4E2  }
0xe9: {  	s21 =	sadd.s32 $0x1, s21;
	_ =	swait.ge [sflag:s20], $0x4E2  }
0xea: {  	p0 =	sne.s32 s21, s12;
	[sflag:s20] =	ssyncset.done $0x0  }
.Ltmp1:
0xeb: {  	[sflag:s20] =	ssyncadd.s32 $0xFFFFFB1E;
	(pc) =	sbr.rel @p0 .LBB2_1-.Ltmp1, $4  }
0xec: {  	[hbm:s11], [sflag:s22] =	dma.local [spmem:s15], $0x4E2  }
0xed: {  	_ =	swait.ge [sflag:s20], $0x4E2  }
0xee: {  	[sflag:s20] =	ssyncset.done $0x0  }
0xef: {  	[sflag:s20] =	ssyncadd.s32 $0xFFFFFB1E  }
0xf0: {  	_ =	sfence.sel $0x180000  }
0xf1: {  	[bflag:$0x0] =	sbarrier.arrive $0xFFFF  }
0xf2: {  	p0 =	sne.s32 s3, $0x0;
	_ =	strace $0x90000047  }
0xf3: {  	s0 =	sadd.s32 @!p0 $0x100000, s0;
	[bflag:$0x2] =	sbarrier.arrive $0xFFFF  }
0xf4: {  	[sflag:s0] =	ssyncadd.tile.s32 @!p0 $0x1;
	_ =	shalt  }
.Lfunc_end2:
_tile_overlayer_lowered:
.L_overlay_start_2:
0xf5: {  	(tag) =	ssettag $0x2  }
0xf6: {  	s0 =	rddreg [dreg:$0x0];
	s2 =	stileid.u32  }
0xf7: {  	s1 =	rddreg [dreg:$0x1];
	p0 =	sne.s32 s2, $0x0  }
0xf8: {  	s3 =	rddreg [dreg:$0x2];
	[bflag:$0x3] =	sbarrier.arrive $0xFFFF;
	s2 =	simm.s32 @!p0 $0x1C03  }
0xf9: {  	[timem:s3], [sflag:s2] =	dma.local @!p0 [hbm:s0], s1  }
0xfa: {  	s0 =	simm.s32 @!p0 $0x3  }
0xfb: {  	_ =	swait.ge @!p0 [sflag:s0], s1  }
0xfc: {  	s1 =	ssub.s32 @!p0 $0x0, s1;
	[sflag:s0] =	ssyncset.done @!p0 $0x0  }
0xfd: {  	[sflag:s0] =	ssyncadd.s32 @!p0 s1  }
0xfe: {  	[bflag:$0x3] =	sbarrier.arrive $0xFFFF  }
0xff: {  	_ =	shalt  }

// kernel: kernel.13.cloned.1.call-start
scs
__scs_entry_jumppad:
0x0: {  	(pc) =	sbr.rel $0x88, $3  }
0x1: {  	(tag) =	ssettag $0x0;
	lr =	simm.s32 $0x1  }
0x2: {  	[smem:$0x3F99] =	sst lr;
	_ =	strace $0xD0000000  }
0x3: {  	_ = 	snop  }
0x4: {  	_ = 	snop  }
0x5: {  	_ = 	snop  }
0x6: {  	_ = 	snop  }
0x7: {  	_ = 	snop  }
__scs_overlays_trampoline_lowered:
0x8: {  	[smem:$0x3FA8] =	sst s0  }
0x9: {  	[smem:$0x3FA9] =	sst s1  }
0xa: {  	[smem:$0x3FAA] =	sst s2  }
0xb: {  	[smem:$0x3FAB] =	sst s3  }
0xc: {  	[smem:$0x3FAC] =	sst s4  }
0xd: {  	[smem:$0x3FAD] =	sst s5  }
0xe: {  	[smem:$0x3FAE] =	sst s6  }
0xf: {  	[smem:$0x3FAF] =	sst s7  }
0x10: {  	[smem:$0x3FB0] =	sst s8  }
0x11: {  	[smem:$0x3FB1] =	sst s9;
	s0 =	simm.s32 @!p0 $0x0  }
0x12: {  	s1 =	sld [smem:$0x3F97];
	s0 =	simm.s32 @p0 $0x1  }
0x13: {  	[smem:$0x3FB2] =	sst s0;
	s0 =	simm.s32 @!p1 $0x0  }
0x14: {  	s2 =	sld [smem:$0x3F96];
	s0 =	simm.s32 @p1 $0x1  }
0x15: {  	[smem:$0x3FB3] =	sst s0;
	s0 =	simm.s32 @!p2 $0x0  }
0x16: {  	s3 =	sld [smem:$0x3FDB];
	s0 =	simm.s32 @p2 $0x1  }
0x17: {  	s4 =	simm.s32 $0x1BF5;
	[smem:$0x3FB5] =	sst s0  }
0x18: {  	s0 =	sld [smem:$0x3F98];
	_ =	swait.ge [sflag:s4], $0x0  }
0x19: {  	s7 =	sld [smem:$0x3F99]  }
0x1a: {  	s8 =	sadd.s32 $0xFFFFE003, lr  }
0x1b: {  	s9 =	sadd.s32 $0xFFFFFEF7, lr;
	s5 =	simm.s32 $0xFFFFFFFF;
	p2 =	slt.u32 s8, $0xFFFFF086  }
0x1c: {  	p1 =	slt.u32 s9, $0xF7A;
	s5 =	simm.s32 @!p2 $0x0  }
0x1d: {  	s5 =	simm.s32 @p1 $0x1;
	p0 =	seq.s32 s7, s2  }
0x1e: {  	s7 =	smul.u32 @!p0 $0xF7A, s2;
	p2 =	seq.s32 @!p0 s5, $0x0  }
0x1f: {  	s9 =	smul.u32 $0xF7A, s1;
	s8 =	simm.s32 @!p0 $0x1BF5;
	p2 =	por !p2, p0  }
0x20: {  	[sflag:s8] =	ssyncset.s32 @!p0 $0xFFFFF086;
	s6 =	sadd.s32 @!p0 s3, s7;
	s7 =	simm.s32 @!p0 $0x108  }
0x21: {  	s3 =	sadd.s32 s3, s9;
	s6 =	sadd.s32 @!p0 $0x88, s6;
	s7 =	simm.s32 @p2 $0x1082  }
0x22: {  	[simem:s7], [sflag:s8] =	dma.local @!p0 [hbm:s6], $0xF7A  }
0x23: {  	s9 =	sor.u32 $0xD0000000, s2;
	s6 =	simm.s32 $0x108;
	_ =	swait.ge @!p0 [sflag:s8], $0x0  }
0x24: {  	s3 =	sadd.s32 $0x88, s3;
	s6 =	simm.s32 @!p1 $0x1082;
	[sflag:s4] =	ssyncset.s32 $0xFFFFF086  }
0x25: {  	[simem:s6], [sflag:s4] =	dma.local [hbm:s3], $0xF7A  }
0x26: {  	[smem:$0x3F99] =	sst s1;
	(tag) =	ssettag s2;
	_ =	strace s9  }
0x27: {  	s1 =	sld [smem:$0x3FA9]  }
0x28: {  	s2 =	sld [smem:$0x3FAA]  }
0x29: {  	s4 =	sld [smem:$0x3FAC]  }
0x2a: {  	p0 =	seq.s32 s5, $0x0;
	s5 =	sld [smem:$0x3FAD]  }
0x2b: {  	s6 =	sld [smem:$0x3FAE]  }
0x2c: {  	s7 =	sld [smem:$0x3FAF]  }
0x2d: {  	s3 =	simm.s32 $0x108;
	s8 =	sld [smem:$0x3FB0]  }
0x2e: {  	s3 =	simm.s32 @!p0 $0x1082;
	s9 =	sld [smem:$0x3FB1]  }
0x2f: {  	lr =	sadd.s32 s0, s3;
	s0 =	sld [smem:$0x3FA8]  }
0x30: {  	s3 =	sld [smem:$0x3FAB]  }
0x31: {  	[smem:$0x3FB4] =	sst s10  }
0x32: {  	s10 =	sld [smem:$0x3FB2];
	_ =	sdelay $0x3  }
0x33: {  	p0 =	seq.s32 s10, $0x1;
	s10 =	sld [smem:$0x3FB4];
	_ =	sdelay $0x3  }
0x34: {  	[smem:$0x3FB4] =	sst s10  }
0x35: {  	s10 =	sld [smem:$0x3FB3];
	_ =	sdelay $0x3  }
0x36: {  	p1 =	seq.s32 s10, $0x1;
	s10 =	sld [smem:$0x3FB4];
	_ =	sdelay $0x3  }
0x37: {  	[smem:$0x3FB4] =	sst s10  }
0x38: {  	s10 =	sld [smem:$0x3FB5]  }
0x39: {  	_ = 	snop;
	(pc) =	sbr.ind lr, $3  }
0x3a: {  	_ = 	snop  }
0x3b: {  	_ = 	snop  }
0x3c: {  	p2 =	seq.s32 s10, $0x1;
	s10 =	sld [smem:$0x3FB4]  }
0x3d: {  	_ =	shalt  }
0x3e: {  	_ =	shalt  }
0x3f: {  	_ =	shalt  }
0x40: {  	_ =	shalt  }
0x41: {  	_ =	shalt  }
0x42: {  	_ =	shalt  }
0x43: {  	_ =	shalt  }
0x44: {  	_ =	shalt  }
0x45: {  	_ =	shalt  }
0x46: {  	_ =	shalt  }
0x47: {  	_ =	shalt  }
0x48: {  	_ =	shalt  }
0x49: {  	_ =	shalt  }
0x4a: {  	_ =	shalt  }
0x4b: {  	_ =	shalt  }
0x4c: {  	_ =	shalt  }
0x4d: {  	_ =	shalt  }
0x4e: {  	_ =	shalt  }
0x4f: {  	_ =	shalt  }
0x50: {  	_ =	shalt  }
0x51: {  	_ =	shalt  }
0x52: {  	_ =	shalt  }
0x53: {  	_ =	shalt  }
0x54: {  	_ =	shalt  }
0x55: {  	_ =	shalt  }
0x56: {  	_ =	shalt  }
0x57: {  	_ =	shalt  }
0x58: {  	_ =	shalt  }
0x59: {  	_ =	shalt  }
0x5a: {  	_ =	shalt  }
0x5b: {  	_ =	shalt  }
0x5c: {  	_ =	shalt  }
0x5d: {  	_ =	shalt  }
0x5e: {  	_ =	shalt  }
0x5f: {  	_ =	shalt  }
0x60: {  	_ =	shalt  }
0x61: {  	_ =	shalt  }
0x62: {  	_ =	shalt  }
0x63: {  	_ =	shalt  }
0x64: {  	_ =	shalt  }
0x65: {  	_ =	shalt  }
0x66: {  	_ =	shalt  }
0x67: {  	_ =	shalt  }
0x68: {  	_ =	shalt  }
0x69: {  	_ =	shalt  }
0x6a: {  	_ =	shalt  }
0x6b: {  	_ =	shalt  }
0x6c: {  	_ =	shalt  }
0x6d: {  	_ =	shalt  }
0x6e: {  	_ =	shalt  }
0x6f: {  	_ =	shalt  }
0x70: {  	_ =	shalt  }
0x71: {  	_ =	shalt  }
0x72: {  	_ =	shalt  }
0x73: {  	_ =	shalt  }
0x74: {  	_ =	shalt  }
0x75: {  	_ =	shalt  }
0x76: {  	_ =	shalt  }
0x77: {  	_ =	shalt  }
0x78: {  	_ =	shalt  }
0x79: {  	_ =	shalt  }
0x7a: {  	_ =	shalt  }
0x7b: {  	_ =	shalt  }
0x7c: {  	_ =	shalt  }
0x7d: {  	_ =	shalt  }
0x7e: {  	_ =	shalt  }
0x7f: {  	_ =	shalt  }
0x80: {  	_ =	shalt  }
0x81: {  	_ =	shalt  }
0x82: {  	_ =	shalt  }
0x83: {  	_ =	shalt  }
0x84: {  	_ =	shalt  }
0x85: {  	_ =	shalt  }
0x86: {  	_ =	shalt  }
0x87: {  	_ =	shalt  }
.Lfunc_end0:
.L_simem_size_0:
called_computation.1_lowered:
.L_overlay_start_0:
0x88: {  	s2 =	sld [smem:$0x3FD9]  }
0x89: {  	s3 =	sld [smem:$0x3FFE];
	_ =	sdelay $0x1  }
0x8a: {  	s1 =	srdreg.scid  }
0x8b: {  	s0 =	sand.u32 $0x1, s1  }
0x8c: {  	s16 =	sshll.u32 s0, $0xA;
	s2 =	sadd.s32 s3, s2  }
0x8d: {  	s2 =	sadd.s32 s2, s16  }
0x8e: {  	[smem:$0x3FC0] =	sst s2  }
0x8f: {  	_ = 	snop  }
0x90: {  	(tm) =	ssettm $0x1  }
0x91: {  	s17 =	sld [smem:$0x3FFB];
	_ =	sdelay $0x3  }
0x92: {  	_ =	strace s17  }
0x93: {  	s2 =	sld [smem:$0x3FFC];
	_ =	sdelay $0x3  }
0x94: {  	_ =	strace s2  }
0x95: {  	s2 =	sld [smem:$0x3FFD];
	_ =	sdelay $0x3  }
0x96: {  	_ =	strace s2  }
0x97: {  	_ =	strace $0x8FFFFFFF  }
0x98: {  	s18 =	sld [smem:$0x3FDB];
	_ =	sdelay $0x1  }
0x99: {  	s19 =	simm.s32 $_scs_section_size  }
0x9a: {  	s4 =	simm.s32 $_size__tile_overlayer_lowered;
	s5 =	simm.s32 $_tile_overlayer_lowered  }
0x9b: {  	s22 =	simm.s32 $0x1BFF;
	s21 =	sshll.u32 s5, $0x1;
	s2 =	sadd.s32 s19, s18  }
0x9c: {  	s6 =	simm.s32 $0x0;
	s20 =	sshll.u32 s4, $0x1;
	s4 =	sadd.s32 s21, s2  }
0x9d: {  	[timem:s6], [sflag:s22] =	dma.local [hbm:s4], s20  }
0x9e: {  	_ =	swait.ge [sflag:s22], s20  }
0x9f: {  	s3 =	ssub.s32 $0x0, s20;
	[sflag:s22] =	ssyncset.done $0x0  }
0xa0: {  	[sflag:s22] =	ssyncadd.s32 s3;
	_ =	sdelay $0x1  }
0xa1: {  	s23 =	simm.s32 $0x1B8B  }
0xa2: {  	_ =	swait.ge [sflag:s23], $0x1  }
0xa3: {  	[sflag:s23] =	ssyncset.done $0x0  }
0xa4: {  	s25 =	simm.s32 $0x1B8E;
	s24 =	sld [smem:$0x3FFE];
	[sflag:s23] =	ssyncadd.s32 $0xFFFFFFFF  }
0xa5: {  	s26 =	simm.s32 $execute0_lowered;
	[smem:$0x3FD2] =	sst s25  }
0xa6: {  	s4 =	sshll.u32 s26, $0x1;
	_ =	strace $0x80000049;
	[dreg:$0x1] =	wrdreg $0xFFFFFFFF  }
0xa7: {  	s28 =	simm.s32 $_size_execute0_lowered;
	s2 =	sadd.s32 s2, s4;
	[dreg:$0x0] =	wrdreg $0x0  }
0xa8: {  	s4 =	sshll.u32 s28, $0x1;
	[dreg:$0x2] =	wrdreg s2  }
0xa9: {  	[dreg:$0x3] =	wrdreg s4  }
0xaa: {  	[dreg:$0x4] =	wrdreg $0xC0  }
0xab: {  	_ =	task [dreg:s6], $0x5FFFF  }
0xac: {  	[dreg:$0x1] =	wrdreg $0xFFFFFFFF  }
0xad: {  	[dreg:$0x0] =	wrdreg $0x60  }
0xae: {  	[dreg:$0x2] =	wrdreg s24  }
0xaf: {  	[dreg:$0x3] =	wrdreg $0x0  }
0xb0: {  	[dreg:$0x4] =	wrdreg $0x9  }
0xb1: {  	_ =	task.clear_ibuf [dreg:s6], $0x5FFFF;
	_ =	strace $0x90000049  }
0xb2: {  	s29 =	simm.s32 $0x9;
	_ =	strace $0x8000004B  }
0xb3: {  	_ =	swait.ge [sflag:s29], $0x1  }
0xb4: {  	[sflag:s29] =	ssyncadd.s32 $0xFFFFFFFF  }
0xb5: {  	_ =	strace $0x9000004B  }
0xb6: {  	_ =	sfence  }
0xb7: {  	s30 =	sld [smem:$0x0];
	_ =	sdelay $0x2  }
0xb8: {  	s31 =	sshll.u32 s1, $0xD;
	s1 =	sshrl.u32 s1, $0x2  }
0xb9: {  	s3 =	sand.u32 $0x4000, s31;
	s1 =	sadd.s32 s1, s30  }
0xba: {  	s0 =	sor.u32 s3, s0;
	s1 =	sshll.u32 s1, $0x11  }
0xbb: {  	s0 =	sor.u32 s1, s0  }
0xbc: {  	s0 =	sadd.s32 $0x8F2B, s0  }
0xbd: {  	[sflag:s0] =	ssyncadd.remote.s32 $0x1  }
0xbe: {  	_ =	sfence.sel $0xFFFF  }
0xbf: {  	[dreg:$0x0] =	wrdreg $0xFFFFFFFF;
	(pc) =	sbr.abs _section_cstart, $3  }
0xc0: {  	[dreg:$0x1] =	wrdreg $0xFFFFFFFF  }
0xc1: {  	_ =	task.clear_ibuf [dreg:s6], $0x2FFFF;
	_ =	strace $0x9FFFFFFF  }
0xc2: {  	(tm) =	ssettm $0x7FFFFFFF  }
0xc3: {  	_ =	shalt  }
tec
execute0_lowered:
.L_overlay_start_1:
0x0: {  	(tag) =	ssettag $0x1  }
0x1: {  	s0 =	srdreg.scid;
	s3 =	rddreg [dreg:$0x0]  }
0x2: {  	s9 =	stileid.u32;
	s2 =	rddreg [dreg:$0x1];
	s4 =	simm.s32 $0x0  }
0x3: {  	s15 =	simm.s32 $0x1;
	s16 =	simm.s32 $0x2;
	s17 =	simm.s32 $0x3  }
0x4: {  	s18 =	simm.s32 $0x28;
	s19 =	simm.s32 $0x186A0;
	s21 =	simm.s32 $0x19AA0  }
0x5: {  	s23 =	simm.s32 $0x1AEA0;
	s28 =	simm.s32 $0x1D6A0;
	s30 =	simm.s32 $0x1EAA0  }
0x6: {  	s31 =	simm.s32 $0x4;
	s14 =	simm.s32 $0x7;
	s20 =	simm.s32 $0x8  }
0x7: {  	s22 =	simm.s32 $0x9;
	s29 =	simm.s32 $0xC;
	s0 =	sand.u32 $0x1, s0  }
0x8: {  	s5 =	smul.u32 $0x13880, s9;
	[smem:$0x7FF] =	sst s4;
	s4 =	sadd.s32 $0x8D000, s3  }
0x9: {  	s1 =	sshll.u32 s0, $0x4;
	s6 =	smul.u32 $0x138800, s0;
	_ =	strace $0x8000004A  }
0xa: {  	s0 =	ssub.s32 $0x2, s0;
	s1 =	sor.u32 s9, s1;
	s7 =	sshrl.u32 s5, $0x3  }
0xb: {  	s8 =	sshrl.u32 s0, $0x1;
	s1 =	smul.u32 $0x4E2, s1;
	s6 =	sadd.s32 s5, s6  }
0xc: {  	s7 =	sadd.s32 s7, s3;
	s0 =	ssub.s32 s0, s8;
	s5 =	sadd.s32 s5, s2  }
0xd: {  	s6 =	sshrl.u32 s6, $0x3;
	s24 =	sadd.s32 $0xB4200, s7;
	s11 =	smax.u32 s0, $0x1  }
0xe: {  	s12 =	sshrl.u32 s5, $0x3;
	s0 =	simm.s32 $0x6;
	s5 =	simm.s32 $0x0  }
0xf: {  	s1 =	sadd.s32 s1, s3;
	s3 =	sadd.s32 s6, s3;
	s6 =	sshll.u32 s9, $0x6  }
0x10: {  	[dreg:$0x3] =	wrdreg s24;
	s24 =	simm.s32 $0xA;
	s25 =	sor.u32 $0x1C01, s6  }
0x11: {  	s26 =	sadd.s32 $0xDC00, s1;
	s9 =	sadd.s32 $0x3E00, s1;
	s10 =	sadd.s32 $0xDB400, s3  }
0x12: {  	s1 =	simm.s32 $0x5;
	s3 =	simm.s32 $0xD;
	[dreg:$0x4] =	wrdreg s25  }
0x13: {  	[dreg:$0x5] =	wrdreg s26;
	s25 =	simm.s32 $0x1C2A0;
	s26 =	simm.s32 $0xB  }
.LBB2_1:
0x14: {  	s7 =	rddreg [dreg:$0x3]  }
0x15: {  	s8 =	rddreg [dreg:$0x4]  }
0x16: {  	[spmem:s12], [sflag:s8] =	dma.local [hbm:s7], $0x2710  }
0x17: {  	s13 =	simm.s32 $0x13880;
	s7 =	simm.s32 $0x0;
	s8 =	rddreg [dreg:$0x5]  }
0x18: {  	[tilespmem:s13], [sflag:$0x2] =	stream.linear.gather [hbm4b:s8+s7], $0x2710, $0x38;
	[tilespmem:$0x1FEA0] =	vst v63  }
0x19: {  	s8 =	simm.s32 $0x15F90  }
0x1a: {  	[tilespmem:s8], [sflag:$0x3] =	stream.linear.gather [hbm4b:s9+s7], $0x2710, $0x38;
	[tilespmem:$0x1FEA0] =	vst v63  }
0x1b: {  	_ =	swait.ge [sflag:s15], $0x2710  }
0x1c: {  	[sflag:s15] =	ssyncset.done $0x0  }
0x1d: {  	[sflag:s15] =	ssyncadd.s32 $0xFFFFD8F0  }
0x1e: {  	_ =	swait.ge [sflag:s16], $0x2710  }
0x1f: {  	[sflag:s16] =	ssyncset.done $0x0  }
0x20: {  	[sflag:s16] =	ssyncadd.s32 $0xFFFFD8F0  }
0x21: {  	_ =	swait.ge [sflag:s17], $0x2710  }
0x22: {  	[sflag:s17] =	ssyncset.done $0x0  }
0x23: {  	[sflag:s17] =	ssyncadd.s32 $0xFFFFD8F0  }
0x24: {  	[bflag:$0x0] =	sbarrier.arrive $0xFFFF  }
0x25: {  	[tilespmem:s19], [sflag:$0x1] =	stream.indirect.gather [hbm4b:s4+s18], $0x80, s13, s18, $0xb8;
	[tilespmem:$0x1FEA0] =	vst v63  }
0x26: {  	s8 =	simm.s32 $0x138A8  }
0x27: {  	[tilespmem:s21], [sflag:$0x2] =	stream.indirect.gather [hbm4b:s4+s18], $0x80, s8, s18, $0xb8;
	[tilespmem:$0x1FEA0] =	vst v63  }
0x28: {  	s13 =	simm.s32 $0x138D0  }
0x29: {  	[tilespmem:s23], [sflag:$0x3] =	stream.indirect.gather [hbm4b:s4+s18], $0x80, s13, s18, $0xb8;
	[tilespmem:$0x1FEA0] =	vst v63  }
0x2a: {  	s8 =	simm.s32 $0x138F8  }
0x2b: {  	[tilespmem:s25], [sflag:$0x4] =	stream.indirect.gather [hbm4b:s4+s18], $0x80, s8, s18, $0xb8;
	[tilespmem:$0x1FEA0] =	vst v63  }
0x2c: {  	s13 =	simm.s32 $0x13920  }
0x2d: {  	[tilespmem:s28], [sflag:$0x5] =	stream.indirect.gather [hbm4b:s4+s18], $0x80, s13, s18, $0xb8;
	[tilespmem:$0x1FEA0] =	vst v63  }
0x2e: {  	s8 =	simm.s32 $0x13948  }
0x2f: {  	[tilespmem:s30], [sflag:$0x6] =	stream.indirect.gather [hbm4b:s4+s18], $0x80, s8, s18, $0xb8;
	[tilespmem:$0x1FEA0] =	vst v63  }
0x30: {  	_ =	swait.ge [sflag:s15], $0x1400  }
0x31: {  	[sflag:s15] =	ssyncset.done $0x0  }
0x32: {  	s13 =	simm.s32 $0x15F90;
	[sflag:s15] =	ssyncadd.s32 $0xFFFFEC00  }
0x33: {  	[spmem:s2] =	stream.indirect.scatter.add.f32 [tilespmem:s19], [sflag:$0x7], $0x80, s13, s18, $0xb8;
	[tilespmem:$0x1FEA0] =	vst v63  }
0x34: {  	_ =	swait.ge [sflag:s16], $0x1400  }
0x35: {  	[sflag:s16] =	ssyncset.done $0x0  }
0x36: {  	s8 =	simm.s32 $0x15FB8;
	[sflag:s16] =	ssyncadd.s32 $0xFFFFEC00  }
0x37: {  	[spmem:s2] =	stream.indirect.scatter.add.f32 [tilespmem:s21], [sflag:$0x8], $0x80, s8, s18, $0xb8;
	[tilespmem:$0x1FEA0] =	vst v63  }
0x38: {  	_ =	swait.ge [sflag:s17], $0x1400  }
0x39: {  	[sflag:s17] =	ssyncset.done $0x0  }
0x3a: {  	s13 =	simm.s32 $0x15FE0;
	[sflag:s17] =	ssyncadd.s32 $0xFFFFEC00  }
0x3b: {  	[spmem:s2] =	stream.indirect.scatter.add.f32 [tilespmem:s23], [sflag:$0x9], $0x80, s13, s18, $0xb8;
	[tilespmem:$0x1FEA0] =	vst v63  }
0x3c: {  	_ =	swait.ge [sflag:s31], $0x1400  }
0x3d: {  	[sflag:s31] =	ssyncset.done $0x0  }
0x3e: {  	s8 =	simm.s32 $0x16008;
	[sflag:s31] =	ssyncadd.s32 $0xFFFFEC00  }
0x3f: {  	[spmem:s2] =	stream.indirect.scatter.add.f32 [tilespmem:s25], [sflag:$0xA], $0x80, s8, s18, $0xb8;
	[tilespmem:$0x1FEA0] =	vst v63  }
0x40: {  	_ =	swait.ge [sflag:s1], $0x1400  }
0x41: {  	[sflag:s1] =	ssyncset.done $0x0  }
0x42: {  	s13 =	simm.s32 $0x16030;
	[sflag:s1] =	ssyncadd.s32 $0xFFFFEC00  }
0x43: {  	[spmem:s2] =	stream.indirect.scatter.add.f32 [tilespmem:s28], [sflag:$0xB], $0x80, s13, s18, $0xb8;
	[tilespmem:$0x1FEA0] =	vst v63  }
0x44: {  	_ =	swait.ge [sflag:s0], $0x1400  }
0x45: {  	[sflag:s0] =	ssyncset.done $0x0  }
0x46: {  	s8 =	simm.s32 $0x16058;
	[sflag:s0] =	ssyncadd.s32 $0xFFFFEC00  }
0x47: {  	[spmem:s2] =	stream.indirect.scatter.add.f32 [tilespmem:s30], [sflag:$0xC], $0x80, s8, s18, $0xb8;
	[tilespmem:$0x1FEA0] =	vst v63  }
0x48: {  	_ =	swait.ge [sflag:s14], $0x1400  }
0x49: {  	[sflag:s14] =	ssyncset.done $0x0  }
0x4a: {  	s13 =	simm.s32 $0x13970;
	[sflag:s14] =	ssyncadd.s32 $0xFFFFEC00  }
0x4b: {  	[tilespmem:s19], [sflag:$0x1] =	stream.indirect.gather [hbm4b:s4+s18], $0x80, s13, s18, $0xb8;
	[tilespmem:$0x1FEA0] =	vst v63  }
0x4c: {  	_ =	swait.ge [sflag:s20], $0x1400  }
0x4d: {  	[sflag:s20] =	ssyncset.done $0x0  }
0x4e: {  	s8 =	simm.s32 $0x13998;
	[sflag:s20] =	ssyncadd.s32 $0xFFFFEC00  }
0x4f: {  	[tilespmem:s21], [sflag:$0x2] =	stream.indirect.gather [hbm4b:s4+s18], $0x80, s8, s18, $0xb8;
	[tilespmem:$0x1FEA0] =	vst v63  }
0x50: {  	_ =	swait.ge [sflag:s22], $0x1400  }
0x51: {  	[sflag:s22] =	ssyncset.done $0x0  }
0x52: {  	s13 =	simm.s32 $0x139C0;
	[sflag:s22] =	ssyncadd.s32 $0xFFFFEC00  }
0x53: {  	[tilespmem:s23], [sflag:$0x3] =	stream.indirect.gather [hbm4b:s4+s18], $0x80, s13, s18, $0xb8;
	[tilespmem:$0x1FEA0] =	vst v63  }
0x54: {  	_ =	swait.ge [sflag:s24], $0x1400  }
0x55: {  	[sflag:s24] =	ssyncset.done $0x0  }
0x56: {  	s8 =	simm.s32 $0x139E8;
	[sflag:s24] =	ssyncadd.s32 $0xFFFFEC00  }
0x57: {  	[tilespmem:s25], [sflag:$0x4] =	stream.indirect.gather [hbm4b:s4+s18], $0x80, s8, s18, $0xb8;
	[tilespmem:$0x1FEA0] =	vst v63  }
0x58: {  	_ =	swait.ge [sflag:s26], $0x1400  }
0x59: {  	[sflag:s26] =	ssyncset.done $0x0  }
0x5a: {  	s13 =	simm.s32 $0x13A10;
	[sflag:s26] =	ssyncadd.s32 $0xFFFFEC00  }
0x5b: {  	[tilespmem:s28], [sflag:$0x5] =	stream.indirect.gather [hbm4b:s4+s18], $0x80, s13, s18, $0xb8;
	[tilespmem:$0x1FEA0] =	vst v63  }
0x5c: {  	_ =	swait.ge [sflag:s29], $0x1400  }
0x5d: {  	[sflag:s29] =	ssyncset.done $0x0  }
0x5e: {  	s7 =	simm.s32 $0x3C0;
	s13 =	simm.s32 $0x13A38;
	[sflag:s29] =	ssyncadd.s32 $0xFFFFEC00  }
.LBB2_2:
0x5f: {  	[tilespmem:s30], [sflag:$0x6] =	stream.indirect.gather [hbm4b:s4+s18], $0x80, s13, s18, $0xb8;
	[tilespmem:$0x1FEA0] =	vst v63  }
0x60: {  	s13 =	smov.u32 s7  }
0x61: {  	p0 =	sne.s32 s7, $0x9240;
	s7 =	sadd.s32 $0x3C0, s7;
	_ =	swait.ge [sflag:s15], $0x1400  }
0x62: {  	s13 =	sshra.s32 s13, $0x2;
	[sflag:s15] =	ssyncset.done $0x0  }
0x63: {  	s8 =	sadd.s32 $0x15F90, s13;
	[sflag:s15] =	ssyncadd.s32 $0xFFFFEC00  }
0x64: {  	[spmem:s2] =	stream.indirect.scatter.add.f32 [tilespmem:s19], [sflag:$0x7], $0x80, s8, s18, $0xb8;
	[tilespmem:$0x1FEA0] =	vst v63  }
0x65: {  	_ =	swait.ge [sflag:s16], $0x1400  }
0x66: {  	[sflag:s16] =	ssyncset.done $0x0  }
0x67: {  	s8 =	sadd.s32 $0x15FB8, s13;
	[sflag:s16] =	ssyncadd.s32 $0xFFFFEC00  }
0x68: {  	[spmem:s2] =	stream.indirect.scatter.add.f32 [tilespmem:s21], [sflag:$0x8], $0x80, s8, s18, $0xb8;
	[tilespmem:$0x1FEA0] =	vst v63  }
0x69: {  	_ =	swait.ge [sflag:s17], $0x1400  }
0x6a: {  	[sflag:s17] =	ssyncset.done $0x0  }
0x6b: {  	s8 =	sadd.s32 $0x15FE0, s13;
	[sflag:s17] =	ssyncadd.s32 $0xFFFFEC00  }
0x6c: {  	[spmem:s2] =	stream.indirect.scatter.add.f32 [tilespmem:s23], [sflag:$0x9], $0x80, s8, s18, $0xb8;
	[tilespmem:$0x1FEA0] =	vst v63  }
0x6d: {  	_ =	swait.ge [sflag:s31], $0x1400  }
0x6e: {  	[sflag:s31] =	ssyncset.done $0x0  }
0x6f: {  	s8 =	sadd.s32 $0x16008, s13;
	[sflag:s31] =	ssyncadd.s32 $0xFFFFEC00  }
0x70: {  	[spmem:s2] =	stream.indirect.scatter.add.f32 [tilespmem:s25], [sflag:$0xA], $0x80, s8, s18, $0xb8;
	[tilespmem:$0x1FEA0] =	vst v63  }
0x71: {  	_ =	swait.ge [sflag:s1], $0x1400  }
0x72: {  	[sflag:s1] =	ssyncset.done $0x0  }
0x73: {  	s8 =	sadd.s32 $0x16030, s13;
	[sflag:s1] =	ssyncadd.s32 $0xFFFFEC00  }
0x74: {  	[spmem:s2] =	stream.indirect.scatter.add.f32 [tilespmem:s28], [sflag:$0xB], $0x80, s8, s18, $0xb8;
	[tilespmem:$0x1FEA0] =	vst v63  }
0x75: {  	_ =	swait.ge [sflag:s0], $0x1400  }
0x76: {  	[sflag:s0] =	ssyncset.done $0x0  }
0x77: {  	s8 =	sadd.s32 $0x16058, s13;
	[sflag:s0] =	ssyncadd.s32 $0xFFFFEC00  }
0x78: {  	[spmem:s2] =	stream.indirect.scatter.add.f32 [tilespmem:s30], [sflag:$0xC], $0x80, s8, s18, $0xb8;
	[tilespmem:$0x1FEA0] =	vst v63  }
0x79: {  	_ =	swait.ge [sflag:s14], $0x1400  }
0x7a: {  	[sflag:s14] =	ssyncset.done $0x0  }
0x7b: {  	s8 =	sadd.s32 $0x13970, s13;
	[sflag:s14] =	ssyncadd.s32 $0xFFFFEC00  }
0x7c: {  	[tilespmem:s19], [sflag:$0x1] =	stream.indirect.gather [hbm4b:s4+s18], $0x80, s8, s18, $0xb8;
	[tilespmem:$0x1FEA0] =	vst v63  }
0x7d: {  	_ =	swait.ge [sflag:s20], $0x1400  }
0x7e: {  	[sflag:s20] =	ssyncset.done $0x0  }
0x7f: {  	s8 =	sadd.s32 $0x13998, s13;
	[sflag:s20] =	ssyncadd.s32 $0xFFFFEC00  }
0x80: {  	[tilespmem:s21], [sflag:$0x2] =	stream.indirect.gather [hbm4b:s4+s18], $0x80, s8, s18, $0xb8;
	[tilespmem:$0x1FEA0] =	vst v63  }
0x81: {  	_ =	swait.ge [sflag:s22], $0x1400  }
0x82: {  	[sflag:s22] =	ssyncset.done $0x0  }
0x83: {  	s8 =	sadd.s32 $0x139C0, s13;
	[sflag:s22] =	ssyncadd.s32 $0xFFFFEC00  }
0x84: {  	[tilespmem:s23], [sflag:$0x3] =	stream.indirect.gather [hbm4b:s4+s18], $0x80, s8, s18, $0xb8;
	[tilespmem:$0x1FEA0] =	vst v63  }
0x85: {  	_ =	swait.ge [sflag:s24], $0x1400  }
0x86: {  	[sflag:s24] =	ssyncset.done $0x0  }
0x87: {  	s8 =	sadd.s32 $0x139E8, s13;
	[sflag:s24] =	ssyncadd.s32 $0xFFFFEC00  }
0x88: {  	[tilespmem:s25], [sflag:$0x4] =	stream.indirect.gather [hbm4b:s4+s18], $0x80, s8, s18, $0xb8;
	[tilespmem:$0x1FEA0] =	vst v63  }
0x89: {  	_ =	swait.ge [sflag:s26], $0x1400  }
0x8a: {  	[sflag:s26] =	ssyncset.done $0x0  }
.Ltmp0:
0x8b: {  	s8 =	sadd.s32 $0x13A10, s13;
	[sflag:s26] =	ssyncadd.s32 $0xFFFFEC00;
	(pc) =	sbr.rel @p0 .LBB2_2-.Ltmp0, $4  }
0x8c: {  	[tilespmem:s28], [sflag:$0x5] =	stream.indirect.gather [hbm4b:s4+s18], $0x80, s8, s18, $0xb8;
	[tilespmem:$0x1FEA0] =	vst v63  }
0x8d: {  	_ =	swait.ge [sflag:s29], $0x1400  }
0x8e: {  	[sflag:s29] =	ssyncset.done $0x0  }
0x8f: {  	s13 =	sadd.s32 $0x13A38, s13;
	[sflag:s29] =	ssyncadd.s32 $0xFFFFEC00  }
0x90: {  	[tilespmem:s30], [sflag:$0x6] =	stream.indirect.gather [hbm4b:s4+s18], $0x80, s13, s18, $0xb8;
	[tilespmem:$0x1FEA0] =	vst v63  }
0x91: {  	_ =	swait.ge [sflag:s15], $0x1400  }
0x92: {  	[sflag:s15] =	ssyncset.done $0x0  }
0x93: {  	s7 =	simm.s32 $0x18510;
	[sflag:s15] =	ssyncadd.s32 $0xFFFFEC00  }
0x94: {  	[spmem:s2] =	stream.indirect.scatter.add.f32 [tilespmem:s19], [sflag:$0x7], $0x80, s7, s18, $0xb8;
	[tilespmem:$0x1FEA0] =	vst v63  }
0x95: {  	_ =	swait.ge [sflag:s16], $0x1400  }
0x96: {  	[sflag:s16] =	ssyncset.done $0x0  }
0x97: {  	s8 =	simm.s32 $0x18538;
	[sflag:s16] =	ssyncadd.s32 $0xFFFFEC00  }
0x98: {  	[spmem:s2] =	stream.indirect.scatter.add.f32 [tilespmem:s21], [sflag:$0x8], $0x80, s8, s18, $0xb8;
	[tilespmem:$0x1FEA0] =	vst v63  }
0x99: {  	_ =	swait.ge [sflag:s17], $0x1400  }
0x9a: {  	[sflag:s17] =	ssyncset.done $0x0  }
0x9b: {  	s13 =	simm.s32 $0x18560;
	[sflag:s17] =	ssyncadd.s32 $0xFFFFEC00  }
0x9c: {  	[spmem:s2] =	stream.indirect.scatter.add.f32 [tilespmem:s23], [sflag:$0x9], $0x80, s13, s18, $0xb8;
	[tilespmem:$0x1FEA0] =	vst v63  }
0x9d: {  	_ =	swait.ge [sflag:s31], $0x1400  }
0x9e: {  	[sflag:s31] =	ssyncset.done $0x0  }
0x9f: {  	s8 =	simm.s32 $0x18588;
	[sflag:s31] =	ssyncadd.s32 $0xFFFFEC00  }
0xa0: {  	[spmem:s2] =	stream.indirect.scatter.add.f32 [tilespmem:s25], [sflag:$0xA], $0x80, s8, s18, $0xb8;
	[tilespmem:$0x1FEA0] =	vst v63  }
0xa1: {  	_ =	swait.ge [sflag:s1], $0x1400  }
0xa2: {  	[sflag:s1] =	ssyncset.done $0x0  }
0xa3: {  	s13 =	simm.s32 $0x185B0;
	[sflag:s1] =	ssyncadd.s32 $0xFFFFEC00  }
0xa4: {  	[spmem:s2] =	stream.indirect.scatter.add.f32 [tilespmem:s28], [sflag:$0xB], $0x80, s13, s18, $0xb8;
	[tilespmem:$0x1FEA0] =	vst v63  }
0xa5: {  	_ =	swait.ge [sflag:s0], $0x1400  }
0xa6: {  	[sflag:s0] =	ssyncset.done $0x0  }
0xa7: {  	s8 =	simm.s32 $0x185D8;
	[sflag:s0] =	ssyncadd.s32 $0xFFFFEC00  }
0xa8: {  	[spmem:s2] =	stream.indirect.scatter.add.f32 [tilespmem:s30], [sflag:$0xC], $0x80, s8, s18, $0xb8;
	[tilespmem:$0x1FEA0] =	vst v63  }
0xa9: {  	_ =	swait.ge [sflag:s14], $0x1400  }
0xaa: {  	[sflag:s14] =	ssyncset.done $0x0  }
0xab: {  	s13 =	simm.s32 $0x15EF0;
	[sflag:s14] =	ssyncadd.s32 $0xFFFFEC00  }
0xac: {  	[tilespmem:s19], [sflag:$0x1] =	stream.indirect.gather [hbm4b:s4+s18], $0x80, s13, s18, $0xb8;
	[tilespmem:$0x1FEA0] =	vst v63  }
0xad: {  	_ =	swait.ge [sflag:s20], $0x1400  }
0xae: {  	[sflag:s20] =	ssyncset.done $0x0  }
0xaf: {  	s8 =	simm.s32 $0x15F18;
	[sflag:s20] =	ssyncadd.s32 $0xFFFFEC00  }
0xb0: {  	[tilespmem:s21], [sflag:$0x2] =	stream.indirect.gather [hbm4b:s4+s18], $0x80, s8, s18, $0xb8;
	[tilespmem:$0x1FEA0] =	vst v63  }
0xb1: {  	_ =	swait.ge [sflag:s22], $0x1400  }
0xb2: {  	[sflag:s22] =	ssyncset.done $0x0  }
0xb3: {  	s13 =	simm.s32 $0x15F40;
	[sflag:s22] =	ssyncadd.s32 $0xFFFFEC00  }
0xb4: {  	[tilespmem:s23], [sflag:$0x3] =	stream.indirect.gather [hbm4b:s4+s18], $0x80, s13, s18, $0xb8;
	[tilespmem:$0x1FEA0] =	vst v63  }
0xb5: {  	_ =	swait.ge [sflag:s24], $0x1400  }
0xb6: {  	[sflag:s24] =	ssyncset.done $0x0  }
0xb7: {  	s8 =	simm.s32 $0x15F68;
	[sflag:s24] =	ssyncadd.s32 $0xFFFFEC00  }
0xb8: {  	[tilespmem:s25], [sflag:$0x4] =	stream.indirect.gather [hbm4b:s4+s18], $0x80, s8, s18, $0xb8;
	[tilespmem:$0x1FEA0] =	vst v63  }
0xb9: {  	_ =	swait.ge [sflag:s26], $0x1400  }
0xba: {  	[sflag:s26] =	ssyncset.done $0x0  }
0xbb: {  	[sflag:s26] =	ssyncadd.s32 $0xFFFFEC00  }
0xbc: {  	_ =	swait.ge [sflag:s29], $0x1400  }
0xbd: {  	[sflag:s29] =	ssyncset.done $0x0  }
0xbe: {  	[sflag:s29] =	ssyncadd.s32 $0xFFFFEC00  }
0xbf: {  	_ =	swait.ge [sflag:s15], $0x1400  }
0xc0: {  	[sflag:s15] =	ssyncset.done $0x0  }
0xc1: {  	s13 =	simm.s32 $0x18600;
	[sflag:s15] =	ssyncadd.s32 $0xFFFFEC00  }
0xc2: {  	[spmem:s2] =	stream.indirect.scatter.add.f32 [tilespmem:s19], [sflag:$0x7], $0x80, s13, s18, $0xb8;
	[tilespmem:$0x1FEA0] =	vst v63  }
0xc3: {  	_ =	swait.ge [sflag:s16], $0x1400  }
0xc4: {  	[sflag:s16] =	ssyncset.done $0x0  }
0xc5: {  	s8 =	simm.s32 $0x18628;
	[sflag:s16] =	ssyncadd.s32 $0xFFFFEC00  }
0xc6: {  	[spmem:s2] =	stream.indirect.scatter.add.f32 [tilespmem:s21], [sflag:$0x8], $0x80, s8, s18, $0xb8;
	[tilespmem:$0x1FEA0] =	vst v63  }
0xc7: {  	_ =	swait.ge [sflag:s17], $0x1400  }
0xc8: {  	[sflag:s17] =	ssyncset.done $0x0  }
0xc9: {  	s13 =	simm.s32 $0x18650;
	[sflag:s17] =	ssyncadd.s32 $0xFFFFEC00  }
0xca: {  	[spmem:s2] =	stream.indirect.scatter.add.f32 [tilespmem:s23], [sflag:$0x9], $0x80, s13, s18, $0xb8;
	[tilespmem:$0x1FEA0] =	vst v63  }
0xcb: {  	_ =	swait.ge [sflag:s31], $0x1400  }
0xcc: {  	[sflag:s31] =	ssyncset.done $0x0  }
0xcd: {  	s8 =	simm.s32 $0x18678;
	[sflag:s31] =	ssyncadd.s32 $0xFFFFEC00  }
0xce: {  	[spmem:s2] =	stream.indirect.scatter.add.f32 [tilespmem:s25], [sflag:$0xA], $0x80, s8, s18, $0xb8;
	[tilespmem:$0x1FEA0] =	vst v63  }
0xcf: {  	_ =	swait.ge [sflag:s14], $0x1400  }
0xd0: {  	[sflag:s14] =	ssyncset.done $0x0  }
0xd1: {  	[sflag:s14] =	ssyncadd.s32 $0xFFFFEC00  }
0xd2: {  	_ =	swait.ge [sflag:s20], $0x1400  }
0xd3: {  	[sflag:s20] =	ssyncset.done $0x0  }
0xd4: {  	[sflag:s20] =	ssyncadd.s32 $0xFFFFEC00  }
0xd5: {  	_ =	swait.ge [sflag:s22], $0x1400  }
0xd6: {  	[sflag:s22] =	ssyncset.done $0x0  }
0xd7: {  	[sflag:s22] =	ssyncadd.s32 $0xFFFFEC00  }
0xd8: {  	_ =	swait.ge [sflag:s24], $0x1400  }
0xd9: {  	s5 =	sadd.s32 $0x1, s5;
	[sflag:s24] =	ssyncset.done $0x0  }
0xda: {  	p0 =	sne.s32 s5, s11;
	[sflag:s24] =	ssyncadd.s32 $0xFFFFEC00  }
.Ltmp1:
0xdb: {  	s13 =	sor.u32 $0x1C0D, s6;
	[bflag:$0x0] =	sbarrier.arrive $0xFFFF;
	(pc) =	sbr.rel @p0 .LBB2_1-.Ltmp1, $4  }
0xdc: {  	[hbm:s10], [sflag:s13] =	dma.local [spmem:s12], $0x2710  }
0xdd: {  	_ =	swait.ge [sflag:s3], $0x2710  }
0xde: {  	[sflag:s3] =	ssyncset.done $0x0  }
0xdf: {  	[sflag:s3] =	ssyncadd.s32 $0xFFFFD8F0  }
0xe0: {  	_ =	sfence.sel $0x180000  }
0xe1: {  	[bflag:$0x0] =	sbarrier.arrive $0xFFFF  }
0xe2: {  	_ =	strace $0x9000004A  }
0xe3: {  	s0 =	stileid.u32;
	[bflag:$0x2] =	sbarrier.arrive $0xFFFF  }
0xe4: {  	p0 =	sne.s32 s0, $0x0;
	s0 =	rddreg [dreg:$0x2]  }
0xe5: {  	s0 =	sadd.s32 @!p0 $0x100000, s0  }
0xe6: {  	[sflag:s0] =	ssyncadd.tile.s32 @!p0 $0x1;
	_ =	shalt  }
.Lfunc_end2:
_tile_overlayer_lowered:
.L_overlay_start_2:
0xe7: {  	(tag) =	ssettag $0x2  }
0xe8: {  	s0 =	rddreg [dreg:$0x0];
	s2 =	stileid.u32  }
0xe9: {  	s1 =	rddreg [dreg:$0x1];
	p0 =	sne.s32 s2, $0x0  }
0xea: {  	s3 =	rddreg [dreg:$0x2];
	[bflag:$0x3] =	sbarrier.arrive $0xFFFF;
	s2 =	simm.s32 @!p0 $0x1C0D  }
0xeb: {  	[timem:s3], [sflag:s2] =	dma.local @!p0 [hbm:s0], s1  }
0xec: {  	s0 =	simm.s32 @!p0 $0xD  }
0xed: {  	_ =	swait.ge @!p0 [sflag:s0], s1  }
0xee: {  	s1 =	ssub.s32 @!p0 $0x0, s1;
	[sflag:s0] =	ssyncset.done @!p0 $0x0  }
0xef: {  	[sflag:s0] =	ssyncadd.s32 @!p0 s1  }
0xf0: {  	[bflag:$0x3] =	sbarrier.arrive $0xFFFF  }
0xf1: {  	_ =	shalt  }

// kernel: kernel.16.cloned.1.call-start
scs
__scs_entry_jumppad:
0x0: {  	(pc) =	sbr.rel $0x88, $3  }
0x1: {  	(tag) =	ssettag $0x0;
	lr =	simm.s32 $0x1  }
0x2: {  	[smem:$0x3F99] =	sst lr;
	_ =	strace $0xD0000000  }
0x3: {  	_ = 	snop  }
0x4: {  	_ = 	snop  }
0x5: {  	_ = 	snop  }
0x6: {  	_ = 	snop  }
0x7: {  	_ = 	snop  }
__scs_overlays_trampoline_lowered:
0x8: {  	[smem:$0x3FA8] =	sst s0  }
0x9: {  	[smem:$0x3FA9] =	sst s1  }
0xa: {  	[smem:$0x3FAA] =	sst s2  }
0xb: {  	[smem:$0x3FAB] =	sst s3  }
0xc: {  	[smem:$0x3FAC] =	sst s4  }
0xd: {  	[smem:$0x3FAD] =	sst s5  }
0xe: {  	[smem:$0x3FAE] =	sst s6  }
0xf: {  	[smem:$0x3FAF] =	sst s7  }
0x10: {  	[smem:$0x3FB0] =	sst s8  }
0x11: {  	[smem:$0x3FB1] =	sst s9;
	s0 =	simm.s32 @!p0 $0x0  }
0x12: {  	s1 =	sld [smem:$0x3F97];
	s0 =	simm.s32 @p0 $0x1  }
0x13: {  	[smem:$0x3FB2] =	sst s0;
	s0 =	simm.s32 @!p1 $0x0  }
0x14: {  	s2 =	sld [smem:$0x3F96];
	s0 =	simm.s32 @p1 $0x1  }
0x15: {  	[smem:$0x3FB3] =	sst s0;
	s0 =	simm.s32 @!p2 $0x0  }
0x16: {  	s3 =	sld [smem:$0x3FDB];
	s0 =	simm.s32 @p2 $0x1  }
0x17: {  	s4 =	simm.s32 $0x1BF5;
	[smem:$0x3FB5] =	sst s0  }
0x18: {  	s0 =	sld [smem:$0x3F98];
	_ =	swait.ge [sflag:s4], $0x0  }
0x19: {  	s7 =	sld [smem:$0x3F99]  }
0x1a: {  	s8 =	sadd.s32 $0xFFFFE003, lr  }
0x1b: {  	s9 =	sadd.s32 $0xFFFFFEF7, lr;
	s5 =	simm.s32 $0xFFFFFFFF;
	p2 =	slt.u32 s8, $0xFFFFF086  }
0x1c: {  	p1 =	slt.u32 s9, $0xF7A;
	s5 =	simm.s32 @!p2 $0x0  }
0x1d: {  	s5 =	simm.s32 @p1 $0x1;
	p0 =	seq.s32 s7, s2  }
0x1e: {  	s7 =	smul.u32 @!p0 $0xF7A, s2;
	p2 =	seq.s32 @!p0 s5, $0x0  }
0x1f: {  	s9 =	smul.u32 $0xF7A, s1;
	s8 =	simm.s32 @!p0 $0x1BF5;
	p2 =	por !p2, p0  }
0x20: {  	[sflag:s8] =	ssyncset.s32 @!p0 $0xFFFFF086;
	s6 =	sadd.s32 @!p0 s3, s7;
	s7 =	simm.s32 @!p0 $0x108  }
0x21: {  	s3 =	sadd.s32 s3, s9;
	s6 =	sadd.s32 @!p0 $0x88, s6;
	s7 =	simm.s32 @p2 $0x1082  }
0x22: {  	[simem:s7], [sflag:s8] =	dma.local @!p0 [hbm:s6], $0xF7A  }
0x23: {  	s9 =	sor.u32 $0xD0000000, s2;
	s6 =	simm.s32 $0x108;
	_ =	swait.ge @!p0 [sflag:s8], $0x0  }
0x24: {  	s3 =	sadd.s32 $0x88, s3;
	s6 =	simm.s32 @!p1 $0x1082;
	[sflag:s4] =	ssyncset.s32 $0xFFFFF086  }
0x25: {  	[simem:s6], [sflag:s4] =	dma.local [hbm:s3], $0xF7A  }
0x26: {  	[smem:$0x3F99] =	sst s1;
	(tag) =	ssettag s2;
	_ =	strace s9  }
0x27: {  	s1 =	sld [smem:$0x3FA9]  }
0x28: {  	s2 =	sld [smem:$0x3FAA]  }
0x29: {  	s4 =	sld [smem:$0x3FAC]  }
0x2a: {  	p0 =	seq.s32 s5, $0x0;
	s5 =	sld [smem:$0x3FAD]  }
0x2b: {  	s6 =	sld [smem:$0x3FAE]  }
0x2c: {  	s7 =	sld [smem:$0x3FAF]  }
0x2d: {  	s3 =	simm.s32 $0x108;
	s8 =	sld [smem:$0x3FB0]  }
0x2e: {  	s3 =	simm.s32 @!p0 $0x1082;
	s9 =	sld [smem:$0x3FB1]  }
0x2f: {  	lr =	sadd.s32 s0, s3;
	s0 =	sld [smem:$0x3FA8]  }
0x30: {  	s3 =	sld [smem:$0x3FAB]  }
0x31: {  	[smem:$0x3FB4] =	sst s10  }
0x32: {  	s10 =	sld [smem:$0x3FB2];
	_ =	sdelay $0x3  }
0x33: {  	p0 =	seq.s32 s10, $0x1;
	s10 =	sld [smem:$0x3FB4];
	_ =	sdelay $0x3  }
0x34: {  	[smem:$0x3FB4] =	sst s10  }
0x35: {  	s10 =	sld [smem:$0x3FB3];
	_ =	sdelay $0x3  }
0x36: {  	p1 =	seq.s32 s10, $0x1;
	s10 =	sld [smem:$0x3FB4];
	_ =	sdelay $0x3  }
0x37: {  	[smem:$0x3FB4] =	sst s10  }
0x38: {  	s10 =	sld [smem:$0x3FB5]  }
0x39: {  	_ = 	snop;
	(pc) =	sbr.ind lr, $3  }
0x3a: {  	_ = 	snop  }
0x3b: {  	_ = 	snop  }
0x3c: {  	p2 =	seq.s32 s10, $0x1;
	s10 =	sld [smem:$0x3FB4]  }
0x3d: {  	_ =	shalt  }
0x3e: {  	_ =	shalt  }
0x3f: {  	_ =	shalt  }
0x40: {  	_ =	shalt  }
0x41: {  	_ =	shalt  }
0x42: {  	_ =	shalt  }
0x43: {  	_ =	shalt  }
0x44: {  	_ =	shalt  }
0x45: {  	_ =	shalt  }
0x46: {  	_ =	shalt  }
0x47: {  	_ =	shalt  }
0x48: {  	_ =	shalt  }
0x49: {  	_ =	shalt  }
0x4a: {  	_ =	shalt  }
0x4b: {  	_ =	shalt  }
0x4c: {  	_ =	shalt  }
0x4d: {  	_ =	shalt  }
0x4e: {  	_ =	shalt  }
0x4f: {  	_ =	shalt  }
0x50: {  	_ =	shalt  }
0x51: {  	_ =	shalt  }
0x52: {  	_ =	shalt  }
0x53: {  	_ =	shalt  }
0x54: {  	_ =	shalt  }
0x55: {  	_ =	shalt  }
0x56: {  	_ =	shalt  }
0x57: {  	_ =	shalt  }
0x58: {  	_ =	shalt  }
0x59: {  	_ =	shalt  }
0x5a: {  	_ =	shalt  }
0x5b: {  	_ =	shalt  }
0x5c: {  	_ =	shalt  }
0x5d: {  	_ =	shalt  }
0x5e: {  	_ =	shalt  }
0x5f: {  	_ =	shalt  }
0x60: {  	_ =	shalt  }
0x61: {  	_ =	shalt  }
0x62: {  	_ =	shalt  }
0x63: {  	_ =	shalt  }
0x64: {  	_ =	shalt  }
0x65: {  	_ =	shalt  }
0x66: {  	_ =	shalt  }
0x67: {  	_ =	shalt  }
0x68: {  	_ =	shalt  }
0x69: {  	_ =	shalt  }
0x6a: {  	_ =	shalt  }
0x6b: {  	_ =	shalt  }
0x6c: {  	_ =	shalt  }
0x6d: {  	_ =	shalt  }
0x6e: {  	_ =	shalt  }
0x6f: {  	_ =	shalt  }
0x70: {  	_ =	shalt  }
0x71: {  	_ =	shalt  }
0x72: {  	_ =	shalt  }
0x73: {  	_ =	shalt  }
0x74: {  	_ =	shalt  }
0x75: {  	_ =	shalt  }
0x76: {  	_ =	shalt  }
0x77: {  	_ =	shalt  }
0x78: {  	_ =	shalt  }
0x79: {  	_ =	shalt  }
0x7a: {  	_ =	shalt  }
0x7b: {  	_ =	shalt  }
0x7c: {  	_ =	shalt  }
0x7d: {  	_ =	shalt  }
0x7e: {  	_ =	shalt  }
0x7f: {  	_ =	shalt  }
0x80: {  	_ =	shalt  }
0x81: {  	_ =	shalt  }
0x82: {  	_ =	shalt  }
0x83: {  	_ =	shalt  }
0x84: {  	_ =	shalt  }
0x85: {  	_ =	shalt  }
0x86: {  	_ =	shalt  }
0x87: {  	_ =	shalt  }
.Lfunc_end0:
.L_simem_size_0:
called_computation.2_lowered:
.L_overlay_start_0:
0x88: {  	s2 =	sld [smem:$0x3FD9]  }
0x89: {  	s3 =	sld [smem:$0x3FFE];
	_ =	sdelay $0x1  }
0x8a: {  	s1 =	srdreg.scid  }
0x8b: {  	s0 =	sand.u32 $0x1, s1  }
0x8c: {  	s16 =	sshll.u32 s0, $0xA;
	s2 =	sadd.s32 s3, s2  }
0x8d: {  	s2 =	sadd.s32 s2, s16  }
0x8e: {  	[smem:$0x3FC0] =	sst s2  }
0x8f: {  	_ = 	snop  }
0x90: {  	(tm) =	ssettm $0x1  }
0x91: {  	s17 =	sld [smem:$0x3FFB];
	_ =	sdelay $0x3  }
0x92: {  	_ =	strace s17  }
0x93: {  	s2 =	sld [smem:$0x3FFC];
	_ =	sdelay $0x3  }
0x94: {  	_ =	strace s2  }
0x95: {  	s2 =	sld [smem:$0x3FFD];
	_ =	sdelay $0x3  }
0x96: {  	_ =	strace s2  }
0x97: {  	_ =	strace $0x8FFFFFFF  }
0x98: {  	s18 =	sld [smem:$0x3FDB];
	_ =	sdelay $0x1  }
0x99: {  	s19 =	simm.s32 $_scs_section_size  }
0x9a: {  	s4 =	simm.s32 $_size__tile_overlayer_lowered;
	s5 =	simm.s32 $_tile_overlayer_lowered  }
0x9b: {  	s22 =	simm.s32 $0x1BFF;
	s21 =	sshll.u32 s5, $0x1;
	s2 =	sadd.s32 s19, s18  }
0x9c: {  	s6 =	simm.s32 $0x0;
	s20 =	sshll.u32 s4, $0x1;
	s4 =	sadd.s32 s21, s2  }
0x9d: {  	[timem:s6], [sflag:s22] =	dma.local [hbm:s4], s20  }
0x9e: {  	_ =	swait.ge [sflag:s22], s20  }
0x9f: {  	s3 =	ssub.s32 $0x0, s20;
	[sflag:s22] =	ssyncset.done $0x0  }
0xa0: {  	[sflag:s22] =	ssyncadd.s32 s3;
	_ =	sdelay $0x1  }
0xa1: {  	s23 =	simm.s32 $0x1B8B  }
0xa2: {  	_ =	swait.ge [sflag:s23], $0x1  }
0xa3: {  	[sflag:s23] =	ssyncset.done $0x0  }
0xa4: {  	s25 =	simm.s32 $0x1B8E;
	s24 =	sld [smem:$0x3FFE];
	[sflag:s23] =	ssyncadd.s32 $0xFFFFFFFF  }
0xa5: {  	s26 =	simm.s32 $execute0_lowered;
	[smem:$0x3FD2] =	sst s25  }
0xa6: {  	s4 =	sshll.u32 s26, $0x1;
	_ =	strace $0x8000004C;
	[dreg:$0x1] =	wrdreg $0xFFFFFFFF  }
0xa7: {  	s28 =	simm.s32 $_size_execute0_lowered;
	s2 =	sadd.s32 s2, s4;
	[dreg:$0x0] =	wrdreg $0x0  }
0xa8: {  	s4 =	sshll.u32 s28, $0x1;
	[dreg:$0x2] =	wrdreg s2  }
0xa9: {  	[dreg:$0x3] =	wrdreg s4  }
0xaa: {  	[dreg:$0x4] =	wrdreg $0xC0  }
0xab: {  	_ =	task [dreg:s6], $0x5FFFF  }
0xac: {  	[dreg:$0x1] =	wrdreg $0xFFFFFFFF  }
0xad: {  	[dreg:$0x0] =	wrdreg $0x60  }
0xae: {  	[dreg:$0x2] =	wrdreg s24  }
0xaf: {  	[dreg:$0x3] =	wrdreg $0x0  }
0xb0: {  	[dreg:$0x4] =	wrdreg $0x9  }
0xb1: {  	_ =	task.clear_ibuf [dreg:s6], $0x5FFFF;
	_ =	strace $0x9000004C  }
0xb2: {  	s29 =	simm.s32 $0x9;
	_ =	strace $0x8000004E  }
0xb3: {  	_ =	swait.ge [sflag:s29], $0x1  }
0xb4: {  	[sflag:s29] =	ssyncadd.s32 $0xFFFFFFFF  }
0xb5: {  	_ =	strace $0x9000004E  }
0xb6: {  	_ =	sfence  }
0xb7: {  	s30 =	sld [smem:$0x0];
	_ =	sdelay $0x2  }
0xb8: {  	s31 =	sshll.u32 s1, $0xD;
	s1 =	sshrl.u32 s1, $0x2  }
0xb9: {  	s3 =	sand.u32 $0x4000, s31;
	s1 =	sadd.s32 s1, s30  }
0xba: {  	s0 =	sor.u32 s3, s0;
	s1 =	sshll.u32 s1, $0x11  }
0xbb: {  	s0 =	sor.u32 s1, s0  }
0xbc: {  	s0 =	sadd.s32 $0x8F2B, s0  }
0xbd: {  	[sflag:s0] =	ssyncadd.remote.s32 $0x1  }
0xbe: {  	_ =	sfence.sel $0xFFFF  }
0xbf: {  	[dreg:$0x0] =	wrdreg $0xFFFFFFFF;
	(pc) =	sbr.abs _section_cstart, $3  }
0xc0: {  	[dreg:$0x1] =	wrdreg $0xFFFFFFFF  }
0xc1: {  	_ =	task.clear_ibuf [dreg:s6], $0x2FFFF;
	_ =	strace $0x9FFFFFFF  }
0xc2: {  	(tm) =	ssettm $0x7FFFFFFF  }
0xc3: {  	_ =	shalt  }
tec
execute0_lowered:
.L_overlay_start_1:
0x0: {  	(tag) =	ssettag $0x1  }
0x1: {  	s0 =	srdreg.scid;
	s3 =	rddreg [dreg:$0x0]  }
0x2: {  	s9 =	stileid.u32;
	s2 =	rddreg [dreg:$0x1];
	s4 =	simm.s32 $0x0  }
0x3: {  	s15 =	simm.s32 $0x1;
	s16 =	simm.s32 $0x2;
	s17 =	simm.s32 $0x3  }
0x4: {  	s18 =	simm.s32 $0x28;
	s19 =	simm.s32 $0x186A0;
	s21 =	simm.s32 $0x19AA0  }
0x5: {  	s23 =	simm.s32 $0x1AEA0;
	s28 =	simm.s32 $0x1D6A0;
	s30 =	simm.s32 $0x1EAA0  }
0x6: {  	s31 =	simm.s32 $0x4;
	s14 =	simm.s32 $0x7;
	s20 =	simm.s32 $0x8  }
0x7: {  	s22 =	simm.s32 $0x9;
	s29 =	simm.s32 $0xC;
	s0 =	sand.u32 $0x1, s0  }
0x8: {  	s5 =	smul.u32 $0x13880, s9;
	[smem:$0x7FF] =	sst s4;
	s4 =	sadd.s32 $0x8D000, s3  }
0x9: {  	s1 =	sshll.u32 s0, $0x4;
	s6 =	smul.u32 $0x138800, s0;
	_ =	strace $0x8000004D  }
0xa: {  	s0 =	ssub.s32 $0x2, s0;
	s1 =	sor.u32 s9, s1;
	s7 =	sshrl.u32 s5, $0x3  }
0xb: {  	s8 =	sshrl.u32 s0, $0x1;
	s1 =	smul.u32 $0x4E2, s1;
	s6 =	sadd.s32 s5, s6  }
0xc: {  	s7 =	sadd.s32 s7, s3;
	s0 =	ssub.s32 s0, s8;
	s5 =	sadd.s32 s5, s2  }
0xd: {  	s6 =	sshrl.u32 s6, $0x3;
	s24 =	sadd.s32 $0xB4200, s7;
	s11 =	smax.u32 s0, $0x1  }
0xe: {  	s12 =	sshrl.u32 s5, $0x3;
	s0 =	simm.s32 $0x6;
	s5 =	simm.s32 $0x0  }
0xf: {  	s1 =	sadd.s32 s1, s3;
	s3 =	sadd.s32 s6, s3;
	s6 =	sshll.u32 s9, $0x6  }
0x10: {  	[dreg:$0x3] =	wrdreg s24;
	s24 =	simm.s32 $0xA;
	s25 =	sor.u32 $0x1C01, s6  }
0x11: {  	s26 =	sadd.s32 $0xDC00, s1;
	s9 =	sadd.s32 $0x3E00, s1;
	s10 =	sadd.s32 $0xDB400, s3  }
0x12: {  	s1 =	simm.s32 $0x5;
	s3 =	simm.s32 $0xD;
	[dreg:$0x4] =	wrdreg s25  }
0x13: {  	[dreg:$0x5] =	wrdreg s26;
	s25 =	simm.s32 $0x1C2A0;
	s26 =	simm.s32 $0xB  }
.LBB2_1:
0x14: {  	s7 =	rddreg [dreg:$0x3]  }
0x15: {  	s8 =	rddreg [dreg:$0x4]  }
0x16: {  	[spmem:s12], [sflag:s8] =	dma.local [hbm:s7], $0x2710  }
0x17: {  	s13 =	simm.s32 $0x13880;
	s7 =	simm.s32 $0x0;
	s8 =	rddreg [dreg:$0x5]  }
0x18: {  	[tilespmem:s13], [sflag:$0x2] =	stream.linear.gather [hbm4b:s8+s7], $0x2710, $0x38;
	[tilespmem:$0x1FEA0] =	vst v63  }
0x19: {  	s8 =	simm.s32 $0x15F90  }
0x1a: {  	[tilespmem:s8], [sflag:$0x3] =	stream.linear.gather [hbm4b:s9+s7], $0x2710, $0x38;
	[tilespmem:$0x1FEA0] =	vst v63  }
0x1b: {  	_ =	swait.ge [sflag:s15], $0x2710  }
0x1c: {  	[sflag:s15] =	ssyncset.done $0x0  }
0x1d: {  	[sflag:s15] =	ssyncadd.s32 $0xFFFFD8F0  }
0x1e: {  	_ =	swait.ge [sflag:s16], $0x2710  }
0x1f: {  	[sflag:s16] =	ssyncset.done $0x0  }
0x20: {  	[sflag:s16] =	ssyncadd.s32 $0xFFFFD8F0  }
0x21: {  	_ =	swait.ge [sflag:s17], $0x2710  }
0x22: {  	[sflag:s17] =	ssyncset.done $0x0  }
0x23: {  	[sflag:s17] =	ssyncadd.s32 $0xFFFFD8F0  }
0x24: {  	[bflag:$0x0] =	sbarrier.arrive $0xFFFF  }
0x25: {  	[tilespmem:s19], [sflag:$0x1] =	stream.indirect.gather [hbm4b:s4+s18], $0x80, s13, s18, $0xb8;
	[tilespmem:$0x1FEA0] =	vst v63  }
0x26: {  	s8 =	simm.s32 $0x138A8  }
0x27: {  	[tilespmem:s21], [sflag:$0x2] =	stream.indirect.gather [hbm4b:s4+s18], $0x80, s8, s18, $0xb8;
	[tilespmem:$0x1FEA0] =	vst v63  }
0x28: {  	s13 =	simm.s32 $0x138D0  }
0x29: {  	[tilespmem:s23], [sflag:$0x3] =	stream.indirect.gather [hbm4b:s4+s18], $0x80, s13, s18, $0xb8;
	[tilespmem:$0x1FEA0] =	vst v63  }
0x2a: {  	s8 =	simm.s32 $0x138F8  }
0x2b: {  	[tilespmem:s25], [sflag:$0x4] =	stream.indirect.gather [hbm4b:s4+s18], $0x80, s8, s18, $0xb8;
	[tilespmem:$0x1FEA0] =	vst v63  }
0x2c: {  	s13 =	simm.s32 $0x13920  }
0x2d: {  	[tilespmem:s28], [sflag:$0x5] =	stream.indirect.gather [hbm4b:s4+s18], $0x80, s13, s18, $0xb8;
	[tilespmem:$0x1FEA0] =	vst v63  }
0x2e: {  	s8 =	simm.s32 $0x13948  }
0x2f: {  	[tilespmem:s30], [sflag:$0x6] =	stream.indirect.gather [hbm4b:s4+s18], $0x80, s8, s18, $0xb8;
	[tilespmem:$0x1FEA0] =	vst v63  }
0x30: {  	_ =	swait.ge [sflag:s15], $0x1400  }
0x31: {  	[sflag:s15] =	ssyncset.done $0x0  }
0x32: {  	s13 =	simm.s32 $0x15F90;
	[sflag:s15] =	ssyncadd.s32 $0xFFFFEC00  }
0x33: {  	[spmem:s2] =	stream.indirect.scatter.add.f32 [tilespmem:s19], [sflag:$0x7], $0x80, s13, s18, $0xb8;
	[tilespmem:$0x1FEA0] =	vst v63  }
0x34: {  	_ =	swait.ge [sflag:s16], $0x1400  }
0x35: {  	[sflag:s16] =	ssyncset.done $0x0  }
0x36: {  	s8 =	simm.s32 $0x15FB8;
	[sflag:s16] =	ssyncadd.s32 $0xFFFFEC00  }
0x37: {  	[spmem:s2] =	stream.indirect.scatter.add.f32 [tilespmem:s21], [sflag:$0x8], $0x80, s8, s18, $0xb8;
	[tilespmem:$0x1FEA0] =	vst v63  }
0x38: {  	_ =	swait.ge [sflag:s17], $0x1400  }
0x39: {  	[sflag:s17] =	ssyncset.done $0x0  }
0x3a: {  	s13 =	simm.s32 $0x15FE0;
	[sflag:s17] =	ssyncadd.s32 $0xFFFFEC00  }
0x3b: {  	[spmem:s2] =	stream.indirect.scatter.add.f32 [tilespmem:s23], [sflag:$0x9], $0x80, s13, s18, $0xb8;
	[tilespmem:$0x1FEA0] =	vst v63  }
0x3c: {  	_ =	swait.ge [sflag:s31], $0x1400  }
0x3d: {  	[sflag:s31] =	ssyncset.done $0x0  }
0x3e: {  	s8 =	simm.s32 $0x16008;
	[sflag:s31] =	ssyncadd.s32 $0xFFFFEC00  }
0x3f: {  	[spmem:s2] =	stream.indirect.scatter.add.f32 [tilespmem:s25], [sflag:$0xA], $0x80, s8, s18, $0xb8;
	[tilespmem:$0x1FEA0] =	vst v63  }
0x40: {  	_ =	swait.ge [sflag:s1], $0x1400  }
0x41: {  	[sflag:s1] =	ssyncset.done $0x0  }
0x42: {  	s13 =	simm.s32 $0x16030;
	[sflag:s1] =	ssyncadd.s32 $0xFFFFEC00  }
0x43: {  	[spmem:s2] =	stream.indirect.scatter.add.f32 [tilespmem:s28], [sflag:$0xB], $0x80, s13, s18, $0xb8;
	[tilespmem:$0x1FEA0] =	vst v63  }
0x44: {  	_ =	swait.ge [sflag:s0], $0x1400  }
0x45: {  	[sflag:s0] =	ssyncset.done $0x0  }
0x46: {  	s8 =	simm.s32 $0x16058;
	[sflag:s0] =	ssyncadd.s32 $0xFFFFEC00  }
0x47: {  	[spmem:s2] =	stream.indirect.scatter.add.f32 [tilespmem:s30], [sflag:$0xC], $0x80, s8, s18, $0xb8;
	[tilespmem:$0x1FEA0] =	vst v63  }
0x48: {  	_ =	swait.ge [sflag:s14], $0x1400  }
0x49: {  	[sflag:s14] =	ssyncset.done $0x0  }
0x4a: {  	s13 =	simm.s32 $0x13970;
	[sflag:s14] =	ssyncadd.s32 $0xFFFFEC00  }
0x4b: {  	[tilespmem:s19], [sflag:$0x1] =	stream.indirect.gather [hbm4b:s4+s18], $0x80, s13, s18, $0xb8;
	[tilespmem:$0x1FEA0] =	vst v63  }
0x4c: {  	_ =	swait.ge [sflag:s20], $0x1400  }
0x4d: {  	[sflag:s20] =	ssyncset.done $0x0  }
0x4e: {  	s8 =	simm.s32 $0x13998;
	[sflag:s20] =	ssyncadd.s32 $0xFFFFEC00  }
0x4f: {  	[tilespmem:s21], [sflag:$0x2] =	stream.indirect.gather [hbm4b:s4+s18], $0x80, s8, s18, $0xb8;
	[tilespmem:$0x1FEA0] =	vst v63  }
0x50: {  	_ =	swait.ge [sflag:s22], $0x1400  }
0x51: {  	[sflag:s22] =	ssyncset.done $0x0  }
0x52: {  	s13 =	simm.s32 $0x139C0;
	[sflag:s22] =	ssyncadd.s32 $0xFFFFEC00  }
0x53: {  	[tilespmem:s23], [sflag:$0x3] =	stream.indirect.gather [hbm4b:s4+s18], $0x80, s13, s18, $0xb8;
	[tilespmem:$0x1FEA0] =	vst v63  }
0x54: {  	_ =	swait.ge [sflag:s24], $0x1400  }
0x55: {  	[sflag:s24] =	ssyncset.done $0x0  }
0x56: {  	s8 =	simm.s32 $0x139E8;
	[sflag:s24] =	ssyncadd.s32 $0xFFFFEC00  }
0x57: {  	[tilespmem:s25], [sflag:$0x4] =	stream.indirect.gather [hbm4b:s4+s18], $0x80, s8, s18, $0xb8;
	[tilespmem:$0x1FEA0] =	vst v63  }
0x58: {  	_ =	swait.ge [sflag:s26], $0x1400  }
0x59: {  	[sflag:s26] =	ssyncset.done $0x0  }
0x5a: {  	s13 =	simm.s32 $0x13A10;
	[sflag:s26] =	ssyncadd.s32 $0xFFFFEC00  }
0x5b: {  	[tilespmem:s28], [sflag:$0x5] =	stream.indirect.gather [hbm4b:s4+s18], $0x80, s13, s18, $0xb8;
	[tilespmem:$0x1FEA0] =	vst v63  }
0x5c: {  	_ =	swait.ge [sflag:s29], $0x1400  }
0x5d: {  	[sflag:s29] =	ssyncset.done $0x0  }
0x5e: {  	s7 =	simm.s32 $0x3C0;
	s13 =	simm.s32 $0x13A38;
	[sflag:s29] =	ssyncadd.s32 $0xFFFFEC00  }
.LBB2_2:
0x5f: {  	[tilespmem:s30], [sflag:$0x6] =	stream.indirect.gather [hbm4b:s4+s18], $0x80, s13, s18, $0xb8;
	[tilespmem:$0x1FEA0] =	vst v63  }
0x60: {  	s13 =	smov.u32 s7  }
0x61: {  	p0 =	sne.s32 s7, $0x9240;
	s7 =	sadd.s32 $0x3C0, s7;
	_ =	swait.ge [sflag:s15], $0x1400  }
0x62: {  	s13 =	sshra.s32 s13, $0x2;
	[sflag:s15] =	ssyncset.done $0x0  }
0x63: {  	s8 =	sadd.s32 $0x15F90, s13;
	[sflag:s15] =	ssyncadd.s32 $0xFFFFEC00  }
0x64: {  	[spmem:s2] =	stream.indirect.scatter.add.f32 [tilespmem:s19], [sflag:$0x7], $0x80, s8, s18, $0xb8;
	[tilespmem:$0x1FEA0] =	vst v63  }
0x65: {  	_ =	swait.ge [sflag:s16], $0x1400  }
0x66: {  	[sflag:s16] =	ssyncset.done $0x0  }
0x67: {  	s8 =	sadd.s32 $0x15FB8, s13;
	[sflag:s16] =	ssyncadd.s32 $0xFFFFEC00  }
0x68: {  	[spmem:s2] =	stream.indirect.scatter.add.f32 [tilespmem:s21], [sflag:$0x8], $0x80, s8, s18, $0xb8;
	[tilespmem:$0x1FEA0] =	vst v63  }
0x69: {  	_ =	swait.ge [sflag:s17], $0x1400  }
0x6a: {  	[sflag:s17] =	ssyncset.done $0x0  }
0x6b: {  	s8 =	sadd.s32 $0x15FE0, s13;
	[sflag:s17] =	ssyncadd.s32 $0xFFFFEC00  }
0x6c: {  	[spmem:s2] =	stream.indirect.scatter.add.f32 [tilespmem:s23], [sflag:$0x9], $0x80, s8, s18, $0xb8;
	[tilespmem:$0x1FEA0] =	vst v63  }
0x6d: {  	_ =	swait.ge [sflag:s31], $0x1400  }
0x6e: {  	[sflag:s31] =	ssyncset.done $0x0  }
0x6f: {  	s8 =	sadd.s32 $0x16008, s13;
	[sflag:s31] =	ssyncadd.s32 $0xFFFFEC00  }
0x70: {  	[spmem:s2] =	stream.indirect.scatter.add.f32 [tilespmem:s25], [sflag:$0xA], $0x80, s8, s18, $0xb8;
	[tilespmem:$0x1FEA0] =	vst v63  }
0x71: {  	_ =	swait.ge [sflag:s1], $0x1400  }
0x72: {  	[sflag:s1] =	ssyncset.done $0x0  }
0x73: {  	s8 =	sadd.s32 $0x16030, s13;
	[sflag:s1] =	ssyncadd.s32 $0xFFFFEC00  }
0x74: {  	[spmem:s2] =	stream.indirect.scatter.add.f32 [tilespmem:s28], [sflag:$0xB], $0x80, s8, s18, $0xb8;
	[tilespmem:$0x1FEA0] =	vst v63  }
0x75: {  	_ =	swait.ge [sflag:s0], $0x1400  }
0x76: {  	[sflag:s0] =	ssyncset.done $0x0  }
0x77: {  	s8 =	sadd.s32 $0x16058, s13;
	[sflag:s0] =	ssyncadd.s32 $0xFFFFEC00  }
0x78: {  	[spmem:s2] =	stream.indirect.scatter.add.f32 [tilespmem:s30], [sflag:$0xC], $0x80, s8, s18, $0xb8;
	[tilespmem:$0x1FEA0] =	vst v63  }
0x79: {  	_ =	swait.ge [sflag:s14], $0x1400  }
0x7a: {  	[sflag:s14] =	ssyncset.done $0x0  }
0x7b: {  	s8 =	sadd.s32 $0x13970, s13;
	[sflag:s14] =	ssyncadd.s32 $0xFFFFEC00  }
0x7c: {  	[tilespmem:s19], [sflag:$0x1] =	stream.indirect.gather [hbm4b:s4+s18], $0x80, s8, s18, $0xb8;
	[tilespmem:$0x1FEA0] =	vst v63  }
0x7d: {  	_ =	swait.ge [sflag:s20], $0x1400  }
0x7e: {  	[sflag:s20] =	ssyncset.done $0x0  }
0x7f: {  	s8 =	sadd.s32 $0x13998, s13;
	[sflag:s20] =	ssyncadd.s32 $0xFFFFEC00  }
0x80: {  	[tilespmem:s21], [sflag:$0x2] =	stream.indirect.gather [hbm4b:s4+s18], $0x80, s8, s18, $0xb8;
	[tilespmem:$0x1FEA0] =	vst v63  }
0x81: {  	_ =	swait.ge [sflag:s22], $0x1400  }
0x82: {  	[sflag:s22] =	ssyncset.done $0x0  }
0x83: {  	s8 =	sadd.s32 $0x139C0, s13;
	[sflag:s22] =	ssyncadd.s32 $0xFFFFEC00  }
0x84: {  	[tilespmem:s23], [sflag:$0x3] =	stream.indirect.gather [hbm4b:s4+s18], $0x80, s8, s18, $0xb8;
	[tilespmem:$0x1FEA0] =	vst v63  }
0x85: {  	_ =	swait.ge [sflag:s24], $0x1400  }
0x86: {  	[sflag:s24] =	ssyncset.done $0x0  }
0x87: {  	s8 =	sadd.s32 $0x139E8, s13;
	[sflag:s24] =	ssyncadd.s32 $0xFFFFEC00  }
0x88: {  	[tilespmem:s25], [sflag:$0x4] =	stream.indirect.gather [hbm4b:s4+s18], $0x80, s8, s18, $0xb8;
	[tilespmem:$0x1FEA0] =	vst v63  }
0x89: {  	_ =	swait.ge [sflag:s26], $0x1400  }
0x8a: {  	[sflag:s26] =	ssyncset.done $0x0  }
.Ltmp0:
0x8b: {  	s8 =	sadd.s32 $0x13A10, s13;
	[sflag:s26] =	ssyncadd.s32 $0xFFFFEC00;
	(pc) =	sbr.rel @p0 .LBB2_2-.Ltmp0, $4  }
0x8c: {  	[tilespmem:s28], [sflag:$0x5] =	stream.indirect.gather [hbm4b:s4+s18], $0x80, s8, s18, $0xb8;
	[tilespmem:$0x1FEA0] =	vst v63  }
0x8d: {  	_ =	swait.ge [sflag:s29], $0x1400  }
0x8e: {  	[sflag:s29] =	ssyncset.done $0x0  }
0x8f: {  	s13 =	sadd.s32 $0x13A38, s13;
	[sflag:s29] =	ssyncadd.s32 $0xFFFFEC00  }
0x90: {  	[tilespmem:s30], [sflag:$0x6] =	stream.indirect.gather [hbm4b:s4+s18], $0x80, s13, s18, $0xb8;
	[tilespmem:$0x1FEA0] =	vst v63  }
0x91: {  	_ =	swait.ge [sflag:s15], $0x1400  }
0x92: {  	[sflag:s15] =	ssyncset.done $0x0  }
0x93: {  	s7 =	simm.s32 $0x18510;
	[sflag:s15] =	ssyncadd.s32 $0xFFFFEC00  }
0x94: {  	[spmem:s2] =	stream.indirect.scatter.add.f32 [tilespmem:s19], [sflag:$0x7], $0x80, s7, s18, $0xb8;
	[tilespmem:$0x1FEA0] =	vst v63  }
0x95: {  	_ =	swait.ge [sflag:s16], $0x1400  }
0x96: {  	[sflag:s16] =	ssyncset.done $0x0  }
0x97: {  	s8 =	simm.s32 $0x18538;
	[sflag:s16] =	ssyncadd.s32 $0xFFFFEC00  }
0x98: {  	[spmem:s2] =	stream.indirect.scatter.add.f32 [tilespmem:s21], [sflag:$0x8], $0x80, s8, s18, $0xb8;
	[tilespmem:$0x1FEA0] =	vst v63  }
0x99: {  	_ =	swait.ge [sflag:s17], $0x1400  }
0x9a: {  	[sflag:s17] =	ssyncset.done $0x0  }
0x9b: {  	s13 =	simm.s32 $0x18560;
	[sflag:s17] =	ssyncadd.s32 $0xFFFFEC00  }
0x9c: {  	[spmem:s2] =	stream.indirect.scatter.add.f32 [tilespmem:s23], [sflag:$0x9], $0x80, s13, s18, $0xb8;
	[tilespmem:$0x1FEA0] =	vst v63  }
0x9d: {  	_ =	swait.ge [sflag:s31], $0x1400  }
0x9e: {  	[sflag:s31] =	ssyncset.done $0x0  }
0x9f: {  	s8 =	simm.s32 $0x18588;
	[sflag:s31] =	ssyncadd.s32 $0xFFFFEC00  }
0xa0: {  	[spmem:s2] =	stream.indirect.scatter.add.f32 [tilespmem:s25], [sflag:$0xA], $0x80, s8, s18, $0xb8;
	[tilespmem:$0x1FEA0] =	vst v63  }
0xa1: {  	_ =	swait.ge [sflag:s1], $0x1400  }
0xa2: {  	[sflag:s1] =	ssyncset.done $0x0  }
0xa3: {  	s13 =	simm.s32 $0x185B0;
	[sflag:s1] =	ssyncadd.s32 $0xFFFFEC00  }
0xa4: {  	[spmem:s2] =	stream.indirect.scatter.add.f32 [tilespmem:s28], [sflag:$0xB], $0x80, s13, s18, $0xb8;
	[tilespmem:$0x1FEA0] =	vst v63  }
0xa5: {  	_ =	swait.ge [sflag:s0], $0x1400  }
0xa6: {  	[sflag:s0] =	ssyncset.done $0x0  }
0xa7: {  	s8 =	simm.s32 $0x185D8;
	[sflag:s0] =	ssyncadd.s32 $0xFFFFEC00  }
0xa8: {  	[spmem:s2] =	stream.indirect.scatter.add.f32 [tilespmem:s30], [sflag:$0xC], $0x80, s8, s18, $0xb8;
	[tilespmem:$0x1FEA0] =	vst v63  }
0xa9: {  	_ =	swait.ge [sflag:s14], $0x1400  }
0xaa: {  	[sflag:s14] =	ssyncset.done $0x0  }
0xab: {  	s13 =	simm.s32 $0x15EF0;
	[sflag:s14] =	ssyncadd.s32 $0xFFFFEC00  }
0xac: {  	[tilespmem:s19], [sflag:$0x1] =	stream.indirect.gather [hbm4b:s4+s18], $0x80, s13, s18, $0xb8;
	[tilespmem:$0x1FEA0] =	vst v63  }
0xad: {  	_ =	swait.ge [sflag:s20], $0x1400  }
0xae: {  	[sflag:s20] =	ssyncset.done $0x0  }
0xaf: {  	s8 =	simm.s32 $0x15F18;
	[sflag:s20] =	ssyncadd.s32 $0xFFFFEC00  }
0xb0: {  	[tilespmem:s21], [sflag:$0x2] =	stream.indirect.gather [hbm4b:s4+s18], $0x80, s8, s18, $0xb8;
	[tilespmem:$0x1FEA0] =	vst v63  }
0xb1: {  	_ =	swait.ge [sflag:s22], $0x1400  }
0xb2: {  	[sflag:s22] =	ssyncset.done $0x0  }
0xb3: {  	s13 =	simm.s32 $0x15F40;
	[sflag:s22] =	ssyncadd.s32 $0xFFFFEC00  }
0xb4: {  	[tilespmem:s23], [sflag:$0x3] =	stream.indirect.gather [hbm4b:s4+s18], $0x80, s13, s18, $0xb8;
	[tilespmem:$0x1FEA0] =	vst v63  }
0xb5: {  	_ =	swait.ge [sflag:s24], $0x1400  }
0xb6: {  	[sflag:s24] =	ssyncset.done $0x0  }
0xb7: {  	s8 =	simm.s32 $0x15F68;
	[sflag:s24] =	ssyncadd.s32 $0xFFFFEC00  }
0xb8: {  	[tilespmem:s25], [sflag:$0x4] =	stream.indirect.gather [hbm4b:s4+s18], $0x80, s8, s18, $0xb8;
	[tilespmem:$0x1FEA0] =	vst v63  }
0xb9: {  	_ =	swait.ge [sflag:s26], $0x1400  }
0xba: {  	[sflag:s26] =	ssyncset.done $0x0  }
0xbb: {  	[sflag:s26] =	ssyncadd.s32 $0xFFFFEC00  }
0xbc: {  	_ =	swait.ge [sflag:s29], $0x1400  }
0xbd: {  	[sflag:s29] =	ssyncset.done $0x0  }
0xbe: {  	[sflag:s29] =	ssyncadd.s32 $0xFFFFEC00  }
0xbf: {  	_ =	swait.ge [sflag:s15], $0x1400  }
0xc0: {  	[sflag:s15] =	ssyncset.done $0x0  }
0xc1: {  	s13 =	simm.s32 $0x18600;
	[sflag:s15] =	ssyncadd.s32 $0xFFFFEC00  }
0xc2: {  	[spmem:s2] =	stream.indirect.scatter.add.f32 [tilespmem:s19], [sflag:$0x7], $0x80, s13, s18, $0xb8;
	[tilespmem:$0x1FEA0] =	vst v63  }
0xc3: {  	_ =	swait.ge [sflag:s16], $0x1400  }
0xc4: {  	[sflag:s16] =	ssyncset.done $0x0  }
0xc5: {  	s8 =	simm.s32 $0x18628;
	[sflag:s16] =	ssyncadd.s32 $0xFFFFEC00  }
0xc6: {  	[spmem:s2] =	stream.indirect.scatter.add.f32 [tilespmem:s21], [sflag:$0x8], $0x80, s8, s18, $0xb8;
	[tilespmem:$0x1FEA0] =	vst v63  }
0xc7: {  	_ =	swait.ge [sflag:s17], $0x1400  }
0xc8: {  	[sflag:s17] =	ssyncset.done $0x0  }
0xc9: {  	s13 =	simm.s32 $0x18650;
	[sflag:s17] =	ssyncadd.s32 $0xFFFFEC00  }
0xca: {  	[spmem:s2] =	stream.indirect.scatter.add.f32 [tilespmem:s23], [sflag:$0x9], $0x80, s13, s18, $0xb8;
	[tilespmem:$0x1FEA0] =	vst v63  }
0xcb: {  	_ =	swait.ge [sflag:s31], $0x1400  }
0xcc: {  	[sflag:s31] =	ssyncset.done $0x0  }
0xcd: {  	s8 =	simm.s32 $0x18678;
	[sflag:s31] =	ssyncadd.s32 $0xFFFFEC00  }
0xce: {  	[spmem:s2] =	stream.indirect.scatter.add.f32 [tilespmem:s25], [sflag:$0xA], $0x80, s8, s18, $0xb8;
	[tilespmem:$0x1FEA0] =	vst v63  }
0xcf: {  	_ =	swait.ge [sflag:s14], $0x1400  }
0xd0: {  	[sflag:s14] =	ssyncset.done $0x0  }
0xd1: {  	[sflag:s14] =	ssyncadd.s32 $0xFFFFEC00  }
0xd2: {  	_ =	swait.ge [sflag:s20], $0x1400  }
0xd3: {  	[sflag:s20] =	ssyncset.done $0x0  }
0xd4: {  	[sflag:s20] =	ssyncadd.s32 $0xFFFFEC00  }
0xd5: {  	_ =	swait.ge [sflag:s22], $0x1400  }
0xd6: {  	[sflag:s22] =	ssyncset.done $0x0  }
0xd7: {  	[sflag:s22] =	ssyncadd.s32 $0xFFFFEC00  }
0xd8: {  	_ =	swait.ge [sflag:s24], $0x1400  }
0xd9: {  	s5 =	sadd.s32 $0x1, s5;
	[sflag:s24] =	ssyncset.done $0x0  }
0xda: {  	p0 =	sne.s32 s5, s11;
	[sflag:s24] =	ssyncadd.s32 $0xFFFFEC00  }
.Ltmp1:
0xdb: {  	s13 =	sor.u32 $0x1C0D, s6;
	[bflag:$0x0] =	sbarrier.arrive $0xFFFF;
	(pc) =	sbr.rel @p0 .LBB2_1-.Ltmp1, $4  }
0xdc: {  	[hbm:s10], [sflag:s13] =	dma.local [spmem:s12], $0x2710  }
0xdd: {  	_ =	swait.ge [sflag:s3], $0x2710  }
0xde: {  	[sflag:s3] =	ssyncset.done $0x0  }
0xdf: {  	[sflag:s3] =	ssyncadd.s32 $0xFFFFD8F0  }
0xe0: {  	_ =	sfence.sel $0x180000  }
0xe1: {  	[bflag:$0x0] =	sbarrier.arrive $0xFFFF  }
0xe2: {  	_ =	strace $0x9000004D  }
0xe3: {  	s0 =	stileid.u32;
	[bflag:$0x2] =	sbarrier.arrive $0xFFFF  }
0xe4: {  	p0 =	sne.s32 s0, $0x0;
	s0 =	rddreg [dreg:$0x2]  }
0xe5: {  	s0 =	sadd.s32 @!p0 $0x100000, s0  }
0xe6: {  	[sflag:s0] =	ssyncadd.tile.s32 @!p0 $0x1;
	_ =	shalt  }
.Lfunc_end2:
_tile_overlayer_lowered:
.L_overlay_start_2:
0xe7: {  	(tag) =	ssettag $0x2  }
0xe8: {  	s0 =	rddreg [dreg:$0x0];
	s2 =	stileid.u32  }
0xe9: {  	s1 =	rddreg [dreg:$0x1];
	p0 =	sne.s32 s2, $0x0  }
0xea: {  	s3 =	rddreg [dreg:$0x2];
	[bflag:$0x3] =	sbarrier.arrive $0xFFFF;
	s2 =	simm.s32 @!p0 $0x1C0D  }
0xeb: {  	[timem:s3], [sflag:s2] =	dma.local @!p0 [hbm:s0], s1  }
0xec: {  	s0 =	simm.s32 @!p0 $0xD  }
0xed: {  	_ =	swait.ge @!p0 [sflag:s0], s1  }
0xee: {  	s1 =	ssub.s32 @!p0 $0x0, s1;
	[sflag:s0] =	ssyncset.done @!p0 $0x0  }
0xef: {  	[sflag:s0] =	ssyncadd.s32 @!p0 s1  }
0xf0: {  	[bflag:$0x3] =	sbarrier.arrive $0xFFFF  }
0xf1: {  	_ =	shalt  }

// kernel: kernel.19.cloned.1.call-start
scs
__scs_entry_jumppad:
0x0: {  	(pc) =	sbr.rel $0x88, $3  }
0x1: {  	(tag) =	ssettag $0x0;
	lr =	simm.s32 $0x1  }
0x2: {  	[smem:$0x3F99] =	sst lr;
	_ =	strace $0xD0000000  }
0x3: {  	_ = 	snop  }
0x4: {  	_ = 	snop  }
0x5: {  	_ = 	snop  }
0x6: {  	_ = 	snop  }
0x7: {  	_ = 	snop  }
__scs_overlays_trampoline_lowered:
0x8: {  	[smem:$0x3FA8] =	sst s0  }
0x9: {  	[smem:$0x3FA9] =	sst s1  }
0xa: {  	[smem:$0x3FAA] =	sst s2  }
0xb: {  	[smem:$0x3FAB] =	sst s3  }
0xc: {  	[smem:$0x3FAC] =	sst s4  }
0xd: {  	[smem:$0x3FAD] =	sst s5  }
0xe: {  	[smem:$0x3FAE] =	sst s6  }
0xf: {  	[smem:$0x3FAF] =	sst s7  }
0x10: {  	[smem:$0x3FB0] =	sst s8  }
0x11: {  	[smem:$0x3FB1] =	sst s9;
	s0 =	simm.s32 @!p0 $0x0  }
0x12: {  	s1 =	sld [smem:$0x3F97];
	s0 =	simm.s32 @p0 $0x1  }
0x13: {  	[smem:$0x3FB2] =	sst s0;
	s0 =	simm.s32 @!p1 $0x0  }
0x14: {  	s2 =	sld [smem:$0x3F96];
	s0 =	simm.s32 @p1 $0x1  }
0x15: {  	[smem:$0x3FB3] =	sst s0;
	s0 =	simm.s32 @!p2 $0x0  }
0x16: {  	s3 =	sld [smem:$0x3FDB];
	s0 =	simm.s32 @p2 $0x1  }
0x17: {  	s4 =	simm.s32 $0x1BF5;
	[smem:$0x3FB5] =	sst s0  }
0x18: {  	s0 =	sld [smem:$0x3F98];
	_ =	swait.ge [sflag:s4], $0x0  }
0x19: {  	s7 =	sld [smem:$0x3F99]  }
0x1a: {  	s8 =	sadd.s32 $0xFFFFE003, lr  }
0x1b: {  	s9 =	sadd.s32 $0xFFFFFEF7, lr;
	s5 =	simm.s32 $0xFFFFFFFF;
	p2 =	slt.u32 s8, $0xFFFFF086  }
0x1c: {  	p1 =	slt.u32 s9, $0xF7A;
	s5 =	simm.s32 @!p2 $0x0  }
0x1d: {  	s5 =	simm.s32 @p1 $0x1;
	p0 =	seq.s32 s7, s2  }
0x1e: {  	s7 =	smul.u32 @!p0 $0xF7A, s2;
	p2 =	seq.s32 @!p0 s5, $0x0  }
0x1f: {  	s9 =	smul.u32 $0xF7A, s1;
	s8 =	simm.s32 @!p0 $0x1BF5;
	p2 =	por !p2, p0  }
0x20: {  	[sflag:s8] =	ssyncset.s32 @!p0 $0xFFFFF086;
	s6 =	sadd.s32 @!p0 s3, s7;
	s7 =	simm.s32 @!p0 $0x108  }
0x21: {  	s3 =	sadd.s32 s3, s9;
	s6 =	sadd.s32 @!p0 $0x88, s6;
	s7 =	simm.s32 @p2 $0x1082  }
0x22: {  	[simem:s7], [sflag:s8] =	dma.local @!p0 [hbm:s6], $0xF7A  }
0x23: {  	s9 =	sor.u32 $0xD0000000, s2;
	s6 =	simm.s32 $0x108;
	_ =	swait.ge @!p0 [sflag:s8], $0x0  }
0x24: {  	s3 =	sadd.s32 $0x88, s3;
	s6 =	simm.s32 @!p1 $0x1082;
	[sflag:s4] =	ssyncset.s32 $0xFFFFF086  }
0x25: {  	[simem:s6], [sflag:s4] =	dma.local [hbm:s3], $0xF7A  }
0x26: {  	[smem:$0x3F99] =	sst s1;
	(tag) =	ssettag s2;
	_ =	strace s9  }
0x27: {  	s1 =	sld [smem:$0x3FA9]  }
0x28: {  	s2 =	sld [smem:$0x3FAA]  }
0x29: {  	s4 =	sld [smem:$0x3FAC]  }
0x2a: {  	p0 =	seq.s32 s5, $0x0;
	s5 =	sld [smem:$0x3FAD]  }
0x2b: {  	s6 =	sld [smem:$0x3FAE]  }
0x2c: {  	s7 =	sld [smem:$0x3FAF]  }
0x2d: {  	s3 =	simm.s32 $0x108;
	s8 =	sld [smem:$0x3FB0]  }
0x2e: {  	s3 =	simm.s32 @!p0 $0x1082;
	s9 =	sld [smem:$0x3FB1]  }
0x2f: {  	lr =	sadd.s32 s0, s3;
	s0 =	sld [smem:$0x3FA8]  }
0x30: {  	s3 =	sld [smem:$0x3FAB]  }
0x31: {  	[smem:$0x3FB4] =	sst s10  }
0x32: {  	s10 =	sld [smem:$0x3FB2];
	_ =	sdelay $0x3  }
0x33: {  	p0 =	seq.s32 s10, $0x1;
	s10 =	sld [smem:$0x3FB4];
	_ =	sdelay $0x3  }
0x34: {  	[smem:$0x3FB4] =	sst s10  }
0x35: {  	s10 =	sld [smem:$0x3FB3];
	_ =	sdelay $0x3  }
0x36: {  	p1 =	seq.s32 s10, $0x1;
	s10 =	sld [smem:$0x3FB4];
	_ =	sdelay $0x3  }
0x37: {  	[smem:$0x3FB4] =	sst s10  }
0x38: {  	s10 =	sld [smem:$0x3FB5]  }
0x39: {  	_ = 	snop;
	(pc) =	sbr.ind lr, $3  }
0x3a: {  	_ = 	snop  }
0x3b: {  	_ = 	snop  }
0x3c: {  	p2 =	seq.s32 s10, $0x1;
	s10 =	sld [smem:$0x3FB4]  }
0x3d: {  	_ =	shalt  }
0x3e: {  	_ =	shalt  }
0x3f: {  	_ =	shalt  }
0x40: {  	_ =	shalt  }
0x41: {  	_ =	shalt  }
0x42: {  	_ =	shalt  }
0x43: {  	_ =	shalt  }
0x44: {  	_ =	shalt  }
0x45: {  	_ =	shalt  }
0x46: {  	_ =	shalt  }
0x47: {  	_ =	shalt  }
0x48: {  	_ =	shalt  }
0x49: {  	_ =	shalt  }
0x4a: {  	_ =	shalt  }
0x4b: {  	_ =	shalt  }
0x4c: {  	_ =	shalt  }
0x4d: {  	_ =	shalt  }
0x4e: {  	_ =	shalt  }
0x4f: {  	_ =	shalt  }
0x50: {  	_ =	shalt  }
0x51: {  	_ =	shalt  }
0x52: {  	_ =	shalt  }
0x53: {  	_ =	shalt  }
0x54: {  	_ =	shalt  }
0x55: {  	_ =	shalt  }
0x56: {  	_ =	shalt  }
0x57: {  	_ =	shalt  }
0x58: {  	_ =	shalt  }
0x59: {  	_ =	shalt  }
0x5a: {  	_ =	shalt  }
0x5b: {  	_ =	shalt  }
0x5c: {  	_ =	shalt  }
0x5d: {  	_ =	shalt  }
0x5e: {  	_ =	shalt  }
0x5f: {  	_ =	shalt  }
0x60: {  	_ =	shalt  }
0x61: {  	_ =	shalt  }
0x62: {  	_ =	shalt  }
0x63: {  	_ =	shalt  }
0x64: {  	_ =	shalt  }
0x65: {  	_ =	shalt  }
0x66: {  	_ =	shalt  }
0x67: {  	_ =	shalt  }
0x68: {  	_ =	shalt  }
0x69: {  	_ =	shalt  }
0x6a: {  	_ =	shalt  }
0x6b: {  	_ =	shalt  }
0x6c: {  	_ =	shalt  }
0x6d: {  	_ =	shalt  }
0x6e: {  	_ =	shalt  }
0x6f: {  	_ =	shalt  }
0x70: {  	_ =	shalt  }
0x71: {  	_ =	shalt  }
0x72: {  	_ =	shalt  }
0x73: {  	_ =	shalt  }
0x74: {  	_ =	shalt  }
0x75: {  	_ =	shalt  }
0x76: {  	_ =	shalt  }
0x77: {  	_ =	shalt  }
0x78: {  	_ =	shalt  }
0x79: {  	_ =	shalt  }
0x7a: {  	_ =	shalt  }
0x7b: {  	_ =	shalt  }
0x7c: {  	_ =	shalt  }
0x7d: {  	_ =	shalt  }
0x7e: {  	_ =	shalt  }
0x7f: {  	_ =	shalt  }
0x80: {  	_ =	shalt  }
0x81: {  	_ =	shalt  }
0x82: {  	_ =	shalt  }
0x83: {  	_ =	shalt  }
0x84: {  	_ =	shalt  }
0x85: {  	_ =	shalt  }
0x86: {  	_ =	shalt  }
0x87: {  	_ =	shalt  }
.Lfunc_end0:
.L_simem_size_0:
called_computation.3_lowered:
.L_overlay_start_0:
0x88: {  	s2 =	sld [smem:$0x3FD9]  }
0x89: {  	s3 =	sld [smem:$0x3FFE];
	_ =	sdelay $0x1  }
0x8a: {  	s1 =	srdreg.scid  }
0x8b: {  	s0 =	sand.u32 $0x1, s1  }
0x8c: {  	s16 =	sshll.u32 s0, $0xA;
	s2 =	sadd.s32 s3, s2  }
0x8d: {  	s2 =	sadd.s32 s2, s16  }
0x8e: {  	[smem:$0x3FC0] =	sst s2  }
0x8f: {  	_ = 	snop  }
0x90: {  	(tm) =	ssettm $0x1  }
0x91: {  	s17 =	sld [smem:$0x3FFB];
	_ =	sdelay $0x3  }
0x92: {  	_ =	strace s17  }
0x93: {  	s2 =	sld [smem:$0x3FFC];
	_ =	sdelay $0x3  }
0x94: {  	_ =	strace s2  }
0x95: {  	s2 =	sld [smem:$0x3FFD];
	_ =	sdelay $0x3  }
0x96: {  	_ =	strace s2  }
0x97: {  	_ =	strace $0x8FFFFFFF  }
0x98: {  	s18 =	sld [smem:$0x3FDB];
	_ =	sdelay $0x1  }
0x99: {  	s19 =	simm.s32 $_scs_section_size  }
0x9a: {  	s4 =	simm.s32 $_size__tile_overlayer_lowered;
	s5 =	simm.s32 $_tile_overlayer_lowered  }
0x9b: {  	s22 =	simm.s32 $0x1BFF;
	s21 =	sshll.u32 s5, $0x1;
	s2 =	sadd.s32 s19, s18  }
0x9c: {  	s6 =	simm.s32 $0x0;
	s20 =	sshll.u32 s4, $0x1;
	s4 =	sadd.s32 s21, s2  }
0x9d: {  	[timem:s6], [sflag:s22] =	dma.local [hbm:s4], s20  }
0x9e: {  	_ =	swait.ge [sflag:s22], s20  }
0x9f: {  	s3 =	ssub.s32 $0x0, s20;
	[sflag:s22] =	ssyncset.done $0x0  }
0xa0: {  	[sflag:s22] =	ssyncadd.s32 s3;
	_ =	sdelay $0x1  }
0xa1: {  	s23 =	simm.s32 $0x1B8B  }
0xa2: {  	_ =	swait.ge [sflag:s23], $0x1  }
0xa3: {  	[sflag:s23] =	ssyncset.done $0x0  }
0xa4: {  	s25 =	simm.s32 $0x1B8E;
	s24 =	sld [smem:$0x3FFE];
	[sflag:s23] =	ssyncadd.s32 $0xFFFFFFFF  }
0xa5: {  	s26 =	simm.s32 $execute0_lowered;
	[smem:$0x3FD2] =	sst s25  }
0xa6: {  	s4 =	sshll.u32 s26, $0x1;
	_ =	strace $0x8000004F;
	[dreg:$0x1] =	wrdreg $0xFFFFFFFF  }
0xa7: {  	s28 =	simm.s32 $_size_execute0_lowered;
	s2 =	sadd.s32 s2, s4;
	[dreg:$0x0] =	wrdreg $0x0  }
0xa8: {  	s4 =	sshll.u32 s28, $0x1;
	[dreg:$0x2] =	wrdreg s2  }
0xa9: {  	[dreg:$0x3] =	wrdreg s4  }
0xaa: {  	[dreg:$0x4] =	wrdreg $0xC0  }
0xab: {  	_ =	task [dreg:s6], $0x5FFFF  }
0xac: {  	[dreg:$0x1] =	wrdreg $0xFFFFFFFF  }
0xad: {  	[dreg:$0x0] =	wrdreg $0x60  }
0xae: {  	[dreg:$0x2] =	wrdreg s24  }
0xaf: {  	[dreg:$0x3] =	wrdreg $0x0  }
0xb0: {  	[dreg:$0x4] =	wrdreg $0x9  }
0xb1: {  	_ =	task.clear_ibuf [dreg:s6], $0x5FFFF;
	_ =	strace $0x9000004F  }
0xb2: {  	s29 =	simm.s32 $0x9;
	_ =	strace $0x80000051  }
0xb3: {  	_ =	swait.ge [sflag:s29], $0x1  }
0xb4: {  	[sflag:s29] =	ssyncadd.s32 $0xFFFFFFFF  }
0xb5: {  	_ =	strace $0x90000051  }
0xb6: {  	_ =	sfence  }
0xb7: {  	s30 =	sld [smem:$0x0];
	_ =	sdelay $0x2  }
0xb8: {  	s31 =	sshll.u32 s1, $0xD;
	s1 =	sshrl.u32 s1, $0x2  }
0xb9: {  	s3 =	sand.u32 $0x4000, s31;
	s1 =	sadd.s32 s1, s30  }
0xba: {  	s0 =	sor.u32 s3, s0;
	s1 =	sshll.u32 s1, $0x11  }
0xbb: {  	s0 =	sor.u32 s1, s0  }
0xbc: {  	s0 =	sadd.s32 $0x8F2B, s0  }
0xbd: {  	[sflag:s0] =	ssyncadd.remote.s32 $0x1  }
0xbe: {  	_ =	sfence.sel $0xFFFF  }
0xbf: {  	[dreg:$0x0] =	wrdreg $0xFFFFFFFF;
	(pc) =	sbr.abs _section_cstart, $3  }
0xc0: {  	[dreg:$0x1] =	wrdreg $0xFFFFFFFF  }
0xc1: {  	_ =	task.clear_ibuf [dreg:s6], $0x2FFFF;
	_ =	strace $0x9FFFFFFF  }
0xc2: {  	(tm) =	ssettm $0x7FFFFFFF  }
0xc3: {  	_ =	shalt  }
tec
execute0_lowered:
.L_overlay_start_1:
0x0: {  	(tag) =	ssettag $0x1  }
0x1: {  	s0 =	srdreg.scid;
	s3 =	rddreg [dreg:$0x0]  }
0x2: {  	s9 =	stileid.u32;
	s2 =	rddreg [dreg:$0x1];
	s4 =	simm.s32 $0x0  }
0x3: {  	s15 =	simm.s32 $0x1;
	s16 =	simm.s32 $0x2;
	s17 =	simm.s32 $0x3  }
0x4: {  	s18 =	simm.s32 $0x28;
	s19 =	simm.s32 $0x186A0;
	s21 =	simm.s32 $0x19AA0  }
0x5: {  	s23 =	simm.s32 $0x1AEA0;
	s28 =	simm.s32 $0x1D6A0;
	s30 =	simm.s32 $0x1EAA0  }
0x6: {  	s31 =	simm.s32 $0x4;
	s14 =	simm.s32 $0x7;
	s20 =	simm.s32 $0x8  }
0x7: {  	s22 =	simm.s32 $0x9;
	s29 =	simm.s32 $0xC;
	s0 =	sand.u32 $0x1, s0  }
0x8: {  	s5 =	smul.u32 $0x13880, s9;
	[smem:$0x7FF] =	sst s4;
	s4 =	sadd.s32 $0x65E00, s3  }
0x9: {  	s1 =	sshll.u32 s0, $0x4;
	s6 =	smul.u32 $0x138800, s0;
	_ =	strace $0x80000050  }
0xa: {  	s0 =	ssub.s32 $0x2, s0;
	s1 =	sor.u32 s9, s1;
	s7 =	sshrl.u32 s5, $0x3  }
0xb: {  	s8 =	sshrl.u32 s0, $0x1;
	s1 =	smul.u32 $0x4E2, s1;
	s6 =	sadd.s32 s5, s6  }
0xc: {  	s7 =	sadd.s32 s7, s3;
	s0 =	ssub.s32 s0, s8;
	s5 =	sadd.s32 s5, s2  }
0xd: {  	s6 =	sshrl.u32 s6, $0x3;
	s24 =	sadd.s32 $0xB4200, s7;
	s11 =	smax.u32 s0, $0x1  }
0xe: {  	s12 =	sshrl.u32 s5, $0x3;
	s0 =	simm.s32 $0x6;
	s5 =	simm.s32 $0x0  }
0xf: {  	s1 =	sadd.s32 s1, s3;
	s3 =	sadd.s32 s6, s3;
	s6 =	sshll.u32 s9, $0x6  }
0x10: {  	[dreg:$0x3] =	wrdreg s24;
	s24 =	simm.s32 $0xA;
	s25 =	sor.u32 $0x1C01, s6  }
0x11: {  	s26 =	sadd.s32 $0xDC00, s1;
	s9 =	sadd.s32 $0x3E00, s1;
	s10 =	sadd.s32 $0xDB400, s3  }
0x12: {  	s1 =	simm.s32 $0x5;
	s3 =	simm.s32 $0xD;
	[dreg:$0x4] =	wrdreg s25  }
0x13: {  	[dreg:$0x5] =	wrdreg s26;
	s25 =	simm.s32 $0x1C2A0;
	s26 =	simm.s32 $0xB  }
.LBB2_1:
0x14: {  	s7 =	rddreg [dreg:$0x3]  }
0x15: {  	s8 =	rddreg [dreg:$0x4]  }
0x16: {  	[spmem:s12], [sflag:s8] =	dma.local [hbm:s7], $0x2710  }
0x17: {  	s13 =	simm.s32 $0x13880;
	s7 =	simm.s32 $0x0;
	s8 =	rddreg [dreg:$0x5]  }
0x18: {  	[tilespmem:s13], [sflag:$0x2] =	stream.linear.gather [hbm4b:s8+s7], $0x2710, $0x38;
	[tilespmem:$0x1FEA0] =	vst v63  }
0x19: {  	s8 =	simm.s32 $0x15F90  }
0x1a: {  	[tilespmem:s8], [sflag:$0x3] =	stream.linear.gather [hbm4b:s9+s7], $0x2710, $0x38;
	[tilespmem:$0x1FEA0] =	vst v63  }
0x1b: {  	_ =	swait.ge [sflag:s15], $0x2710  }
0x1c: {  	[sflag:s15] =	ssyncset.done $0x0  }
0x1d: {  	[sflag:s15] =	ssyncadd.s32 $0xFFFFD8F0  }
0x1e: {  	_ =	swait.ge [sflag:s16], $0x2710  }
0x1f: {  	[sflag:s16] =	ssyncset.done $0x0  }
0x20: {  	[sflag:s16] =	ssyncadd.s32 $0xFFFFD8F0  }
0x21: {  	_ =	swait.ge [sflag:s17], $0x2710  }
0x22: {  	[sflag:s17] =	ssyncset.done $0x0  }
0x23: {  	[sflag:s17] =	ssyncadd.s32 $0xFFFFD8F0  }
0x24: {  	[bflag:$0x0] =	sbarrier.arrive $0xFFFF  }
0x25: {  	[tilespmem:s19], [sflag:$0x1] =	stream.indirect.gather [hbm4b:s4+s18], $0x80, s13, s18, $0xb8;
	[tilespmem:$0x1FEA0] =	vst v63  }
0x26: {  	s8 =	simm.s32 $0x138A8  }
0x27: {  	[tilespmem:s21], [sflag:$0x2] =	stream.indirect.gather [hbm4b:s4+s18], $0x80, s8, s18, $0xb8;
	[tilespmem:$0x1FEA0] =	vst v63  }
0x28: {  	s13 =	simm.s32 $0x138D0  }
0x29: {  	[tilespmem:s23], [sflag:$0x3] =	stream.indirect.gather [hbm4b:s4+s18], $0x80, s13, s18, $0xb8;
	[tilespmem:$0x1FEA0] =	vst v63  }
0x2a: {  	s8 =	simm.s32 $0x138F8  }
0x2b: {  	[tilespmem:s25], [sflag:$0x4] =	stream.indirect.gather [hbm4b:s4+s18], $0x80, s8, s18, $0xb8;
	[tilespmem:$0x1FEA0] =	vst v63  }
0x2c: {  	s13 =	simm.s32 $0x13920  }
0x2d: {  	[tilespmem:s28], [sflag:$0x5] =	stream.indirect.gather [hbm4b:s4+s18], $0x80, s13, s18, $0xb8;
	[tilespmem:$0x1FEA0] =	vst v63  }
0x2e: {  	s8 =	simm.s32 $0x13948  }
0x2f: {  	[tilespmem:s30], [sflag:$0x6] =	stream.indirect.gather [hbm4b:s4+s18], $0x80, s8, s18, $0xb8;
	[tilespmem:$0x1FEA0] =	vst v63  }
0x30: {  	_ =	swait.ge [sflag:s15], $0x1400  }
0x31: {  	[sflag:s15] =	ssyncset.done $0x0  }
0x32: {  	s13 =	simm.s32 $0x15F90;
	[sflag:s15] =	ssyncadd.s32 $0xFFFFEC00  }
0x33: {  	[spmem:s2] =	stream.indirect.scatter.add.f32 [tilespmem:s19], [sflag:$0x7], $0x80, s13, s18, $0xb8;
	[tilespmem:$0x1FEA0] =	vst v63  }
0x34: {  	_ =	swait.ge [sflag:s16], $0x1400  }
0x35: {  	[sflag:s16] =	ssyncset.done $0x0  }
0x36: {  	s8 =	simm.s32 $0x15FB8;
	[sflag:s16] =	ssyncadd.s32 $0xFFFFEC00  }
0x37: {  	[spmem:s2] =	stream.indirect.scatter.add.f32 [tilespmem:s21], [sflag:$0x8], $0x80, s8, s18, $0xb8;
	[tilespmem:$0x1FEA0] =	vst v63  }
0x38: {  	_ =	swait.ge [sflag:s17], $0x1400  }
0x39: {  	[sflag:s17] =	ssyncset.done $0x0  }
0x3a: {  	s13 =	simm.s32 $0x15FE0;
	[sflag:s17] =	ssyncadd.s32 $0xFFFFEC00  }
0x3b: {  	[spmem:s2] =	stream.indirect.scatter.add.f32 [tilespmem:s23], [sflag:$0x9], $0x80, s13, s18, $0xb8;
	[tilespmem:$0x1FEA0] =	vst v63  }
0x3c: {  	_ =	swait.ge [sflag:s31], $0x1400  }
0x3d: {  	[sflag:s31] =	ssyncset.done $0x0  }
0x3e: {  	s8 =	simm.s32 $0x16008;
	[sflag:s31] =	ssyncadd.s32 $0xFFFFEC00  }
0x3f: {  	[spmem:s2] =	stream.indirect.scatter.add.f32 [tilespmem:s25], [sflag:$0xA], $0x80, s8, s18, $0xb8;
	[tilespmem:$0x1FEA0] =	vst v63  }
0x40: {  	_ =	swait.ge [sflag:s1], $0x1400  }
0x41: {  	[sflag:s1] =	ssyncset.done $0x0  }
0x42: {  	s13 =	simm.s32 $0x16030;
	[sflag:s1] =	ssyncadd.s32 $0xFFFFEC00  }
0x43: {  	[spmem:s2] =	stream.indirect.scatter.add.f32 [tilespmem:s28], [sflag:$0xB], $0x80, s13, s18, $0xb8;
	[tilespmem:$0x1FEA0] =	vst v63  }
0x44: {  	_ =	swait.ge [sflag:s0], $0x1400  }
0x45: {  	[sflag:s0] =	ssyncset.done $0x0  }
0x46: {  	s8 =	simm.s32 $0x16058;
	[sflag:s0] =	ssyncadd.s32 $0xFFFFEC00  }
0x47: {  	[spmem:s2] =	stream.indirect.scatter.add.f32 [tilespmem:s30], [sflag:$0xC], $0x80, s8, s18, $0xb8;
	[tilespmem:$0x1FEA0] =	vst v63  }
0x48: {  	_ =	swait.ge [sflag:s14], $0x1400  }
0x49: {  	[sflag:s14] =	ssyncset.done $0x0  }
0x4a: {  	s13 =	simm.s32 $0x13970;
	[sflag:s14] =	ssyncadd.s32 $0xFFFFEC00  }
0x4b: {  	[tilespmem:s19], [sflag:$0x1] =	stream.indirect.gather [hbm4b:s4+s18], $0x80, s13, s18, $0xb8;
	[tilespmem:$0x1FEA0] =	vst v63  }
0x4c: {  	_ =	swait.ge [sflag:s20], $0x1400  }
0x4d: {  	[sflag:s20] =	ssyncset.done $0x0  }
0x4e: {  	s8 =	simm.s32 $0x13998;
	[sflag:s20] =	ssyncadd.s32 $0xFFFFEC00  }
0x4f: {  	[tilespmem:s21], [sflag:$0x2] =	stream.indirect.gather [hbm4b:s4+s18], $0x80, s8, s18, $0xb8;
	[tilespmem:$0x1FEA0] =	vst v63  }
0x50: {  	_ =	swait.ge [sflag:s22], $0x1400  }
0x51: {  	[sflag:s22] =	ssyncset.done $0x0  }
0x52: {  	s13 =	simm.s32 $0x139C0;
	[sflag:s22] =	ssyncadd.s32 $0xFFFFEC00  }
0x53: {  	[tilespmem:s23], [sflag:$0x3] =	stream.indirect.gather [hbm4b:s4+s18], $0x80, s13, s18, $0xb8;
	[tilespmem:$0x1FEA0] =	vst v63  }
0x54: {  	_ =	swait.ge [sflag:s24], $0x1400  }
0x55: {  	[sflag:s24] =	ssyncset.done $0x0  }
0x56: {  	s8 =	simm.s32 $0x139E8;
	[sflag:s24] =	ssyncadd.s32 $0xFFFFEC00  }
0x57: {  	[tilespmem:s25], [sflag:$0x4] =	stream.indirect.gather [hbm4b:s4+s18], $0x80, s8, s18, $0xb8;
	[tilespmem:$0x1FEA0] =	vst v63  }
0x58: {  	_ =	swait.ge [sflag:s26], $0x1400  }
0x59: {  	[sflag:s26] =	ssyncset.done $0x0  }
0x5a: {  	s13 =	simm.s32 $0x13A10;
	[sflag:s26] =	ssyncadd.s32 $0xFFFFEC00  }
0x5b: {  	[tilespmem:s28], [sflag:$0x5] =	stream.indirect.gather [hbm4b:s4+s18], $0x80, s13, s18, $0xb8;
	[tilespmem:$0x1FEA0] =	vst v63  }
0x5c: {  	_ =	swait.ge [sflag:s29], $0x1400  }
0x5d: {  	[sflag:s29] =	ssyncset.done $0x0  }
0x5e: {  	s7 =	simm.s32 $0x3C0;
	s13 =	simm.s32 $0x13A38;
	[sflag:s29] =	ssyncadd.s32 $0xFFFFEC00  }
.LBB2_2:
0x5f: {  	[tilespmem:s30], [sflag:$0x6] =	stream.indirect.gather [hbm4b:s4+s18], $0x80, s13, s18, $0xb8;
	[tilespmem:$0x1FEA0] =	vst v63  }
0x60: {  	s13 =	smov.u32 s7  }
0x61: {  	p0 =	sne.s32 s7, $0x9240;
	s7 =	sadd.s32 $0x3C0, s7;
	_ =	swait.ge [sflag:s15], $0x1400  }
0x62: {  	s13 =	sshra.s32 s13, $0x2;
	[sflag:s15] =	ssyncset.done $0x0  }
0x63: {  	s8 =	sadd.s32 $0x15F90, s13;
	[sflag:s15] =	ssyncadd.s32 $0xFFFFEC00  }
0x64: {  	[spmem:s2] =	stream.indirect.scatter.add.f32 [tilespmem:s19], [sflag:$0x7], $0x80, s8, s18, $0xb8;
	[tilespmem:$0x1FEA0] =	vst v63  }
0x65: {  	_ =	swait.ge [sflag:s16], $0x1400  }
0x66: {  	[sflag:s16] =	ssyncset.done $0x0  }
0x67: {  	s8 =	sadd.s32 $0x15FB8, s13;
	[sflag:s16] =	ssyncadd.s32 $0xFFFFEC00  }
0x68: {  	[spmem:s2] =	stream.indirect.scatter.add.f32 [tilespmem:s21], [sflag:$0x8], $0x80, s8, s18, $0xb8;
	[tilespmem:$0x1FEA0] =	vst v63  }
0x69: {  	_ =	swait.ge [sflag:s17], $0x1400  }
0x6a: {  	[sflag:s17] =	ssyncset.done $0x0  }
0x6b: {  	s8 =	sadd.s32 $0x15FE0, s13;
	[sflag:s17] =	ssyncadd.s32 $0xFFFFEC00  }
0x6c: {  	[spmem:s2] =	stream.indirect.scatter.add.f32 [tilespmem:s23], [sflag:$0x9], $0x80, s8, s18, $0xb8;
	[tilespmem:$0x1FEA0] =	vst v63  }
0x6d: {  	_ =	swait.ge [sflag:s31], $0x1400  }
0x6e: {  	[sflag:s31] =	ssyncset.done $0x0  }
0x6f: {  	s8 =	sadd.s32 $0x16008, s13;
	[sflag:s31] =	ssyncadd.s32 $0xFFFFEC00  }
0x70: {  	[spmem:s2] =	stream.indirect.scatter.add.f32 [tilespmem:s25], [sflag:$0xA], $0x80, s8, s18, $0xb8;
	[tilespmem:$0x1FEA0] =	vst v63  }
0x71: {  	_ =	swait.ge [sflag:s1], $0x1400  }
0x72: {  	[sflag:s1] =	ssyncset.done $0x0  }
0x73: {  	s8 =	sadd.s32 $0x16030, s13;
	[sflag:s1] =	ssyncadd.s32 $0xFFFFEC00  }
0x74: {  	[spmem:s2] =	stream.indirect.scatter.add.f32 [tilespmem:s28], [sflag:$0xB], $0x80, s8, s18, $0xb8;
	[tilespmem:$0x1FEA0] =	vst v63  }
0x75: {  	_ =	swait.ge [sflag:s0], $0x1400  }
0x76: {  	[sflag:s0] =	ssyncset.done $0x0  }
0x77: {  	s8 =	sadd.s32 $0x16058, s13;
	[sflag:s0] =	ssyncadd.s32 $0xFFFFEC00  }
0x78: {  	[spmem:s2] =	stream.indirect.scatter.add.f32 [tilespmem:s30], [sflag:$0xC], $0x80, s8, s18, $0xb8;
	[tilespmem:$0x1FEA0] =	vst v63  }
0x79: {  	_ =	swait.ge [sflag:s14], $0x1400  }
0x7a: {  	[sflag:s14] =	ssyncset.done $0x0  }
0x7b: {  	s8 =	sadd.s32 $0x13970, s13;
	[sflag:s14] =	ssyncadd.s32 $0xFFFFEC00  }
0x7c: {  	[tilespmem:s19], [sflag:$0x1] =	stream.indirect.gather [hbm4b:s4+s18], $0x80, s8, s18, $0xb8;
	[tilespmem:$0x1FEA0] =	vst v63  }
0x7d: {  	_ =	swait.ge [sflag:s20], $0x1400  }
0x7e: {  	[sflag:s20] =	ssyncset.done $0x0  }
0x7f: {  	s8 =	sadd.s32 $0x13998, s13;
	[sflag:s20] =	ssyncadd.s32 $0xFFFFEC00  }
0x80: {  	[tilespmem:s21], [sflag:$0x2] =	stream.indirect.gather [hbm4b:s4+s18], $0x80, s8, s18, $0xb8;
	[tilespmem:$0x1FEA0] =	vst v63  }
0x81: {  	_ =	swait.ge [sflag:s22], $0x1400  }
0x82: {  	[sflag:s22] =	ssyncset.done $0x0  }
0x83: {  	s8 =	sadd.s32 $0x139C0, s13;
	[sflag:s22] =	ssyncadd.s32 $0xFFFFEC00  }
0x84: {  	[tilespmem:s23], [sflag:$0x3] =	stream.indirect.gather [hbm4b:s4+s18], $0x80, s8, s18, $0xb8;
	[tilespmem:$0x1FEA0] =	vst v63  }
0x85: {  	_ =	swait.ge [sflag:s24], $0x1400  }
0x86: {  	[sflag:s24] =	ssyncset.done $0x0  }
0x87: {  	s8 =	sadd.s32 $0x139E8, s13;
	[sflag:s24] =	ssyncadd.s32 $0xFFFFEC00  }
0x88: {  	[tilespmem:s25], [sflag:$0x4] =	stream.indirect.gather [hbm4b:s4+s18], $0x80, s8, s18, $0xb8;
	[tilespmem:$0x1FEA0] =	vst v63  }
0x89: {  	_ =	swait.ge [sflag:s26], $0x1400  }
0x8a: {  	[sflag:s26] =	ssyncset.done $0x0  }
.Ltmp0:
0x8b: {  	s8 =	sadd.s32 $0x13A10, s13;
	[sflag:s26] =	ssyncadd.s32 $0xFFFFEC00;
	(pc) =	sbr.rel @p0 .LBB2_2-.Ltmp0, $4  }
0x8c: {  	[tilespmem:s28], [sflag:$0x5] =	stream.indirect.gather [hbm4b:s4+s18], $0x80, s8, s18, $0xb8;
	[tilespmem:$0x1FEA0] =	vst v63  }
0x8d: {  	_ =	swait.ge [sflag:s29], $0x1400  }
0x8e: {  	[sflag:s29] =	ssyncset.done $0x0  }
0x8f: {  	s13 =	sadd.s32 $0x13A38, s13;
	[sflag:s29] =	ssyncadd.s32 $0xFFFFEC00  }
0x90: {  	[tilespmem:s30], [sflag:$0x6] =	stream.indirect.gather [hbm4b:s4+s18], $0x80, s13, s18, $0xb8;
	[tilespmem:$0x1FEA0] =	vst v63  }
0x91: {  	_ =	swait.ge [sflag:s15], $0x1400  }
0x92: {  	[sflag:s15] =	ssyncset.done $0x0  }
0x93: {  	s7 =	simm.s32 $0x18510;
	[sflag:s15] =	ssyncadd.s32 $0xFFFFEC00  }
0x94: {  	[spmem:s2] =	stream.indirect.scatter.add.f32 [tilespmem:s19], [sflag:$0x7], $0x80, s7, s18, $0xb8;
	[tilespmem:$0x1FEA0] =	vst v63  }
0x95: {  	_ =	swait.ge [sflag:s16], $0x1400  }
0x96: {  	[sflag:s16] =	ssyncset.done $0x0  }
0x97: {  	s8 =	simm.s32 $0x18538;
	[sflag:s16] =	ssyncadd.s32 $0xFFFFEC00  }
0x98: {  	[spmem:s2] =	stream.indirect.scatter.add.f32 [tilespmem:s21], [sflag:$0x8], $0x80, s8, s18, $0xb8;
	[tilespmem:$0x1FEA0] =	vst v63  }
0x99: {  	_ =	swait.ge [sflag:s17], $0x1400  }
0x9a: {  	[sflag:s17] =	ssyncset.done $0x0  }
0x9b: {  	s13 =	simm.s32 $0x18560;
	[sflag:s17] =	ssyncadd.s32 $0xFFFFEC00  }
0x9c: {  	[spmem:s2] =	stream.indirect.scatter.add.f32 [tilespmem:s23], [sflag:$0x9], $0x80, s13, s18, $0xb8;
	[tilespmem:$0x1FEA0] =	vst v63  }
0x9d: {  	_ =	swait.ge [sflag:s31], $0x1400  }
0x9e: {  	[sflag:s31] =	ssyncset.done $0x0  }
0x9f: {  	s8 =	simm.s32 $0x18588;
	[sflag:s31] =	ssyncadd.s32 $0xFFFFEC00  }
0xa0: {  	[spmem:s2] =	stream.indirect.scatter.add.f32 [tilespmem:s25], [sflag:$0xA], $0x80, s8, s18, $0xb8;
	[tilespmem:$0x1FEA0] =	vst v63  }
0xa1: {  	_ =	swait.ge [sflag:s1], $0x1400  }
0xa2: {  	[sflag:s1] =	ssyncset.done $0x0  }
0xa3: {  	s13 =	simm.s32 $0x185B0;
	[sflag:s1] =	ssyncadd.s32 $0xFFFFEC00  }
0xa4: {  	[spmem:s2] =	stream.indirect.scatter.add.f32 [tilespmem:s28], [sflag:$0xB], $0x80, s13, s18, $0xb8;
	[tilespmem:$0x1FEA0] =	vst v63  }
0xa5: {  	_ =	swait.ge [sflag:s0], $0x1400  }
0xa6: {  	[sflag:s0] =	ssyncset.done $0x0  }
0xa7: {  	s8 =	simm.s32 $0x185D8;
	[sflag:s0] =	ssyncadd.s32 $0xFFFFEC00  }
0xa8: {  	[spmem:s2] =	stream.indirect.scatter.add.f32 [tilespmem:s30], [sflag:$0xC], $0x80, s8, s18, $0xb8;
	[tilespmem:$0x1FEA0] =	vst v63  }
0xa9: {  	_ =	swait.ge [sflag:s14], $0x1400  }
0xaa: {  	[sflag:s14] =	ssyncset.done $0x0  }
0xab: {  	s13 =	simm.s32 $0x15EF0;
	[sflag:s14] =	ssyncadd.s32 $0xFFFFEC00  }
0xac: {  	[tilespmem:s19], [sflag:$0x1] =	stream.indirect.gather [hbm4b:s4+s18], $0x80, s13, s18, $0xb8;
	[tilespmem:$0x1FEA0] =	vst v63  }
0xad: {  	_ =	swait.ge [sflag:s20], $0x1400  }
0xae: {  	[sflag:s20] =	ssyncset.done $0x0  }
0xaf: {  	s8 =	simm.s32 $0x15F18;
	[sflag:s20] =	ssyncadd.s32 $0xFFFFEC00  }
0xb0: {  	[tilespmem:s21], [sflag:$0x2] =	stream.indirect.gather [hbm4b:s4+s18], $0x80, s8, s18, $0xb8;
	[tilespmem:$0x1FEA0] =	vst v63  }
0xb1: {  	_ =	swait.ge [sflag:s22], $0x1400  }
0xb2: {  	[sflag:s22] =	ssyncset.done $0x0  }
0xb3: {  	s13 =	simm.s32 $0x15F40;
	[sflag:s22] =	ssyncadd.s32 $0xFFFFEC00  }
0xb4: {  	[tilespmem:s23], [sflag:$0x3] =	stream.indirect.gather [hbm4b:s4+s18], $0x80, s13, s18, $0xb8;
	[tilespmem:$0x1FEA0] =	vst v63  }
0xb5: {  	_ =	swait.ge [sflag:s24], $0x1400  }
0xb6: {  	[sflag:s24] =	ssyncset.done $0x0  }
0xb7: {  	s8 =	simm.s32 $0x15F68;
	[sflag:s24] =	ssyncadd.s32 $0xFFFFEC00  }
0xb8: {  	[tilespmem:s25], [sflag:$0x4] =	stream.indirect.gather [hbm4b:s4+s18], $0x80, s8, s18, $0xb8;
	[tilespmem:$0x1FEA0] =	vst v63  }
0xb9: {  	_ =	swait.ge [sflag:s26], $0x1400  }
0xba: {  	[sflag:s26] =	ssyncset.done $0x0  }
0xbb: {  	[sflag:s26] =	ssyncadd.s32 $0xFFFFEC00  }
0xbc: {  	_ =	swait.ge [sflag:s29], $0x1400  }
0xbd: {  	[sflag:s29] =	ssyncset.done $0x0  }
0xbe: {  	[sflag:s29] =	ssyncadd.s32 $0xFFFFEC00  }
0xbf: {  	_ =	swait.ge [sflag:s15], $0x1400  }
0xc0: {  	[sflag:s15] =	ssyncset.done $0x0  }
0xc1: {  	s13 =	simm.s32 $0x18600;
	[sflag:s15] =	ssyncadd.s32 $0xFFFFEC00  }
0xc2: {  	[spmem:s2] =	stream.indirect.scatter.add.f32 [tilespmem:s19], [sflag:$0x7], $0x80, s13, s18, $0xb8;
	[tilespmem:$0x1FEA0] =	vst v63  }
0xc3: {  	_ =	swait.ge [sflag:s16], $0x1400  }
0xc4: {  	[sflag:s16] =	ssyncset.done $0x0  }
0xc5: {  	s8 =	simm.s32 $0x18628;
	[sflag:s16] =	ssyncadd.s32 $0xFFFFEC00  }
0xc6: {  	[spmem:s2] =	stream.indirect.scatter.add.f32 [tilespmem:s21], [sflag:$0x8], $0x80, s8, s18, $0xb8;
	[tilespmem:$0x1FEA0] =	vst v63  }
0xc7: {  	_ =	swait.ge [sflag:s17], $0x1400  }
0xc8: {  	[sflag:s17] =	ssyncset.done $0x0  }
0xc9: {  	s13 =	simm.s32 $0x18650;
	[sflag:s17] =	ssyncadd.s32 $0xFFFFEC00  }
0xca: {  	[spmem:s2] =	stream.indirect.scatter.add.f32 [tilespmem:s23], [sflag:$0x9], $0x80, s13, s18, $0xb8;
	[tilespmem:$0x1FEA0] =	vst v63  }
0xcb: {  	_ =	swait.ge [sflag:s31], $0x1400  }
0xcc: {  	[sflag:s31] =	ssyncset.done $0x0  }
0xcd: {  	s8 =	simm.s32 $0x18678;
	[sflag:s31] =	ssyncadd.s32 $0xFFFFEC00  }
0xce: {  	[spmem:s2] =	stream.indirect.scatter.add.f32 [tilespmem:s25], [sflag:$0xA], $0x80, s8, s18, $0xb8;
	[tilespmem:$0x1FEA0] =	vst v63  }
0xcf: {  	_ =	swait.ge [sflag:s14], $0x1400  }
0xd0: {  	[sflag:s14] =	ssyncset.done $0x0  }
0xd1: {  	[sflag:s14] =	ssyncadd.s32 $0xFFFFEC00  }
0xd2: {  	_ =	swait.ge [sflag:s20], $0x1400  }
0xd3: {  	[sflag:s20] =	ssyncset.done $0x0  }
0xd4: {  	[sflag:s20] =	ssyncadd.s32 $0xFFFFEC00  }
0xd5: {  	_ =	swait.ge [sflag:s22], $0x1400  }
0xd6: {  	[sflag:s22] =	ssyncset.done $0x0  }
0xd7: {  	[sflag:s22] =	ssyncadd.s32 $0xFFFFEC00  }
0xd8: {  	_ =	swait.ge [sflag:s24], $0x1400  }
0xd9: {  	s5 =	sadd.s32 $0x1, s5;
	[sflag:s24] =	ssyncset.done $0x0  }
0xda: {  	p0 =	sne.s32 s5, s11;
	[sflag:s24] =	ssyncadd.s32 $0xFFFFEC00  }
.Ltmp1:
0xdb: {  	s13 =	sor.u32 $0x1C0D, s6;
	[bflag:$0x0] =	sbarrier.arrive $0xFFFF;
	(pc) =	sbr.rel @p0 .LBB2_1-.Ltmp1, $4  }
0xdc: {  	[hbm:s10], [sflag:s13] =	dma.local [spmem:s12], $0x2710  }
0xdd: {  	_ =	swait.ge [sflag:s3], $0x2710  }
0xde: {  	[sflag:s3] =	ssyncset.done $0x0  }
0xdf: {  	[sflag:s3] =	ssyncadd.s32 $0xFFFFD8F0  }
0xe0: {  	_ =	sfence.sel $0x180000  }
0xe1: {  	[bflag:$0x0] =	sbarrier.arrive $0xFFFF  }
0xe2: {  	_ =	strace $0x90000050  }
0xe3: {  	s0 =	stileid.u32;
	[bflag:$0x2] =	sbarrier.arrive $0xFFFF  }
0xe4: {  	p0 =	sne.s32 s0, $0x0;
	s0 =	rddreg [dreg:$0x2]  }
0xe5: {  	s0 =	sadd.s32 @!p0 $0x100000, s0  }
0xe6: {  	[sflag:s0] =	ssyncadd.tile.s32 @!p0 $0x1;
	_ =	shalt  }
.Lfunc_end2:
_tile_overlayer_lowered:
.L_overlay_start_2:
0xe7: {  	(tag) =	ssettag $0x2  }
0xe8: {  	s0 =	rddreg [dreg:$0x0];
	s2 =	stileid.u32  }
0xe9: {  	s1 =	rddreg [dreg:$0x1];
	p0 =	sne.s32 s2, $0x0  }
0xea: {  	s3 =	rddreg [dreg:$0x2];
	[bflag:$0x3] =	sbarrier.arrive $0xFFFF;
	s2 =	simm.s32 @!p0 $0x1C0D  }
0xeb: {  	[timem:s3], [sflag:s2] =	dma.local @!p0 [hbm:s0], s1  }
0xec: {  	s0 =	simm.s32 @!p0 $0xD  }
0xed: {  	_ =	swait.ge @!p0 [sflag:s0], s1  }
0xee: {  	s1 =	ssub.s32 @!p0 $0x0, s1;
	[sflag:s0] =	ssyncset.done @!p0 $0x0  }
0xef: {  	[sflag:s0] =	ssyncadd.s32 @!p0 s1  }
0xf0: {  	[bflag:$0x3] =	sbarrier.arrive $0xFFFF  }
0xf1: {  	_ =	shalt  }

</sc_bundles>
